<compile_context>
chip_gen: v7x
topology: tpu7x:2x2x1
jax: 0.10.2.dev20260603
libtpu: 0.0.44.dev20260713+nightly
codegen_flags: <defaults>
</compile_context>

<pallas_src>
import functools

import jax
import jax.numpy as jnp
from jax import lax
from jax.experimental import pallas as pl
from jax.experimental.pallas import tpu as pltpu
from jax.experimental.pallas import tpu_sc as plsc

_L = 16


def _worker_ids(num_cores):
    return lax.axis_index("s") * num_cores + lax.axis_index("c")


def _compute_fid(bcol_hbm, xcol_hbm, bcol_v, xcol_v, idxf_v, n_rows,
                 base, b_per_w, chunk, bidx_row=None):
    pltpu.sync_copy(bcol_hbm.at[pl.ds(base, b_per_w)], bcol_v)
    pltpu.sync_copy(xcol_hbm.at[pl.ds(base, b_per_w)], xcol_v)
    for i in range(b_per_w // _L):
        bvec = bcol_v[pl.ds(i * _L, _L)]
        xvec = xcol_v[pl.ds(i * _L, _L)]
        flat = bvec * n_rows + xvec
        j, c = (i * _L) // chunk, (i * _L) % chunk
        idxf_v[j, pl.ds(c, _L)] = flat
        if bidx_row is not None:
            bidx_row[pl.ds(i * _L, _L)] = bvec.astype(jnp.float32)


@functools.lru_cache(maxsize=None)
def _build_gather(n_rows: int, width_j: int, s_pad: int, b_per_w: int,
                  n_chunk: int, chunk: int, num_cores: int):
    n_cols = 1 + 4 + 1 + width_j
    mesh = plsc.VectorSubcoreMesh(core_axis_name="c", subcore_axis_name="s")

    @functools.partial(
        pl.kernel,
        mesh=mesh,
        compiler_params=pltpu.CompilerParams(use_tc_tiling_on_sc=False),
        out_type=jax.ShapeDtypeStruct((n_cols, s_pad), jnp.float32),
        scratch_types=[
            pltpu.VMEM((b_per_w,), jnp.int32),
            pltpu.VMEM((b_per_w,), jnp.int32),
            pltpu.VMEM((n_chunk, chunk), jnp.int32),
            pltpu.VMEM((n_cols, b_per_w), jnp.float32),
            pltpu.SemaphoreType.DMA,
        ],
    )
    def gather_kernel(bcol_hbm, xcol_hbm, boxes_hbm, scores_hbm, joints_hbm,
                      out_hbm, bcol_v, xcol_v, idxf_v, out_v, sem):
        base = _worker_ids(num_cores) * b_per_w
        _compute_fid(bcol_hbm, xcol_hbm, bcol_v, xcol_v, idxf_v, n_rows,
                     base, b_per_w, chunk, bidx_row=out_v.at[0])
        copies = []
        for j in range(n_chunk):
            idxs = idxf_v.at[j]
            dst = pl.ds(j * chunk, chunk)
            copies.append(pltpu.async_copy(
                scores_hbm.at[idxs], out_v.at[5, dst], sem))
            for col in range(4):
                copies.append(pltpu.async_copy(
                    boxes_hbm.at[col].at[idxs], out_v.at[1 + col, dst], sem))
            for col in range(width_j):
                copies.append(pltpu.async_copy(
                    joints_hbm.at[col].at[idxs], out_v.at[6 + col, dst], sem))
        for cp in copies:
            cp.wait()
        pltpu.sync_copy(out_v, out_hbm.at[:, pl.ds(base, b_per_w)])

    return gather_kernel


def kernel(pred_boxes, pred_scores, pred_joints, selected_indexes):
    b, n = pred_boxes.shape[0], pred_boxes.shape[1]
    s = selected_indexes.shape[0]
    width_j = pred_joints.shape[2] * pred_joints.shape[3]

    info = plsc.get_sparse_core_info()
    nw = info.num_cores * info.num_subcores
    chunk = 80
    n_chunk = 2
    b_per_w = n_chunk * chunk
    s_pad = nw * b_per_w

    boxes_t = pred_boxes.transpose(2, 0, 1).reshape(4, b * n)
    scores_f = pred_scores.reshape(b * n)
    joints_t = pred_joints.transpose(2, 3, 0, 1).reshape(width_j, b * n)
    bcol = jnp.zeros((s_pad,), jnp.int32).at[:s].set(selected_indexes[:, 0])
    xcol = jnp.zeros((s_pad,), jnp.int32).at[:s].set(selected_indexes[:, 2])

    fn = _build_gather(n, width_j, s_pad, b_per_w, n_chunk, chunk,
                       info.num_cores)
    out_t = fn(bcol, xcol, boxes_t, scores_f, joints_t)
    return out_t[:, :s].T

# --- scband reference (transcript-rebuilt; emitter-appended) ---
"""Pipeline reference for scband-pose-nmsand-return-as-flat-result-2585570312412 (READ-ONLY COPY).

The authoritative reference and input builder live on the scoring server;
editing this copy changes nothing except your own understanding.
"""

import jax, jax.numpy as jnp
import numpy as np

B, N, J, S = 16, 20000, 17, 4800


def setup_inputs(seed: int = 0) -> dict:
    key = jax.random.key(seed)
    k1, k2, k3, k4 = jax.random.split(key, 4)
    pred_boxes = jax.random.normal(k1, (B, N, 4), dtype=jnp.float32)
    pred_scores = jax.random.uniform(k2, (B, N, 1), dtype=jnp.float32)
    pred_joints = jax.random.normal(k3, (B, N, J, 3), dtype=jnp.float32)
    # each row: [batch_index, label_index, box_index]; label dim is 1 so all
    # columns must be < 1 under a single randint bound (per input_specs fill_max=1)
    selected_indexes = jax.random.randint(k4, (S, 3), 0, 1, dtype=jnp.int32)
    return {
        "pred_boxes": pred_boxes,
        "pred_scores": pred_scores,
        "pred_joints": pred_joints,
        "selected_indexes": selected_indexes,
    }


def reference(pred_boxes, pred_scores, pred_joints, selected_indexes):
    batch_indexes = selected_indexes[:, 0]
    label_indexes = selected_indexes[:, 1]
    boxes_indexes = selected_indexes[:, 2]
    selected_boxes = pred_boxes[batch_indexes, boxes_indexes]                 # [S, 4] gather
    selected_scores = pred_scores[batch_indexes, boxes_indexes, label_indexes]  # [S] gather
    selected_poses = pred_joints[batch_indexes, boxes_indexes]                # [S, J, 3] gather
    selected_poses = selected_poses.reshape(selected_poses.shape[0], -1)      # flatten(start_dim=1)
    dtype = selected_scores.dtype
    return jnp.concatenate(
        [
            batch_indexes.astype(dtype)[:, None],
            selected_boxes,
            selected_scores[:, None],
            selected_poses,
        ],
        axis=1,
    )

if __name__ == "__main__":
    import jax
    _d = setup_inputs()
    print(jax.jit(kernel)(*tuple(_d.values())))

</pallas_src>

<mosaic_0001>
#map = affine_map<(d0, d1) -> (0)>
#map1 = affine_map<(d0, d1) -> (0, 0)>
module attributes {stable_mosaic.version = 14 : i64} {
  func.func @gather_kernel(%arg0: i32, %arg1: i32, %arg2: memref<5120xi32, #tpu.memory_space<hbm>>, %arg3: memref<5120xi32, #tpu.memory_space<hbm>>, %arg4: memref<4x320000xf32, #tpu.memory_space<hbm>>, %arg5: memref<320000xf32, #tpu.memory_space<hbm>>, %arg6: memref<51x320000xf32, #tpu.memory_space<hbm>>, %arg7: memref<57x5120xf32, #tpu.memory_space<hbm>>, %arg8: memref<160xi32, #tpu.memory_space<vmem>>, %arg9: memref<160xi32, #tpu.memory_space<vmem>>, %arg10: memref<2x80xi32, #tpu.memory_space<vmem>>, %arg11: memref<57x160xf32, #tpu.memory_space<vmem>>, %arg12: memref<!tpu.dma_semaphore, #tpu.memory_space<semaphore_mem>>) attributes {dimension_semantics = [#tpu.dimension_semantics<core_parallel>, #tpu.dimension_semantics<subcore_parallel>], iteration_bounds = array<i64: 2, 16>, scalar_prefetch = 0 : i64, scratch_operands = 5 : i64, tpu.core_type = #tpu.core_type<sc_vector_subcore>, window_params = [{transform_indices = #map}, {transform_indices = #map}, {transform_indices = #map1}, {transform_indices = #map}, {transform_indices = #map1}, {transform_indices = #map1}]} {
    %mul3A = arith.constant 2 : i32
    %mul3A_0 = arith.muli %arg1, %mul3A : i32
    %add3A = arith.addi %mul3A_0, %arg0 : i32
    %mul3A_1 = arith.constant 160 : i32
    %mul3A_2 = arith.muli %add3A, %mul3A_1 : i32
    "tpu.region"() ({
      %run_scoped3A = tpu.sem_alloc : memref<!tpu.dma_semaphore, #tpu.memory_space<semaphore_mem>>
      %dma_start3A_3368 = tpu.memref_slice %arg2[%mul3A_2] : memref<5120xi32, #tpu.memory_space<hbm>> -> memref<160xi32, #tpu.memory_space<hbm>>
      %dma_start3A_3369 = tpu.memref_slice %arg2[%mul3A_2] : memref<5120xi32, #tpu.memory_space<hbm>> -> memref<160xi32, #tpu.memory_space<hbm>>
      tpu.enqueue_dma source(%dma_start3A_3369 : memref<160xi32, #tpu.memory_space<hbm>>) target(%arg8 : memref<160xi32, #tpu.memory_space<vmem>>) target_semaphore(%run_scoped3A : memref<!tpu.dma_semaphore, #tpu.memory_space<semaphore_mem>>)
      %dma_wait3A_3370 = tpu.memref_slice %arg2[%mul3A_2] : memref<5120xi32, #tpu.memory_space<hbm>> -> memref<160xi32, #tpu.memory_space<hbm>>
      %dma_wait3A_3371 = tpu.memref_slice %arg2[%mul3A_2] : memref<5120xi32, #tpu.memory_space<hbm>> -> memref<160xi32, #tpu.memory_space<hbm>>
      tpu.wait_dma2 semaphore(%run_scoped3A : memref<!tpu.dma_semaphore, #tpu.memory_space<semaphore_mem>>) src(%dma_wait3A_3371 : memref<160xi32, #tpu.memory_space<hbm>>) dst(%arg8 : memref<160xi32, #tpu.memory_space<vmem>>)
      tpu.yield
    }) : () -> ()
    "tpu.region"() ({
      %run_scoped3A = tpu.sem_alloc : memref<!tpu.dma_semaphore, #tpu.memory_space<semaphore_mem>>
      %dma_start3A_3368 = tpu.memref_slice %arg3[%mul3A_2] : memref<5120xi32, #tpu.memory_space<hbm>> -> memref<160xi32, #tpu.memory_space<hbm>>
      %dma_start3A_3369 = tpu.memref_slice %arg3[%mul3A_2] : memref<5120xi32, #tpu.memory_space<hbm>> -> memref<160xi32, #tpu.memory_space<hbm>>
      tpu.enqueue_dma source(%dma_start3A_3369 : memref<160xi32, #tpu.memory_space<hbm>>) target(%arg9 : memref<160xi32, #tpu.memory_space<vmem>>) target_semaphore(%run_scoped3A : memref<!tpu.dma_semaphore, #tpu.memory_space<semaphore_mem>>)
      %dma_wait3A_3370 = tpu.memref_slice %arg3[%mul3A_2] : memref<5120xi32, #tpu.memory_space<hbm>> -> memref<160xi32, #tpu.memory_space<hbm>>
      %dma_wait3A_3371 = tpu.memref_slice %arg3[%mul3A_2] : memref<5120xi32, #tpu.memory_space<hbm>> -> memref<160xi32, #tpu.memory_space<hbm>>
      tpu.wait_dma2 semaphore(%run_scoped3A : memref<!tpu.dma_semaphore, #tpu.memory_space<semaphore_mem>>) src(%dma_wait3A_3371 : memref<160xi32, #tpu.memory_space<hbm>>) dst(%arg9 : memref<160xi32, #tpu.memory_space<vmem>>)
      tpu.yield
    }) : () -> ()
    %get3A = arith.constant 0 : index
    %get3A_3 = tpu.vector_load %arg8[%get3A] {strides = array<i32>} : memref<160xi32, #tpu.memory_space<vmem>>, vector<16xi32>,
    %get3A_4 = vector.shape_cast %get3A_3 : vector<16xi32> to vector<16xi32>
    %get3A_5 = arith.constant 0 : index
    %get3A_6 = tpu.vector_load %arg9[%get3A_5] {strides = array<i32>} : memref<160xi32, #tpu.memory_space<vmem>>, vector<16xi32>,
    %get3A_7 = vector.shape_cast %get3A_6 : vector<16xi32> to vector<16xi32>
    %mul3A_8 = arith.constant 20000 : i32
    %mul3A_9 = vector.broadcast %mul3A_8 : i32 to vector<16xi32>
    %mul3A_10 = arith.muli %get3A_4, %mul3A_9 : vector<16xi32>
    %add3A_11 = arith.addi %mul3A_10, %get3A_7 : vector<16xi32>
    %swap3A = arith.constant 0 : i32
    %swap3A_12 = arith.index_cast %swap3A : i32 to index
    %swap3A_13 = arith.constant 0 : index
    %swap3A_14 = tpu.vector_load %arg10[%swap3A_12, %swap3A_13] {strides = array<i32>} : memref<2x80xi32, #tpu.memory_space<vmem>>, vector<1x16xi32>,
    %swap3A_15 = vector.shape_cast %swap3A_14 : vector<1x16xi32> to vector<16xi32>
    %swap3A_16 = vector.shape_cast %add3A_11 : vector<16xi32> to vector<1x16xi32>
    tpu.vector_store %arg10[%swap3A_12, %swap3A_13], %swap3A_16 {strides = array<i32>} : memref<2x80xi32, #tpu.memory_space<vmem>>, vector<1x16xi32>,
    %convert_element_type3A = arith.sitofp %get3A_4 : vector<16xi32> to vector<16xf32>
    %swap3A_17 = arith.constant 0 : i32
    %swap3A_18 = arith.constant 0 : i32
    %swap3A_19 = tpu.memref_slice %arg11[%swap3A_17, %swap3A_18] : memref<57x160xf32, #tpu.memory_space<vmem>> -> memref<1x160xf32, #tpu.memory_space<vmem>>
    %swap3A_20 = tpu.memref_squeeze %swap3A_19 : memref<1x160xf32, #tpu.memory_space<vmem>> -> memref<160xf32, #tpu.memory_space<vmem>>
    %swap3A_21 = arith.constant 0 : index
    %swap3A_22 = tpu.vector_load %swap3A_20[%swap3A_21] {strides = array<i32>} : memref<160xf32, #tpu.memory_space<vmem>>, vector<16xf32>,
    %swap3A_23 = vector.shape_cast %swap3A_22 : vector<16xf32> to vector<16xf32>
    %swap3A_24 = vector.shape_cast %convert_element_type3A : vector<16xf32> to vector<16xf32>
    tpu.vector_store %swap3A_20[%swap3A_21], %swap3A_24 {strides = array<i32>} : memref<160xf32, #tpu.memory_space<vmem>>, vector<16xf32>,
    %get3A_25 = arith.constant 16 : index
    %get3A_26 = tpu.vector_load %arg8[%get3A_25] {strides = array<i32>} : memref<160xi32, #tpu.memory_space<vmem>>, vector<16xi32>,
    %get3A_27 = vector.shape_cast %get3A_26 : vector<16xi32> to vector<16xi32>
    %get3A_28 = arith.constant 16 : index
    %get3A_29 = tpu.vector_load %arg9[%get3A_28] {strides = array<i32>} : memref<160xi32, #tpu.memory_space<vmem>>, vector<16xi32>,
    %get3A_30 = vector.shape_cast %get3A_29 : vector<16xi32> to vector<16xi32>
    %mul3A_31 = arith.constant 20000 : i32
    %mul3A_32 = vector.broadcast %mul3A_31 : i32 to vector<16xi32>
    %mul3A_33 = arith.muli %get3A_27, %mul3A_32 : vector<16xi32>
    %add3A_34 = arith.addi %mul3A_33, %get3A_30 : vector<16xi32>
    %swap3A_35 = arith.constant 0 : i32
    %swap3A_36 = arith.index_cast %swap3A_35 : i32 to index
    %swap3A_37 = arith.constant 16 : index
    %swap3A_38 = tpu.vector_load %arg10[%swap3A_36, %swap3A_37] {strides = array<i32>} : memref<2x80xi32, #tpu.memory_space<vmem>>, vector<1x16xi32>,
    %swap3A_39 = vector.shape_cast %swap3A_38 : vector<1x16xi32> to vector<16xi32>
    %swap3A_40 = vector.shape_cast %add3A_34 : vector<16xi32> to vector<1x16xi32>
    tpu.vector_store %arg10[%swap3A_36, %swap3A_37], %swap3A_40 {strides = array<i32>} : memref<2x80xi32, #tpu.memory_space<vmem>>, vector<1x16xi32>,
    %convert_element_type3A_41 = arith.sitofp %get3A_27 : vector<16xi32> to vector<16xf32>
    %swap3A_42 = arith.constant 0 : i32
    %swap3A_43 = arith.constant 0 : i32
    %swap3A_44 = tpu.memref_slice %arg11[%swap3A_42, %swap3A_43] : memref<57x160xf32, #tpu.memory_space<vmem>> -> memref<1x160xf32, #tpu.memory_space<vmem>>
    %swap3A_45 = tpu.memref_squeeze %swap3A_44 : memref<1x160xf32, #tpu.memory_space<vmem>> -> memref<160xf32, #tpu.memory_space<vmem>>
    %swap3A_46 = arith.constant 16 : index
    %swap3A_47 = tpu.vector_load %swap3A_45[%swap3A_46] {strides = array<i32>} : memref<160xf32, #tpu.memory_space<vmem>>, vector<16xf32>,
    %swap3A_48 = vector.shape_cast %swap3A_47 : vector<16xf32> to vector<16xf32>
    %swap3A_49 = vector.shape_cast %convert_element_type3A_41 : vector<16xf32> to vector<16xf32>
    tpu.vector_store %swap3A_45[%swap3A_46], %swap3A_49 {strides = array<i32>} : memref<160xf32, #tpu.memory_space<vmem>>, vector<16xf32>,
    %get3A_50 = arith.constant 32 : index
    %get3A_51 = tpu.vector_load %arg8[%get3A_50] {strides = array<i32>} : memref<160xi32, #tpu.memory_space<vmem>>, vector<16xi32>,
    %get3A_52 = vector.shape_cast %get3A_51 : vector<16xi32> to vector<16xi32>
    %get3A_53 = arith.constant 32 : index
    %get3A_54 = tpu.vector_load %arg9[%get3A_53] {strides = array<i32>} : memref<160xi32, #tpu.memory_space<vmem>>, vector<16xi32>,
    %get3A_55 = vector.shape_cast %get3A_54 : vector<16xi32> to vector<16xi32>
    %mul3A_56 = arith.constant 20000 : i32
    %mul3A_57 = vector.broadcast %mul3A_56 : i32 to vector<16xi32>
    %mul3A_58 = arith.muli %get3A_52, %mul3A_57 : vector<16xi32>
    %add3A_59 = arith.addi %mul3A_58, %get3A_55 : vector<16xi32>
    %swap3A_60 = arith.constant 0 : i32
    %swap3A_61 = arith.index_cast %swap3A_60 : i32 to index
    %swap3A_62 = arith.constant 32 : index
    %swap3A_63 = tpu.vector_load %arg10[%swap3A_61, %swap3A_62] {strides = array<i32>} : memref<2x80xi32, #tpu.memory_space<vmem>>, vector<1x16xi32>,
    %swap3A_64 = vector.shape_cast %swap3A_63 : vector<1x16xi32> to vector<16xi32>
    %swap3A_65 = vector.shape_cast %add3A_59 : vector<16xi32> to vector<1x16xi32>
    tpu.vector_store %arg10[%swap3A_61, %swap3A_62], %swap3A_65 {strides = array<i32>} : memref<2x80xi32, #tpu.memory_space<vmem>>, vector<1x16xi32>,
    %convert_element_type3A_66 = arith.sitofp %get3A_52 : vector<16xi32> to vector<16xf32>
    %swap3A_67 = arith.constant 0 : i32
    %swap3A_68 = arith.constant 0 : i32
    %swap3A_69 = tpu.memref_slice %arg11[%swap3A_67, %swap3A_68] : memref<57x160xf32, #tpu.memory_space<vmem>> -> memref<1x160xf32, #tpu.memory_space<vmem>>
    %swap3A_70 = tpu.memref_squeeze %swap3A_69 : memref<1x160xf32, #tpu.memory_space<vmem>> -> memref<160xf32, #tpu.memory_space<vmem>>
    %swap3A_71 = arith.constant 32 : index
    %swap3A_72 = tpu.vector_load %swap3A_70[%swap3A_71] {strides = array<i32>} : memref<160xf32, #tpu.memory_space<vmem>>, vector<16xf32>,
    %swap3A_73 = vector.shape_cast %swap3A_72 : vector<16xf32> to vector<16xf32>
    %swap3A_74 = vector.shape_cast %convert_element_type3A_66 : vector<16xf32> to vector<16xf32>
    tpu.vector_store %swap3A_70[%swap3A_71], %swap3A_74 {strides = array<i32>} : memref<160xf32, #tpu.memory_space<vmem>>, vector<16xf32>,
    %get3A_75 = arith.constant 48 : index
    %get3A_76 = tpu.vector_load %arg8[%get3A_75] {strides = array<i32>} : memref<160xi32, #tpu.memory_space<vmem>>, vector<16xi32>,
    %get3A_77 = vector.shape_cast %get3A_76 : vector<16xi32> to vector<16xi32>
    %get3A_78 = arith.constant 48 : index
    %get3A_79 = tpu.vector_load %arg9[%get3A_78] {strides = array<i32>} : memref<160xi32, #tpu.memory_space<vmem>>, vector<16xi32>,
    %get3A_80 = vector.shape_cast %get3A_79 : vector<16xi32> to vector<16xi32>
    %mul3A_81 = arith.constant 20000 : i32
    %mul3A_82 = vector.broadcast %mul3A_81 : i32 to vector<16xi32>
    %mul3A_83 = arith.muli %get3A_77, %mul3A_82 : vector<16xi32>
    %add3A_84 = arith.addi %mul3A_83, %get3A_80 : vector<16xi32>
    %swap3A_85 = arith.constant 0 : i32
    %swap3A_86 = arith.index_cast %swap3A_85 : i32 to index
    %swap3A_87 = arith.constant 48 : index
    %swap3A_88 = tpu.vector_load %arg10[%swap3A_86, %swap3A_87] {strides = array<i32>} : memref<2x80xi32, #tpu.memory_space<vmem>>, vector<1x16xi32>,
    %swap3A_89 = vector.shape_cast %swap3A_88 : vector<1x16xi32> to vector<16xi32>
    %swap3A_90 = vector.shape_cast %add3A_84 : vector<16xi32> to vector<1x16xi32>
    tpu.vector_store %arg10[%swap3A_86, %swap3A_87], %swap3A_90 {strides = array<i32>} : memref<2x80xi32, #tpu.memory_space<vmem>>, vector<1x16xi32>,
    %convert_element_type3A_91 = arith.sitofp %get3A_77 : vector<16xi32> to vector<16xf32>
    %swap3A_92 = arith.constant 0 : i32
    %swap3A_93 = arith.constant 0 : i32
    %swap3A_94 = tpu.memref_slice %arg11[%swap3A_92, %swap3A_93] : memref<57x160xf32, #tpu.memory_space<vmem>> -> memref<1x160xf32, #tpu.memory_space<vmem>>
    %swap3A_95 = tpu.memref_squeeze %swap3A_94 : memref<1x160xf32, #tpu.memory_space<vmem>> -> memref<160xf32, #tpu.memory_space<vmem>>
    %swap3A_96 = arith.constant 48 : index
    %swap3A_97 = tpu.vector_load %swap3A_95[%swap3A_96] {strides = array<i32>} : memref<160xf32, #tpu.memory_space<vmem>>, vector<16xf32>,
    %swap3A_98 = vector.shape_cast %swap3A_97 : vector<16xf32> to vector<16xf32>
    %swap3A_99 = vector.shape_cast %convert_element_type3A_91 : vector<16xf32> to vector<16xf32>
    tpu.vector_store %swap3A_95[%swap3A_96], %swap3A_99 {strides = array<i32>} : memref<160xf32, #tpu.memory_space<vmem>>, vector<16xf32>,
    %get3A_100 = arith.constant 64 : index
    %get3A_101 = tpu.vector_load %arg8[%get3A_100] {strides = array<i32>} : memref<160xi32, #tpu.memory_space<vmem>>, vector<16xi32>,
    %get3A_102 = vector.shape_cast %get3A_101 : vector<16xi32> to vector<16xi32>
    %get3A_103 = arith.constant 64 : index
    %get3A_104 = tpu.vector_load %arg9[%get3A_103] {strides = array<i32>} : memref<160xi32, #tpu.memory_space<vmem>>, vector<16xi32>,
    %get3A_105 = vector.shape_cast %get3A_104 : vector<16xi32> to vector<16xi32>
    %mul3A_106 = arith.constant 20000 : i32
    %mul3A_107 = vector.broadcast %mul3A_106 : i32 to vector<16xi32>
    %mul3A_108 = arith.muli %get3A_102, %mul3A_107 : vector<16xi32>
    %add3A_109 = arith.addi %mul3A_108, %get3A_105 : vector<16xi32>
    %swap3A_110 = arith.constant 0 : i32
    %swap3A_111 = arith.index_cast %swap3A_110 : i32 to index
    %swap3A_112 = arith.constant 64 : index
    %swap3A_113 = tpu.vector_load %arg10[%swap3A_111, %swap3A_112] {strides = array<i32>} : memref<2x80xi32, #tpu.memory_space<vmem>>, vector<1x16xi32>,
    %swap3A_114 = vector.shape_cast %swap3A_113 : vector<1x16xi32> to vector<16xi32>
    %swap3A_115 = vector.shape_cast %add3A_109 : vector<16xi32> to vector<1x16xi32>
    tpu.vector_store %arg10[%swap3A_111, %swap3A_112], %swap3A_115 {strides = array<i32>} : memref<2x80xi32, #tpu.memory_space<vmem>>, vector<1x16xi32>,
    %convert_element_type3A_116 = arith.sitofp %get3A_102 : vector<16xi32> to vector<16xf32>
    %swap3A_117 = arith.constant 0 : i32
    %swap3A_118 = arith.constant 0 : i32
    %swap3A_119 = tpu.memref_slice %arg11[%swap3A_117, %swap3A_118] : memref<57x160xf32, #tpu.memory_space<vmem>> -> memref<1x160xf32, #tpu.memory_space<vmem>>
    %swap3A_120 = tpu.memref_squeeze %swap3A_119 : memref<1x160xf32, #tpu.memory_space<vmem>> -> memref<160xf32, #tpu.memory_space<vmem>>
    %swap3A_121 = arith.constant 64 : index
    %swap3A_122 = tpu.vector_load %swap3A_120[%swap3A_121] {strides = array<i32>} : memref<160xf32, #tpu.memory_space<vmem>>, vector<16xf32>,
    %swap3A_123 = vector.shape_cast %swap3A_122 : vector<16xf32> to vector<16xf32>
    %swap3A_124 = vector.shape_cast %convert_element_type3A_116 : vector<16xf32> to vector<16xf32>
    tpu.vector_store %swap3A_120[%swap3A_121], %swap3A_124 {strides = array<i32>} : memref<160xf32, #tpu.memory_space<vmem>>, vector<16xf32>,
    %get3A_125 = arith.constant 80 : index
    %get3A_126 = tpu.vector_load %arg8[%get3A_125] {strides = array<i32>} : memref<160xi32, #tpu.memory_space<vmem>>, vector<16xi32>,
    %get3A_127 = vector.shape_cast %get3A_126 : vector<16xi32> to vector<16xi32>
    %get3A_128 = arith.constant 80 : index
    %get3A_129 = tpu.vector_load %arg9[%get3A_128] {strides = array<i32>} : memref<160xi32, #tpu.memory_space<vmem>>, vector<16xi32>,
    %get3A_130 = vector.shape_cast %get3A_129 : vector<16xi32> to vector<16xi32>
    %mul3A_131 = arith.constant 20000 : i32
    %mul3A_132 = vector.broadcast %mul3A_131 : i32 to vector<16xi32>
    %mul3A_133 = arith.muli %get3A_127, %mul3A_132 : vector<16xi32>
    %add3A_134 = arith.addi %mul3A_133, %get3A_130 : vector<16xi32>
    %swap3A_135 = arith.constant 1 : i32
    %swap3A_136 = arith.index_cast %swap3A_135 : i32 to index
    %swap3A_137 = arith.constant 0 : index
    %swap3A_138 = tpu.vector_load %arg10[%swap3A_136, %swap3A_137] {strides = array<i32>} : memref<2x80xi32, #tpu.memory_space<vmem>>, vector<1x16xi32>,
    %swap3A_139 = vector.shape_cast %swap3A_138 : vector<1x16xi32> to vector<16xi32>
    %swap3A_140 = vector.shape_cast %add3A_134 : vector<16xi32> to vector<1x16xi32>
    tpu.vector_store %arg10[%swap3A_136, %swap3A_137], %swap3A_140 {strides = array<i32>} : memref<2x80xi32, #tpu.memory_space<vmem>>, vector<1x16xi32>,
    %convert_element_type3A_141 = arith.sitofp %get3A_127 : vector<16xi32> to vector<16xf32>
    %swap3A_142 = arith.constant 0 : i32
    %swap3A_143 = arith.constant 0 : i32
    %swap3A_144 = tpu.memref_slice %arg11[%swap3A_142, %swap3A_143] : memref<57x160xf32, #tpu.memory_space<vmem>> -> memref<1x160xf32, #tpu.memory_space<vmem>>
    %swap3A_145 = tpu.memref_squeeze %swap3A_144 : memref<1x160xf32, #tpu.memory_space<vmem>> -> memref<160xf32, #tpu.memory_space<vmem>>
    %swap3A_146 = arith.constant 80 : index
    %swap3A_147 = tpu.vector_load %swap3A_145[%swap3A_146] {strides = array<i32>} : memref<160xf32, #tpu.memory_space<vmem>>, vector<16xf32>,
    %swap3A_148 = vector.shape_cast %swap3A_147 : vector<16xf32> to vector<16xf32>
    %swap3A_149 = vector.shape_cast %convert_element_type3A_141 : vector<16xf32> to vector<16xf32>
    tpu.vector_store %swap3A_145[%swap3A_146], %swap3A_149 {strides = array<i32>} : memref<160xf32, #tpu.memory_space<vmem>>, vector<16xf32>,
    %get3A_150 = arith.constant 96 : index
    %get3A_151 = tpu.vector_load %arg8[%get3A_150] {strides = array<i32>} : memref<160xi32, #tpu.memory_space<vmem>>, vector<16xi32>,
    %get3A_152 = vector.shape_cast %get3A_151 : vector<16xi32> to vector<16xi32>
    %get3A_153 = arith.constant 96 : index
    %get3A_154 = tpu.vector_load %arg9[%get3A_153] {strides = array<i32>} : memref<160xi32, #tpu.memory_space<vmem>>, vector<16xi32>,
    %get3A_155 = vector.shape_cast %get3A_154 : vector<16xi32> to vector<16xi32>
    %mul3A_156 = arith.constant 20000 : i32
    %mul3A_157 = vector.broadcast %mul3A_156 : i32 to vector<16xi32>
    %mul3A_158 = arith.muli %get3A_152, %mul3A_157 : vector<16xi32>
    %add3A_159 = arith.addi %mul3A_158, %get3A_155 : vector<16xi32>
    %swap3A_160 = arith.constant 1 : i32
    %swap3A_161 = arith.index_cast %swap3A_160 : i32 to index
    %swap3A_162 = arith.constant 16 : index
    %swap3A_163 = tpu.vector_load %arg10[%swap3A_161, %swap3A_162] {strides = array<i32>} : memref<2x80xi32, #tpu.memory_space<vmem>>, vector<1x16xi32>,
    %swap3A_164 = vector.shape_cast %swap3A_163 : vector<1x16xi32> to vector<16xi32>
    %swap3A_165 = vector.shape_cast %add3A_159 : vector<16xi32> to vector<1x16xi32>
    tpu.vector_store %arg10[%swap3A_161, %swap3A_162], %swap3A_165 {strides = array<i32>} : memref<2x80xi32, #tpu.memory_space<vmem>>, vector<1x16xi32>,
    %convert_element_type3A_166 = arith.sitofp %get3A_152 : vector<16xi32> to vector<16xf32>
    %swap3A_167 = arith.constant 0 : i32
    %swap3A_168 = arith.constant 0 : i32
    %swap3A_169 = tpu.memref_slice %arg11[%swap3A_167, %swap3A_168] : memref<57x160xf32, #tpu.memory_space<vmem>> -> memref<1x160xf32, #tpu.memory_space<vmem>>
    %swap3A_170 = tpu.memref_squeeze %swap3A_169 : memref<1x160xf32, #tpu.memory_space<vmem>> -> memref<160xf32, #tpu.memory_space<vmem>>
    %swap3A_171 = arith.constant 96 : index
    %swap3A_172 = tpu.vector_load %swap3A_170[%swap3A_171] {strides = array<i32>} : memref<160xf32, #tpu.memory_space<vmem>>, vector<16xf32>,
    %swap3A_173 = vector.shape_cast %swap3A_172 : vector<16xf32> to vector<16xf32>
    %swap3A_174 = vector.shape_cast %convert_element_type3A_166 : vector<16xf32> to vector<16xf32>
    tpu.vector_store %swap3A_170[%swap3A_171], %swap3A_174 {strides = array<i32>} : memref<160xf32, #tpu.memory_space<vmem>>, vector<16xf32>,
    %get3A_175 = arith.constant 112 : index
    %get3A_176 = tpu.vector_load %arg8[%get3A_175] {strides = array<i32>} : memref<160xi32, #tpu.memory_space<vmem>>, vector<16xi32>,
    %get3A_177 = vector.shape_cast %get3A_176 : vector<16xi32> to vector<16xi32>
    %get3A_178 = arith.constant 112 : index
    %get3A_179 = tpu.vector_load %arg9[%get3A_178] {strides = array<i32>} : memref<160xi32, #tpu.memory_space<vmem>>, vector<16xi32>,
    %get3A_180 = vector.shape_cast %get3A_179 : vector<16xi32> to vector<16xi32>
    %mul3A_181 = arith.constant 20000 : i32
    %mul3A_182 = vector.broadcast %mul3A_181 : i32 to vector<16xi32>
    %mul3A_183 = arith.muli %get3A_177, %mul3A_182 : vector<16xi32>
    %add3A_184 = arith.addi %mul3A_183, %get3A_180 : vector<16xi32>
    %swap3A_185 = arith.constant 1 : i32
    %swap3A_186 = arith.index_cast %swap3A_185 : i32 to index
    %swap3A_187 = arith.constant 32 : index
    %swap3A_188 = tpu.vector_load %arg10[%swap3A_186, %swap3A_187] {strides = array<i32>} : memref<2x80xi32, #tpu.memory_space<vmem>>, vector<1x16xi32>,
    %swap3A_189 = vector.shape_cast %swap3A_188 : vector<1x16xi32> to vector<16xi32>
    %swap3A_190 = vector.shape_cast %add3A_184 : vector<16xi32> to vector<1x16xi32>
    tpu.vector_store %arg10[%swap3A_186, %swap3A_187], %swap3A_190 {strides = array<i32>} : memref<2x80xi32, #tpu.memory_space<vmem>>, vector<1x16xi32>,
    %convert_element_type3A_191 = arith.sitofp %get3A_177 : vector<16xi32> to vector<16xf32>
    %swap3A_192 = arith.constant 0 : i32
    %swap3A_193 = arith.constant 0 : i32
    %swap3A_194 = tpu.memref_slice %arg11[%swap3A_192, %swap3A_193] : memref<57x160xf32, #tpu.memory_space<vmem>> -> memref<1x160xf32, #tpu.memory_space<vmem>>
    %swap3A_195 = tpu.memref_squeeze %swap3A_194 : memref<1x160xf32, #tpu.memory_space<vmem>> -> memref<160xf32, #tpu.memory_space<vmem>>
    %swap3A_196 = arith.constant 112 : index
    %swap3A_197 = tpu.vector_load %swap3A_195[%swap3A_196] {strides = array<i32>} : memref<160xf32, #tpu.memory_space<vmem>>, vector<16xf32>,
    %swap3A_198 = vector.shape_cast %swap3A_197 : vector<16xf32> to vector<16xf32>
    %swap3A_199 = vector.shape_cast %convert_element_type3A_191 : vector<16xf32> to vector<16xf32>
    tpu.vector_store %swap3A_195[%swap3A_196], %swap3A_199 {strides = array<i32>} : memref<160xf32, #tpu.memory_space<vmem>>, vector<16xf32>,
    %get3A_200 = arith.constant 128 : index
    %get3A_201 = tpu.vector_load %arg8[%get3A_200] {strides = array<i32>} : memref<160xi32, #tpu.memory_space<vmem>>, vector<16xi32>,
    %get3A_202 = vector.shape_cast %get3A_201 : vector<16xi32> to vector<16xi32>
    %get3A_203 = arith.constant 128 : index
    %get3A_204 = tpu.vector_load %arg9[%get3A_203] {strides = array<i32>} : memref<160xi32, #tpu.memory_space<vmem>>, vector<16xi32>,
    %get3A_205 = vector.shape_cast %get3A_204 : vector<16xi32> to vector<16xi32>
    %mul3A_206 = arith.constant 20000 : i32
    %mul3A_207 = vector.broadcast %mul3A_206 : i32 to vector<16xi32>
    %mul3A_208 = arith.muli %get3A_202, %mul3A_207 : vector<16xi32>
    %add3A_209 = arith.addi %mul3A_208, %get3A_205 : vector<16xi32>
    %swap3A_210 = arith.constant 1 : i32
    %swap3A_211 = arith.index_cast %swap3A_210 : i32 to index
    %swap3A_212 = arith.constant 48 : index
    %swap3A_213 = tpu.vector_load %arg10[%swap3A_211, %swap3A_212] {strides = array<i32>} : memref<2x80xi32, #tpu.memory_space<vmem>>, vector<1x16xi32>,
    %swap3A_214 = vector.shape_cast %swap3A_213 : vector<1x16xi32> to vector<16xi32>
    %swap3A_215 = vector.shape_cast %add3A_209 : vector<16xi32> to vector<1x16xi32>
    tpu.vector_store %arg10[%swap3A_211, %swap3A_212], %swap3A_215 {strides = array<i32>} : memref<2x80xi32, #tpu.memory_space<vmem>>, vector<1x16xi32>,
    %convert_element_type3A_216 = arith.sitofp %get3A_202 : vector<16xi32> to vector<16xf32>
    %swap3A_217 = arith.constant 0 : i32
    %swap3A_218 = arith.constant 0 : i32
    %swap3A_219 = tpu.memref_slice %arg11[%swap3A_217, %swap3A_218] : memref<57x160xf32, #tpu.memory_space<vmem>> -> memref<1x160xf32, #tpu.memory_space<vmem>>
    %swap3A_220 = tpu.memref_squeeze %swap3A_219 : memref<1x160xf32, #tpu.memory_space<vmem>> -> memref<160xf32, #tpu.memory_space<vmem>>
    %swap3A_221 = arith.constant 128 : index
    %swap3A_222 = tpu.vector_load %swap3A_220[%swap3A_221] {strides = array<i32>} : memref<160xf32, #tpu.memory_space<vmem>>, vector<16xf32>,
    %swap3A_223 = vector.shape_cast %swap3A_222 : vector<16xf32> to vector<16xf32>
    %swap3A_224 = vector.shape_cast %convert_element_type3A_216 : vector<16xf32> to vector<16xf32>
    tpu.vector_store %swap3A_220[%swap3A_221], %swap3A_224 {strides = array<i32>} : memref<160xf32, #tpu.memory_space<vmem>>, vector<16xf32>,
    %get3A_225 = arith.constant 144 : index
    %get3A_226 = tpu.vector_load %arg8[%get3A_225] {strides = array<i32>} : memref<160xi32, #tpu.memory_space<vmem>>, vector<16xi32>,
    %get3A_227 = vector.shape_cast %get3A_226 : vector<16xi32> to vector<16xi32>
    %get3A_228 = arith.constant 144 : index
    %get3A_229 = tpu.vector_load %arg9[%get3A_228] {strides = array<i32>} : memref<160xi32, #tpu.memory_space<vmem>>, vector<16xi32>,
    %get3A_230 = vector.shape_cast %get3A_229 : vector<16xi32> to vector<16xi32>
    %mul3A_231 = arith.constant 20000 : i32
    %mul3A_232 = vector.broadcast %mul3A_231 : i32 to vector<16xi32>
    %mul3A_233 = arith.muli %get3A_227, %mul3A_232 : vector<16xi32>
    %add3A_234 = arith.addi %mul3A_233, %get3A_230 : vector<16xi32>
    %swap3A_235 = arith.constant 1 : i32
    %swap3A_236 = arith.index_cast %swap3A_235 : i32 to index
    %swap3A_237 = arith.constant 64 : index
    %swap3A_238 = tpu.vector_load %arg10[%swap3A_236, %swap3A_237] {strides = array<i32>} : memref<2x80xi32, #tpu.memory_space<vmem>>, vector<1x16xi32>,
    %swap3A_239 = vector.shape_cast %swap3A_238 : vector<1x16xi32> to vector<16xi32>
    %swap3A_240 = vector.shape_cast %add3A_234 : vector<16xi32> to vector<1x16xi32>
    tpu.vector_store %arg10[%swap3A_236, %swap3A_237], %swap3A_240 {strides = array<i32>} : memref<2x80xi32, #tpu.memory_space<vmem>>, vector<1x16xi32>,
    %convert_element_type3A_241 = arith.sitofp %get3A_227 : vector<16xi32> to vector<16xf32>
    %swap3A_242 = arith.constant 0 : i32
    %swap3A_243 = arith.constant 0 : i32
    %swap3A_244 = tpu.memref_slice %arg11[%swap3A_242, %swap3A_243] : memref<57x160xf32, #tpu.memory_space<vmem>> -> memref<1x160xf32, #tpu.memory_space<vmem>>
    %swap3A_245 = tpu.memref_squeeze %swap3A_244 : memref<1x160xf32, #tpu.memory_space<vmem>> -> memref<160xf32, #tpu.memory_space<vmem>>
    %swap3A_246 = arith.constant 144 : index
    %swap3A_247 = tpu.vector_load %swap3A_245[%swap3A_246] {strides = array<i32>} : memref<160xf32, #tpu.memory_space<vmem>>, vector<16xf32>,
    %swap3A_248 = vector.shape_cast %swap3A_247 : vector<16xf32> to vector<16xf32>
    %swap3A_249 = vector.shape_cast %convert_element_type3A_241 : vector<16xf32> to vector<16xf32>
    tpu.vector_store %swap3A_245[%swap3A_246], %swap3A_249 {strides = array<i32>} : memref<160xf32, #tpu.memory_space<vmem>>, vector<16xf32>,
    %dma_start3A = arith.constant 0 : i32
    %dma_start3A_250 = arith.constant 5 : i32
    %dma_start3A_251 = arith.constant 0 : i32
    %dma_start3A_252 = tpu.memref_slice %arg11[%dma_start3A_250, %dma_start3A_251] : memref<57x160xf32, #tpu.memory_space<vmem>> -> memref<1x80xf32, #tpu.memory_space<vmem>>
    %dma_start3A_253 = tpu.memref_squeeze %dma_start3A_252 : memref<1x80xf32, #tpu.memory_space<vmem>> -> memref<80xf32, #tpu.memory_space<vmem>>
    %dma_start3A_254 = arith.constant 0 : i32
    %dma_start3A_255 = tpu.memref_slice %arg10[%dma_start3A, %dma_start3A_254] : memref<2x80xi32, #tpu.memory_space<vmem>> -> memref<1x80xi32, #tpu.memory_space<vmem>>
    %dma_start3A_256 = tpu.memref_squeeze %dma_start3A_255 : memref<1x80xi32, #tpu.memory_space<vmem>> -> memref<80xi32, #tpu.memory_space<vmem>>
    %dma_start3A_257 = arith.constant 0 : i32
    %dma_start3A_258 = tpu.memref_slice %arg5[%dma_start3A_257] : memref<320000xf32, #tpu.memory_space<hbm>> -> memref<320000xf32, #tpu.memory_space<hbm>>
    tpu.enqueue_indirect_dma source(%dma_start3A_258 : memref<320000xf32, #tpu.memory_space<hbm>>) target(%dma_start3A_253 : memref<80xf32, #tpu.memory_space<vmem>>) offsets(%dma_start3A_256 : memref<80xi32, #tpu.memory_space<vmem>>) semaphore(%arg12 : memref<!tpu.dma_semaphore, #tpu.memory_space<semaphore_mem>>)
    %dma_start3A_259 = arith.constant 0 : i32
    %dma_start3A_260 = arith.constant 0 : i32
    %dma_start3A_261 = arith.constant 1 : i32
    %dma_start3A_262 = arith.constant 0 : i32
    %dma_start3A_263 = tpu.memref_slice %arg11[%dma_start3A_261, %dma_start3A_262] : memref<57x160xf32, #tpu.memory_space<vmem>> -> memref<1x80xf32, #tpu.memory_space<vmem>>
    %dma_start3A_264 = tpu.memref_squeeze %dma_start3A_263 : memref<1x80xf32, #tpu.memory_space<vmem>> -> memref<80xf32, #tpu.memory_space<vmem>>
    %dma_start3A_265 = arith.constant 0 : i32
    %dma_start3A_266 = tpu.memref_slice %arg10[%dma_start3A_260, %dma_start3A_265] : memref<2x80xi32, #tpu.memory_space<vmem>> -> memref<1x80xi32, #tpu.memory_space<vmem>>
    %dma_start3A_267 = tpu.memref_squeeze %dma_start3A_266 : memref<1x80xi32, #tpu.memory_space<vmem>> -> memref<80xi32, #tpu.memory_space<vmem>>
    %dma_start3A_268 = arith.constant 0 : i32
    %dma_start3A_269 = tpu.memref_slice %arg4[%dma_start3A_259, %dma_start3A_268] : memref<4x320000xf32, #tpu.memory_space<hbm>> -> memref<1x320000xf32, #tpu.memory_space<hbm>>
    %dma_start3A_270 = tpu.memref_squeeze %dma_start3A_269 : memref<1x320000xf32, #tpu.memory_space<hbm>> -> memref<320000xf32, #tpu.memory_space<hbm>>
    %dma_start3A_271 = arith.constant 0 : i32
    %dma_start3A_272 = tpu.memref_slice %dma_start3A_270[%dma_start3A_271] : memref<320000xf32, #tpu.memory_space<hbm>> -> memref<320000xf32, #tpu.memory_space<hbm>>
    tpu.enqueue_indirect_dma source(%dma_start3A_272 : memref<320000xf32, #tpu.memory_space<hbm>>) target(%dma_start3A_264 : memref<80xf32, #tpu.memory_space<vmem>>) offsets(%dma_start3A_267 : memref<80xi32, #tpu.memory_space<vmem>>) semaphore(%arg12 : memref<!tpu.dma_semaphore, #tpu.memory_space<semaphore_mem>>)
    %dma_start3A_273 = arith.constant 1 : i32
    %dma_start3A_274 = arith.constant 0 : i32
    %dma_start3A_275 = arith.constant 2 : i32
    %dma_start3A_276 = arith.constant 0 : i32
    %dma_start3A_277 = tpu.memref_slice %arg11[%dma_start3A_275, %dma_start3A_276] : memref<57x160xf32, #tpu.memory_space<vmem>> -> memref<1x80xf32, #tpu.memory_space<vmem>>
    %dma_start3A_278 = tpu.memref_squeeze %dma_start3A_277 : memref<1x80xf32, #tpu.memory_space<vmem>> -> memref<80xf32, #tpu.memory_space<vmem>>
    %dma_start3A_279 = arith.constant 0 : i32
    %dma_start3A_280 = tpu.memref_slice %arg10[%dma_start3A_274, %dma_start3A_279] : memref<2x80xi32, #tpu.memory_space<vmem>> -> memref<1x80xi32, #tpu.memory_space<vmem>>
    %dma_start3A_281 = tpu.memref_squeeze %dma_start3A_280 : memref<1x80xi32, #tpu.memory_space<vmem>> -> memref<80xi32, #tpu.memory_space<vmem>>
    %dma_start3A_282 = arith.constant 0 : i32
    %dma_start3A_283 = tpu.memref_slice %arg4[%dma_start3A_273, %dma_start3A_282] : memref<4x320000xf32, #tpu.memory_space<hbm>> -> memref<1x320000xf32, #tpu.memory_space<hbm>>
    %dma_start3A_284 = tpu.memref_squeeze %dma_start3A_283 : memref<1x320000xf32, #tpu.memory_space<hbm>> -> memref<320000xf32, #tpu.memory_space<hbm>>
    %dma_start3A_285 = arith.constant 0 : i32
    %dma_start3A_286 = tpu.memref_slice %dma_start3A_284[%dma_start3A_285] : memref<320000xf32, #tpu.memory_space<hbm>> -> memref<320000xf32, #tpu.memory_space<hbm>>
    tpu.enqueue_indirect_dma source(%dma_start3A_286 : memref<320000xf32, #tpu.memory_space<hbm>>) target(%dma_start3A_278 : memref<80xf32, #tpu.memory_space<vmem>>) offsets(%dma_start3A_281 : memref<80xi32, #tpu.memory_space<vmem>>) semaphore(%arg12 : memref<!tpu.dma_semaphore, #tpu.memory_space<semaphore_mem>>)
    %dma_start3A_287 = arith.constant 2 : i32
    %dma_start3A_288 = arith.constant 0 : i32
    %dma_start3A_289 = arith.constant 3 : i32
    %dma_start3A_290 = arith.constant 0 : i32
    %dma_start3A_291 = tpu.memref_slice %arg11[%dma_start3A_289, %dma_start3A_290] : memref<57x160xf32, #tpu.memory_space<vmem>> -> memref<1x80xf32, #tpu.memory_space<vmem>>
    %dma_start3A_292 = tpu.memref_squeeze %dma_start3A_291 : memref<1x80xf32, #tpu.memory_space<vmem>> -> memref<80xf32, #tpu.memory_space<vmem>>
    %dma_start3A_293 = arith.constant 0 : i32
    %dma_start3A_294 = tpu.memref_slice %arg10[%dma_start3A_288, %dma_start3A_293] : memref<2x80xi32, #tpu.memory_space<vmem>> -> memref<1x80xi32, #tpu.memory_space<vmem>>
    %dma_start3A_295 = tpu.memref_squeeze %dma_start3A_294 : memref<1x80xi32, #tpu.memory_space<vmem>> -> memref<80xi32, #tpu.memory_space<vmem>>
    %dma_start3A_296 = arith.constant 0 : i32
    %dma_start3A_297 = tpu.memref_slice %arg4[%dma_start3A_287, %dma_start3A_296] : memref<4x320000xf32, #tpu.memory_space<hbm>> -> memref<1x320000xf32, #tpu.memory_space<hbm>>
    %dma_start3A_298 = tpu.memref_squeeze %dma_start3A_297 : memref<1x320000xf32, #tpu.memory_space<hbm>> -> memref<320000xf32, #tpu.memory_space<hbm>>
    %dma_start3A_299 = arith.constant 0 : i32
    %dma_start3A_300 = tpu.memref_slice %dma_start3A_298[%dma_start3A_299] : memref<320000xf32, #tpu.memory_space<hbm>> -> memref<320000xf32, #tpu.memory_space<hbm>>
    tpu.enqueue_indirect_dma source(%dma_start3A_300 : memref<320000xf32, #tpu.memory_space<hbm>>) target(%dma_start3A_292 : memref<80xf32, #tpu.memory_space<vmem>>) offsets(%dma_start3A_295 : memref<80xi32, #tpu.memory_space<vmem>>) semaphore(%arg12 : memref<!tpu.dma_semaphore, #tpu.memory_space<semaphore_mem>>)
    %dma_start3A_301 = arith.constant 3 : i32
    %dma_start3A_302 = arith.constant 0 : i32
    %dma_start3A_303 = arith.constant 4 : i32
    %dma_start3A_304 = arith.constant 0 : i32
    %dma_start3A_305 = tpu.memref_slice %arg11[%dma_start3A_303, %dma_start3A_304] : memref<57x160xf32, #tpu.memory_space<vmem>> -> memref<1x80xf32, #tpu.memory_space<vmem>>
    %dma_start3A_306 = tpu.memref_squeeze %dma_start3A_305 : memref<1x80xf32, #tpu.memory_space<vmem>> -> memref<80xf32, #tpu.memory_space<vmem>>
    %dma_start3A_307 = arith.constant 0 : i32
    %dma_start3A_308 = tpu.memref_slice %arg10[%dma_start3A_302, %dma_start3A_307] : memref<2x80xi32, #tpu.memory_space<vmem>> -> memref<1x80xi32, #tpu.memory_space<vmem>>
    %dma_start3A_309 = tpu.memref_squeeze %dma_start3A_308 : memref<1x80xi32, #tpu.memory_space<vmem>> -> memref<80xi32, #tpu.memory_space<vmem>>
    %dma_start3A_310 = arith.constant 0 : i32
    %dma_start3A_311 = tpu.memref_slice %arg4[%dma_start3A_301, %dma_start3A_310] : memref<4x320000xf32, #tpu.memory_space<hbm>> -> memref<1x320000xf32, #tpu.memory_space<hbm>>
    %dma_start3A_312 = tpu.memref_squeeze %dma_start3A_311 : memref<1x320000xf32, #tpu.memory_space<hbm>> -> memref<320000xf32, #tpu.memory_space<hbm>>
    %dma_start3A_313 = arith.constant 0 : i32
    %dma_start3A_314 = tpu.memref_slice %dma_start3A_312[%dma_start3A_313] : memref<320000xf32, #tpu.memory_space<hbm>> -> memref<320000xf32, #tpu.memory_space<hbm>>
    tpu.enqueue_indirect_dma source(%dma_start3A_314 : memref<320000xf32, #tpu.memory_space<hbm>>) target(%dma_start3A_306 : memref<80xf32, #tpu.memory_space<vmem>>) offsets(%dma_start3A_309 : memref<80xi32, #tpu.memory_space<vmem>>) semaphore(%arg12 : memref<!tpu.dma_semaphore, #tpu.memory_space<semaphore_mem>>)
    %dma_start3A_315 = arith.constant 0 : i32
    %dma_start3A_316 = arith.constant 0 : i32
    %dma_start3A_317 = arith.constant 6 : i32
    %dma_start3A_318 = arith.constant 0 : i32
    %dma_start3A_319 = tpu.memref_slice %arg11[%dma_start3A_317, %dma_start3A_318] : memref<57x160xf32, #tpu.memory_space<vmem>> -> memref<1x80xf32, #tpu.memory_space<vmem>>
    %dma_start3A_320 = tpu.memref_squeeze %dma_start3A_319 : memref<1x80xf32, #tpu.memory_space<vmem>> -> memref<80xf32, #tpu.memory_space<vmem>>
    %dma_start3A_321 = arith.constant 0 : i32
    %dma_start3A_322 = tpu.memref_slice %arg10[%dma_start3A_316, %dma_start3A_321] : memref<2x80xi32, #tpu.memory_space<vmem>> -> memref<1x80xi32, #tpu.memory_space<vmem>>
    %dma_start3A_323 = tpu.memref_squeeze %dma_start3A_322 : memref<1x80xi32, #tpu.memory_space<vmem>> -> memref<80xi32, #tpu.memory_space<vmem>>
    %dma_start3A_324 = arith.constant 0 : i32
    %dma_start3A_325 = tpu.memref_slice %arg6[%dma_start3A_315, %dma_start3A_324] : memref<51x320000xf32, #tpu.memory_space<hbm>> -> memref<1x320000xf32, #tpu.memory_space<hbm>>
    %dma_start3A_326 = tpu.memref_squeeze %dma_start3A_325 : memref<1x320000xf32, #tpu.memory_space<hbm>> -> memref<320000xf32, #tpu.memory_space<hbm>>
    %dma_start3A_327 = arith.constant 0 : i32
    %dma_start3A_328 = tpu.memref_slice %dma_start3A_326[%dma_start3A_327] : memref<320000xf32, #tpu.memory_space<hbm>> -> memref<320000xf32, #tpu.memory_space<hbm>>
    tpu.enqueue_indirect_dma source(%dma_start3A_328 : memref<320000xf32, #tpu.memory_space<hbm>>) target(%dma_start3A_320 : memref<80xf32, #tpu.memory_space<vmem>>) offsets(%dma_start3A_323 : memref<80xi32, #tpu.memory_space<vmem>>) semaphore(%arg12 : memref<!tpu.dma_semaphore, #tpu.memory_space<semaphore_mem>>)
    %dma_start3A_329 = arith.constant 1 : i32
    %dma_start3A_330 = arith.constant 0 : i32
    %dma_start3A_331 = arith.constant 7 : i32
    %dma_start3A_332 = arith.constant 0 : i32
    %dma_start3A_333 = tpu.memref_slice %arg11[%dma_start3A_331, %dma_start3A_332] : memref<57x160xf32, #tpu.memory_space<vmem>> -> memref<1x80xf32, #tpu.memory_space<vmem>>
    %dma_start3A_334 = tpu.memref_squeeze %dma_start3A_333 : memref<1x80xf32, #tpu.memory_space<vmem>> -> memref<80xf32, #tpu.memory_space<vmem>>
    %dma_start3A_335 = arith.constant 0 : i32
    %dma_start3A_336 = tpu.memref_slice %arg10[%dma_start3A_330, %dma_start3A_335] : memref<2x80xi32, #tpu.memory_space<vmem>> -> memref<1x80xi32, #tpu.memory_space<vmem>>
    %dma_start3A_337 = tpu.memref_squeeze %dma_start3A_336 : memref<1x80xi32, #tpu.memory_space<vmem>> -> memref<80xi32, #tpu.memory_space<vmem>>
    %dma_start3A_338 = arith.constant 0 : i32
    %dma_start3A_339 = tpu.memref_slice %arg6[%dma_start3A_329, %dma_start3A_338] : memref<51x320000xf32, #tpu.memory_space<hbm>> -> memref<1x320000xf32, #tpu.memory_space<hbm>>
    %dma_start3A_340 = tpu.memref_squeeze %dma_start3A_339 : memref<1x320000xf32, #tpu.memory_space<hbm>> -> memref<320000xf32, #tpu.memory_space<hbm>>
    %dma_start3A_341 = arith.constant 0 : i32
    %dma_start3A_342 = tpu.memref_slice %dma_start3A_340[%dma_start3A_341] : memref<320000xf32, #tpu.memory_space<hbm>> -> memref<320000xf32, #tpu.memory_space<hbm>>
    tpu.enqueue_indirect_dma source(%dma_start3A_342 : memref<320000xf32, #tpu.memory_space<hbm>>) target(%dma_start3A_334 : memref<80xf32, #tpu.memory_space<vmem>>) offsets(%dma_start3A_337 : memref<80xi32, #tpu.memory_space<vmem>>) semaphore(%arg12 : memref<!tpu.dma_semaphore, #tpu.memory_space<semaphore_mem>>)
    %dma_start3A_343 = arith.constant 2 : i32
    %dma_start3A_344 = arith.constant 0 : i32
    %dma_start3A_345 = arith.constant 8 : i32
    %dma_start3A_346 = arith.constant 0 : i32
    %dma_start3A_347 = tpu.memref_slice %arg11[%dma_start3A_345, %dma_start3A_346] : memref<57x160xf32, #tpu.memory_space<vmem>> -> memref<1x80xf32, #tpu.memory_space<vmem>>
    %dma_start3A_348 = tpu.memref_squeeze %dma_start3A_347 : memref<1x80xf32, #tpu.memory_space<vmem>> -> memref<80xf32, #tpu.memory_space<vmem>>
    %dma_start3A_349 = arith.constant 0 : i32
    %dma_start3A_350 = tpu.memref_slice %arg10[%dma_start3A_344, %dma_start3A_349] : memref<2x80xi32, #tpu.memory_space<vmem>> -> memref<1x80xi32, #tpu.memory_space<vmem>>
    %dma_start3A_351 = tpu.memref_squeeze %dma_start3A_350 : memref<1x80xi32, #tpu.memory_space<vmem>> -> memref<80xi32, #tpu.memory_space<vmem>>
    %dma_start3A_352 = arith.constant 0 : i32
    %dma_start3A_353 = tpu.memref_slice %arg6[%dma_start3A_343, %dma_start3A_352] : memref<51x320000xf32, #tpu.memory_space<hbm>> -> memref<1x320000xf32, #tpu.memory_space<hbm>>
    %dma_start3A_354 = tpu.memref_squeeze %dma_start3A_353 : memref<1x320000xf32, #tpu.memory_space<hbm>> -> memref<320000xf32, #tpu.memory_space<hbm>>
    %dma_start3A_355 = arith.constant 0 : i32
    %dma_start3A_356 = tpu.memref_slice %dma_start3A_354[%dma_start3A_355] : memref<320000xf32, #tpu.memory_space<hbm>> -> memref<320000xf32, #tpu.memory_space<hbm>>
    tpu.enqueue_indirect_dma source(%dma_start3A_356 : memref<320000xf32, #tpu.memory_space<hbm>>) target(%dma_start3A_348 : memref<80xf32, #tpu.memory_space<vmem>>) offsets(%dma_start3A_351 : memref<80xi32, #tpu.memory_space<vmem>>) semaphore(%arg12 : memref<!tpu.dma_semaphore, #tpu.memory_space<semaphore_mem>>)
    %dma_start3A_357 = arith.constant 3 : i32
    %dma_start3A_358 = arith.constant 0 : i32
    %dma_start3A_359 = arith.constant 9 : i32
    %dma_start3A_360 = arith.constant 0 : i32
    %dma_start3A_361 = tpu.memref_slice %arg11[%dma_start3A_359, %dma_start3A_360] : memref<57x160xf32, #tpu.memory_space<vmem>> -> memref<1x80xf32, #tpu.memory_space<vmem>>
    %dma_start3A_362 = tpu.memref_squeeze %dma_start3A_361 : memref<1x80xf32, #tpu.memory_space<vmem>> -> memref<80xf32, #tpu.memory_space<vmem>>
    %dma_start3A_363 = arith.constant 0 : i32
    %dma_start3A_364 = tpu.memref_slice %arg10[%dma_start3A_358, %dma_start3A_363] : memref<2x80xi32, #tpu.memory_space<vmem>> -> memref<1x80xi32, #tpu.memory_space<vmem>>
    %dma_start3A_365 = tpu.memref_squeeze %dma_start3A_364 : memref<1x80xi32, #tpu.memory_space<vmem>> -> memref<80xi32, #tpu.memory_space<vmem>>
    %dma_start3A_366 = arith.constant 0 : i32
    %dma_start3A_367 = tpu.memref_slice %arg6[%dma_start3A_357, %dma_start3A_366] : memref<51x320000xf32, #tpu.memory_space<hbm>> -> memref<1x320000xf32, #tpu.memory_space<hbm>>
    %dma_start3A_368 = tpu.memref_squeeze %dma_start3A_367 : memref<1x320000xf32, #tpu.memory_space<hbm>> -> memref<320000xf32, #tpu.memory_space<hbm>>
    %dma_start3A_369 = arith.constant 0 : i32
    %dma_start3A_370 = tpu.memref_slice %dma_start3A_368[%dma_start3A_369] : memref<320000xf32, #tpu.memory_space<hbm>> -> memref<320000xf32, #tpu.memory_space<hbm>>
    tpu.enqueue_indirect_dma source(%dma_start3A_370 : memref<320000xf32, #tpu.memory_space<hbm>>) target(%dma_start3A_362 : memref<80xf32, #tpu.memory_space<vmem>>) offsets(%dma_start3A_365 : memref<80xi32, #tpu.memory_space<vmem>>) semaphore(%arg12 : memref<!tpu.dma_semaphore, #tpu.memory_space<semaphore_mem>>)
    %dma_start3A_371 = arith.constant 4 : i32
    %dma_start3A_372 = arith.constant 0 : i32
    %dma_start3A_373 = arith.constant 10 : i32
    %dma_start3A_374 = arith.constant 0 : i32
    %dma_start3A_375 = tpu.memref_slice %arg11[%dma_start3A_373, %dma_start3A_374] : memref<57x160xf32, #tpu.memory_space<vmem>> -> memref<1x80xf32, #tpu.memory_space<vmem>>
    %dma_start3A_376 = tpu.memref_squeeze %dma_start3A_375 : memref<1x80xf32, #tpu.memory_space<vmem>> -> memref<80xf32, #tpu.memory_space<vmem>>
    %dma_start3A_377 = arith.constant 0 : i32
    %dma_start3A_378 = tpu.memref_slice %arg10[%dma_start3A_372, %dma_start3A_377] : memref<2x80xi32, #tpu.memory_space<vmem>> -> memref<1x80xi32, #tpu.memory_space<vmem>>
    %dma_start3A_379 = tpu.memref_squeeze %dma_start3A_378 : memref<1x80xi32, #tpu.memory_space<vmem>> -> memref<80xi32, #tpu.memory_space<vmem>>
    %dma_start3A_380 = arith.constant 0 : i32
    %dma_start3A_381 = tpu.memref_slice %arg6[%dma_start3A_371, %dma_start3A_380] : memref<51x320000xf32, #tpu.memory_space<hbm>> -> memref<1x320000xf32, #tpu.memory_space<hbm>>
    %dma_start3A_382 = tpu.memref_squeeze %dma_start3A_381 : memref<1x320000xf32, #tpu.memory_space<hbm>> -> memref<320000xf32, #tpu.memory_space<hbm>>
    %dma_start3A_383 = arith.constant 0 : i32
    %dma_start3A_384 = tpu.memref_slice %dma_start3A_382[%dma_start3A_383] : memref<320000xf32, #tpu.memory_space<hbm>> -> memref<320000xf32, #tpu.memory_space<hbm>>
    tpu.enqueue_indirect_dma source(%dma_start3A_384 : memref<320000xf32, #tpu.memory_space<hbm>>) target(%dma_start3A_376 : memref<80xf32, #tpu.memory_space<vmem>>) offsets(%dma_start3A_379 : memref<80xi32, #tpu.memory_space<vmem>>) semaphore(%arg12 : memref<!tpu.dma_semaphore, #tpu.memory_space<semaphore_mem>>)
    %dma_start3A_385 = arith.constant 5 : i32
    %dma_start3A_386 = arith.constant 0 : i32
    %dma_start3A_387 = arith.constant 11 : i32
    %dma_start3A_388 = arith.constant 0 : i32
    %dma_start3A_389 = tpu.memref_slice %arg11[%dma_start3A_387, %dma_start3A_388] : memref<57x160xf32, #tpu.memory_space<vmem>> -> memref<1x80xf32, #tpu.memory_space<vmem>>
    %dma_start3A_390 = tpu.memref_squeeze %dma_start3A_389 : memref<1x80xf32, #tpu.memory_space<vmem>> -> memref<80xf32, #tpu.memory_space<vmem>>
    %dma_start3A_391 = arith.constant 0 : i32
    %dma_start3A_392 = tpu.memref_slice %arg10[%dma_start3A_386, %dma_start3A_391] : memref<2x80xi32, #tpu.memory_space<vmem>> -> memref<1x80xi32, #tpu.memory_space<vmem>>
    %dma_start3A_393 = tpu.memref_squeeze %dma_start3A_392 : memref<1x80xi32, #tpu.memory_space<vmem>> -> memref<80xi32, #tpu.memory_space<vmem>>
    %dma_start3A_394 = arith.constant 0 : i32
    %dma_start3A_395 = tpu.memref_slice %arg6[%dma_start3A_385, %dma_start3A_394] : memref<51x320000xf32, #tpu.memory_space<hbm>> -> memref<1x320000xf32, #tpu.memory_space<hbm>>
    %dma_start3A_396 = tpu.memref_squeeze %dma_start3A_395 : memref<1x320000xf32, #tpu.memory_space<hbm>> -> memref<320000xf32, #tpu.memory_space<hbm>>
    %dma_start3A_397 = arith.constant 0 : i32
    %dma_start3A_398 = tpu.memref_slice %dma_start3A_396[%dma_start3A_397] : memref<320000xf32, #tpu.memory_space<hbm>> -> memref<320000xf32, #tpu.memory_space<hbm>>
    tpu.enqueue_indirect_dma source(%dma_start3A_398 : memref<320000xf32, #tpu.memory_space<hbm>>) target(%dma_start3A_390 : memref<80xf32, #tpu.memory_space<vmem>>) offsets(%dma_start3A_393 : memref<80xi32, #tpu.memory_space<vmem>>) semaphore(%arg12 : memref<!tpu.dma_semaphore, #tpu.memory_space<semaphore_mem>>)
    %dma_start3A_399 = arith.constant 6 : i32
    %dma_start3A_400 = arith.constant 0 : i32
    %dma_start3A_401 = arith.constant 12 : i32
    %dma_start3A_402 = arith.constant 0 : i32
    %dma_start3A_403 = tpu.memref_slice %arg11[%dma_start3A_401, %dma_start3A_402] : memref<57x160xf32, #tpu.memory_space<vmem>> -> memref<1x80xf32, #tpu.memory_space<vmem>>
    %dma_start3A_404 = tpu.memref_squeeze %dma_start3A_403 : memref<1x80xf32, #tpu.memory_space<vmem>> -> memref<80xf32, #tpu.memory_space<vmem>>
    %dma_start3A_405 = arith.constant 0 : i32
    %dma_start3A_406 = tpu.memref_slice %arg10[%dma_start3A_400, %dma_start3A_405] : memref<2x80xi32, #tpu.memory_space<vmem>> -> memref<1x80xi32, #tpu.memory_space<vmem>>
    %dma_start3A_407 = tpu.memref_squeeze %dma_start3A_406 : memref<1x80xi32, #tpu.memory_space<vmem>> -> memref<80xi32, #tpu.memory_space<vmem>>
    %dma_start3A_408 = arith.constant 0 : i32
    %dma_start3A_409 = tpu.memref_slice %arg6[%dma_start3A_399, %dma_start3A_408] : memref<51x320000xf32, #tpu.memory_space<hbm>> -> memref<1x320000xf32, #tpu.memory_space<hbm>>
    %dma_start3A_410 = tpu.memref_squeeze %dma_start3A_409 : memref<1x320000xf32, #tpu.memory_space<hbm>> -> memref<320000xf32, #tpu.memory_space<hbm>>
    %dma_start3A_411 = arith.constant 0 : i32
    %dma_start3A_412 = tpu.memref_slice %dma_start3A_410[%dma_start3A_411] : memref<320000xf32, #tpu.memory_space<hbm>> -> memref<320000xf32, #tpu.memory_space<hbm>>
    tpu.enqueue_indirect_dma source(%dma_start3A_412 : memref<320000xf32, #tpu.memory_space<hbm>>) target(%dma_start3A_404 : memref<80xf32, #tpu.memory_space<vmem>>) offsets(%dma_start3A_407 : memref<80xi32, #tpu.memory_space<vmem>>) semaphore(%arg12 : memref<!tpu.dma_semaphore, #tpu.memory_space<semaphore_mem>>)
    %dma_start3A_413 = arith.constant 7 : i32
    %dma_start3A_414 = arith.constant 0 : i32
    %dma_start3A_415 = arith.constant 13 : i32
    %dma_start3A_416 = arith.constant 0 : i32
    %dma_start3A_417 = tpu.memref_slice %arg11[%dma_start3A_415, %dma_start3A_416] : memref<57x160xf32, #tpu.memory_space<vmem>> -> memref<1x80xf32, #tpu.memory_space<vmem>>
    %dma_start3A_418 = tpu.memref_squeeze %dma_start3A_417 : memref<1x80xf32, #tpu.memory_space<vmem>> -> memref<80xf32, #tpu.memory_space<vmem>>
    %dma_start3A_419 = arith.constant 0 : i32
    %dma_start3A_420 = tpu.memref_slice %arg10[%dma_start3A_414, %dma_start3A_419] : memref<2x80xi32, #tpu.memory_space<vmem>> -> memref<1x80xi32, #tpu.memory_space<vmem>>
    %dma_start3A_421 = tpu.memref_squeeze %dma_start3A_420 : memref<1x80xi32, #tpu.memory_space<vmem>> -> memref<80xi32, #tpu.memory_space<vmem>>
    %dma_start3A_422 = arith.constant 0 : i32
    %dma_start3A_423 = tpu.memref_slice %arg6[%dma_start3A_413, %dma_start3A_422] : memref<51x320000xf32, #tpu.memory_space<hbm>> -> memref<1x320000xf32, #tpu.memory_space<hbm>>
    %dma_start3A_424 = tpu.memref_squeeze %dma_start3A_423 : memref<1x320000xf32, #tpu.memory_space<hbm>> -> memref<320000xf32, #tpu.memory_space<hbm>>
    %dma_start3A_425 = arith.constant 0 : i32
    %dma_start3A_426 = tpu.memref_slice %dma_start3A_424[%dma_start3A_425] : memref<320000xf32, #tpu.memory_space<hbm>> -> memref<320000xf32, #tpu.memory_space<hbm>>
    tpu.enqueue_indirect_dma source(%dma_start3A_426 : memref<320000xf32, #tpu.memory_space<hbm>>) target(%dma_start3A_418 : memref<80xf32, #tpu.memory_space<vmem>>) offsets(%dma_start3A_421 : memref<80xi32, #tpu.memory_space<vmem>>) semaphore(%arg12 : memref<!tpu.dma_semaphore, #tpu.memory_space<semaphore_mem>>)
    %dma_start3A_427 = arith.constant 8 : i32
    %dma_start3A_428 = arith.constant 0 : i32
    %dma_start3A_429 = arith.constant 14 : i32
    %dma_start3A_430 = arith.constant 0 : i32
    %dma_start3A_431 = tpu.memref_slice %arg11[%dma_start3A_429, %dma_start3A_430] : memref<57x160xf32, #tpu.memory_space<vmem>> -> memref<1x80xf32, #tpu.memory_space<vmem>>
    %dma_start3A_432 = tpu.memref_squeeze %dma_start3A_431 : memref<1x80xf32, #tpu.memory_space<vmem>> -> memref<80xf32, #tpu.memory_space<vmem>>
    %dma_start3A_433 = arith.constant 0 : i32
    %dma_start3A_434 = tpu.memref_slice %arg10[%dma_start3A_428, %dma_start3A_433] : memref<2x80xi32, #tpu.memory_space<vmem>> -> memref<1x80xi32, #tpu.memory_space<vmem>>
    %dma_start3A_435 = tpu.memref_squeeze %dma_start3A_434 : memref<1x80xi32, #tpu.memory_space<vmem>> -> memref<80xi32, #tpu.memory_space<vmem>>
    %dma_start3A_436 = arith.constant 0 : i32
    %dma_start3A_437 = tpu.memref_slice %arg6[%dma_start3A_427, %dma_start3A_436] : memref<51x320000xf32, #tpu.memory_space<hbm>> -> memref<1x320000xf32, #tpu.memory_space<hbm>>
    %dma_start3A_438 = tpu.memref_squeeze %dma_start3A_437 : memref<1x320000xf32, #tpu.memory_space<hbm>> -> memref<320000xf32, #tpu.memory_space<hbm>>
    %dma_start3A_439 = arith.constant 0 : i32
    %dma_start3A_440 = tpu.memref_slice %dma_start3A_438[%dma_start3A_439] : memref<320000xf32, #tpu.memory_space<hbm>> -> memref<320000xf32, #tpu.memory_space<hbm>>
    tpu.enqueue_indirect_dma source(%dma_start3A_440 : memref<320000xf32, #tpu.memory_space<hbm>>) target(%dma_start3A_432 : memref<80xf32, #tpu.memory_space<vmem>>) offsets(%dma_start3A_435 : memref<80xi32, #tpu.memory_space<vmem>>) semaphore(%arg12 : memref<!tpu.dma_semaphore, #tpu.memory_space<semaphore_mem>>)
    %dma_start3A_441 = arith.constant 9 : i32
    %dma_start3A_442 = arith.constant 0 : i32
    %dma_start3A_443 = arith.constant 15 : i32
    %dma_start3A_444 = arith.constant 0 : i32
    %dma_start3A_445 = tpu.memref_slice %arg11[%dma_start3A_443, %dma_start3A_444] : memref<57x160xf32, #tpu.memory_space<vmem>> -> memref<1x80xf32, #tpu.memory_space<vmem>>
    %dma_start3A_446 = tpu.memref_squeeze %dma_start3A_445 : memref<1x80xf32, #tpu.memory_space<vmem>> -> memref<80xf32, #tpu.memory_space<vmem>>
    %dma_start3A_447 = arith.constant 0 : i32
    %dma_start3A_448 = tpu.memref_slice %arg10[%dma_start3A_442, %dma_start3A_447] : memref<2x80xi32, #tpu.memory_space<vmem>> -> memref<1x80xi32, #tpu.memory_space<vmem>>
    %dma_start3A_449 = tpu.memref_squeeze %dma_start3A_448 : memref<1x80xi32, #tpu.memory_space<vmem>> -> memref<80xi32, #tpu.memory_space<vmem>>
    %dma_start3A_450 = arith.constant 0 : i32
    %dma_start3A_451 = tpu.memref_slice %arg6[%dma_start3A_441, %dma_start3A_450] : memref<51x320000xf32, #tpu.memory_space<hbm>> -> memref<1x320000xf32, #tpu.memory_space<hbm>>
    %dma_start3A_452 = tpu.memref_squeeze %dma_start3A_451 : memref<1x320000xf32, #tpu.memory_space<hbm>> -> memref<320000xf32, #tpu.memory_space<hbm>>
    %dma_start3A_453 = arith.constant 0 : i32
    %dma_start3A_454 = tpu.memref_slice %dma_start3A_452[%dma_start3A_453] : memref<320000xf32, #tpu.memory_space<hbm>> -> memref<320000xf32, #tpu.memory_space<hbm>>
    tpu.enqueue_indirect_dma source(%dma_start3A_454 : memref<320000xf32, #tpu.memory_space<hbm>>) target(%dma_start3A_446 : memref<80xf32, #tpu.memory_space<vmem>>) offsets(%dma_start3A_449 : memref<80xi32, #tpu.memory_space<vmem>>) semaphore(%arg12 : memref<!tpu.dma_semaphore, #tpu.memory_space<semaphore_mem>>)
    %dma_start3A_455 = arith.constant 10 : i32
    %dma_start3A_456 = arith.constant 0 : i32
    %dma_start3A_457 = arith.constant 16 : i32
    %dma_start3A_458 = arith.constant 0 : i32
    %dma_start3A_459 = tpu.memref_slice %arg11[%dma_start3A_457, %dma_start3A_458] : memref<57x160xf32, #tpu.memory_space<vmem>> -> memref<1x80xf32, #tpu.memory_space<vmem>>
    %dma_start3A_460 = tpu.memref_squeeze %dma_start3A_459 : memref<1x80xf32, #tpu.memory_space<vmem>> -> memref<80xf32, #tpu.memory_space<vmem>>
    %dma_start3A_461 = arith.constant 0 : i32
    %dma_start3A_462 = tpu.memref_slice %arg10[%dma_start3A_456, %dma_start3A_461] : memref<2x80xi32, #tpu.memory_space<vmem>> -> memref<1x80xi32, #tpu.memory_space<vmem>>
    %dma_start3A_463 = tpu.memref_squeeze %dma_start3A_462 : memref<1x80xi32, #tpu.memory_space<vmem>> -> memref<80xi32, #tpu.memory_space<vmem>>
    %dma_start3A_464 = arith.constant 0 : i32
    %dma_start3A_465 = tpu.memref_slice %arg6[%dma_start3A_455, %dma_start3A_464] : memref<51x320000xf32, #tpu.memory_space<hbm>> -> memref<1x320000xf32, #tpu.memory_space<hbm>>
    %dma_start3A_466 = tpu.memref_squeeze %dma_start3A_465 : memref<1x320000xf32, #tpu.memory_space<hbm>> -> memref<320000xf32, #tpu.memory_space<hbm>>
    %dma_start3A_467 = arith.constant 0 : i32
    %dma_start3A_468 = tpu.memref_slice %dma_start3A_466[%dma_start3A_467] : memref<320000xf32, #tpu.memory_space<hbm>> -> memref<320000xf32, #tpu.memory_space<hbm>>
    tpu.enqueue_indirect_dma source(%dma_start3A_468 : memref<320000xf32, #tpu.memory_space<hbm>>) target(%dma_start3A_460 : memref<80xf32, #tpu.memory_space<vmem>>) offsets(%dma_start3A_463 : memref<80xi32, #tpu.memory_space<vmem>>) semaphore(%arg12 : memref<!tpu.dma_semaphore, #tpu.memory_space<semaphore_mem>>)
    %dma_start3A_469 = arith.constant 11 : i32
    %dma_start3A_470 = arith.constant 0 : i32
    %dma_start3A_471 = arith.constant 17 : i32
    %dma_start3A_472 = arith.constant 0 : i32
    %dma_start3A_473 = tpu.memref_slice %arg11[%dma_start3A_471, %dma_start3A_472] : memref<57x160xf32, #tpu.memory_space<vmem>> -> memref<1x80xf32, #tpu.memory_space<vmem>>
    %dma_start3A_474 = tpu.memref_squeeze %dma_start3A_473 : memref<1x80xf32, #tpu.memory_space<vmem>> -> memref<80xf32, #tpu.memory_space<vmem>>
    %dma_start3A_475 = arith.constant 0 : i32
    %dma_start3A_476 = tpu.memref_slice %arg10[%dma_start3A_470, %dma_start3A_475] : memref<2x80xi32, #tpu.memory_space<vmem>> -> memref<1x80xi32, #tpu.memory_space<vmem>>
    %dma_start3A_477 = tpu.memref_squeeze %dma_start3A_476 : memref<1x80xi32, #tpu.memory_space<vmem>> -> memref<80xi32, #tpu.memory_space<vmem>>
    %dma_start3A_478 = arith.constant 0 : i32
    %dma_start3A_479 = tpu.memref_slice %arg6[%dma_start3A_469, %dma_start3A_478] : memref<51x320000xf32, #tpu.memory_space<hbm>> -> memref<1x320000xf32, #tpu.memory_space<hbm>>
    %dma_start3A_480 = tpu.memref_squeeze %dma_start3A_479 : memref<1x320000xf32, #tpu.memory_space<hbm>> -> memref<320000xf32, #tpu.memory_space<hbm>>
    %dma_start3A_481 = arith.constant 0 : i32
    %dma_start3A_482 = tpu.memref_slice %dma_start3A_480[%dma_start3A_481] : memref<320000xf32, #tpu.memory_space<hbm>> -> memref<320000xf32, #tpu.memory_space<hbm>>
    tpu.enqueue_indirect_dma source(%dma_start3A_482 : memref<320000xf32, #tpu.memory_space<hbm>>) target(%dma_start3A_474 : memref<80xf32, #tpu.memory_space<vmem>>) offsets(%dma_start3A_477 : memref<80xi32, #tpu.memory_space<vmem>>) semaphore(%arg12 : memref<!tpu.dma_semaphore, #tpu.memory_space<semaphore_mem>>)
    %dma_start3A_483 = arith.constant 12 : i32
    %dma_start3A_484 = arith.constant 0 : i32
    %dma_start3A_485 = arith.constant 18 : i32
    %dma_start3A_486 = arith.constant 0 : i32
    %dma_start3A_487 = tpu.memref_slice %arg11[%dma_start3A_485, %dma_start3A_486] : memref<57x160xf32, #tpu.memory_space<vmem>> -> memref<1x80xf32, #tpu.memory_space<vmem>>
    %dma_start3A_488 = tpu.memref_squeeze %dma_start3A_487 : memref<1x80xf32, #tpu.memory_space<vmem>> -> memref<80xf32, #tpu.memory_space<vmem>>
    %dma_start3A_489 = arith.constant 0 : i32
    %dma_start3A_490 = tpu.memref_slice %arg10[%dma_start3A_484, %dma_start3A_489] : memref<2x80xi32, #tpu.memory_space<vmem>> -> memref<1x80xi32, #tpu.memory_space<vmem>>
    %dma_start3A_491 = tpu.memref_squeeze %dma_start3A_490 : memref<1x80xi32, #tpu.memory_space<vmem>> -> memref<80xi32, #tpu.memory_space<vmem>>
    %dma_start3A_492 = arith.constant 0 : i32
    %dma_start3A_493 = tpu.memref_slice %arg6[%dma_start3A_483, %dma_start3A_492] : memref<51x320000xf32, #tpu.memory_space<hbm>> -> memref<1x320000xf32, #tpu.memory_space<hbm>>
    %dma_start3A_494 = tpu.memref_squeeze %dma_start3A_493 : memref<1x320000xf32, #tpu.memory_space<hbm>> -> memref<320000xf32, #tpu.memory_space<hbm>>
    %dma_start3A_495 = arith.constant 0 : i32
    %dma_start3A_496 = tpu.memref_slice %dma_start3A_494[%dma_start3A_495] : memref<320000xf32, #tpu.memory_space<hbm>> -> memref<320000xf32, #tpu.memory_space<hbm>>
    tpu.enqueue_indirect_dma source(%dma_start3A_496 : memref<320000xf32, #tpu.memory_space<hbm>>) target(%dma_start3A_488 : memref<80xf32, #tpu.memory_space<vmem>>) offsets(%dma_start3A_491 : memref<80xi32, #tpu.memory_space<vmem>>) semaphore(%arg12 : memref<!tpu.dma_semaphore, #tpu.memory_space<semaphore_mem>>)
    %dma_start3A_497 = arith.constant 13 : i32
    %dma_start3A_498 = arith.constant 0 : i32
    %dma_start3A_499 = arith.constant 19 : i32
    %dma_start3A_500 = arith.constant 0 : i32
    %dma_start3A_501 = tpu.memref_slice %arg11[%dma_start3A_499, %dma_start3A_500] : memref<57x160xf32, #tpu.memory_space<vmem>> -> memref<1x80xf32, #tpu.memory_space<vmem>>
    %dma_start3A_502 = tpu.memref_squeeze %dma_start3A_501 : memref<1x80xf32, #tpu.memory_space<vmem>> -> memref<80xf32, #tpu.memory_space<vmem>>
    %dma_start3A_503 = arith.constant 0 : i32
    %dma_start3A_504 = tpu.memref_slice %arg10[%dma_start3A_498, %dma_start3A_503] : memref<2x80xi32, #tpu.memory_space<vmem>> -> memref<1x80xi32, #tpu.memory_space<vmem>>
    %dma_start3A_505 = tpu.memref_squeeze %dma_start3A_504 : memref<1x80xi32, #tpu.memory_space<vmem>> -> memref<80xi32, #tpu.memory_space<vmem>>
    %dma_start3A_506 = arith.constant 0 : i32
    %dma_start3A_507 = tpu.memref_slice %arg6[%dma_start3A_497, %dma_start3A_506] : memref<51x320000xf32, #tpu.memory_space<hbm>> -> memref<1x320000xf32, #tpu.memory_space<hbm>>
    %dma_start3A_508 = tpu.memref_squeeze %dma_start3A_507 : memref<1x320000xf32, #tpu.memory_space<hbm>> -> memref<320000xf32, #tpu.memory_space<hbm>>
    %dma_start3A_509 = arith.constant 0 : i32
    %dma_start3A_510 = tpu.memref_slice %dma_start3A_508[%dma_start3A_509] : memref<320000xf32, #tpu.memory_space<hbm>> -> memref<320000xf32, #tpu.memory_space<hbm>>
    tpu.enqueue_indirect_dma source(%dma_start3A_510 : memref<320000xf32, #tpu.memory_space<hbm>>) target(%dma_start3A_502 : memref<80xf32, #tpu.memory_space<vmem>>) offsets(%dma_start3A_505 : memref<80xi32, #tpu.memory_space<vmem>>) semaphore(%arg12 : memref<!tpu.dma_semaphore, #tpu.memory_space<semaphore_mem>>)
    %dma_start3A_511 = arith.constant 14 : i32
    %dma_start3A_512 = arith.constant 0 : i32
    %dma_start3A_513 = arith.constant 20 : i32
    %dma_start3A_514 = arith.constant 0 : i32
    %dma_start3A_515 = tpu.memref_slice %arg11[%dma_start3A_513, %dma_start3A_514] : memref<57x160xf32, #tpu.memory_space<vmem>> -> memref<1x80xf32, #tpu.memory_space<vmem>>
    %dma_start3A_516 = tpu.memref_squeeze %dma_start3A_515 : memref<1x80xf32, #tpu.memory_space<vmem>> -> memref<80xf32, #tpu.memory_space<vmem>>
    %dma_start3A_517 = arith.constant 0 : i32
    %dma_start3A_518 = tpu.memref_slice %arg10[%dma_start3A_512, %dma_start3A_517] : memref<2x80xi32, #tpu.memory_space<vmem>> -> memref<1x80xi32, #tpu.memory_space<vmem>>
    %dma_start3A_519 = tpu.memref_squeeze %dma_start3A_518 : memref<1x80xi32, #tpu.memory_space<vmem>> -> memref<80xi32, #tpu.memory_space<vmem>>
    %dma_start3A_520 = arith.constant 0 : i32
    %dma_start3A_521 = tpu.memref_slice %arg6[%dma_start3A_511, %dma_start3A_520] : memref<51x320000xf32, #tpu.memory_space<hbm>> -> memref<1x320000xf32, #tpu.memory_space<hbm>>
    %dma_start3A_522 = tpu.memref_squeeze %dma_start3A_521 : memref<1x320000xf32, #tpu.memory_space<hbm>> -> memref<320000xf32, #tpu.memory_space<hbm>>
    %dma_start3A_523 = arith.constant 0 : i32
    %dma_start3A_524 = tpu.memref_slice %dma_start3A_522[%dma_start3A_523] : memref<320000xf32, #tpu.memory_space<hbm>> -> memref<320000xf32, #tpu.memory_space<hbm>>
    tpu.enqueue_indirect_dma source(%dma_start3A_524 : memref<320000xf32, #tpu.memory_space<hbm>>) target(%dma_start3A_516 : memref<80xf32, #tpu.memory_space<vmem>>) offsets(%dma_start3A_519 : memref<80xi32, #tpu.memory_space<vmem>>) semaphore(%arg12 : memref<!tpu.dma_semaphore, #tpu.memory_space<semaphore_mem>>)
    %dma_start3A_525 = arith.constant 15 : i32
    %dma_start3A_526 = arith.constant 0 : i32
    %dma_start3A_527 = arith.constant 21 : i32
    %dma_start3A_528 = arith.constant 0 : i32
    %dma_start3A_529 = tpu.memref_slice %arg11[%dma_start3A_527, %dma_start3A_528] : memref<57x160xf32, #tpu.memory_space<vmem>> -> memref<1x80xf32, #tpu.memory_space<vmem>>
    %dma_start3A_530 = tpu.memref_squeeze %dma_start3A_529 : memref<1x80xf32, #tpu.memory_space<vmem>> -> memref<80xf32, #tpu.memory_space<vmem>>
    %dma_start3A_531 = arith.constant 0 : i32
    %dma_start3A_532 = tpu.memref_slice %arg10[%dma_start3A_526, %dma_start3A_531] : memref<2x80xi32, #tpu.memory_space<vmem>> -> memref<1x80xi32, #tpu.memory_space<vmem>>
    %dma_start3A_533 = tpu.memref_squeeze %dma_start3A_532 : memref<1x80xi32, #tpu.memory_space<vmem>> -> memref<80xi32, #tpu.memory_space<vmem>>
    %dma_start3A_534 = arith.constant 0 : i32
    %dma_start3A_535 = tpu.memref_slice %arg6[%dma_start3A_525, %dma_start3A_534] : memref<51x320000xf32, #tpu.memory_space<hbm>> -> memref<1x320000xf32, #tpu.memory_space<hbm>>
    %dma_start3A_536 = tpu.memref_squeeze %dma_start3A_535 : memref<1x320000xf32, #tpu.memory_space<hbm>> -> memref<320000xf32, #tpu.memory_space<hbm>>
    %dma_start3A_537 = arith.constant 0 : i32
    %dma_start3A_538 = tpu.memref_slice %dma_start3A_536[%dma_start3A_537] : memref<320000xf32, #tpu.memory_space<hbm>> -> memref<320000xf32, #tpu.memory_space<hbm>>
    tpu.enqueue_indirect_dma source(%dma_start3A_538 : memref<320000xf32, #tpu.memory_space<hbm>>) target(%dma_start3A_530 : memref<80xf32, #tpu.memory_space<vmem>>) offsets(%dma_start3A_533 : memref<80xi32, #tpu.memory_space<vmem>>) semaphore(%arg12 : memref<!tpu.dma_semaphore, #tpu.memory_space<semaphore_mem>>)
    %dma_start3A_539 = arith.constant 16 : i32
    %dma_start3A_540 = arith.constant 0 : i32
    %dma_start3A_541 = arith.constant 22 : i32
    %dma_start3A_542 = arith.constant 0 : i32
    %dma_start3A_543 = tpu.memref_slice %arg11[%dma_start3A_541, %dma_start3A_542] : memref<57x160xf32, #tpu.memory_space<vmem>> -> memref<1x80xf32, #tpu.memory_space<vmem>>
    %dma_start3A_544 = tpu.memref_squeeze %dma_start3A_543 : memref<1x80xf32, #tpu.memory_space<vmem>> -> memref<80xf32, #tpu.memory_space<vmem>>
    %dma_start3A_545 = arith.constant 0 : i32
    %dma_start3A_546 = tpu.memref_slice %arg10[%dma_start3A_540, %dma_start3A_545] : memref<2x80xi32, #tpu.memory_space<vmem>> -> memref<1x80xi32, #tpu.memory_space<vmem>>
    %dma_start3A_547 = tpu.memref_squeeze %dma_start3A_546 : memref<1x80xi32, #tpu.memory_space<vmem>> -> memref<80xi32, #tpu.memory_space<vmem>>
    %dma_start3A_548 = arith.constant 0 : i32
    %dma_start3A_549 = tpu.memref_slice %arg6[%dma_start3A_539, %dma_start3A_548] : memref<51x320000xf32, #tpu.memory_space<hbm>> -> memref<1x320000xf32, #tpu.memory_space<hbm>>
    %dma_start3A_550 = tpu.memref_squeeze %dma_start3A_549 : memref<1x320000xf32, #tpu.memory_space<hbm>> -> memref<320000xf32, #tpu.memory_space<hbm>>
    %dma_start3A_551 = arith.constant 0 : i32
    %dma_start3A_552 = tpu.memref_slice %dma_start3A_550[%dma_start3A_551] : memref<320000xf32, #tpu.memory_space<hbm>> -> memref<320000xf32, #tpu.memory_space<hbm>>
    tpu.enqueue_indirect_dma source(%dma_start3A_552 : memref<320000xf32, #tpu.memory_space<hbm>>) target(%dma_start3A_544 : memref<80xf32, #tpu.memory_space<vmem>>) offsets(%dma_start3A_547 : memref<80xi32, #tpu.memory_space<vmem>>) semaphore(%arg12 : memref<!tpu.dma_semaphore, #tpu.memory_space<semaphore_mem>>)
    %dma_start3A_553 = arith.constant 17 : i32
    %dma_start3A_554 = arith.constant 0 : i32
    %dma_start3A_555 = arith.constant 23 : i32
    %dma_start3A_556 = arith.constant 0 : i32
    %dma_start3A_557 = tpu.memref_slice %arg11[%dma_start3A_555, %dma_start3A_556] : memref<57x160xf32, #tpu.memory_space<vmem>> -> memref<1x80xf32, #tpu.memory_space<vmem>>
    %dma_start3A_558 = tpu.memref_squeeze %dma_start3A_557 : memref<1x80xf32, #tpu.memory_space<vmem>> -> memref<80xf32, #tpu.memory_space<vmem>>
    %dma_start3A_559 = arith.constant 0 : i32
    %dma_start3A_560 = tpu.memref_slice %arg10[%dma_start3A_554, %dma_start3A_559] : memref<2x80xi32, #tpu.memory_space<vmem>> -> memref<1x80xi32, #tpu.memory_space<vmem>>
    %dma_start3A_561 = tpu.memref_squeeze %dma_start3A_560 : memref<1x80xi32, #tpu.memory_space<vmem>> -> memref<80xi32, #tpu.memory_space<vmem>>
    %dma_start3A_562 = arith.constant 0 : i32
    %dma_start3A_563 = tpu.memref_slice %arg6[%dma_start3A_553, %dma_start3A_562] : memref<51x320000xf32, #tpu.memory_space<hbm>> -> memref<1x320000xf32, #tpu.memory_space<hbm>>
    %dma_start3A_564 = tpu.memref_squeeze %dma_start3A_563 : memref<1x320000xf32, #tpu.memory_space<hbm>> -> memref<320000xf32, #tpu.memory_space<hbm>>
    %dma_start3A_565 = arith.constant 0 : i32
    %dma_start3A_566 = tpu.memref_slice %dma_start3A_564[%dma_start3A_565] : memref<320000xf32, #tpu.memory_space<hbm>> -> memref<320000xf32, #tpu.memory_space<hbm>>
    tpu.enqueue_indirect_dma source(%dma_start3A_566 : memref<320000xf32, #tpu.memory_space<hbm>>) target(%dma_start3A_558 : memref<80xf32, #tpu.memory_space<vmem>>) offsets(%dma_start3A_561 : memref<80xi32, #tpu.memory_space<vmem>>) semaphore(%arg12 : memref<!tpu.dma_semaphore, #tpu.memory_space<semaphore_mem>>)
    %dma_start3A_567 = arith.constant 18 : i32
    %dma_start3A_568 = arith.constant 0 : i32
    %dma_start3A_569 = arith.constant 24 : i32
    %dma_start3A_570 = arith.constant 0 : i32
    %dma_start3A_571 = tpu.memref_slice %arg11[%dma_start3A_569, %dma_start3A_570] : memref<57x160xf32, #tpu.memory_space<vmem>> -> memref<1x80xf32, #tpu.memory_space<vmem>>
    %dma_start3A_572 = tpu.memref_squeeze %dma_start3A_571 : memref<1x80xf32, #tpu.memory_space<vmem>> -> memref<80xf32, #tpu.memory_space<vmem>>
    %dma_start3A_573 = arith.constant 0 : i32
    %dma_start3A_574 = tpu.memref_slice %arg10[%dma_start3A_568, %dma_start3A_573] : memref<2x80xi32, #tpu.memory_space<vmem>> -> memref<1x80xi32, #tpu.memory_space<vmem>>
    %dma_start3A_575 = tpu.memref_squeeze %dma_start3A_574 : memref<1x80xi32, #tpu.memory_space<vmem>> -> memref<80xi32, #tpu.memory_space<vmem>>
    %dma_start3A_576 = arith.constant 0 : i32
    %dma_start3A_577 = tpu.memref_slice %arg6[%dma_start3A_567, %dma_start3A_576] : memref<51x320000xf32, #tpu.memory_space<hbm>> -> memref<1x320000xf32, #tpu.memory_space<hbm>>
    %dma_start3A_578 = tpu.memref_squeeze %dma_start3A_577 : memref<1x320000xf32, #tpu.memory_space<hbm>> -> memref<320000xf32, #tpu.memory_space<hbm>>
    %dma_start3A_579 = arith.constant 0 : i32
    %dma_start3A_580 = tpu.memref_slice %dma_start3A_578[%dma_start3A_579] : memref<320000xf32, #tpu.memory_space<hbm>> -> memref<320000xf32, #tpu.memory_space<hbm>>
    tpu.enqueue_indirect_dma source(%dma_start3A_580 : memref<320000xf32, #tpu.memory_space<hbm>>) target(%dma_start3A_572 : memref<80xf32, #tpu.memory_space<vmem>>) offsets(%dma_start3A_575 : memref<80xi32, #tpu.memory_space<vmem>>) semaphore(%arg12 : memref<!tpu.dma_semaphore, #tpu.memory_space<semaphore_mem>>)
    %dma_start3A_581 = arith.constant 19 : i32
    %dma_start3A_582 = arith.constant 0 : i32
    %dma_start3A_583 = arith.constant 25 : i32
    %dma_start3A_584 = arith.constant 0 : i32
    %dma_start3A_585 = tpu.memref_slice %arg11[%dma_start3A_583, %dma_start3A_584] : memref<57x160xf32, #tpu.memory_space<vmem>> -> memref<1x80xf32, #tpu.memory_space<vmem>>
    %dma_start3A_586 = tpu.memref_squeeze %dma_start3A_585 : memref<1x80xf32, #tpu.memory_space<vmem>> -> memref<80xf32, #tpu.memory_space<vmem>>
    %dma_start3A_587 = arith.constant 0 : i32
    %dma_start3A_588 = tpu.memref_slice %arg10[%dma_start3A_582, %dma_start3A_587] : memref<2x80xi32, #tpu.memory_space<vmem>> -> memref<1x80xi32, #tpu.memory_space<vmem>>
    %dma_start3A_589 = tpu.memref_squeeze %dma_start3A_588 : memref<1x80xi32, #tpu.memory_space<vmem>> -> memref<80xi32, #tpu.memory_space<vmem>>
    %dma_start3A_590 = arith.constant 0 : i32
    %dma_start3A_591 = tpu.memref_slice %arg6[%dma_start3A_581, %dma_start3A_590] : memref<51x320000xf32, #tpu.memory_space<hbm>> -> memref<1x320000xf32, #tpu.memory_space<hbm>>
    %dma_start3A_592 = tpu.memref_squeeze %dma_start3A_591 : memref<1x320000xf32, #tpu.memory_space<hbm>> -> memref<320000xf32, #tpu.memory_space<hbm>>
    %dma_start3A_593 = arith.constant 0 : i32
    %dma_start3A_594 = tpu.memref_slice %dma_start3A_592[%dma_start3A_593] : memref<320000xf32, #tpu.memory_space<hbm>> -> memref<320000xf32, #tpu.memory_space<hbm>>
    tpu.enqueue_indirect_dma source(%dma_start3A_594 : memref<320000xf32, #tpu.memory_space<hbm>>) target(%dma_start3A_586 : memref<80xf32, #tpu.memory_space<vmem>>) offsets(%dma_start3A_589 : memref<80xi32, #tpu.memory_space<vmem>>) semaphore(%arg12 : memref<!tpu.dma_semaphore, #tpu.memory_space<semaphore_mem>>)
    %dma_start3A_595 = arith.constant 20 : i32
    %dma_start3A_596 = arith.constant 0 : i32
    %dma_start3A_597 = arith.constant 26 : i32
    %dma_start3A_598 = arith.constant 0 : i32
    %dma_start3A_599 = tpu.memref_slice %arg11[%dma_start3A_597, %dma_start3A_598] : memref<57x160xf32, #tpu.memory_space<vmem>> -> memref<1x80xf32, #tpu.memory_space<vmem>>
    %dma_start3A_600 = tpu.memref_squeeze %dma_start3A_599 : memref<1x80xf32, #tpu.memory_space<vmem>> -> memref<80xf32, #tpu.memory_space<vmem>>
    %dma_start3A_601 = arith.constant 0 : i32
    %dma_start3A_602 = tpu.memref_slice %arg10[%dma_start3A_596, %dma_start3A_601] : memref<2x80xi32, #tpu.memory_space<vmem>> -> memref<1x80xi32, #tpu.memory_space<vmem>>
    %dma_start3A_603 = tpu.memref_squeeze %dma_start3A_602 : memref<1x80xi32, #tpu.memory_space<vmem>> -> memref<80xi32, #tpu.memory_space<vmem>>
    %dma_start3A_604 = arith.constant 0 : i32
    %dma_start3A_605 = tpu.memref_slice %arg6[%dma_start3A_595, %dma_start3A_604] : memref<51x320000xf32, #tpu.memory_space<hbm>> -> memref<1x320000xf32, #tpu.memory_space<hbm>>
    %dma_start3A_606 = tpu.memref_squeeze %dma_start3A_605 : memref<1x320000xf32, #tpu.memory_space<hbm>> -> memref<320000xf32, #tpu.memory_space<hbm>>
    %dma_start3A_607 = arith.constant 0 : i32
    %dma_start3A_608 = tpu.memref_slice %dma_start3A_606[%dma_start3A_607] : memref<320000xf32, #tpu.memory_space<hbm>> -> memref<320000xf32, #tpu.memory_space<hbm>>
    tpu.enqueue_indirect_dma source(%dma_start3A_608 : memref<320000xf32, #tpu.memory_space<hbm>>) target(%dma_start3A_600 : memref<80xf32, #tpu.memory_space<vmem>>) offsets(%dma_start3A_603 : memref<80xi32, #tpu.memory_space<vmem>>) semaphore(%arg12 : memref<!tpu.dma_semaphore, #tpu.memory_space<semaphore_mem>>)
    %dma_start3A_609 = arith.constant 21 : i32
    %dma_start3A_610 = arith.constant 0 : i32
    %dma_start3A_611 = arith.constant 27 : i32
    %dma_start3A_612 = arith.constant 0 : i32
    %dma_start3A_613 = tpu.memref_slice %arg11[%dma_start3A_611, %dma_start3A_612] : memref<57x160xf32, #tpu.memory_space<vmem>> -> memref<1x80xf32, #tpu.memory_space<vmem>>
    %dma_start3A_614 = tpu.memref_squeeze %dma_start3A_613 : memref<1x80xf32, #tpu.memory_space<vmem>> -> memref<80xf32, #tpu.memory_space<vmem>>
    %dma_start3A_615 = arith.constant 0 : i32
    %dma_start3A_616 = tpu.memref_slice %arg10[%dma_start3A_610, %dma_start3A_615] : memref<2x80xi32, #tpu.memory_space<vmem>> -> memref<1x80xi32, #tpu.memory_space<vmem>>
    %dma_start3A_617 = tpu.memref_squeeze %dma_start3A_616 : memref<1x80xi32, #tpu.memory_space<vmem>> -> memref<80xi32, #tpu.memory_space<vmem>>
    %dma_start3A_618 = arith.constant 0 : i32
    %dma_start3A_619 = tpu.memref_slice %arg6[%dma_start3A_609, %dma_start3A_618] : memref<51x320000xf32, #tpu.memory_space<hbm>> -> memref<1x320000xf32, #tpu.memory_space<hbm>>
    %dma_start3A_620 = tpu.memref_squeeze %dma_start3A_619 : memref<1x320000xf32, #tpu.memory_space<hbm>> -> memref<320000xf32, #tpu.memory_space<hbm>>
    %dma_start3A_621 = arith.constant 0 : i32
    %dma_start3A_622 = tpu.memref_slice %dma_start3A_620[%dma_start3A_621] : memref<320000xf32, #tpu.memory_space<hbm>> -> memref<320000xf32, #tpu.memory_space<hbm>>
    tpu.enqueue_indirect_dma source(%dma_start3A_622 : memref<320000xf32, #tpu.memory_space<hbm>>) target(%dma_start3A_614 : memref<80xf32, #tpu.memory_space<vmem>>) offsets(%dma_start3A_617 : memref<80xi32, #tpu.memory_space<vmem>>) semaphore(%arg12 : memref<!tpu.dma_semaphore, #tpu.memory_space<semaphore_mem>>)
    %dma_start3A_623 = arith.constant 22 : i32
    %dma_start3A_624 = arith.constant 0 : i32
    %dma_start3A_625 = arith.constant 28 : i32
    %dma_start3A_626 = arith.constant 0 : i32
    %dma_start3A_627 = tpu.memref_slice %arg11[%dma_start3A_625, %dma_start3A_626] : memref<57x160xf32, #tpu.memory_space<vmem>> -> memref<1x80xf32, #tpu.memory_space<vmem>>
    %dma_start3A_628 = tpu.memref_squeeze %dma_start3A_627 : memref<1x80xf32, #tpu.memory_space<vmem>> -> memref<80xf32, #tpu.memory_space<vmem>>
    %dma_start3A_629 = arith.constant 0 : i32
    %dma_start3A_630 = tpu.memref_slice %arg10[%dma_start3A_624, %dma_start3A_629] : memref<2x80xi32, #tpu.memory_space<vmem>> -> memref<1x80xi32, #tpu.memory_space<vmem>>
    %dma_start3A_631 = tpu.memref_squeeze %dma_start3A_630 : memref<1x80xi32, #tpu.memory_space<vmem>> -> memref<80xi32, #tpu.memory_space<vmem>>
    %dma_start3A_632 = arith.constant 0 : i32
    %dma_start3A_633 = tpu.memref_slice %arg6[%dma_start3A_623, %dma_start3A_632] : memref<51x320000xf32, #tpu.memory_space<hbm>> -> memref<1x320000xf32, #tpu.memory_space<hbm>>
    %dma_start3A_634 = tpu.memref_squeeze %dma_start3A_633 : memref<1x320000xf32, #tpu.memory_space<hbm>> -> memref<320000xf32, #tpu.memory_space<hbm>>
    %dma_start3A_635 = arith.constant 0 : i32
    %dma_start3A_636 = tpu.memref_slice %dma_start3A_634[%dma_start3A_635] : memref<320000xf32, #tpu.memory_space<hbm>> -> memref<320000xf32, #tpu.memory_space<hbm>>
    tpu.enqueue_indirect_dma source(%dma_start3A_636 : memref<320000xf32, #tpu.memory_space<hbm>>) target(%dma_start3A_628 : memref<80xf32, #tpu.memory_space<vmem>>) offsets(%dma_start3A_631 : memref<80xi32, #tpu.memory_space<vmem>>) semaphore(%arg12 : memref<!tpu.dma_semaphore, #tpu.memory_space<semaphore_mem>>)
    %dma_start3A_637 = arith.constant 23 : i32
    %dma_start3A_638 = arith.constant 0 : i32
    %dma_start3A_639 = arith.constant 29 : i32
    %dma_start3A_640 = arith.constant 0 : i32
    %dma_start3A_641 = tpu.memref_slice %arg11[%dma_start3A_639, %dma_start3A_640] : memref<57x160xf32, #tpu.memory_space<vmem>> -> memref<1x80xf32, #tpu.memory_space<vmem>>
    %dma_start3A_642 = tpu.memref_squeeze %dma_start3A_641 : memref<1x80xf32, #tpu.memory_space<vmem>> -> memref<80xf32, #tpu.memory_space<vmem>>
    %dma_start3A_643 = arith.constant 0 : i32
    %dma_start3A_644 = tpu.memref_slice %arg10[%dma_start3A_638, %dma_start3A_643] : memref<2x80xi32, #tpu.memory_space<vmem>> -> memref<1x80xi32, #tpu.memory_space<vmem>>
    %dma_start3A_645 = tpu.memref_squeeze %dma_start3A_644 : memref<1x80xi32, #tpu.memory_space<vmem>> -> memref<80xi32, #tpu.memory_space<vmem>>
    %dma_start3A_646 = arith.constant 0 : i32
    %dma_start3A_647 = tpu.memref_slice %arg6[%dma_start3A_637, %dma_start3A_646] : memref<51x320000xf32, #tpu.memory_space<hbm>> -> memref<1x320000xf32, #tpu.memory_space<hbm>>
    %dma_start3A_648 = tpu.memref_squeeze %dma_start3A_647 : memref<1x320000xf32, #tpu.memory_space<hbm>> -> memref<320000xf32, #tpu.memory_space<hbm>>
    %dma_start3A_649 = arith.constant 0 : i32
    %dma_start3A_650 = tpu.memref_slice %dma_start3A_648[%dma_start3A_649] : memref<320000xf32, #tpu.memory_space<hbm>> -> memref<320000xf32, #tpu.memory_space<hbm>>
    tpu.enqueue_indirect_dma source(%dma_start3A_650 : memref<320000xf32, #tpu.memory_space<hbm>>) target(%dma_start3A_642 : memref<80xf32, #tpu.memory_space<vmem>>) offsets(%dma_start3A_645 : memref<80xi32, #tpu.memory_space<vmem>>) semaphore(%arg12 : memref<!tpu.dma_semaphore, #tpu.memory_space<semaphore_mem>>)
    %dma_start3A_651 = arith.constant 24 : i32
    %dma_start3A_652 = arith.constant 0 : i32
    %dma_start3A_653 = arith.constant 30 : i32
    %dma_start3A_654 = arith.constant 0 : i32
    %dma_start3A_655 = tpu.memref_slice %arg11[%dma_start3A_653, %dma_start3A_654] : memref<57x160xf32, #tpu.memory_space<vmem>> -> memref<1x80xf32, #tpu.memory_space<vmem>>
    %dma_start3A_656 = tpu.memref_squeeze %dma_start3A_655 : memref<1x80xf32, #tpu.memory_space<vmem>> -> memref<80xf32, #tpu.memory_space<vmem>>
    %dma_start3A_657 = arith.constant 0 : i32
    %dma_start3A_658 = tpu.memref_slice %arg10[%dma_start3A_652, %dma_start3A_657] : memref<2x80xi32, #tpu.memory_space<vmem>> -> memref<1x80xi32, #tpu.memory_space<vmem>>
    %dma_start3A_659 = tpu.memref_squeeze %dma_start3A_658 : memref<1x80xi32, #tpu.memory_space<vmem>> -> memref<80xi32, #tpu.memory_space<vmem>>
    %dma_start3A_660 = arith.constant 0 : i32
    %dma_start3A_661 = tpu.memref_slice %arg6[%dma_start3A_651, %dma_start3A_660] : memref<51x320000xf32, #tpu.memory_space<hbm>> -> memref<1x320000xf32, #tpu.memory_space<hbm>>
    %dma_start3A_662 = tpu.memref_squeeze %dma_start3A_661 : memref<1x320000xf32, #tpu.memory_space<hbm>> -> memref<320000xf32, #tpu.memory_space<hbm>>
    %dma_start3A_663 = arith.constant 0 : i32
    %dma_start3A_664 = tpu.memref_slice %dma_start3A_662[%dma_start3A_663] : memref<320000xf32, #tpu.memory_space<hbm>> -> memref<320000xf32, #tpu.memory_space<hbm>>
    tpu.enqueue_indirect_dma source(%dma_start3A_664 : memref<320000xf32, #tpu.memory_space<hbm>>) target(%dma_start3A_656 : memref<80xf32, #tpu.memory_space<vmem>>) offsets(%dma_start3A_659 : memref<80xi32, #tpu.memory_space<vmem>>) semaphore(%arg12 : memref<!tpu.dma_semaphore, #tpu.memory_space<semaphore_mem>>)
    %dma_start3A_665 = arith.constant 25 : i32
    %dma_start3A_666 = arith.constant 0 : i32
    %dma_start3A_667 = arith.constant 31 : i32
    %dma_start3A_668 = arith.constant 0 : i32
    %dma_start3A_669 = tpu.memref_slice %arg11[%dma_start3A_667, %dma_start3A_668] : memref<57x160xf32, #tpu.memory_space<vmem>> -> memref<1x80xf32, #tpu.memory_space<vmem>>
    %dma_start3A_670 = tpu.memref_squeeze %dma_start3A_669 : memref<1x80xf32, #tpu.memory_space<vmem>> -> memref<80xf32, #tpu.memory_space<vmem>>
    %dma_start3A_671 = arith.constant 0 : i32
    %dma_start3A_672 = tpu.memref_slice %arg10[%dma_start3A_666, %dma_start3A_671] : memref<2x80xi32, #tpu.memory_space<vmem>> -> memref<1x80xi32, #tpu.memory_space<vmem>>
    %dma_start3A_673 = tpu.memref_squeeze %dma_start3A_672 : memref<1x80xi32, #tpu.memory_space<vmem>> -> memref<80xi32, #tpu.memory_space<vmem>>
    %dma_start3A_674 = arith.constant 0 : i32
    %dma_start3A_675 = tpu.memref_slice %arg6[%dma_start3A_665, %dma_start3A_674] : memref<51x320000xf32, #tpu.memory_space<hbm>> -> memref<1x320000xf32, #tpu.memory_space<hbm>>
    %dma_start3A_676 = tpu.memref_squeeze %dma_start3A_675 : memref<1x320000xf32, #tpu.memory_space<hbm>> -> memref<320000xf32, #tpu.memory_space<hbm>>
    %dma_start3A_677 = arith.constant 0 : i32
    %dma_start3A_678 = tpu.memref_slice %dma_start3A_676[%dma_start3A_677] : memref<320000xf32, #tpu.memory_space<hbm>> -> memref<320000xf32, #tpu.memory_space<hbm>>
    tpu.enqueue_indirect_dma source(%dma_start3A_678 : memref<320000xf32, #tpu.memory_space<hbm>>) target(%dma_start3A_670 : memref<80xf32, #tpu.memory_space<vmem>>) offsets(%dma_start3A_673 : memref<80xi32, #tpu.memory_space<vmem>>) semaphore(%arg12 : memref<!tpu.dma_semaphore, #tpu.memory_space<semaphore_mem>>)
    %dma_start3A_679 = arith.constant 26 : i32
    %dma_start3A_680 = arith.constant 0 : i32
    %dma_start3A_681 = arith.constant 32 : i32
    %dma_start3A_682 = arith.constant 0 : i32
    %dma_start3A_683 = tpu.memref_slice %arg11[%dma_start3A_681, %dma_start3A_682] : memref<57x160xf32, #tpu.memory_space<vmem>> -> memref<1x80xf32, #tpu.memory_space<vmem>>
    %dma_start3A_684 = tpu.memref_squeeze %dma_start3A_683 : memref<1x80xf32, #tpu.memory_space<vmem>> -> memref<80xf32, #tpu.memory_space<vmem>>
    %dma_start3A_685 = arith.constant 0 : i32
    %dma_start3A_686 = tpu.memref_slice %arg10[%dma_start3A_680, %dma_start3A_685] : memref<2x80xi32, #tpu.memory_space<vmem>> -> memref<1x80xi32, #tpu.memory_space<vmem>>
    %dma_start3A_687 = tpu.memref_squeeze %dma_start3A_686 : memref<1x80xi32, #tpu.memory_space<vmem>> -> memref<80xi32, #tpu.memory_space<vmem>>
    %dma_start3A_688 = arith.constant 0 : i32
    %dma_start3A_689 = tpu.memref_slice %arg6[%dma_start3A_679, %dma_start3A_688] : memref<51x320000xf32, #tpu.memory_space<hbm>> -> memref<1x320000xf32, #tpu.memory_space<hbm>>
    %dma_start3A_690 = tpu.memref_squeeze %dma_start3A_689 : memref<1x320000xf32, #tpu.memory_space<hbm>> -> memref<320000xf32, #tpu.memory_space<hbm>>
    %dma_start3A_691 = arith.constant 0 : i32
    %dma_start3A_692 = tpu.memref_slice %dma_start3A_690[%dma_start3A_691] : memref<320000xf32, #tpu.memory_space<hbm>> -> memref<320000xf32, #tpu.memory_space<hbm>>
    tpu.enqueue_indirect_dma source(%dma_start3A_692 : memref<320000xf32, #tpu.memory_space<hbm>>) target(%dma_start3A_684 : memref<80xf32, #tpu.memory_space<vmem>>) offsets(%dma_start3A_687 : memref<80xi32, #tpu.memory_space<vmem>>) semaphore(%arg12 : memref<!tpu.dma_semaphore, #tpu.memory_space<semaphore_mem>>)
    %dma_start3A_693 = arith.constant 27 : i32
    %dma_start3A_694 = arith.constant 0 : i32
    %dma_start3A_695 = arith.constant 33 : i32
    %dma_start3A_696 = arith.constant 0 : i32
    %dma_start3A_697 = tpu.memref_slice %arg11[%dma_start3A_695, %dma_start3A_696] : memref<57x160xf32, #tpu.memory_space<vmem>> -> memref<1x80xf32, #tpu.memory_space<vmem>>
    %dma_start3A_698 = tpu.memref_squeeze %dma_start3A_697 : memref<1x80xf32, #tpu.memory_space<vmem>> -> memref<80xf32, #tpu.memory_space<vmem>>
    %dma_start3A_699 = arith.constant 0 : i32
    %dma_start3A_700 = tpu.memref_slice %arg10[%dma_start3A_694, %dma_start3A_699] : memref<2x80xi32, #tpu.memory_space<vmem>> -> memref<1x80xi32, #tpu.memory_space<vmem>>
    %dma_start3A_701 = tpu.memref_squeeze %dma_start3A_700 : memref<1x80xi32, #tpu.memory_space<vmem>> -> memref<80xi32, #tpu.memory_space<vmem>>
    %dma_start3A_702 = arith.constant 0 : i32
    %dma_start3A_703 = tpu.memref_slice %arg6[%dma_start3A_693, %dma_start3A_702] : memref<51x320000xf32, #tpu.memory_space<hbm>> -> memref<1x320000xf32, #tpu.memory_space<hbm>>
    %dma_start3A_704 = tpu.memref_squeeze %dma_start3A_703 : memref<1x320000xf32, #tpu.memory_space<hbm>> -> memref<320000xf32, #tpu.memory_space<hbm>>
    %dma_start3A_705 = arith.constant 0 : i32
    %dma_start3A_706 = tpu.memref_slice %dma_start3A_704[%dma_start3A_705] : memref<320000xf32, #tpu.memory_space<hbm>> -> memref<320000xf32, #tpu.memory_space<hbm>>
    tpu.enqueue_indirect_dma source(%dma_start3A_706 : memref<320000xf32, #tpu.memory_space<hbm>>) target(%dma_start3A_698 : memref<80xf32, #tpu.memory_space<vmem>>) offsets(%dma_start3A_701 : memref<80xi32, #tpu.memory_space<vmem>>) semaphore(%arg12 : memref<!tpu.dma_semaphore, #tpu.memory_space<semaphore_mem>>)
    %dma_start3A_707 = arith.constant 28 : i32
    %dma_start3A_708 = arith.constant 0 : i32
    %dma_start3A_709 = arith.constant 34 : i32
    %dma_start3A_710 = arith.constant 0 : i32
    %dma_start3A_711 = tpu.memref_slice %arg11[%dma_start3A_709, %dma_start3A_710] : memref<57x160xf32, #tpu.memory_space<vmem>> -> memref<1x80xf32, #tpu.memory_space<vmem>>
    %dma_start3A_712 = tpu.memref_squeeze %dma_start3A_711 : memref<1x80xf32, #tpu.memory_space<vmem>> -> memref<80xf32, #tpu.memory_space<vmem>>
    %dma_start3A_713 = arith.constant 0 : i32
    %dma_start3A_714 = tpu.memref_slice %arg10[%dma_start3A_708, %dma_start3A_713] : memref<2x80xi32, #tpu.memory_space<vmem>> -> memref<1x80xi32, #tpu.memory_space<vmem>>
    %dma_start3A_715 = tpu.memref_squeeze %dma_start3A_714 : memref<1x80xi32, #tpu.memory_space<vmem>> -> memref<80xi32, #tpu.memory_space<vmem>>
    %dma_start3A_716 = arith.constant 0 : i32
    %dma_start3A_717 = tpu.memref_slice %arg6[%dma_start3A_707, %dma_start3A_716] : memref<51x320000xf32, #tpu.memory_space<hbm>> -> memref<1x320000xf32, #tpu.memory_space<hbm>>
    %dma_start3A_718 = tpu.memref_squeeze %dma_start3A_717 : memref<1x320000xf32, #tpu.memory_space<hbm>> -> memref<320000xf32, #tpu.memory_space<hbm>>
    %dma_start3A_719 = arith.constant 0 : i32
    %dma_start3A_720 = tpu.memref_slice %dma_start3A_718[%dma_start3A_719] : memref<320000xf32, #tpu.memory_space<hbm>> -> memref<320000xf32, #tpu.memory_space<hbm>>
    tpu.enqueue_indirect_dma source(%dma_start3A_720 : memref<320000xf32, #tpu.memory_space<hbm>>) target(%dma_start3A_712 : memref<80xf32, #tpu.memory_space<vmem>>) offsets(%dma_start3A_715 : memref<80xi32, #tpu.memory_space<vmem>>) semaphore(%arg12 : memref<!tpu.dma_semaphore, #tpu.memory_space<semaphore_mem>>)
    %dma_start3A_721 = arith.constant 29 : i32
    %dma_start3A_722 = arith.constant 0 : i32
    %dma_start3A_723 = arith.constant 35 : i32
    %dma_start3A_724 = arith.constant 0 : i32
    %dma_start3A_725 = tpu.memref_slice %arg11[%dma_start3A_723, %dma_start3A_724] : memref<57x160xf32, #tpu.memory_space<vmem>> -> memref<1x80xf32, #tpu.memory_space<vmem>>
    %dma_start3A_726 = tpu.memref_squeeze %dma_start3A_725 : memref<1x80xf32, #tpu.memory_space<vmem>> -> memref<80xf32, #tpu.memory_space<vmem>>
    %dma_start3A_727 = arith.constant 0 : i32
    %dma_start3A_728 = tpu.memref_slice %arg10[%dma_start3A_722, %dma_start3A_727] : memref<2x80xi32, #tpu.memory_space<vmem>> -> memref<1x80xi32, #tpu.memory_space<vmem>>
    %dma_start3A_729 = tpu.memref_squeeze %dma_start3A_728 : memref<1x80xi32, #tpu.memory_space<vmem>> -> memref<80xi32, #tpu.memory_space<vmem>>
    %dma_start3A_730 = arith.constant 0 : i32
    %dma_start3A_731 = tpu.memref_slice %arg6[%dma_start3A_721, %dma_start3A_730] : memref<51x320000xf32, #tpu.memory_space<hbm>> -> memref<1x320000xf32, #tpu.memory_space<hbm>>
    %dma_start3A_732 = tpu.memref_squeeze %dma_start3A_731 : memref<1x320000xf32, #tpu.memory_space<hbm>> -> memref<320000xf32, #tpu.memory_space<hbm>>
    %dma_start3A_733 = arith.constant 0 : i32
    %dma_start3A_734 = tpu.memref_slice %dma_start3A_732[%dma_start3A_733] : memref<320000xf32, #tpu.memory_space<hbm>> -> memref<320000xf32, #tpu.memory_space<hbm>>
    tpu.enqueue_indirect_dma source(%dma_start3A_734 : memref<320000xf32, #tpu.memory_space<hbm>>) target(%dma_start3A_726 : memref<80xf32, #tpu.memory_space<vmem>>) offsets(%dma_start3A_729 : memref<80xi32, #tpu.memory_space<vmem>>) semaphore(%arg12 : memref<!tpu.dma_semaphore, #tpu.memory_space<semaphore_mem>>)
    %dma_start3A_735 = arith.constant 30 : i32
    %dma_start3A_736 = arith.constant 0 : i32
    %dma_start3A_737 = arith.constant 36 : i32
    %dma_start3A_738 = arith.constant 0 : i32
    %dma_start3A_739 = tpu.memref_slice %arg11[%dma_start3A_737, %dma_start3A_738] : memref<57x160xf32, #tpu.memory_space<vmem>> -> memref<1x80xf32, #tpu.memory_space<vmem>>
    %dma_start3A_740 = tpu.memref_squeeze %dma_start3A_739 : memref<1x80xf32, #tpu.memory_space<vmem>> -> memref<80xf32, #tpu.memory_space<vmem>>
    %dma_start3A_741 = arith.constant 0 : i32
    %dma_start3A_742 = tpu.memref_slice %arg10[%dma_start3A_736, %dma_start3A_741] : memref<2x80xi32, #tpu.memory_space<vmem>> -> memref<1x80xi32, #tpu.memory_space<vmem>>
    %dma_start3A_743 = tpu.memref_squeeze %dma_start3A_742 : memref<1x80xi32, #tpu.memory_space<vmem>> -> memref<80xi32, #tpu.memory_space<vmem>>
    %dma_start3A_744 = arith.constant 0 : i32
    %dma_start3A_745 = tpu.memref_slice %arg6[%dma_start3A_735, %dma_start3A_744] : memref<51x320000xf32, #tpu.memory_space<hbm>> -> memref<1x320000xf32, #tpu.memory_space<hbm>>
    %dma_start3A_746 = tpu.memref_squeeze %dma_start3A_745 : memref<1x320000xf32, #tpu.memory_space<hbm>> -> memref<320000xf32, #tpu.memory_space<hbm>>
    %dma_start3A_747 = arith.constant 0 : i32
    %dma_start3A_748 = tpu.memref_slice %dma_start3A_746[%dma_start3A_747] : memref<320000xf32, #tpu.memory_space<hbm>> -> memref<320000xf32, #tpu.memory_space<hbm>>
    tpu.enqueue_indirect_dma source(%dma_start3A_748 : memref<320000xf32, #tpu.memory_space<hbm>>) target(%dma_start3A_740 : memref<80xf32, #tpu.memory_space<vmem>>) offsets(%dma_start3A_743 : memref<80xi32, #tpu.memory_space<vmem>>) semaphore(%arg12 : memref<!tpu.dma_semaphore, #tpu.memory_space<semaphore_mem>>)
    %dma_start3A_749 = arith.constant 31 : i32
    %dma_start3A_750 = arith.constant 0 : i32
    %dma_start3A_751 = arith.constant 37 : i32
    %dma_start3A_752 = arith.constant 0 : i32
    %dma_start3A_753 = tpu.memref_slice %arg11[%dma_start3A_751, %dma_start3A_752] : memref<57x160xf32, #tpu.memory_space<vmem>> -> memref<1x80xf32, #tpu.memory_space<vmem>>
    %dma_start3A_754 = tpu.memref_squeeze %dma_start3A_753 : memref<1x80xf32, #tpu.memory_space<vmem>> -> memref<80xf32, #tpu.memory_space<vmem>>
    %dma_start3A_755 = arith.constant 0 : i32
    %dma_start3A_756 = tpu.memref_slice %arg10[%dma_start3A_750, %dma_start3A_755] : memref<2x80xi32, #tpu.memory_space<vmem>> -> memref<1x80xi32, #tpu.memory_space<vmem>>
    %dma_start3A_757 = tpu.memref_squeeze %dma_start3A_756 : memref<1x80xi32, #tpu.memory_space<vmem>> -> memref<80xi32, #tpu.memory_space<vmem>>
    %dma_start3A_758 = arith.constant 0 : i32
    %dma_start3A_759 = tpu.memref_slice %arg6[%dma_start3A_749, %dma_start3A_758] : memref<51x320000xf32, #tpu.memory_space<hbm>> -> memref<1x320000xf32, #tpu.memory_space<hbm>>
    %dma_start3A_760 = tpu.memref_squeeze %dma_start3A_759 : memref<1x320000xf32, #tpu.memory_space<hbm>> -> memref<320000xf32, #tpu.memory_space<hbm>>
    %dma_start3A_761 = arith.constant 0 : i32
    %dma_start3A_762 = tpu.memref_slice %dma_start3A_760[%dma_start3A_761] : memref<320000xf32, #tpu.memory_space<hbm>> -> memref<320000xf32, #tpu.memory_space<hbm>>
    tpu.enqueue_indirect_dma source(%dma_start3A_762 : memref<320000xf32, #tpu.memory_space<hbm>>) target(%dma_start3A_754 : memref<80xf32, #tpu.memory_space<vmem>>) offsets(%dma_start3A_757 : memref<80xi32, #tpu.memory_space<vmem>>) semaphore(%arg12 : memref<!tpu.dma_semaphore, #tpu.memory_space<semaphore_mem>>)
    %dma_start3A_763 = arith.constant 32 : i32
    %dma_start3A_764 = arith.constant 0 : i32
    %dma_start3A_765 = arith.constant 38 : i32
    %dma_start3A_766 = arith.constant 0 : i32
    %dma_start3A_767 = tpu.memref_slice %arg11[%dma_start3A_765, %dma_start3A_766] : memref<57x160xf32, #tpu.memory_space<vmem>> -> memref<1x80xf32, #tpu.memory_space<vmem>>
    %dma_start3A_768 = tpu.memref_squeeze %dma_start3A_767 : memref<1x80xf32, #tpu.memory_space<vmem>> -> memref<80xf32, #tpu.memory_space<vmem>>
    %dma_start3A_769 = arith.constant 0 : i32
    %dma_start3A_770 = tpu.memref_slice %arg10[%dma_start3A_764, %dma_start3A_769] : memref<2x80xi32, #tpu.memory_space<vmem>> -> memref<1x80xi32, #tpu.memory_space<vmem>>
    %dma_start3A_771 = tpu.memref_squeeze %dma_start3A_770 : memref<1x80xi32, #tpu.memory_space<vmem>> -> memref<80xi32, #tpu.memory_space<vmem>>
    %dma_start3A_772 = arith.constant 0 : i32
    %dma_start3A_773 = tpu.memref_slice %arg6[%dma_start3A_763, %dma_start3A_772] : memref<51x320000xf32, #tpu.memory_space<hbm>> -> memref<1x320000xf32, #tpu.memory_space<hbm>>
    %dma_start3A_774 = tpu.memref_squeeze %dma_start3A_773 : memref<1x320000xf32, #tpu.memory_space<hbm>> -> memref<320000xf32, #tpu.memory_space<hbm>>
    %dma_start3A_775 = arith.constant 0 : i32
    %dma_start3A_776 = tpu.memref_slice %dma_start3A_774[%dma_start3A_775] : memref<320000xf32, #tpu.memory_space<hbm>> -> memref<320000xf32, #tpu.memory_space<hbm>>
    tpu.enqueue_indirect_dma source(%dma_start3A_776 : memref<320000xf32, #tpu.memory_space<hbm>>) target(%dma_start3A_768 : memref<80xf32, #tpu.memory_space<vmem>>) offsets(%dma_start3A_771 : memref<80xi32, #tpu.memory_space<vmem>>) semaphore(%arg12 : memref<!tpu.dma_semaphore, #tpu.memory_space<semaphore_mem>>)
    %dma_start3A_777 = arith.constant 33 : i32
    %dma_start3A_778 = arith.constant 0 : i32
    %dma_start3A_779 = arith.constant 39 : i32
    %dma_start3A_780 = arith.constant 0 : i32
    %dma_start3A_781 = tpu.memref_slice %arg11[%dma_start3A_779, %dma_start3A_780] : memref<57x160xf32, #tpu.memory_space<vmem>> -> memref<1x80xf32, #tpu.memory_space<vmem>>
    %dma_start3A_782 = tpu.memref_squeeze %dma_start3A_781 : memref<1x80xf32, #tpu.memory_space<vmem>> -> memref<80xf32, #tpu.memory_space<vmem>>
    %dma_start3A_783 = arith.constant 0 : i32
    %dma_start3A_784 = tpu.memref_slice %arg10[%dma_start3A_778, %dma_start3A_783] : memref<2x80xi32, #tpu.memory_space<vmem>> -> memref<1x80xi32, #tpu.memory_space<vmem>>
    %dma_start3A_785 = tpu.memref_squeeze %dma_start3A_784 : memref<1x80xi32, #tpu.memory_space<vmem>> -> memref<80xi32, #tpu.memory_space<vmem>>
    %dma_start3A_786 = arith.constant 0 : i32
    %dma_start3A_787 = tpu.memref_slice %arg6[%dma_start3A_777, %dma_start3A_786] : memref<51x320000xf32, #tpu.memory_space<hbm>> -> memref<1x320000xf32, #tpu.memory_space<hbm>>
    %dma_start3A_788 = tpu.memref_squeeze %dma_start3A_787 : memref<1x320000xf32, #tpu.memory_space<hbm>> -> memref<320000xf32, #tpu.memory_space<hbm>>
    %dma_start3A_789 = arith.constant 0 : i32
    %dma_start3A_790 = tpu.memref_slice %dma_start3A_788[%dma_start3A_789] : memref<320000xf32, #tpu.memory_space<hbm>> -> memref<320000xf32, #tpu.memory_space<hbm>>
    tpu.enqueue_indirect_dma source(%dma_start3A_790 : memref<320000xf32, #tpu.memory_space<hbm>>) target(%dma_start3A_782 : memref<80xf32, #tpu.memory_space<vmem>>) offsets(%dma_start3A_785 : memref<80xi32, #tpu.memory_space<vmem>>) semaphore(%arg12 : memref<!tpu.dma_semaphore, #tpu.memory_space<semaphore_mem>>)
    %dma_start3A_791 = arith.constant 34 : i32
    %dma_start3A_792 = arith.constant 0 : i32
    %dma_start3A_793 = arith.constant 40 : i32
    %dma_start3A_794 = arith.constant 0 : i32
    %dma_start3A_795 = tpu.memref_slice %arg11[%dma_start3A_793, %dma_start3A_794] : memref<57x160xf32, #tpu.memory_space<vmem>> -> memref<1x80xf32, #tpu.memory_space<vmem>>
    %dma_start3A_796 = tpu.memref_squeeze %dma_start3A_795 : memref<1x80xf32, #tpu.memory_space<vmem>> -> memref<80xf32, #tpu.memory_space<vmem>>
    %dma_start3A_797 = arith.constant 0 : i32
    %dma_start3A_798 = tpu.memref_slice %arg10[%dma_start3A_792, %dma_start3A_797] : memref<2x80xi32, #tpu.memory_space<vmem>> -> memref<1x80xi32, #tpu.memory_space<vmem>>
    %dma_start3A_799 = tpu.memref_squeeze %dma_start3A_798 : memref<1x80xi32, #tpu.memory_space<vmem>> -> memref<80xi32, #tpu.memory_space<vmem>>
    %dma_start3A_800 = arith.constant 0 : i32
    %dma_start3A_801 = tpu.memref_slice %arg6[%dma_start3A_791, %dma_start3A_800] : memref<51x320000xf32, #tpu.memory_space<hbm>> -> memref<1x320000xf32, #tpu.memory_space<hbm>>
    %dma_start3A_802 = tpu.memref_squeeze %dma_start3A_801 : memref<1x320000xf32, #tpu.memory_space<hbm>> -> memref<320000xf32, #tpu.memory_space<hbm>>
    %dma_start3A_803 = arith.constant 0 : i32
    %dma_start3A_804 = tpu.memref_slice %dma_start3A_802[%dma_start3A_803] : memref<320000xf32, #tpu.memory_space<hbm>> -> memref<320000xf32, #tpu.memory_space<hbm>>
    tpu.enqueue_indirect_dma source(%dma_start3A_804 : memref<320000xf32, #tpu.memory_space<hbm>>) target(%dma_start3A_796 : memref<80xf32, #tpu.memory_space<vmem>>) offsets(%dma_start3A_799 : memref<80xi32, #tpu.memory_space<vmem>>) semaphore(%arg12 : memref<!tpu.dma_semaphore, #tpu.memory_space<semaphore_mem>>)
    %dma_start3A_805 = arith.constant 35 : i32
    %dma_start3A_806 = arith.constant 0 : i32
    %dma_start3A_807 = arith.constant 41 : i32
    %dma_start3A_808 = arith.constant 0 : i32
    %dma_start3A_809 = tpu.memref_slice %arg11[%dma_start3A_807, %dma_start3A_808] : memref<57x160xf32, #tpu.memory_space<vmem>> -> memref<1x80xf32, #tpu.memory_space<vmem>>
    %dma_start3A_810 = tpu.memref_squeeze %dma_start3A_809 : memref<1x80xf32, #tpu.memory_space<vmem>> -> memref<80xf32, #tpu.memory_space<vmem>>
    %dma_start3A_811 = arith.constant 0 : i32
    %dma_start3A_812 = tpu.memref_slice %arg10[%dma_start3A_806, %dma_start3A_811] : memref<2x80xi32, #tpu.memory_space<vmem>> -> memref<1x80xi32, #tpu.memory_space<vmem>>
    %dma_start3A_813 = tpu.memref_squeeze %dma_start3A_812 : memref<1x80xi32, #tpu.memory_space<vmem>> -> memref<80xi32, #tpu.memory_space<vmem>>
    %dma_start3A_814 = arith.constant 0 : i32
    %dma_start3A_815 = tpu.memref_slice %arg6[%dma_start3A_805, %dma_start3A_814] : memref<51x320000xf32, #tpu.memory_space<hbm>> -> memref<1x320000xf32, #tpu.memory_space<hbm>>
    %dma_start3A_816 = tpu.memref_squeeze %dma_start3A_815 : memref<1x320000xf32, #tpu.memory_space<hbm>> -> memref<320000xf32, #tpu.memory_space<hbm>>
    %dma_start3A_817 = arith.constant 0 : i32
    %dma_start3A_818 = tpu.memref_slice %dma_start3A_816[%dma_start3A_817] : memref<320000xf32, #tpu.memory_space<hbm>> -> memref<320000xf32, #tpu.memory_space<hbm>>
    tpu.enqueue_indirect_dma source(%dma_start3A_818 : memref<320000xf32, #tpu.memory_space<hbm>>) target(%dma_start3A_810 : memref<80xf32, #tpu.memory_space<vmem>>) offsets(%dma_start3A_813 : memref<80xi32, #tpu.memory_space<vmem>>) semaphore(%arg12 : memref<!tpu.dma_semaphore, #tpu.memory_space<semaphore_mem>>)
    %dma_start3A_819 = arith.constant 36 : i32
    %dma_start3A_820 = arith.constant 0 : i32
    %dma_start3A_821 = arith.constant 42 : i32
    %dma_start3A_822 = arith.constant 0 : i32
    %dma_start3A_823 = tpu.memref_slice %arg11[%dma_start3A_821, %dma_start3A_822] : memref<57x160xf32, #tpu.memory_space<vmem>> -> memref<1x80xf32, #tpu.memory_space<vmem>>
    %dma_start3A_824 = tpu.memref_squeeze %dma_start3A_823 : memref<1x80xf32, #tpu.memory_space<vmem>> -> memref<80xf32, #tpu.memory_space<vmem>>
    %dma_start3A_825 = arith.constant 0 : i32
    %dma_start3A_826 = tpu.memref_slice %arg10[%dma_start3A_820, %dma_start3A_825] : memref<2x80xi32, #tpu.memory_space<vmem>> -> memref<1x80xi32, #tpu.memory_space<vmem>>
    %dma_start3A_827 = tpu.memref_squeeze %dma_start3A_826 : memref<1x80xi32, #tpu.memory_space<vmem>> -> memref<80xi32, #tpu.memory_space<vmem>>
    %dma_start3A_828 = arith.constant 0 : i32
    %dma_start3A_829 = tpu.memref_slice %arg6[%dma_start3A_819, %dma_start3A_828] : memref<51x320000xf32, #tpu.memory_space<hbm>> -> memref<1x320000xf32, #tpu.memory_space<hbm>>
    %dma_start3A_830 = tpu.memref_squeeze %dma_start3A_829 : memref<1x320000xf32, #tpu.memory_space<hbm>> -> memref<320000xf32, #tpu.memory_space<hbm>>
    %dma_start3A_831 = arith.constant 0 : i32
    %dma_start3A_832 = tpu.memref_slice %dma_start3A_830[%dma_start3A_831] : memref<320000xf32, #tpu.memory_space<hbm>> -> memref<320000xf32, #tpu.memory_space<hbm>>
    tpu.enqueue_indirect_dma source(%dma_start3A_832 : memref<320000xf32, #tpu.memory_space<hbm>>) target(%dma_start3A_824 : memref<80xf32, #tpu.memory_space<vmem>>) offsets(%dma_start3A_827 : memref<80xi32, #tpu.memory_space<vmem>>) semaphore(%arg12 : memref<!tpu.dma_semaphore, #tpu.memory_space<semaphore_mem>>)
    %dma_start3A_833 = arith.constant 37 : i32
    %dma_start3A_834 = arith.constant 0 : i32
    %dma_start3A_835 = arith.constant 43 : i32
    %dma_start3A_836 = arith.constant 0 : i32
    %dma_start3A_837 = tpu.memref_slice %arg11[%dma_start3A_835, %dma_start3A_836] : memref<57x160xf32, #tpu.memory_space<vmem>> -> memref<1x80xf32, #tpu.memory_space<vmem>>
    %dma_start3A_838 = tpu.memref_squeeze %dma_start3A_837 : memref<1x80xf32, #tpu.memory_space<vmem>> -> memref<80xf32, #tpu.memory_space<vmem>>
    %dma_start3A_839 = arith.constant 0 : i32
    %dma_start3A_840 = tpu.memref_slice %arg10[%dma_start3A_834, %dma_start3A_839] : memref<2x80xi32, #tpu.memory_space<vmem>> -> memref<1x80xi32, #tpu.memory_space<vmem>>
    %dma_start3A_841 = tpu.memref_squeeze %dma_start3A_840 : memref<1x80xi32, #tpu.memory_space<vmem>> -> memref<80xi32, #tpu.memory_space<vmem>>
    %dma_start3A_842 = arith.constant 0 : i32
    %dma_start3A_843 = tpu.memref_slice %arg6[%dma_start3A_833, %dma_start3A_842] : memref<51x320000xf32, #tpu.memory_space<hbm>> -> memref<1x320000xf32, #tpu.memory_space<hbm>>
    %dma_start3A_844 = tpu.memref_squeeze %dma_start3A_843 : memref<1x320000xf32, #tpu.memory_space<hbm>> -> memref<320000xf32, #tpu.memory_space<hbm>>
    %dma_start3A_845 = arith.constant 0 : i32
    %dma_start3A_846 = tpu.memref_slice %dma_start3A_844[%dma_start3A_845] : memref<320000xf32, #tpu.memory_space<hbm>> -> memref<320000xf32, #tpu.memory_space<hbm>>
    tpu.enqueue_indirect_dma source(%dma_start3A_846 : memref<320000xf32, #tpu.memory_space<hbm>>) target(%dma_start3A_838 : memref<80xf32, #tpu.memory_space<vmem>>) offsets(%dma_start3A_841 : memref<80xi32, #tpu.memory_space<vmem>>) semaphore(%arg12 : memref<!tpu.dma_semaphore, #tpu.memory_space<semaphore_mem>>)
    %dma_start3A_847 = arith.constant 38 : i32
    %dma_start3A_848 = arith.constant 0 : i32
    %dma_start3A_849 = arith.constant 44 : i32
    %dma_start3A_850 = arith.constant 0 : i32
    %dma_start3A_851 = tpu.memref_slice %arg11[%dma_start3A_849, %dma_start3A_850] : memref<57x160xf32, #tpu.memory_space<vmem>> -> memref<1x80xf32, #tpu.memory_space<vmem>>
    %dma_start3A_852 = tpu.memref_squeeze %dma_start3A_851 : memref<1x80xf32, #tpu.memory_space<vmem>> -> memref<80xf32, #tpu.memory_space<vmem>>
    %dma_start3A_853 = arith.constant 0 : i32
    %dma_start3A_854 = tpu.memref_slice %arg10[%dma_start3A_848, %dma_start3A_853] : memref<2x80xi32, #tpu.memory_space<vmem>> -> memref<1x80xi32, #tpu.memory_space<vmem>>
    %dma_start3A_855 = tpu.memref_squeeze %dma_start3A_854 : memref<1x80xi32, #tpu.memory_space<vmem>> -> memref<80xi32, #tpu.memory_space<vmem>>
    %dma_start3A_856 = arith.constant 0 : i32
    %dma_start3A_857 = tpu.memref_slice %arg6[%dma_start3A_847, %dma_start3A_856] : memref<51x320000xf32, #tpu.memory_space<hbm>> -> memref<1x320000xf32, #tpu.memory_space<hbm>>
    %dma_start3A_858 = tpu.memref_squeeze %dma_start3A_857 : memref<1x320000xf32, #tpu.memory_space<hbm>> -> memref<320000xf32, #tpu.memory_space<hbm>>
    %dma_start3A_859 = arith.constant 0 : i32
    %dma_start3A_860 = tpu.memref_slice %dma_start3A_858[%dma_start3A_859] : memref<320000xf32, #tpu.memory_space<hbm>> -> memref<320000xf32, #tpu.memory_space<hbm>>
    tpu.enqueue_indirect_dma source(%dma_start3A_860 : memref<320000xf32, #tpu.memory_space<hbm>>) target(%dma_start3A_852 : memref<80xf32, #tpu.memory_space<vmem>>) offsets(%dma_start3A_855 : memref<80xi32, #tpu.memory_space<vmem>>) semaphore(%arg12 : memref<!tpu.dma_semaphore, #tpu.memory_space<semaphore_mem>>)
    %dma_start3A_861 = arith.constant 39 : i32
    %dma_start3A_862 = arith.constant 0 : i32
    %dma_start3A_863 = arith.constant 45 : i32
    %dma_start3A_864 = arith.constant 0 : i32
    %dma_start3A_865 = tpu.memref_slice %arg11[%dma_start3A_863, %dma_start3A_864] : memref<57x160xf32, #tpu.memory_space<vmem>> -> memref<1x80xf32, #tpu.memory_space<vmem>>
    %dma_start3A_866 = tpu.memref_squeeze %dma_start3A_865 : memref<1x80xf32, #tpu.memory_space<vmem>> -> memref<80xf32, #tpu.memory_space<vmem>>
    %dma_start3A_867 = arith.constant 0 : i32
    %dma_start3A_868 = tpu.memref_slice %arg10[%dma_start3A_862, %dma_start3A_867] : memref<2x80xi32, #tpu.memory_space<vmem>> -> memref<1x80xi32, #tpu.memory_space<vmem>>
    %dma_start3A_869 = tpu.memref_squeeze %dma_start3A_868 : memref<1x80xi32, #tpu.memory_space<vmem>> -> memref<80xi32, #tpu.memory_space<vmem>>
    %dma_start3A_870 = arith.constant 0 : i32
    %dma_start3A_871 = tpu.memref_slice %arg6[%dma_start3A_861, %dma_start3A_870] : memref<51x320000xf32, #tpu.memory_space<hbm>> -> memref<1x320000xf32, #tpu.memory_space<hbm>>
    %dma_start3A_872 = tpu.memref_squeeze %dma_start3A_871 : memref<1x320000xf32, #tpu.memory_space<hbm>> -> memref<320000xf32, #tpu.memory_space<hbm>>
    %dma_start3A_873 = arith.constant 0 : i32
    %dma_start3A_874 = tpu.memref_slice %dma_start3A_872[%dma_start3A_873] : memref<320000xf32, #tpu.memory_space<hbm>> -> memref<320000xf32, #tpu.memory_space<hbm>>
    tpu.enqueue_indirect_dma source(%dma_start3A_874 : memref<320000xf32, #tpu.memory_space<hbm>>) target(%dma_start3A_866 : memref<80xf32, #tpu.memory_space<vmem>>) offsets(%dma_start3A_869 : memref<80xi32, #tpu.memory_space<vmem>>) semaphore(%arg12 : memref<!tpu.dma_semaphore, #tpu.memory_space<semaphore_mem>>)
    %dma_start3A_875 = arith.constant 40 : i32
    %dma_start3A_876 = arith.constant 0 : i32
    %dma_start3A_877 = arith.constant 46 : i32
    %dma_start3A_878 = arith.constant 0 : i32
    %dma_start3A_879 = tpu.memref_slice %arg11[%dma_start3A_877, %dma_start3A_878] : memref<57x160xf32, #tpu.memory_space<vmem>> -> memref<1x80xf32, #tpu.memory_space<vmem>>
    %dma_start3A_880 = tpu.memref_squeeze %dma_start3A_879 : memref<1x80xf32, #tpu.memory_space<vmem>> -> memref<80xf32, #tpu.memory_space<vmem>>
    %dma_start3A_881 = arith.constant 0 : i32
    %dma_start3A_882 = tpu.memref_slice %arg10[%dma_start3A_876, %dma_start3A_881] : memref<2x80xi32, #tpu.memory_space<vmem>> -> memref<1x80xi32, #tpu.memory_space<vmem>>
    %dma_start3A_883 = tpu.memref_squeeze %dma_start3A_882 : memref<1x80xi32, #tpu.memory_space<vmem>> -> memref<80xi32, #tpu.memory_space<vmem>>
    %dma_start3A_884 = arith.constant 0 : i32
    %dma_start3A_885 = tpu.memref_slice %arg6[%dma_start3A_875, %dma_start3A_884] : memref<51x320000xf32, #tpu.memory_space<hbm>> -> memref<1x320000xf32, #tpu.memory_space<hbm>>
    %dma_start3A_886 = tpu.memref_squeeze %dma_start3A_885 : memref<1x320000xf32, #tpu.memory_space<hbm>> -> memref<320000xf32, #tpu.memory_space<hbm>>
    %dma_start3A_887 = arith.constant 0 : i32
    %dma_start3A_888 = tpu.memref_slice %dma_start3A_886[%dma_start3A_887] : memref<320000xf32, #tpu.memory_space<hbm>> -> memref<320000xf32, #tpu.memory_space<hbm>>
    tpu.enqueue_indirect_dma source(%dma_start3A_888 : memref<320000xf32, #tpu.memory_space<hbm>>) target(%dma_start3A_880 : memref<80xf32, #tpu.memory_space<vmem>>) offsets(%dma_start3A_883 : memref<80xi32, #tpu.memory_space<vmem>>) semaphore(%arg12 : memref<!tpu.dma_semaphore, #tpu.memory_space<semaphore_mem>>)
    %dma_start3A_889 = arith.constant 41 : i32
    %dma_start3A_890 = arith.constant 0 : i32
    %dma_start3A_891 = arith.constant 47 : i32
    %dma_start3A_892 = arith.constant 0 : i32
    %dma_start3A_893 = tpu.memref_slice %arg11[%dma_start3A_891, %dma_start3A_892] : memref<57x160xf32, #tpu.memory_space<vmem>> -> memref<1x80xf32, #tpu.memory_space<vmem>>
    %dma_start3A_894 = tpu.memref_squeeze %dma_start3A_893 : memref<1x80xf32, #tpu.memory_space<vmem>> -> memref<80xf32, #tpu.memory_space<vmem>>
    %dma_start3A_895 = arith.constant 0 : i32
    %dma_start3A_896 = tpu.memref_slice %arg10[%dma_start3A_890, %dma_start3A_895] : memref<2x80xi32, #tpu.memory_space<vmem>> -> memref<1x80xi32, #tpu.memory_space<vmem>>
    %dma_start3A_897 = tpu.memref_squeeze %dma_start3A_896 : memref<1x80xi32, #tpu.memory_space<vmem>> -> memref<80xi32, #tpu.memory_space<vmem>>
    %dma_start3A_898 = arith.constant 0 : i32
    %dma_start3A_899 = tpu.memref_slice %arg6[%dma_start3A_889, %dma_start3A_898] : memref<51x320000xf32, #tpu.memory_space<hbm>> -> memref<1x320000xf32, #tpu.memory_space<hbm>>
    %dma_start3A_900 = tpu.memref_squeeze %dma_start3A_899 : memref<1x320000xf32, #tpu.memory_space<hbm>> -> memref<320000xf32, #tpu.memory_space<hbm>>
    %dma_start3A_901 = arith.constant 0 : i32
    %dma_start3A_902 = tpu.memref_slice %dma_start3A_900[%dma_start3A_901] : memref<320000xf32, #tpu.memory_space<hbm>> -> memref<320000xf32, #tpu.memory_space<hbm>>
    tpu.enqueue_indirect_dma source(%dma_start3A_902 : memref<320000xf32, #tpu.memory_space<hbm>>) target(%dma_start3A_894 : memref<80xf32, #tpu.memory_space<vmem>>) offsets(%dma_start3A_897 : memref<80xi32, #tpu.memory_space<vmem>>) semaphore(%arg12 : memref<!tpu.dma_semaphore, #tpu.memory_space<semaphore_mem>>)
    %dma_start3A_903 = arith.constant 42 : i32
    %dma_start3A_904 = arith.constant 0 : i32
    %dma_start3A_905 = arith.constant 48 : i32
    %dma_start3A_906 = arith.constant 0 : i32
    %dma_start3A_907 = tpu.memref_slice %arg11[%dma_start3A_905, %dma_start3A_906] : memref<57x160xf32, #tpu.memory_space<vmem>> -> memref<1x80xf32, #tpu.memory_space<vmem>>
    %dma_start3A_908 = tpu.memref_squeeze %dma_start3A_907 : memref<1x80xf32, #tpu.memory_space<vmem>> -> memref<80xf32, #tpu.memory_space<vmem>>
    %dma_start3A_909 = arith.constant 0 : i32
    %dma_start3A_910 = tpu.memref_slice %arg10[%dma_start3A_904, %dma_start3A_909] : memref<2x80xi32, #tpu.memory_space<vmem>> -> memref<1x80xi32, #tpu.memory_space<vmem>>
    %dma_start3A_911 = tpu.memref_squeeze %dma_start3A_910 : memref<1x80xi32, #tpu.memory_space<vmem>> -> memref<80xi32, #tpu.memory_space<vmem>>
    %dma_start3A_912 = arith.constant 0 : i32
    %dma_start3A_913 = tpu.memref_slice %arg6[%dma_start3A_903, %dma_start3A_912] : memref<51x320000xf32, #tpu.memory_space<hbm>> -> memref<1x320000xf32, #tpu.memory_space<hbm>>
    %dma_start3A_914 = tpu.memref_squeeze %dma_start3A_913 : memref<1x320000xf32, #tpu.memory_space<hbm>> -> memref<320000xf32, #tpu.memory_space<hbm>>
    %dma_start3A_915 = arith.constant 0 : i32
    %dma_start3A_916 = tpu.memref_slice %dma_start3A_914[%dma_start3A_915] : memref<320000xf32, #tpu.memory_space<hbm>> -> memref<320000xf32, #tpu.memory_space<hbm>>
    tpu.enqueue_indirect_dma source(%dma_start3A_916 : memref<320000xf32, #tpu.memory_space<hbm>>) target(%dma_start3A_908 : memref<80xf32, #tpu.memory_space<vmem>>) offsets(%dma_start3A_911 : memref<80xi32, #tpu.memory_space<vmem>>) semaphore(%arg12 : memref<!tpu.dma_semaphore, #tpu.memory_space<semaphore_mem>>)
    %dma_start3A_917 = arith.constant 43 : i32
    %dma_start3A_918 = arith.constant 0 : i32
    %dma_start3A_919 = arith.constant 49 : i32
    %dma_start3A_920 = arith.constant 0 : i32
    %dma_start3A_921 = tpu.memref_slice %arg11[%dma_start3A_919, %dma_start3A_920] : memref<57x160xf32, #tpu.memory_space<vmem>> -> memref<1x80xf32, #tpu.memory_space<vmem>>
    %dma_start3A_922 = tpu.memref_squeeze %dma_start3A_921 : memref<1x80xf32, #tpu.memory_space<vmem>> -> memref<80xf32, #tpu.memory_space<vmem>>
    %dma_start3A_923 = arith.constant 0 : i32
    %dma_start3A_924 = tpu.memref_slice %arg10[%dma_start3A_918, %dma_start3A_923] : memref<2x80xi32, #tpu.memory_space<vmem>> -> memref<1x80xi32, #tpu.memory_space<vmem>>
    %dma_start3A_925 = tpu.memref_squeeze %dma_start3A_924 : memref<1x80xi32, #tpu.memory_space<vmem>> -> memref<80xi32, #tpu.memory_space<vmem>>
    %dma_start3A_926 = arith.constant 0 : i32
    %dma_start3A_927 = tpu.memref_slice %arg6[%dma_start3A_917, %dma_start3A_926] : memref<51x320000xf32, #tpu.memory_space<hbm>> -> memref<1x320000xf32, #tpu.memory_space<hbm>>
    %dma_start3A_928 = tpu.memref_squeeze %dma_start3A_927 : memref<1x320000xf32, #tpu.memory_space<hbm>> -> memref<320000xf32, #tpu.memory_space<hbm>>
    %dma_start3A_929 = arith.constant 0 : i32
    %dma_start3A_930 = tpu.memref_slice %dma_start3A_928[%dma_start3A_929] : memref<320000xf32, #tpu.memory_space<hbm>> -> memref<320000xf32, #tpu.memory_space<hbm>>
    tpu.enqueue_indirect_dma source(%dma_start3A_930 : memref<320000xf32, #tpu.memory_space<hbm>>) target(%dma_start3A_922 : memref<80xf32, #tpu.memory_space<vmem>>) offsets(%dma_start3A_925 : memref<80xi32, #tpu.memory_space<vmem>>) semaphore(%arg12 : memref<!tpu.dma_semaphore, #tpu.memory_space<semaphore_mem>>)
    %dma_start3A_931 = arith.constant 44 : i32
    %dma_start3A_932 = arith.constant 0 : i32
    %dma_start3A_933 = arith.constant 50 : i32
    %dma_start3A_934 = arith.constant 0 : i32
    %dma_start3A_935 = tpu.memref_slice %arg11[%dma_start3A_933, %dma_start3A_934] : memref<57x160xf32, #tpu.memory_space<vmem>> -> memref<1x80xf32, #tpu.memory_space<vmem>>
    %dma_start3A_936 = tpu.memref_squeeze %dma_start3A_935 : memref<1x80xf32, #tpu.memory_space<vmem>> -> memref<80xf32, #tpu.memory_space<vmem>>
    %dma_start3A_937 = arith.constant 0 : i32
    %dma_start3A_938 = tpu.memref_slice %arg10[%dma_start3A_932, %dma_start3A_937] : memref<2x80xi32, #tpu.memory_space<vmem>> -> memref<1x80xi32, #tpu.memory_space<vmem>>
    %dma_start3A_939 = tpu.memref_squeeze %dma_start3A_938 : memref<1x80xi32, #tpu.memory_space<vmem>> -> memref<80xi32, #tpu.memory_space<vmem>>
    %dma_start3A_940 = arith.constant 0 : i32
    %dma_start3A_941 = tpu.memref_slice %arg6[%dma_start3A_931, %dma_start3A_940] : memref<51x320000xf32, #tpu.memory_space<hbm>> -> memref<1x320000xf32, #tpu.memory_space<hbm>>
    %dma_start3A_942 = tpu.memref_squeeze %dma_start3A_941 : memref<1x320000xf32, #tpu.memory_space<hbm>> -> memref<320000xf32, #tpu.memory_space<hbm>>
    %dma_start3A_943 = arith.constant 0 : i32
    %dma_start3A_944 = tpu.memref_slice %dma_start3A_942[%dma_start3A_943] : memref<320000xf32, #tpu.memory_space<hbm>> -> memref<320000xf32, #tpu.memory_space<hbm>>
    tpu.enqueue_indirect_dma source(%dma_start3A_944 : memref<320000xf32, #tpu.memory_space<hbm>>) target(%dma_start3A_936 : memref<80xf32, #tpu.memory_space<vmem>>) offsets(%dma_start3A_939 : memref<80xi32, #tpu.memory_space<vmem>>) semaphore(%arg12 : memref<!tpu.dma_semaphore, #tpu.memory_space<semaphore_mem>>)
    %dma_start3A_945 = arith.constant 45 : i32
    %dma_start3A_946 = arith.constant 0 : i32
    %dma_start3A_947 = arith.constant 51 : i32
    %dma_start3A_948 = arith.constant 0 : i32
    %dma_start3A_949 = tpu.memref_slice %arg11[%dma_start3A_947, %dma_start3A_948] : memref<57x160xf32, #tpu.memory_space<vmem>> -> memref<1x80xf32, #tpu.memory_space<vmem>>
    %dma_start3A_950 = tpu.memref_squeeze %dma_start3A_949 : memref<1x80xf32, #tpu.memory_space<vmem>> -> memref<80xf32, #tpu.memory_space<vmem>>
    %dma_start3A_951 = arith.constant 0 : i32
    %dma_start3A_952 = tpu.memref_slice %arg10[%dma_start3A_946, %dma_start3A_951] : memref<2x80xi32, #tpu.memory_space<vmem>> -> memref<1x80xi32, #tpu.memory_space<vmem>>
    %dma_start3A_953 = tpu.memref_squeeze %dma_start3A_952 : memref<1x80xi32, #tpu.memory_space<vmem>> -> memref<80xi32, #tpu.memory_space<vmem>>
    %dma_start3A_954 = arith.constant 0 : i32
    %dma_start3A_955 = tpu.memref_slice %arg6[%dma_start3A_945, %dma_start3A_954] : memref<51x320000xf32, #tpu.memory_space<hbm>> -> memref<1x320000xf32, #tpu.memory_space<hbm>>
    %dma_start3A_956 = tpu.memref_squeeze %dma_start3A_955 : memref<1x320000xf32, #tpu.memory_space<hbm>> -> memref<320000xf32, #tpu.memory_space<hbm>>
    %dma_start3A_957 = arith.constant 0 : i32
    %dma_start3A_958 = tpu.memref_slice %dma_start3A_956[%dma_start3A_957] : memref<320000xf32, #tpu.memory_space<hbm>> -> memref<320000xf32, #tpu.memory_space<hbm>>
    tpu.enqueue_indirect_dma source(%dma_start3A_958 : memref<320000xf32, #tpu.memory_space<hbm>>) target(%dma_start3A_950 : memref<80xf32, #tpu.memory_space<vmem>>) offsets(%dma_start3A_953 : memref<80xi32, #tpu.memory_space<vmem>>) semaphore(%arg12 : memref<!tpu.dma_semaphore, #tpu.memory_space<semaphore_mem>>)
    %dma_start3A_959 = arith.constant 46 : i32
    %dma_start3A_960 = arith.constant 0 : i32
    %dma_start3A_961 = arith.constant 52 : i32
    %dma_start3A_962 = arith.constant 0 : i32
    %dma_start3A_963 = tpu.memref_slice %arg11[%dma_start3A_961, %dma_start3A_962] : memref<57x160xf32, #tpu.memory_space<vmem>> -> memref<1x80xf32, #tpu.memory_space<vmem>>
    %dma_start3A_964 = tpu.memref_squeeze %dma_start3A_963 : memref<1x80xf32, #tpu.memory_space<vmem>> -> memref<80xf32, #tpu.memory_space<vmem>>
    %dma_start3A_965 = arith.constant 0 : i32
    %dma_start3A_966 = tpu.memref_slice %arg10[%dma_start3A_960, %dma_start3A_965] : memref<2x80xi32, #tpu.memory_space<vmem>> -> memref<1x80xi32, #tpu.memory_space<vmem>>
    %dma_start3A_967 = tpu.memref_squeeze %dma_start3A_966 : memref<1x80xi32, #tpu.memory_space<vmem>> -> memref<80xi32, #tpu.memory_space<vmem>>
    %dma_start3A_968 = arith.constant 0 : i32
    %dma_start3A_969 = tpu.memref_slice %arg6[%dma_start3A_959, %dma_start3A_968] : memref<51x320000xf32, #tpu.memory_space<hbm>> -> memref<1x320000xf32, #tpu.memory_space<hbm>>
    %dma_start3A_970 = tpu.memref_squeeze %dma_start3A_969 : memref<1x320000xf32, #tpu.memory_space<hbm>> -> memref<320000xf32, #tpu.memory_space<hbm>>
    %dma_start3A_971 = arith.constant 0 : i32
    %dma_start3A_972 = tpu.memref_slice %dma_start3A_970[%dma_start3A_971] : memref<320000xf32, #tpu.memory_space<hbm>> -> memref<320000xf32, #tpu.memory_space<hbm>>
    tpu.enqueue_indirect_dma source(%dma_start3A_972 : memref<320000xf32, #tpu.memory_space<hbm>>) target(%dma_start3A_964 : memref<80xf32, #tpu.memory_space<vmem>>) offsets(%dma_start3A_967 : memref<80xi32, #tpu.memory_space<vmem>>) semaphore(%arg12 : memref<!tpu.dma_semaphore, #tpu.memory_space<semaphore_mem>>)
    %dma_start3A_973 = arith.constant 47 : i32
    %dma_start3A_974 = arith.constant 0 : i32
    %dma_start3A_975 = arith.constant 53 : i32
    %dma_start3A_976 = arith.constant 0 : i32
    %dma_start3A_977 = tpu.memref_slice %arg11[%dma_start3A_975, %dma_start3A_976] : memref<57x160xf32, #tpu.memory_space<vmem>> -> memref<1x80xf32, #tpu.memory_space<vmem>>
    %dma_start3A_978 = tpu.memref_squeeze %dma_start3A_977 : memref<1x80xf32, #tpu.memory_space<vmem>> -> memref<80xf32, #tpu.memory_space<vmem>>
    %dma_start3A_979 = arith.constant 0 : i32
    %dma_start3A_980 = tpu.memref_slice %arg10[%dma_start3A_974, %dma_start3A_979] : memref<2x80xi32, #tpu.memory_space<vmem>> -> memref<1x80xi32, #tpu.memory_space<vmem>>
    %dma_start3A_981 = tpu.memref_squeeze %dma_start3A_980 : memref<1x80xi32, #tpu.memory_space<vmem>> -> memref<80xi32, #tpu.memory_space<vmem>>
    %dma_start3A_982 = arith.constant 0 : i32
    %dma_start3A_983 = tpu.memref_slice %arg6[%dma_start3A_973, %dma_start3A_982] : memref<51x320000xf32, #tpu.memory_space<hbm>> -> memref<1x320000xf32, #tpu.memory_space<hbm>>
    %dma_start3A_984 = tpu.memref_squeeze %dma_start3A_983 : memref<1x320000xf32, #tpu.memory_space<hbm>> -> memref<320000xf32, #tpu.memory_space<hbm>>
    %dma_start3A_985 = arith.constant 0 : i32
    %dma_start3A_986 = tpu.memref_slice %dma_start3A_984[%dma_start3A_985] : memref<320000xf32, #tpu.memory_space<hbm>> -> memref<320000xf32, #tpu.memory_space<hbm>>
    tpu.enqueue_indirect_dma source(%dma_start3A_986 : memref<320000xf32, #tpu.memory_space<hbm>>) target(%dma_start3A_978 : memref<80xf32, #tpu.memory_space<vmem>>) offsets(%dma_start3A_981 : memref<80xi32, #tpu.memory_space<vmem>>) semaphore(%arg12 : memref<!tpu.dma_semaphore, #tpu.memory_space<semaphore_mem>>)
    %dma_start3A_987 = arith.constant 48 : i32
    %dma_start3A_988 = arith.constant 0 : i32
    %dma_start3A_989 = arith.constant 54 : i32
    %dma_start3A_990 = arith.constant 0 : i32
    %dma_start3A_991 = tpu.memref_slice %arg11[%dma_start3A_989, %dma_start3A_990] : memref<57x160xf32, #tpu.memory_space<vmem>> -> memref<1x80xf32, #tpu.memory_space<vmem>>
    %dma_start3A_992 = tpu.memref_squeeze %dma_start3A_991 : memref<1x80xf32, #tpu.memory_space<vmem>> -> memref<80xf32, #tpu.memory_space<vmem>>
    %dma_start3A_993 = arith.constant 0 : i32
    %dma_start3A_994 = tpu.memref_slice %arg10[%dma_start3A_988, %dma_start3A_993] : memref<2x80xi32, #tpu.memory_space<vmem>> -> memref<1x80xi32, #tpu.memory_space<vmem>>
    %dma_start3A_995 = tpu.memref_squeeze %dma_start3A_994 : memref<1x80xi32, #tpu.memory_space<vmem>> -> memref<80xi32, #tpu.memory_space<vmem>>
    %dma_start3A_996 = arith.constant 0 : i32
    %dma_start3A_997 = tpu.memref_slice %arg6[%dma_start3A_987, %dma_start3A_996] : memref<51x320000xf32, #tpu.memory_space<hbm>> -> memref<1x320000xf32, #tpu.memory_space<hbm>>
    %dma_start3A_998 = tpu.memref_squeeze %dma_start3A_997 : memref<1x320000xf32, #tpu.memory_space<hbm>> -> memref<320000xf32, #tpu.memory_space<hbm>>
    %dma_start3A_999 = arith.constant 0 : i32
    %dma_start3A_1000 = tpu.memref_slice %dma_start3A_998[%dma_start3A_999] : memref<320000xf32, #tpu.memory_space<hbm>> -> memref<320000xf32, #tpu.memory_space<hbm>>
    tpu.enqueue_indirect_dma source(%dma_start3A_1000 : memref<320000xf32, #tpu.memory_space<hbm>>) target(%dma_start3A_992 : memref<80xf32, #tpu.memory_space<vmem>>) offsets(%dma_start3A_995 : memref<80xi32, #tpu.memory_space<vmem>>) semaphore(%arg12 : memref<!tpu.dma_semaphore, #tpu.memory_space<semaphore_mem>>)
    %dma_start3A_1001 = arith.constant 49 : i32
    %dma_start3A_1002 = arith.constant 0 : i32
    %dma_start3A_1003 = arith.constant 55 : i32
    %dma_start3A_1004 = arith.constant 0 : i32
    %dma_start3A_1005 = tpu.memref_slice %arg11[%dma_start3A_1003, %dma_start3A_1004] : memref<57x160xf32, #tpu.memory_space<vmem>> -> memref<1x80xf32, #tpu.memory_space<vmem>>
    %dma_start3A_1006 = tpu.memref_squeeze %dma_start3A_1005 : memref<1x80xf32, #tpu.memory_space<vmem>> -> memref<80xf32, #tpu.memory_space<vmem>>
    %dma_start3A_1007 = arith.constant 0 : i32
    %dma_start3A_1008 = tpu.memref_slice %arg10[%dma_start3A_1002, %dma_start3A_1007] : memref<2x80xi32, #tpu.memory_space<vmem>> -> memref<1x80xi32, #tpu.memory_space<vmem>>
    %dma_start3A_1009 = tpu.memref_squeeze %dma_start3A_1008 : memref<1x80xi32, #tpu.memory_space<vmem>> -> memref<80xi32, #tpu.memory_space<vmem>>
    %dma_start3A_1010 = arith.constant 0 : i32
    %dma_start3A_1011 = tpu.memref_slice %arg6[%dma_start3A_1001, %dma_start3A_1010] : memref<51x320000xf32, #tpu.memory_space<hbm>> -> memref<1x320000xf32, #tpu.memory_space<hbm>>
    %dma_start3A_1012 = tpu.memref_squeeze %dma_start3A_1011 : memref<1x320000xf32, #tpu.memory_space<hbm>> -> memref<320000xf32, #tpu.memory_space<hbm>>
    %dma_start3A_1013 = arith.constant 0 : i32
    %dma_start3A_1014 = tpu.memref_slice %dma_start3A_1012[%dma_start3A_1013] : memref<320000xf32, #tpu.memory_space<hbm>> -> memref<320000xf32, #tpu.memory_space<hbm>>
    tpu.enqueue_indirect_dma source(%dma_start3A_1014 : memref<320000xf32, #tpu.memory_space<hbm>>) target(%dma_start3A_1006 : memref<80xf32, #tpu.memory_space<vmem>>) offsets(%dma_start3A_1009 : memref<80xi32, #tpu.memory_space<vmem>>) semaphore(%arg12 : memref<!tpu.dma_semaphore, #tpu.memory_space<semaphore_mem>>)
    %dma_start3A_1015 = arith.constant 50 : i32
    %dma_start3A_1016 = arith.constant 0 : i32
    %dma_start3A_1017 = arith.constant 56 : i32
    %dma_start3A_1018 = arith.constant 0 : i32
    %dma_start3A_1019 = tpu.memref_slice %arg11[%dma_start3A_1017, %dma_start3A_1018] : memref<57x160xf32, #tpu.memory_space<vmem>> -> memref<1x80xf32, #tpu.memory_space<vmem>>
    %dma_start3A_1020 = tpu.memref_squeeze %dma_start3A_1019 : memref<1x80xf32, #tpu.memory_space<vmem>> -> memref<80xf32, #tpu.memory_space<vmem>>
    %dma_start3A_1021 = arith.constant 0 : i32
    %dma_start3A_1022 = tpu.memref_slice %arg10[%dma_start3A_1016, %dma_start3A_1021] : memref<2x80xi32, #tpu.memory_space<vmem>> -> memref<1x80xi32, #tpu.memory_space<vmem>>
    %dma_start3A_1023 = tpu.memref_squeeze %dma_start3A_1022 : memref<1x80xi32, #tpu.memory_space<vmem>> -> memref<80xi32, #tpu.memory_space<vmem>>
    %dma_start3A_1024 = arith.constant 0 : i32
    %dma_start3A_1025 = tpu.memref_slice %arg6[%dma_start3A_1015, %dma_start3A_1024] : memref<51x320000xf32, #tpu.memory_space<hbm>> -> memref<1x320000xf32, #tpu.memory_space<hbm>>
    %dma_start3A_1026 = tpu.memref_squeeze %dma_start3A_1025 : memref<1x320000xf32, #tpu.memory_space<hbm>> -> memref<320000xf32, #tpu.memory_space<hbm>>
    %dma_start3A_1027 = arith.constant 0 : i32
    %dma_start3A_1028 = tpu.memref_slice %dma_start3A_1026[%dma_start3A_1027] : memref<320000xf32, #tpu.memory_space<hbm>> -> memref<320000xf32, #tpu.memory_space<hbm>>
    tpu.enqueue_indirect_dma source(%dma_start3A_1028 : memref<320000xf32, #tpu.memory_space<hbm>>) target(%dma_start3A_1020 : memref<80xf32, #tpu.memory_space<vmem>>) offsets(%dma_start3A_1023 : memref<80xi32, #tpu.memory_space<vmem>>) semaphore(%arg12 : memref<!tpu.dma_semaphore, #tpu.memory_space<semaphore_mem>>)
    %dma_start3A_1029 = arith.constant 1 : i32
    %dma_start3A_1030 = arith.constant 5 : i32
    %dma_start3A_1031 = arith.constant 80 : i32
    %dma_start3A_1032 = tpu.memref_slice %arg11[%dma_start3A_1030, %dma_start3A_1031] : memref<57x160xf32, #tpu.memory_space<vmem>> -> memref<1x80xf32, #tpu.memory_space<vmem>>
    %dma_start3A_1033 = tpu.memref_squeeze %dma_start3A_1032 : memref<1x80xf32, #tpu.memory_space<vmem>> -> memref<80xf32, #tpu.memory_space<vmem>>
    %dma_start3A_1034 = arith.constant 0 : i32
    %dma_start3A_1035 = tpu.memref_slice %arg10[%dma_start3A_1029, %dma_start3A_1034] : memref<2x80xi32, #tpu.memory_space<vmem>> -> memref<1x80xi32, #tpu.memory_space<vmem>>
    %dma_start3A_1036 = tpu.memref_squeeze %dma_start3A_1035 : memref<1x80xi32, #tpu.memory_space<vmem>> -> memref<80xi32, #tpu.memory_space<vmem>>
    %dma_start3A_1037 = arith.constant 0 : i32
    %dma_start3A_1038 = tpu.memref_slice %arg5[%dma_start3A_1037] : memref<320000xf32, #tpu.memory_space<hbm>> -> memref<320000xf32, #tpu.memory_space<hbm>>
    tpu.enqueue_indirect_dma source(%dma_start3A_1038 : memref<320000xf32, #tpu.memory_space<hbm>>) target(%dma_start3A_1033 : memref<80xf32, #tpu.memory_space<vmem>>) offsets(%dma_start3A_1036 : memref<80xi32, #tpu.memory_space<vmem>>) semaphore(%arg12 : memref<!tpu.dma_semaphore, #tpu.memory_space<semaphore_mem>>)
    %dma_start3A_1039 = arith.constant 0 : i32
    %dma_start3A_1040 = arith.constant 1 : i32
    %dma_start3A_1041 = arith.constant 1 : i32
    %dma_start3A_1042 = arith.constant 80 : i32
    %dma_start3A_1043 = tpu.memref_slice %arg11[%dma_start3A_1041, %dma_start3A_1042] : memref<57x160xf32, #tpu.memory_space<vmem>> -> memref<1x80xf32, #tpu.memory_space<vmem>>
    %dma_start3A_1044 = tpu.memref_squeeze %dma_start3A_1043 : memref<1x80xf32, #tpu.memory_space<vmem>> -> memref<80xf32, #tpu.memory_space<vmem>>
    %dma_start3A_1045 = arith.constant 0 : i32
    %dma_start3A_1046 = tpu.memref_slice %arg10[%dma_start3A_1040, %dma_start3A_1045] : memref<2x80xi32, #tpu.memory_space<vmem>> -> memref<1x80xi32, #tpu.memory_space<vmem>>
    %dma_start3A_1047 = tpu.memref_squeeze %dma_start3A_1046 : memref<1x80xi32, #tpu.memory_space<vmem>> -> memref<80xi32, #tpu.memory_space<vmem>>
    %dma_start3A_1048 = arith.constant 0 : i32
    %dma_start3A_1049 = tpu.memref_slice %arg4[%dma_start3A_1039, %dma_start3A_1048] : memref<4x320000xf32, #tpu.memory_space<hbm>> -> memref<1x320000xf32, #tpu.memory_space<hbm>>
    %dma_start3A_1050 = tpu.memref_squeeze %dma_start3A_1049 : memref<1x320000xf32, #tpu.memory_space<hbm>> -> memref<320000xf32, #tpu.memory_space<hbm>>
    %dma_start3A_1051 = arith.constant 0 : i32
    %dma_start3A_1052 = tpu.memref_slice %dma_start3A_1050[%dma_start3A_1051] : memref<320000xf32, #tpu.memory_space<hbm>> -> memref<320000xf32, #tpu.memory_space<hbm>>
    tpu.enqueue_indirect_dma source(%dma_start3A_1052 : memref<320000xf32, #tpu.memory_space<hbm>>) target(%dma_start3A_1044 : memref<80xf32, #tpu.memory_space<vmem>>) offsets(%dma_start3A_1047 : memref<80xi32, #tpu.memory_space<vmem>>) semaphore(%arg12 : memref<!tpu.dma_semaphore, #tpu.memory_space<semaphore_mem>>)
    %dma_start3A_1053 = arith.constant 1 : i32
    %dma_start3A_1054 = arith.constant 1 : i32
    %dma_start3A_1055 = arith.constant 2 : i32
    %dma_start3A_1056 = arith.constant 80 : i32
    %dma_start3A_1057 = tpu.memref_slice %arg11[%dma_start3A_1055, %dma_start3A_1056] : memref<57x160xf32, #tpu.memory_space<vmem>> -> memref<1x80xf32, #tpu.memory_space<vmem>>
    %dma_start3A_1058 = tpu.memref_squeeze %dma_start3A_1057 : memref<1x80xf32, #tpu.memory_space<vmem>> -> memref<80xf32, #tpu.memory_space<vmem>>
    %dma_start3A_1059 = arith.constant 0 : i32
    %dma_start3A_1060 = tpu.memref_slice %arg10[%dma_start3A_1054, %dma_start3A_1059] : memref<2x80xi32, #tpu.memory_space<vmem>> -> memref<1x80xi32, #tpu.memory_space<vmem>>
    %dma_start3A_1061 = tpu.memref_squeeze %dma_start3A_1060 : memref<1x80xi32, #tpu.memory_space<vmem>> -> memref<80xi32, #tpu.memory_space<vmem>>
    %dma_start3A_1062 = arith.constant 0 : i32
    %dma_start3A_1063 = tpu.memref_slice %arg4[%dma_start3A_1053, %dma_start3A_1062] : memref<4x320000xf32, #tpu.memory_space<hbm>> -> memref<1x320000xf32, #tpu.memory_space<hbm>>
    %dma_start3A_1064 = tpu.memref_squeeze %dma_start3A_1063 : memref<1x320000xf32, #tpu.memory_space<hbm>> -> memref<320000xf32, #tpu.memory_space<hbm>>
    %dma_start3A_1065 = arith.constant 0 : i32
    %dma_start3A_1066 = tpu.memref_slice %dma_start3A_1064[%dma_start3A_1065] : memref<320000xf32, #tpu.memory_space<hbm>> -> memref<320000xf32, #tpu.memory_space<hbm>>
    tpu.enqueue_indirect_dma source(%dma_start3A_1066 : memref<320000xf32, #tpu.memory_space<hbm>>) target(%dma_start3A_1058 : memref<80xf32, #tpu.memory_space<vmem>>) offsets(%dma_start3A_1061 : memref<80xi32, #tpu.memory_space<vmem>>) semaphore(%arg12 : memref<!tpu.dma_semaphore, #tpu.memory_space<semaphore_mem>>)
    %dma_start3A_1067 = arith.constant 2 : i32
    %dma_start3A_1068 = arith.constant 1 : i32
    %dma_start3A_1069 = arith.constant 3 : i32
    %dma_start3A_1070 = arith.constant 80 : i32
    %dma_start3A_1071 = tpu.memref_slice %arg11[%dma_start3A_1069, %dma_start3A_1070] : memref<57x160xf32, #tpu.memory_space<vmem>> -> memref<1x80xf32, #tpu.memory_space<vmem>>
    %dma_start3A_1072 = tpu.memref_squeeze %dma_start3A_1071 : memref<1x80xf32, #tpu.memory_space<vmem>> -> memref<80xf32, #tpu.memory_space<vmem>>
    %dma_start3A_1073 = arith.constant 0 : i32
    %dma_start3A_1074 = tpu.memref_slice %arg10[%dma_start3A_1068, %dma_start3A_1073] : memref<2x80xi32, #tpu.memory_space<vmem>> -> memref<1x80xi32, #tpu.memory_space<vmem>>
    %dma_start3A_1075 = tpu.memref_squeeze %dma_start3A_1074 : memref<1x80xi32, #tpu.memory_space<vmem>> -> memref<80xi32, #tpu.memory_space<vmem>>
    %dma_start3A_1076 = arith.constant 0 : i32
    %dma_start3A_1077 = tpu.memref_slice %arg4[%dma_start3A_1067, %dma_start3A_1076] : memref<4x320000xf32, #tpu.memory_space<hbm>> -> memref<1x320000xf32, #tpu.memory_space<hbm>>
    %dma_start3A_1078 = tpu.memref_squeeze %dma_start3A_1077 : memref<1x320000xf32, #tpu.memory_space<hbm>> -> memref<320000xf32, #tpu.memory_space<hbm>>
    %dma_start3A_1079 = arith.constant 0 : i32
    %dma_start3A_1080 = tpu.memref_slice %dma_start3A_1078[%dma_start3A_1079] : memref<320000xf32, #tpu.memory_space<hbm>> -> memref<320000xf32, #tpu.memory_space<hbm>>
    tpu.enqueue_indirect_dma source(%dma_start3A_1080 : memref<320000xf32, #tpu.memory_space<hbm>>) target(%dma_start3A_1072 : memref<80xf32, #tpu.memory_space<vmem>>) offsets(%dma_start3A_1075 : memref<80xi32, #tpu.memory_space<vmem>>) semaphore(%arg12 : memref<!tpu.dma_semaphore, #tpu.memory_space<semaphore_mem>>)
    %dma_start3A_1081 = arith.constant 3 : i32
    %dma_start3A_1082 = arith.constant 1 : i32
    %dma_start3A_1083 = arith.constant 4 : i32
    %dma_start3A_1084 = arith.constant 80 : i32
    %dma_start3A_1085 = tpu.memref_slice %arg11[%dma_start3A_1083, %dma_start3A_1084] : memref<57x160xf32, #tpu.memory_space<vmem>> -> memref<1x80xf32, #tpu.memory_space<vmem>>
    %dma_start3A_1086 = tpu.memref_squeeze %dma_start3A_1085 : memref<1x80xf32, #tpu.memory_space<vmem>> -> memref<80xf32, #tpu.memory_space<vmem>>
    %dma_start3A_1087 = arith.constant 0 : i32
    %dma_start3A_1088 = tpu.memref_slice %arg10[%dma_start3A_1082, %dma_start3A_1087] : memref<2x80xi32, #tpu.memory_space<vmem>> -> memref<1x80xi32, #tpu.memory_space<vmem>>
    %dma_start3A_1089 = tpu.memref_squeeze %dma_start3A_1088 : memref<1x80xi32, #tpu.memory_space<vmem>> -> memref<80xi32, #tpu.memory_space<vmem>>
    %dma_start3A_1090 = arith.constant 0 : i32
    %dma_start3A_1091 = tpu.memref_slice %arg4[%dma_start3A_1081, %dma_start3A_1090] : memref<4x320000xf32, #tpu.memory_space<hbm>> -> memref<1x320000xf32, #tpu.memory_space<hbm>>
    %dma_start3A_1092 = tpu.memref_squeeze %dma_start3A_1091 : memref<1x320000xf32, #tpu.memory_space<hbm>> -> memref<320000xf32, #tpu.memory_space<hbm>>
    %dma_start3A_1093 = arith.constant 0 : i32
    %dma_start3A_1094 = tpu.memref_slice %dma_start3A_1092[%dma_start3A_1093] : memref<320000xf32, #tpu.memory_space<hbm>> -> memref<320000xf32, #tpu.memory_space<hbm>>
    tpu.enqueue_indirect_dma source(%dma_start3A_1094 : memref<320000xf32, #tpu.memory_space<hbm>>) target(%dma_start3A_1086 : memref<80xf32, #tpu.memory_space<vmem>>) offsets(%dma_start3A_1089 : memref<80xi32, #tpu.memory_space<vmem>>) semaphore(%arg12 : memref<!tpu.dma_semaphore, #tpu.memory_space<semaphore_mem>>)
    %dma_start3A_1095 = arith.constant 0 : i32
    %dma_start3A_1096 = arith.constant 1 : i32
    %dma_start3A_1097 = arith.constant 6 : i32
    %dma_start3A_1098 = arith.constant 80 : i32
    %dma_start3A_1099 = tpu.memref_slice %arg11[%dma_start3A_1097, %dma_start3A_1098] : memref<57x160xf32, #tpu.memory_space<vmem>> -> memref<1x80xf32, #tpu.memory_space<vmem>>
    %dma_start3A_1100 = tpu.memref_squeeze %dma_start3A_1099 : memref<1x80xf32, #tpu.memory_space<vmem>> -> memref<80xf32, #tpu.memory_space<vmem>>
    %dma_start3A_1101 = arith.constant 0 : i32
    %dma_start3A_1102 = tpu.memref_slice %arg10[%dma_start3A_1096, %dma_start3A_1101] : memref<2x80xi32, #tpu.memory_space<vmem>> -> memref<1x80xi32, #tpu.memory_space<vmem>>
    %dma_start3A_1103 = tpu.memref_squeeze %dma_start3A_1102 : memref<1x80xi32, #tpu.memory_space<vmem>> -> memref<80xi32, #tpu.memory_space<vmem>>
    %dma_start3A_1104 = arith.constant 0 : i32
    %dma_start3A_1105 = tpu.memref_slice %arg6[%dma_start3A_1095, %dma_start3A_1104] : memref<51x320000xf32, #tpu.memory_space<hbm>> -> memref<1x320000xf32, #tpu.memory_space<hbm>>
    %dma_start3A_1106 = tpu.memref_squeeze %dma_start3A_1105 : memref<1x320000xf32, #tpu.memory_space<hbm>> -> memref<320000xf32, #tpu.memory_space<hbm>>
    %dma_start3A_1107 = arith.constant 0 : i32
    %dma_start3A_1108 = tpu.memref_slice %dma_start3A_1106[%dma_start3A_1107] : memref<320000xf32, #tpu.memory_space<hbm>> -> memref<320000xf32, #tpu.memory_space<hbm>>
    tpu.enqueue_indirect_dma source(%dma_start3A_1108 : memref<320000xf32, #tpu.memory_space<hbm>>) target(%dma_start3A_1100 : memref<80xf32, #tpu.memory_space<vmem>>) offsets(%dma_start3A_1103 : memref<80xi32, #tpu.memory_space<vmem>>) semaphore(%arg12 : memref<!tpu.dma_semaphore, #tpu.memory_space<semaphore_mem>>)
    %dma_start3A_1109 = arith.constant 1 : i32
    %dma_start3A_1110 = arith.constant 1 : i32
    %dma_start3A_1111 = arith.constant 7 : i32
    %dma_start3A_1112 = arith.constant 80 : i32
    %dma_start3A_1113 = tpu.memref_slice %arg11[%dma_start3A_1111, %dma_start3A_1112] : memref<57x160xf32, #tpu.memory_space<vmem>> -> memref<1x80xf32, #tpu.memory_space<vmem>>
    %dma_start3A_1114 = tpu.memref_squeeze %dma_start3A_1113 : memref<1x80xf32, #tpu.memory_space<vmem>> -> memref<80xf32, #tpu.memory_space<vmem>>
    %dma_start3A_1115 = arith.constant 0 : i32
    %dma_start3A_1116 = tpu.memref_slice %arg10[%dma_start3A_1110, %dma_start3A_1115] : memref<2x80xi32, #tpu.memory_space<vmem>> -> memref<1x80xi32, #tpu.memory_space<vmem>>
    %dma_start3A_1117 = tpu.memref_squeeze %dma_start3A_1116 : memref<1x80xi32, #tpu.memory_space<vmem>> -> memref<80xi32, #tpu.memory_space<vmem>>
    %dma_start3A_1118 = arith.constant 0 : i32
    %dma_start3A_1119 = tpu.memref_slice %arg6[%dma_start3A_1109, %dma_start3A_1118] : memref<51x320000xf32, #tpu.memory_space<hbm>> -> memref<1x320000xf32, #tpu.memory_space<hbm>>
    %dma_start3A_1120 = tpu.memref_squeeze %dma_start3A_1119 : memref<1x320000xf32, #tpu.memory_space<hbm>> -> memref<320000xf32, #tpu.memory_space<hbm>>
    %dma_start3A_1121 = arith.constant 0 : i32
    %dma_start3A_1122 = tpu.memref_slice %dma_start3A_1120[%dma_start3A_1121] : memref<320000xf32, #tpu.memory_space<hbm>> -> memref<320000xf32, #tpu.memory_space<hbm>>
    tpu.enqueue_indirect_dma source(%dma_start3A_1122 : memref<320000xf32, #tpu.memory_space<hbm>>) target(%dma_start3A_1114 : memref<80xf32, #tpu.memory_space<vmem>>) offsets(%dma_start3A_1117 : memref<80xi32, #tpu.memory_space<vmem>>) semaphore(%arg12 : memref<!tpu.dma_semaphore, #tpu.memory_space<semaphore_mem>>)
    %dma_start3A_1123 = arith.constant 2 : i32
    %dma_start3A_1124 = arith.constant 1 : i32
    %dma_start3A_1125 = arith.constant 8 : i32
    %dma_start3A_1126 = arith.constant 80 : i32
    %dma_start3A_1127 = tpu.memref_slice %arg11[%dma_start3A_1125, %dma_start3A_1126] : memref<57x160xf32, #tpu.memory_space<vmem>> -> memref<1x80xf32, #tpu.memory_space<vmem>>
    %dma_start3A_1128 = tpu.memref_squeeze %dma_start3A_1127 : memref<1x80xf32, #tpu.memory_space<vmem>> -> memref<80xf32, #tpu.memory_space<vmem>>
    %dma_start3A_1129 = arith.constant 0 : i32
    %dma_start3A_1130 = tpu.memref_slice %arg10[%dma_start3A_1124, %dma_start3A_1129] : memref<2x80xi32, #tpu.memory_space<vmem>> -> memref<1x80xi32, #tpu.memory_space<vmem>>
    %dma_start3A_1131 = tpu.memref_squeeze %dma_start3A_1130 : memref<1x80xi32, #tpu.memory_space<vmem>> -> memref<80xi32, #tpu.memory_space<vmem>>
    %dma_start3A_1132 = arith.constant 0 : i32
    %dma_start3A_1133 = tpu.memref_slice %arg6[%dma_start3A_1123, %dma_start3A_1132] : memref<51x320000xf32, #tpu.memory_space<hbm>> -> memref<1x320000xf32, #tpu.memory_space<hbm>>
    %dma_start3A_1134 = tpu.memref_squeeze %dma_start3A_1133 : memref<1x320000xf32, #tpu.memory_space<hbm>> -> memref<320000xf32, #tpu.memory_space<hbm>>
    %dma_start3A_1135 = arith.constant 0 : i32
    %dma_start3A_1136 = tpu.memref_slice %dma_start3A_1134[%dma_start3A_1135] : memref<320000xf32, #tpu.memory_space<hbm>> -> memref<320000xf32, #tpu.memory_space<hbm>>
    tpu.enqueue_indirect_dma source(%dma_start3A_1136 : memref<320000xf32, #tpu.memory_space<hbm>>) target(%dma_start3A_1128 : memref<80xf32, #tpu.memory_space<vmem>>) offsets(%dma_start3A_1131 : memref<80xi32, #tpu.memory_space<vmem>>) semaphore(%arg12 : memref<!tpu.dma_semaphore, #tpu.memory_space<semaphore_mem>>)
    %dma_start3A_1137 = arith.constant 3 : i32
    %dma_start3A_1138 = arith.constant 1 : i32
    %dma_start3A_1139 = arith.constant 9 : i32
    %dma_start3A_1140 = arith.constant 80 : i32
    %dma_start3A_1141 = tpu.memref_slice %arg11[%dma_start3A_1139, %dma_start3A_1140] : memref<57x160xf32, #tpu.memory_space<vmem>> -> memref<1x80xf32, #tpu.memory_space<vmem>>
    %dma_start3A_1142 = tpu.memref_squeeze %dma_start3A_1141 : memref<1x80xf32, #tpu.memory_space<vmem>> -> memref<80xf32, #tpu.memory_space<vmem>>
    %dma_start3A_1143 = arith.constant 0 : i32
    %dma_start3A_1144 = tpu.memref_slice %arg10[%dma_start3A_1138, %dma_start3A_1143] : memref<2x80xi32, #tpu.memory_space<vmem>> -> memref<1x80xi32, #tpu.memory_space<vmem>>
    %dma_start3A_1145 = tpu.memref_squeeze %dma_start3A_1144 : memref<1x80xi32, #tpu.memory_space<vmem>> -> memref<80xi32, #tpu.memory_space<vmem>>
    %dma_start3A_1146 = arith.constant 0 : i32
    %dma_start3A_1147 = tpu.memref_slice %arg6[%dma_start3A_1137, %dma_start3A_1146] : memref<51x320000xf32, #tpu.memory_space<hbm>> -> memref<1x320000xf32, #tpu.memory_space<hbm>>
    %dma_start3A_1148 = tpu.memref_squeeze %dma_start3A_1147 : memref<1x320000xf32, #tpu.memory_space<hbm>> -> memref<320000xf32, #tpu.memory_space<hbm>>
    %dma_start3A_1149 = arith.constant 0 : i32
    %dma_start3A_1150 = tpu.memref_slice %dma_start3A_1148[%dma_start3A_1149] : memref<320000xf32, #tpu.memory_space<hbm>> -> memref<320000xf32, #tpu.memory_space<hbm>>
    tpu.enqueue_indirect_dma source(%dma_start3A_1150 : memref<320000xf32, #tpu.memory_space<hbm>>) target(%dma_start3A_1142 : memref<80xf32, #tpu.memory_space<vmem>>) offsets(%dma_start3A_1145 : memref<80xi32, #tpu.memory_space<vmem>>) semaphore(%arg12 : memref<!tpu.dma_semaphore, #tpu.memory_space<semaphore_mem>>)
    %dma_start3A_1151 = arith.constant 4 : i32
    %dma_start3A_1152 = arith.constant 1 : i32
    %dma_start3A_1153 = arith.constant 10 : i32
    %dma_start3A_1154 = arith.constant 80 : i32
    %dma_start3A_1155 = tpu.memref_slice %arg11[%dma_start3A_1153, %dma_start3A_1154] : memref<57x160xf32, #tpu.memory_space<vmem>> -> memref<1x80xf32, #tpu.memory_space<vmem>>
    %dma_start3A_1156 = tpu.memref_squeeze %dma_start3A_1155 : memref<1x80xf32, #tpu.memory_space<vmem>> -> memref<80xf32, #tpu.memory_space<vmem>>
    %dma_start3A_1157 = arith.constant 0 : i32
    %dma_start3A_1158 = tpu.memref_slice %arg10[%dma_start3A_1152, %dma_start3A_1157] : memref<2x80xi32, #tpu.memory_space<vmem>> -> memref<1x80xi32, #tpu.memory_space<vmem>>
    %dma_start3A_1159 = tpu.memref_squeeze %dma_start3A_1158 : memref<1x80xi32, #tpu.memory_space<vmem>> -> memref<80xi32, #tpu.memory_space<vmem>>
    %dma_start3A_1160 = arith.constant 0 : i32
    %dma_start3A_1161 = tpu.memref_slice %arg6[%dma_start3A_1151, %dma_start3A_1160] : memref<51x320000xf32, #tpu.memory_space<hbm>> -> memref<1x320000xf32, #tpu.memory_space<hbm>>
    %dma_start3A_1162 = tpu.memref_squeeze %dma_start3A_1161 : memref<1x320000xf32, #tpu.memory_space<hbm>> -> memref<320000xf32, #tpu.memory_space<hbm>>
    %dma_start3A_1163 = arith.constant 0 : i32
    %dma_start3A_1164 = tpu.memref_slice %dma_start3A_1162[%dma_start3A_1163] : memref<320000xf32, #tpu.memory_space<hbm>> -> memref<320000xf32, #tpu.memory_space<hbm>>
    tpu.enqueue_indirect_dma source(%dma_start3A_1164 : memref<320000xf32, #tpu.memory_space<hbm>>) target(%dma_start3A_1156 : memref<80xf32, #tpu.memory_space<vmem>>) offsets(%dma_start3A_1159 : memref<80xi32, #tpu.memory_space<vmem>>) semaphore(%arg12 : memref<!tpu.dma_semaphore, #tpu.memory_space<semaphore_mem>>)
    %dma_start3A_1165 = arith.constant 5 : i32
    %dma_start3A_1166 = arith.constant 1 : i32
    %dma_start3A_1167 = arith.constant 11 : i32
    %dma_start3A_1168 = arith.constant 80 : i32
    %dma_start3A_1169 = tpu.memref_slice %arg11[%dma_start3A_1167, %dma_start3A_1168] : memref<57x160xf32, #tpu.memory_space<vmem>> -> memref<1x80xf32, #tpu.memory_space<vmem>>
    %dma_start3A_1170 = tpu.memref_squeeze %dma_start3A_1169 : memref<1x80xf32, #tpu.memory_space<vmem>> -> memref<80xf32, #tpu.memory_space<vmem>>
    %dma_start3A_1171 = arith.constant 0 : i32
    %dma_start3A_1172 = tpu.memref_slice %arg10[%dma_start3A_1166, %dma_start3A_1171] : memref<2x80xi32, #tpu.memory_space<vmem>> -> memref<1x80xi32, #tpu.memory_space<vmem>>
    %dma_start3A_1173 = tpu.memref_squeeze %dma_start3A_1172 : memref<1x80xi32, #tpu.memory_space<vmem>> -> memref<80xi32, #tpu.memory_space<vmem>>
    %dma_start3A_1174 = arith.constant 0 : i32
    %dma_start3A_1175 = tpu.memref_slice %arg6[%dma_start3A_1165, %dma_start3A_1174] : memref<51x320000xf32, #tpu.memory_space<hbm>> -> memref<1x320000xf32, #tpu.memory_space<hbm>>
    %dma_start3A_1176 = tpu.memref_squeeze %dma_start3A_1175 : memref<1x320000xf32, #tpu.memory_space<hbm>> -> memref<320000xf32, #tpu.memory_space<hbm>>
    %dma_start3A_1177 = arith.constant 0 : i32
    %dma_start3A_1178 = tpu.memref_slice %dma_start3A_1176[%dma_start3A_1177] : memref<320000xf32, #tpu.memory_space<hbm>> -> memref<320000xf32, #tpu.memory_space<hbm>>
    tpu.enqueue_indirect_dma source(%dma_start3A_1178 : memref<320000xf32, #tpu.memory_space<hbm>>) target(%dma_start3A_1170 : memref<80xf32, #tpu.memory_space<vmem>>) offsets(%dma_start3A_1173 : memref<80xi32, #tpu.memory_space<vmem>>) semaphore(%arg12 : memref<!tpu.dma_semaphore, #tpu.memory_space<semaphore_mem>>)
    %dma_start3A_1179 = arith.constant 6 : i32
    %dma_start3A_1180 = arith.constant 1 : i32
    %dma_start3A_1181 = arith.constant 12 : i32
    %dma_start3A_1182 = arith.constant 80 : i32
    %dma_start3A_1183 = tpu.memref_slice %arg11[%dma_start3A_1181, %dma_start3A_1182] : memref<57x160xf32, #tpu.memory_space<vmem>> -> memref<1x80xf32, #tpu.memory_space<vmem>>
    %dma_start3A_1184 = tpu.memref_squeeze %dma_start3A_1183 : memref<1x80xf32, #tpu.memory_space<vmem>> -> memref<80xf32, #tpu.memory_space<vmem>>
    %dma_start3A_1185 = arith.constant 0 : i32
    %dma_start3A_1186 = tpu.memref_slice %arg10[%dma_start3A_1180, %dma_start3A_1185] : memref<2x80xi32, #tpu.memory_space<vmem>> -> memref<1x80xi32, #tpu.memory_space<vmem>>
    %dma_start3A_1187 = tpu.memref_squeeze %dma_start3A_1186 : memref<1x80xi32, #tpu.memory_space<vmem>> -> memref<80xi32, #tpu.memory_space<vmem>>
    %dma_start3A_1188 = arith.constant 0 : i32
    %dma_start3A_1189 = tpu.memref_slice %arg6[%dma_start3A_1179, %dma_start3A_1188] : memref<51x320000xf32, #tpu.memory_space<hbm>> -> memref<1x320000xf32, #tpu.memory_space<hbm>>
    %dma_start3A_1190 = tpu.memref_squeeze %dma_start3A_1189 : memref<1x320000xf32, #tpu.memory_space<hbm>> -> memref<320000xf32, #tpu.memory_space<hbm>>
    %dma_start3A_1191 = arith.constant 0 : i32
    %dma_start3A_1192 = tpu.memref_slice %dma_start3A_1190[%dma_start3A_1191] : memref<320000xf32, #tpu.memory_space<hbm>> -> memref<320000xf32, #tpu.memory_space<hbm>>
    tpu.enqueue_indirect_dma source(%dma_start3A_1192 : memref<320000xf32, #tpu.memory_space<hbm>>) target(%dma_start3A_1184 : memref<80xf32, #tpu.memory_space<vmem>>) offsets(%dma_start3A_1187 : memref<80xi32, #tpu.memory_space<vmem>>) semaphore(%arg12 : memref<!tpu.dma_semaphore, #tpu.memory_space<semaphore_mem>>)
    %dma_start3A_1193 = arith.constant 7 : i32
    %dma_start3A_1194 = arith.constant 1 : i32
    %dma_start3A_1195 = arith.constant 13 : i32
    %dma_start3A_1196 = arith.constant 80 : i32
    %dma_start3A_1197 = tpu.memref_slice %arg11[%dma_start3A_1195, %dma_start3A_1196] : memref<57x160xf32, #tpu.memory_space<vmem>> -> memref<1x80xf32, #tpu.memory_space<vmem>>
    %dma_start3A_1198 = tpu.memref_squeeze %dma_start3A_1197 : memref<1x80xf32, #tpu.memory_space<vmem>> -> memref<80xf32, #tpu.memory_space<vmem>>
    %dma_start3A_1199 = arith.constant 0 : i32
    %dma_start3A_1200 = tpu.memref_slice %arg10[%dma_start3A_1194, %dma_start3A_1199] : memref<2x80xi32, #tpu.memory_space<vmem>> -> memref<1x80xi32, #tpu.memory_space<vmem>>
    %dma_start3A_1201 = tpu.memref_squeeze %dma_start3A_1200 : memref<1x80xi32, #tpu.memory_space<vmem>> -> memref<80xi32, #tpu.memory_space<vmem>>
    %dma_start3A_1202 = arith.constant 0 : i32
    %dma_start3A_1203 = tpu.memref_slice %arg6[%dma_start3A_1193, %dma_start3A_1202] : memref<51x320000xf32, #tpu.memory_space<hbm>> -> memref<1x320000xf32, #tpu.memory_space<hbm>>
    %dma_start3A_1204 = tpu.memref_squeeze %dma_start3A_1203 : memref<1x320000xf32, #tpu.memory_space<hbm>> -> memref<320000xf32, #tpu.memory_space<hbm>>
    %dma_start3A_1205 = arith.constant 0 : i32
    %dma_start3A_1206 = tpu.memref_slice %dma_start3A_1204[%dma_start3A_1205] : memref<320000xf32, #tpu.memory_space<hbm>> -> memref<320000xf32, #tpu.memory_space<hbm>>
    tpu.enqueue_indirect_dma source(%dma_start3A_1206 : memref<320000xf32, #tpu.memory_space<hbm>>) target(%dma_start3A_1198 : memref<80xf32, #tpu.memory_space<vmem>>) offsets(%dma_start3A_1201 : memref<80xi32, #tpu.memory_space<vmem>>) semaphore(%arg12 : memref<!tpu.dma_semaphore, #tpu.memory_space<semaphore_mem>>)
    %dma_start3A_1207 = arith.constant 8 : i32
    %dma_start3A_1208 = arith.constant 1 : i32
    %dma_start3A_1209 = arith.constant 14 : i32
    %dma_start3A_1210 = arith.constant 80 : i32
    %dma_start3A_1211 = tpu.memref_slice %arg11[%dma_start3A_1209, %dma_start3A_1210] : memref<57x160xf32, #tpu.memory_space<vmem>> -> memref<1x80xf32, #tpu.memory_space<vmem>>
    %dma_start3A_1212 = tpu.memref_squeeze %dma_start3A_1211 : memref<1x80xf32, #tpu.memory_space<vmem>> -> memref<80xf32, #tpu.memory_space<vmem>>
    %dma_start3A_1213 = arith.constant 0 : i32
    %dma_start3A_1214 = tpu.memref_slice %arg10[%dma_start3A_1208, %dma_start3A_1213] : memref<2x80xi32, #tpu.memory_space<vmem>> -> memref<1x80xi32, #tpu.memory_space<vmem>>
    %dma_start3A_1215 = tpu.memref_squeeze %dma_start3A_1214 : memref<1x80xi32, #tpu.memory_space<vmem>> -> memref<80xi32, #tpu.memory_space<vmem>>
    %dma_start3A_1216 = arith.constant 0 : i32
    %dma_start3A_1217 = tpu.memref_slice %arg6[%dma_start3A_1207, %dma_start3A_1216] : memref<51x320000xf32, #tpu.memory_space<hbm>> -> memref<1x320000xf32, #tpu.memory_space<hbm>>
    %dma_start3A_1218 = tpu.memref_squeeze %dma_start3A_1217 : memref<1x320000xf32, #tpu.memory_space<hbm>> -> memref<320000xf32, #tpu.memory_space<hbm>>
    %dma_start3A_1219 = arith.constant 0 : i32
    %dma_start3A_1220 = tpu.memref_slice %dma_start3A_1218[%dma_start3A_1219] : memref<320000xf32, #tpu.memory_space<hbm>> -> memref<320000xf32, #tpu.memory_space<hbm>>
    tpu.enqueue_indirect_dma source(%dma_start3A_1220 : memref<320000xf32, #tpu.memory_space<hbm>>) target(%dma_start3A_1212 : memref<80xf32, #tpu.memory_space<vmem>>) offsets(%dma_start3A_1215 : memref<80xi32, #tpu.memory_space<vmem>>) semaphore(%arg12 : memref<!tpu.dma_semaphore, #tpu.memory_space<semaphore_mem>>)
    %dma_start3A_1221 = arith.constant 9 : i32
    %dma_start3A_1222 = arith.constant 1 : i32
    %dma_start3A_1223 = arith.constant 15 : i32
    %dma_start3A_1224 = arith.constant 80 : i32
    %dma_start3A_1225 = tpu.memref_slice %arg11[%dma_start3A_1223, %dma_start3A_1224] : memref<57x160xf32, #tpu.memory_space<vmem>> -> memref<1x80xf32, #tpu.memory_space<vmem>>
    %dma_start3A_1226 = tpu.memref_squeeze %dma_start3A_1225 : memref<1x80xf32, #tpu.memory_space<vmem>> -> memref<80xf32, #tpu.memory_space<vmem>>
    %dma_start3A_1227 = arith.constant 0 : i32
    %dma_start3A_1228 = tpu.memref_slice %arg10[%dma_start3A_1222, %dma_start3A_1227] : memref<2x80xi32, #tpu.memory_space<vmem>> -> memref<1x80xi32, #tpu.memory_space<vmem>>
    %dma_start3A_1229 = tpu.memref_squeeze %dma_start3A_1228 : memref<1x80xi32, #tpu.memory_space<vmem>> -> memref<80xi32, #tpu.memory_space<vmem>>
    %dma_start3A_1230 = arith.constant 0 : i32
    %dma_start3A_1231 = tpu.memref_slice %arg6[%dma_start3A_1221, %dma_start3A_1230] : memref<51x320000xf32, #tpu.memory_space<hbm>> -> memref<1x320000xf32, #tpu.memory_space<hbm>>
    %dma_start3A_1232 = tpu.memref_squeeze %dma_start3A_1231 : memref<1x320000xf32, #tpu.memory_space<hbm>> -> memref<320000xf32, #tpu.memory_space<hbm>>
    %dma_start3A_1233 = arith.constant 0 : i32
    %dma_start3A_1234 = tpu.memref_slice %dma_start3A_1232[%dma_start3A_1233] : memref<320000xf32, #tpu.memory_space<hbm>> -> memref<320000xf32, #tpu.memory_space<hbm>>
    tpu.enqueue_indirect_dma source(%dma_start3A_1234 : memref<320000xf32, #tpu.memory_space<hbm>>) target(%dma_start3A_1226 : memref<80xf32, #tpu.memory_space<vmem>>) offsets(%dma_start3A_1229 : memref<80xi32, #tpu.memory_space<vmem>>) semaphore(%arg12 : memref<!tpu.dma_semaphore, #tpu.memory_space<semaphore_mem>>)
    %dma_start3A_1235 = arith.constant 10 : i32
    %dma_start3A_1236 = arith.constant 1 : i32
    %dma_start3A_1237 = arith.constant 16 : i32
    %dma_start3A_1238 = arith.constant 80 : i32
    %dma_start3A_1239 = tpu.memref_slice %arg11[%dma_start3A_1237, %dma_start3A_1238] : memref<57x160xf32, #tpu.memory_space<vmem>> -> memref<1x80xf32, #tpu.memory_space<vmem>>
    %dma_start3A_1240 = tpu.memref_squeeze %dma_start3A_1239 : memref<1x80xf32, #tpu.memory_space<vmem>> -> memref<80xf32, #tpu.memory_space<vmem>>
    %dma_start3A_1241 = arith.constant 0 : i32
    %dma_start3A_1242 = tpu.memref_slice %arg10[%dma_start3A_1236, %dma_start3A_1241] : memref<2x80xi32, #tpu.memory_space<vmem>> -> memref<1x80xi32, #tpu.memory_space<vmem>>
    %dma_start3A_1243 = tpu.memref_squeeze %dma_start3A_1242 : memref<1x80xi32, #tpu.memory_space<vmem>> -> memref<80xi32, #tpu.memory_space<vmem>>
    %dma_start3A_1244 = arith.constant 0 : i32
    %dma_start3A_1245 = tpu.memref_slice %arg6[%dma_start3A_1235, %dma_start3A_1244] : memref<51x320000xf32, #tpu.memory_space<hbm>> -> memref<1x320000xf32, #tpu.memory_space<hbm>>
    %dma_start3A_1246 = tpu.memref_squeeze %dma_start3A_1245 : memref<1x320000xf32, #tpu.memory_space<hbm>> -> memref<320000xf32, #tpu.memory_space<hbm>>
    %dma_start3A_1247 = arith.constant 0 : i32
    %dma_start3A_1248 = tpu.memref_slice %dma_start3A_1246[%dma_start3A_1247] : memref<320000xf32, #tpu.memory_space<hbm>> -> memref<320000xf32, #tpu.memory_space<hbm>>
    tpu.enqueue_indirect_dma source(%dma_start3A_1248 : memref<320000xf32, #tpu.memory_space<hbm>>) target(%dma_start3A_1240 : memref<80xf32, #tpu.memory_space<vmem>>) offsets(%dma_start3A_1243 : memref<80xi32, #tpu.memory_space<vmem>>) semaphore(%arg12 : memref<!tpu.dma_semaphore, #tpu.memory_space<semaphore_mem>>)
    %dma_start3A_1249 = arith.constant 11 : i32
    %dma_start3A_1250 = arith.constant 1 : i32
    %dma_start3A_1251 = arith.constant 17 : i32
    %dma_start3A_1252 = arith.constant 80 : i32
    %dma_start3A_1253 = tpu.memref_slice %arg11[%dma_start3A_1251, %dma_start3A_1252] : memref<57x160xf32, #tpu.memory_space<vmem>> -> memref<1x80xf32, #tpu.memory_space<vmem>>
    %dma_start3A_1254 = tpu.memref_squeeze %dma_start3A_1253 : memref<1x80xf32, #tpu.memory_space<vmem>> -> memref<80xf32, #tpu.memory_space<vmem>>
    %dma_start3A_1255 = arith.constant 0 : i32
    %dma_start3A_1256 = tpu.memref_slice %arg10[%dma_start3A_1250, %dma_start3A_1255] : memref<2x80xi32, #tpu.memory_space<vmem>> -> memref<1x80xi32, #tpu.memory_space<vmem>>
    %dma_start3A_1257 = tpu.memref_squeeze %dma_start3A_1256 : memref<1x80xi32, #tpu.memory_space<vmem>> -> memref<80xi32, #tpu.memory_space<vmem>>
    %dma_start3A_1258 = arith.constant 0 : i32
    %dma_start3A_1259 = tpu.memref_slice %arg6[%dma_start3A_1249, %dma_start3A_1258] : memref<51x320000xf32, #tpu.memory_space<hbm>> -> memref<1x320000xf32, #tpu.memory_space<hbm>>
    %dma_start3A_1260 = tpu.memref_squeeze %dma_start3A_1259 : memref<1x320000xf32, #tpu.memory_space<hbm>> -> memref<320000xf32, #tpu.memory_space<hbm>>
    %dma_start3A_1261 = arith.constant 0 : i32
    %dma_start3A_1262 = tpu.memref_slice %dma_start3A_1260[%dma_start3A_1261] : memref<320000xf32, #tpu.memory_space<hbm>> -> memref<320000xf32, #tpu.memory_space<hbm>>
    tpu.enqueue_indirect_dma source(%dma_start3A_1262 : memref<320000xf32, #tpu.memory_space<hbm>>) target(%dma_start3A_1254 : memref<80xf32, #tpu.memory_space<vmem>>) offsets(%dma_start3A_1257 : memref<80xi32, #tpu.memory_space<vmem>>) semaphore(%arg12 : memref<!tpu.dma_semaphore, #tpu.memory_space<semaphore_mem>>)
    %dma_start3A_1263 = arith.constant 12 : i32
    %dma_start3A_1264 = arith.constant 1 : i32
    %dma_start3A_1265 = arith.constant 18 : i32
    %dma_start3A_1266 = arith.constant 80 : i32
    %dma_start3A_1267 = tpu.memref_slice %arg11[%dma_start3A_1265, %dma_start3A_1266] : memref<57x160xf32, #tpu.memory_space<vmem>> -> memref<1x80xf32, #tpu.memory_space<vmem>>
    %dma_start3A_1268 = tpu.memref_squeeze %dma_start3A_1267 : memref<1x80xf32, #tpu.memory_space<vmem>> -> memref<80xf32, #tpu.memory_space<vmem>>
    %dma_start3A_1269 = arith.constant 0 : i32
    %dma_start3A_1270 = tpu.memref_slice %arg10[%dma_start3A_1264, %dma_start3A_1269] : memref<2x80xi32, #tpu.memory_space<vmem>> -> memref<1x80xi32, #tpu.memory_space<vmem>>
    %dma_start3A_1271 = tpu.memref_squeeze %dma_start3A_1270 : memref<1x80xi32, #tpu.memory_space<vmem>> -> memref<80xi32, #tpu.memory_space<vmem>>
    %dma_start3A_1272 = arith.constant 0 : i32
    %dma_start3A_1273 = tpu.memref_slice %arg6[%dma_start3A_1263, %dma_start3A_1272] : memref<51x320000xf32, #tpu.memory_space<hbm>> -> memref<1x320000xf32, #tpu.memory_space<hbm>>
    %dma_start3A_1274 = tpu.memref_squeeze %dma_start3A_1273 : memref<1x320000xf32, #tpu.memory_space<hbm>> -> memref<320000xf32, #tpu.memory_space<hbm>>
    %dma_start3A_1275 = arith.constant 0 : i32
    %dma_start3A_1276 = tpu.memref_slice %dma_start3A_1274[%dma_start3A_1275] : memref<320000xf32, #tpu.memory_space<hbm>> -> memref<320000xf32, #tpu.memory_space<hbm>>
    tpu.enqueue_indirect_dma source(%dma_start3A_1276 : memref<320000xf32, #tpu.memory_space<hbm>>) target(%dma_start3A_1268 : memref<80xf32, #tpu.memory_space<vmem>>) offsets(%dma_start3A_1271 : memref<80xi32, #tpu.memory_space<vmem>>) semaphore(%arg12 : memref<!tpu.dma_semaphore, #tpu.memory_space<semaphore_mem>>)
    %dma_start3A_1277 = arith.constant 13 : i32
    %dma_start3A_1278 = arith.constant 1 : i32
    %dma_start3A_1279 = arith.constant 19 : i32
    %dma_start3A_1280 = arith.constant 80 : i32
    %dma_start3A_1281 = tpu.memref_slice %arg11[%dma_start3A_1279, %dma_start3A_1280] : memref<57x160xf32, #tpu.memory_space<vmem>> -> memref<1x80xf32, #tpu.memory_space<vmem>>
    %dma_start3A_1282 = tpu.memref_squeeze %dma_start3A_1281 : memref<1x80xf32, #tpu.memory_space<vmem>> -> memref<80xf32, #tpu.memory_space<vmem>>
    %dma_start3A_1283 = arith.constant 0 : i32
    %dma_start3A_1284 = tpu.memref_slice %arg10[%dma_start3A_1278, %dma_start3A_1283] : memref<2x80xi32, #tpu.memory_space<vmem>> -> memref<1x80xi32, #tpu.memory_space<vmem>>
    %dma_start3A_1285 = tpu.memref_squeeze %dma_start3A_1284 : memref<1x80xi32, #tpu.memory_space<vmem>> -> memref<80xi32, #tpu.memory_space<vmem>>
    %dma_start3A_1286 = arith.constant 0 : i32
    %dma_start3A_1287 = tpu.memref_slice %arg6[%dma_start3A_1277, %dma_start3A_1286] : memref<51x320000xf32, #tpu.memory_space<hbm>> -> memref<1x320000xf32, #tpu.memory_space<hbm>>
    %dma_start3A_1288 = tpu.memref_squeeze %dma_start3A_1287 : memref<1x320000xf32, #tpu.memory_space<hbm>> -> memref<320000xf32, #tpu.memory_space<hbm>>
    %dma_start3A_1289 = arith.constant 0 : i32
    %dma_start3A_1290 = tpu.memref_slice %dma_start3A_1288[%dma_start3A_1289] : memref<320000xf32, #tpu.memory_space<hbm>> -> memref<320000xf32, #tpu.memory_space<hbm>>
    tpu.enqueue_indirect_dma source(%dma_start3A_1290 : memref<320000xf32, #tpu.memory_space<hbm>>) target(%dma_start3A_1282 : memref<80xf32, #tpu.memory_space<vmem>>) offsets(%dma_start3A_1285 : memref<80xi32, #tpu.memory_space<vmem>>) semaphore(%arg12 : memref<!tpu.dma_semaphore, #tpu.memory_space<semaphore_mem>>)
    %dma_start3A_1291 = arith.constant 14 : i32
    %dma_start3A_1292 = arith.constant 1 : i32
    %dma_start3A_1293 = arith.constant 20 : i32
    %dma_start3A_1294 = arith.constant 80 : i32
    %dma_start3A_1295 = tpu.memref_slice %arg11[%dma_start3A_1293, %dma_start3A_1294] : memref<57x160xf32, #tpu.memory_space<vmem>> -> memref<1x80xf32, #tpu.memory_space<vmem>>
    %dma_start3A_1296 = tpu.memref_squeeze %dma_start3A_1295 : memref<1x80xf32, #tpu.memory_space<vmem>> -> memref<80xf32, #tpu.memory_space<vmem>>
    %dma_start3A_1297 = arith.constant 0 : i32
    %dma_start3A_1298 = tpu.memref_slice %arg10[%dma_start3A_1292, %dma_start3A_1297] : memref<2x80xi32, #tpu.memory_space<vmem>> -> memref<1x80xi32, #tpu.memory_space<vmem>>
    %dma_start3A_1299 = tpu.memref_squeeze %dma_start3A_1298 : memref<1x80xi32, #tpu.memory_space<vmem>> -> memref<80xi32, #tpu.memory_space<vmem>>
    %dma_start3A_1300 = arith.constant 0 : i32
    %dma_start3A_1301 = tpu.memref_slice %arg6[%dma_start3A_1291, %dma_start3A_1300] : memref<51x320000xf32, #tpu.memory_space<hbm>> -> memref<1x320000xf32, #tpu.memory_space<hbm>>
    %dma_start3A_1302 = tpu.memref_squeeze %dma_start3A_1301 : memref<1x320000xf32, #tpu.memory_space<hbm>> -> memref<320000xf32, #tpu.memory_space<hbm>>
    %dma_start3A_1303 = arith.constant 0 : i32
    %dma_start3A_1304 = tpu.memref_slice %dma_start3A_1302[%dma_start3A_1303] : memref<320000xf32, #tpu.memory_space<hbm>> -> memref<320000xf32, #tpu.memory_space<hbm>>
    tpu.enqueue_indirect_dma source(%dma_start3A_1304 : memref<320000xf32, #tpu.memory_space<hbm>>) target(%dma_start3A_1296 : memref<80xf32, #tpu.memory_space<vmem>>) offsets(%dma_start3A_1299 : memref<80xi32, #tpu.memory_space<vmem>>) semaphore(%arg12 : memref<!tpu.dma_semaphore, #tpu.memory_space<semaphore_mem>>)
    %dma_start3A_1305 = arith.constant 15 : i32
    %dma_start3A_1306 = arith.constant 1 : i32
    %dma_start3A_1307 = arith.constant 21 : i32
    %dma_start3A_1308 = arith.constant 80 : i32
    %dma_start3A_1309 = tpu.memref_slice %arg11[%dma_start3A_1307, %dma_start3A_1308] : memref<57x160xf32, #tpu.memory_space<vmem>> -> memref<1x80xf32, #tpu.memory_space<vmem>>
    %dma_start3A_1310 = tpu.memref_squeeze %dma_start3A_1309 : memref<1x80xf32, #tpu.memory_space<vmem>> -> memref<80xf32, #tpu.memory_space<vmem>>
    %dma_start3A_1311 = arith.constant 0 : i32
    %dma_start3A_1312 = tpu.memref_slice %arg10[%dma_start3A_1306, %dma_start3A_1311] : memref<2x80xi32, #tpu.memory_space<vmem>> -> memref<1x80xi32, #tpu.memory_space<vmem>>
    %dma_start3A_1313 = tpu.memref_squeeze %dma_start3A_1312 : memref<1x80xi32, #tpu.memory_space<vmem>> -> memref<80xi32, #tpu.memory_space<vmem>>
    %dma_start3A_1314 = arith.constant 0 : i32
    %dma_start3A_1315 = tpu.memref_slice %arg6[%dma_start3A_1305, %dma_start3A_1314] : memref<51x320000xf32, #tpu.memory_space<hbm>> -> memref<1x320000xf32, #tpu.memory_space<hbm>>
    %dma_start3A_1316 = tpu.memref_squeeze %dma_start3A_1315 : memref<1x320000xf32, #tpu.memory_space<hbm>> -> memref<320000xf32, #tpu.memory_space<hbm>>
    %dma_start3A_1317 = arith.constant 0 : i32
    %dma_start3A_1318 = tpu.memref_slice %dma_start3A_1316[%dma_start3A_1317] : memref<320000xf32, #tpu.memory_space<hbm>> -> memref<320000xf32, #tpu.memory_space<hbm>>
    tpu.enqueue_indirect_dma source(%dma_start3A_1318 : memref<320000xf32, #tpu.memory_space<hbm>>) target(%dma_start3A_1310 : memref<80xf32, #tpu.memory_space<vmem>>) offsets(%dma_start3A_1313 : memref<80xi32, #tpu.memory_space<vmem>>) semaphore(%arg12 : memref<!tpu.dma_semaphore, #tpu.memory_space<semaphore_mem>>)
    %dma_start3A_1319 = arith.constant 16 : i32
    %dma_start3A_1320 = arith.constant 1 : i32
    %dma_start3A_1321 = arith.constant 22 : i32
    %dma_start3A_1322 = arith.constant 80 : i32
    %dma_start3A_1323 = tpu.memref_slice %arg11[%dma_start3A_1321, %dma_start3A_1322] : memref<57x160xf32, #tpu.memory_space<vmem>> -> memref<1x80xf32, #tpu.memory_space<vmem>>
    %dma_start3A_1324 = tpu.memref_squeeze %dma_start3A_1323 : memref<1x80xf32, #tpu.memory_space<vmem>> -> memref<80xf32, #tpu.memory_space<vmem>>
    %dma_start3A_1325 = arith.constant 0 : i32
    %dma_start3A_1326 = tpu.memref_slice %arg10[%dma_start3A_1320, %dma_start3A_1325] : memref<2x80xi32, #tpu.memory_space<vmem>> -> memref<1x80xi32, #tpu.memory_space<vmem>>
    %dma_start3A_1327 = tpu.memref_squeeze %dma_start3A_1326 : memref<1x80xi32, #tpu.memory_space<vmem>> -> memref<80xi32, #tpu.memory_space<vmem>>
    %dma_start3A_1328 = arith.constant 0 : i32
    %dma_start3A_1329 = tpu.memref_slice %arg6[%dma_start3A_1319, %dma_start3A_1328] : memref<51x320000xf32, #tpu.memory_space<hbm>> -> memref<1x320000xf32, #tpu.memory_space<hbm>>
    %dma_start3A_1330 = tpu.memref_squeeze %dma_start3A_1329 : memref<1x320000xf32, #tpu.memory_space<hbm>> -> memref<320000xf32, #tpu.memory_space<hbm>>
    %dma_start3A_1331 = arith.constant 0 : i32
    %dma_start3A_1332 = tpu.memref_slice %dma_start3A_1330[%dma_start3A_1331] : memref<320000xf32, #tpu.memory_space<hbm>> -> memref<320000xf32, #tpu.memory_space<hbm>>
    tpu.enqueue_indirect_dma source(%dma_start3A_1332 : memref<320000xf32, #tpu.memory_space<hbm>>) target(%dma_start3A_1324 : memref<80xf32, #tpu.memory_space<vmem>>) offsets(%dma_start3A_1327 : memref<80xi32, #tpu.memory_space<vmem>>) semaphore(%arg12 : memref<!tpu.dma_semaphore, #tpu.memory_space<semaphore_mem>>)
    %dma_start3A_1333 = arith.constant 17 : i32
    %dma_start3A_1334 = arith.constant 1 : i32
    %dma_start3A_1335 = arith.constant 23 : i32
    %dma_start3A_1336 = arith.constant 80 : i32
    %dma_start3A_1337 = tpu.memref_slice %arg11[%dma_start3A_1335, %dma_start3A_1336] : memref<57x160xf32, #tpu.memory_space<vmem>> -> memref<1x80xf32, #tpu.memory_space<vmem>>
    %dma_start3A_1338 = tpu.memref_squeeze %dma_start3A_1337 : memref<1x80xf32, #tpu.memory_space<vmem>> -> memref<80xf32, #tpu.memory_space<vmem>>
    %dma_start3A_1339 = arith.constant 0 : i32
    %dma_start3A_1340 = tpu.memref_slice %arg10[%dma_start3A_1334, %dma_start3A_1339] : memref<2x80xi32, #tpu.memory_space<vmem>> -> memref<1x80xi32, #tpu.memory_space<vmem>>
    %dma_start3A_1341 = tpu.memref_squeeze %dma_start3A_1340 : memref<1x80xi32, #tpu.memory_space<vmem>> -> memref<80xi32, #tpu.memory_space<vmem>>
    %dma_start3A_1342 = arith.constant 0 : i32
    %dma_start3A_1343 = tpu.memref_slice %arg6[%dma_start3A_1333, %dma_start3A_1342] : memref<51x320000xf32, #tpu.memory_space<hbm>> -> memref<1x320000xf32, #tpu.memory_space<hbm>>
    %dma_start3A_1344 = tpu.memref_squeeze %dma_start3A_1343 : memref<1x320000xf32, #tpu.memory_space<hbm>> -> memref<320000xf32, #tpu.memory_space<hbm>>
    %dma_start3A_1345 = arith.constant 0 : i32
    %dma_start3A_1346 = tpu.memref_slice %dma_start3A_1344[%dma_start3A_1345] : memref<320000xf32, #tpu.memory_space<hbm>> -> memref<320000xf32, #tpu.memory_space<hbm>>
    tpu.enqueue_indirect_dma source(%dma_start3A_1346 : memref<320000xf32, #tpu.memory_space<hbm>>) target(%dma_start3A_1338 : memref<80xf32, #tpu.memory_space<vmem>>) offsets(%dma_start3A_1341 : memref<80xi32, #tpu.memory_space<vmem>>) semaphore(%arg12 : memref<!tpu.dma_semaphore, #tpu.memory_space<semaphore_mem>>)
    %dma_start3A_1347 = arith.constant 18 : i32
    %dma_start3A_1348 = arith.constant 1 : i32
    %dma_start3A_1349 = arith.constant 24 : i32
    %dma_start3A_1350 = arith.constant 80 : i32
    %dma_start3A_1351 = tpu.memref_slice %arg11[%dma_start3A_1349, %dma_start3A_1350] : memref<57x160xf32, #tpu.memory_space<vmem>> -> memref<1x80xf32, #tpu.memory_space<vmem>>
    %dma_start3A_1352 = tpu.memref_squeeze %dma_start3A_1351 : memref<1x80xf32, #tpu.memory_space<vmem>> -> memref<80xf32, #tpu.memory_space<vmem>>
    %dma_start3A_1353 = arith.constant 0 : i32
    %dma_start3A_1354 = tpu.memref_slice %arg10[%dma_start3A_1348, %dma_start3A_1353] : memref<2x80xi32, #tpu.memory_space<vmem>> -> memref<1x80xi32, #tpu.memory_space<vmem>>
    %dma_start3A_1355 = tpu.memref_squeeze %dma_start3A_1354 : memref<1x80xi32, #tpu.memory_space<vmem>> -> memref<80xi32, #tpu.memory_space<vmem>>
    %dma_start3A_1356 = arith.constant 0 : i32
    %dma_start3A_1357 = tpu.memref_slice %arg6[%dma_start3A_1347, %dma_start3A_1356] : memref<51x320000xf32, #tpu.memory_space<hbm>> -> memref<1x320000xf32, #tpu.memory_space<hbm>>
    %dma_start3A_1358 = tpu.memref_squeeze %dma_start3A_1357 : memref<1x320000xf32, #tpu.memory_space<hbm>> -> memref<320000xf32, #tpu.memory_space<hbm>>
    %dma_start3A_1359 = arith.constant 0 : i32
    %dma_start3A_1360 = tpu.memref_slice %dma_start3A_1358[%dma_start3A_1359] : memref<320000xf32, #tpu.memory_space<hbm>> -> memref<320000xf32, #tpu.memory_space<hbm>>
    tpu.enqueue_indirect_dma source(%dma_start3A_1360 : memref<320000xf32, #tpu.memory_space<hbm>>) target(%dma_start3A_1352 : memref<80xf32, #tpu.memory_space<vmem>>) offsets(%dma_start3A_1355 : memref<80xi32, #tpu.memory_space<vmem>>) semaphore(%arg12 : memref<!tpu.dma_semaphore, #tpu.memory_space<semaphore_mem>>)
    %dma_start3A_1361 = arith.constant 19 : i32
    %dma_start3A_1362 = arith.constant 1 : i32
    %dma_start3A_1363 = arith.constant 25 : i32
    %dma_start3A_1364 = arith.constant 80 : i32
    %dma_start3A_1365 = tpu.memref_slice %arg11[%dma_start3A_1363, %dma_start3A_1364] : memref<57x160xf32, #tpu.memory_space<vmem>> -> memref<1x80xf32, #tpu.memory_space<vmem>>
    %dma_start3A_1366 = tpu.memref_squeeze %dma_start3A_1365 : memref<1x80xf32, #tpu.memory_space<vmem>> -> memref<80xf32, #tpu.memory_space<vmem>>
    %dma_start3A_1367 = arith.constant 0 : i32
    %dma_start3A_1368 = tpu.memref_slice %arg10[%dma_start3A_1362, %dma_start3A_1367] : memref<2x80xi32, #tpu.memory_space<vmem>> -> memref<1x80xi32, #tpu.memory_space<vmem>>
    %dma_start3A_1369 = tpu.memref_squeeze %dma_start3A_1368 : memref<1x80xi32, #tpu.memory_space<vmem>> -> memref<80xi32, #tpu.memory_space<vmem>>
    %dma_start3A_1370 = arith.constant 0 : i32
    %dma_start3A_1371 = tpu.memref_slice %arg6[%dma_start3A_1361, %dma_start3A_1370] : memref<51x320000xf32, #tpu.memory_space<hbm>> -> memref<1x320000xf32, #tpu.memory_space<hbm>>
    %dma_start3A_1372 = tpu.memref_squeeze %dma_start3A_1371 : memref<1x320000xf32, #tpu.memory_space<hbm>> -> memref<320000xf32, #tpu.memory_space<hbm>>
    %dma_start3A_1373 = arith.constant 0 : i32
    %dma_start3A_1374 = tpu.memref_slice %dma_start3A_1372[%dma_start3A_1373] : memref<320000xf32, #tpu.memory_space<hbm>> -> memref<320000xf32, #tpu.memory_space<hbm>>
    tpu.enqueue_indirect_dma source(%dma_start3A_1374 : memref<320000xf32, #tpu.memory_space<hbm>>) target(%dma_start3A_1366 : memref<80xf32, #tpu.memory_space<vmem>>) offsets(%dma_start3A_1369 : memref<80xi32, #tpu.memory_space<vmem>>) semaphore(%arg12 : memref<!tpu.dma_semaphore, #tpu.memory_space<semaphore_mem>>)
    %dma_start3A_1375 = arith.constant 20 : i32
    %dma_start3A_1376 = arith.constant 1 : i32
    %dma_start3A_1377 = arith.constant 26 : i32
    %dma_start3A_1378 = arith.constant 80 : i32
    %dma_start3A_1379 = tpu.memref_slice %arg11[%dma_start3A_1377, %dma_start3A_1378] : memref<57x160xf32, #tpu.memory_space<vmem>> -> memref<1x80xf32, #tpu.memory_space<vmem>>
    %dma_start3A_1380 = tpu.memref_squeeze %dma_start3A_1379 : memref<1x80xf32, #tpu.memory_space<vmem>> -> memref<80xf32, #tpu.memory_space<vmem>>
    %dma_start3A_1381 = arith.constant 0 : i32
    %dma_start3A_1382 = tpu.memref_slice %arg10[%dma_start3A_1376, %dma_start3A_1381] : memref<2x80xi32, #tpu.memory_space<vmem>> -> memref<1x80xi32, #tpu.memory_space<vmem>>
    %dma_start3A_1383 = tpu.memref_squeeze %dma_start3A_1382 : memref<1x80xi32, #tpu.memory_space<vmem>> -> memref<80xi32, #tpu.memory_space<vmem>>
    %dma_start3A_1384 = arith.constant 0 : i32
    %dma_start3A_1385 = tpu.memref_slice %arg6[%dma_start3A_1375, %dma_start3A_1384] : memref<51x320000xf32, #tpu.memory_space<hbm>> -> memref<1x320000xf32, #tpu.memory_space<hbm>>
    %dma_start3A_1386 = tpu.memref_squeeze %dma_start3A_1385 : memref<1x320000xf32, #tpu.memory_space<hbm>> -> memref<320000xf32, #tpu.memory_space<hbm>>
    %dma_start3A_1387 = arith.constant 0 : i32
    %dma_start3A_1388 = tpu.memref_slice %dma_start3A_1386[%dma_start3A_1387] : memref<320000xf32, #tpu.memory_space<hbm>> -> memref<320000xf32, #tpu.memory_space<hbm>>
    tpu.enqueue_indirect_dma source(%dma_start3A_1388 : memref<320000xf32, #tpu.memory_space<hbm>>) target(%dma_start3A_1380 : memref<80xf32, #tpu.memory_space<vmem>>) offsets(%dma_start3A_1383 : memref<80xi32, #tpu.memory_space<vmem>>) semaphore(%arg12 : memref<!tpu.dma_semaphore, #tpu.memory_space<semaphore_mem>>)
    %dma_start3A_1389 = arith.constant 21 : i32
    %dma_start3A_1390 = arith.constant 1 : i32
    %dma_start3A_1391 = arith.constant 27 : i32
    %dma_start3A_1392 = arith.constant 80 : i32
    %dma_start3A_1393 = tpu.memref_slice %arg11[%dma_start3A_1391, %dma_start3A_1392] : memref<57x160xf32, #tpu.memory_space<vmem>> -> memref<1x80xf32, #tpu.memory_space<vmem>>
    %dma_start3A_1394 = tpu.memref_squeeze %dma_start3A_1393 : memref<1x80xf32, #tpu.memory_space<vmem>> -> memref<80xf32, #tpu.memory_space<vmem>>
    %dma_start3A_1395 = arith.constant 0 : i32
    %dma_start3A_1396 = tpu.memref_slice %arg10[%dma_start3A_1390, %dma_start3A_1395] : memref<2x80xi32, #tpu.memory_space<vmem>> -> memref<1x80xi32, #tpu.memory_space<vmem>>
    %dma_start3A_1397 = tpu.memref_squeeze %dma_start3A_1396 : memref<1x80xi32, #tpu.memory_space<vmem>> -> memref<80xi32, #tpu.memory_space<vmem>>
    %dma_start3A_1398 = arith.constant 0 : i32
    %dma_start3A_1399 = tpu.memref_slice %arg6[%dma_start3A_1389, %dma_start3A_1398] : memref<51x320000xf32, #tpu.memory_space<hbm>> -> memref<1x320000xf32, #tpu.memory_space<hbm>>
    %dma_start3A_1400 = tpu.memref_squeeze %dma_start3A_1399 : memref<1x320000xf32, #tpu.memory_space<hbm>> -> memref<320000xf32, #tpu.memory_space<hbm>>
    %dma_start3A_1401 = arith.constant 0 : i32
    %dma_start3A_1402 = tpu.memref_slice %dma_start3A_1400[%dma_start3A_1401] : memref<320000xf32, #tpu.memory_space<hbm>> -> memref<320000xf32, #tpu.memory_space<hbm>>
    tpu.enqueue_indirect_dma source(%dma_start3A_1402 : memref<320000xf32, #tpu.memory_space<hbm>>) target(%dma_start3A_1394 : memref<80xf32, #tpu.memory_space<vmem>>) offsets(%dma_start3A_1397 : memref<80xi32, #tpu.memory_space<vmem>>) semaphore(%arg12 : memref<!tpu.dma_semaphore, #tpu.memory_space<semaphore_mem>>)
    %dma_start3A_1403 = arith.constant 22 : i32
    %dma_start3A_1404 = arith.constant 1 : i32
    %dma_start3A_1405 = arith.constant 28 : i32
    %dma_start3A_1406 = arith.constant 80 : i32
    %dma_start3A_1407 = tpu.memref_slice %arg11[%dma_start3A_1405, %dma_start3A_1406] : memref<57x160xf32, #tpu.memory_space<vmem>> -> memref<1x80xf32, #tpu.memory_space<vmem>>
    %dma_start3A_1408 = tpu.memref_squeeze %dma_start3A_1407 : memref<1x80xf32, #tpu.memory_space<vmem>> -> memref<80xf32, #tpu.memory_space<vmem>>
    %dma_start3A_1409 = arith.constant 0 : i32
    %dma_start3A_1410 = tpu.memref_slice %arg10[%dma_start3A_1404, %dma_start3A_1409] : memref<2x80xi32, #tpu.memory_space<vmem>> -> memref<1x80xi32, #tpu.memory_space<vmem>>
    %dma_start3A_1411 = tpu.memref_squeeze %dma_start3A_1410 : memref<1x80xi32, #tpu.memory_space<vmem>> -> memref<80xi32, #tpu.memory_space<vmem>>
    %dma_start3A_1412 = arith.constant 0 : i32
    %dma_start3A_1413 = tpu.memref_slice %arg6[%dma_start3A_1403, %dma_start3A_1412] : memref<51x320000xf32, #tpu.memory_space<hbm>> -> memref<1x320000xf32, #tpu.memory_space<hbm>>
    %dma_start3A_1414 = tpu.memref_squeeze %dma_start3A_1413 : memref<1x320000xf32, #tpu.memory_space<hbm>> -> memref<320000xf32, #tpu.memory_space<hbm>>
    %dma_start3A_1415 = arith.constant 0 : i32
    %dma_start3A_1416 = tpu.memref_slice %dma_start3A_1414[%dma_start3A_1415] : memref<320000xf32, #tpu.memory_space<hbm>> -> memref<320000xf32, #tpu.memory_space<hbm>>
    tpu.enqueue_indirect_dma source(%dma_start3A_1416 : memref<320000xf32, #tpu.memory_space<hbm>>) target(%dma_start3A_1408 : memref<80xf32, #tpu.memory_space<vmem>>) offsets(%dma_start3A_1411 : memref<80xi32, #tpu.memory_space<vmem>>) semaphore(%arg12 : memref<!tpu.dma_semaphore, #tpu.memory_space<semaphore_mem>>)
    %dma_start3A_1417 = arith.constant 23 : i32
    %dma_start3A_1418 = arith.constant 1 : i32
    %dma_start3A_1419 = arith.constant 29 : i32
    %dma_start3A_1420 = arith.constant 80 : i32
    %dma_start3A_1421 = tpu.memref_slice %arg11[%dma_start3A_1419, %dma_start3A_1420] : memref<57x160xf32, #tpu.memory_space<vmem>> -> memref<1x80xf32, #tpu.memory_space<vmem>>
    %dma_start3A_1422 = tpu.memref_squeeze %dma_start3A_1421 : memref<1x80xf32, #tpu.memory_space<vmem>> -> memref<80xf32, #tpu.memory_space<vmem>>
    %dma_start3A_1423 = arith.constant 0 : i32
    %dma_start3A_1424 = tpu.memref_slice %arg10[%dma_start3A_1418, %dma_start3A_1423] : memref<2x80xi32, #tpu.memory_space<vmem>> -> memref<1x80xi32, #tpu.memory_space<vmem>>
    %dma_start3A_1425 = tpu.memref_squeeze %dma_start3A_1424 : memref<1x80xi32, #tpu.memory_space<vmem>> -> memref<80xi32, #tpu.memory_space<vmem>>
    %dma_start3A_1426 = arith.constant 0 : i32
    %dma_start3A_1427 = tpu.memref_slice %arg6[%dma_start3A_1417, %dma_start3A_1426] : memref<51x320000xf32, #tpu.memory_space<hbm>> -> memref<1x320000xf32, #tpu.memory_space<hbm>>
    %dma_start3A_1428 = tpu.memref_squeeze %dma_start3A_1427 : memref<1x320000xf32, #tpu.memory_space<hbm>> -> memref<320000xf32, #tpu.memory_space<hbm>>
    %dma_start3A_1429 = arith.constant 0 : i32
    %dma_start3A_1430 = tpu.memref_slice %dma_start3A_1428[%dma_start3A_1429] : memref<320000xf32, #tpu.memory_space<hbm>> -> memref<320000xf32, #tpu.memory_space<hbm>>
    tpu.enqueue_indirect_dma source(%dma_start3A_1430 : memref<320000xf32, #tpu.memory_space<hbm>>) target(%dma_start3A_1422 : memref<80xf32, #tpu.memory_space<vmem>>) offsets(%dma_start3A_1425 : memref<80xi32, #tpu.memory_space<vmem>>) semaphore(%arg12 : memref<!tpu.dma_semaphore, #tpu.memory_space<semaphore_mem>>)
    %dma_start3A_1431 = arith.constant 24 : i32
    %dma_start3A_1432 = arith.constant 1 : i32
    %dma_start3A_1433 = arith.constant 30 : i32
    %dma_start3A_1434 = arith.constant 80 : i32
    %dma_start3A_1435 = tpu.memref_slice %arg11[%dma_start3A_1433, %dma_start3A_1434] : memref<57x160xf32, #tpu.memory_space<vmem>> -> memref<1x80xf32, #tpu.memory_space<vmem>>
    %dma_start3A_1436 = tpu.memref_squeeze %dma_start3A_1435 : memref<1x80xf32, #tpu.memory_space<vmem>> -> memref<80xf32, #tpu.memory_space<vmem>>
    %dma_start3A_1437 = arith.constant 0 : i32
    %dma_start3A_1438 = tpu.memref_slice %arg10[%dma_start3A_1432, %dma_start3A_1437] : memref<2x80xi32, #tpu.memory_space<vmem>> -> memref<1x80xi32, #tpu.memory_space<vmem>>
    %dma_start3A_1439 = tpu.memref_squeeze %dma_start3A_1438 : memref<1x80xi32, #tpu.memory_space<vmem>> -> memref<80xi32, #tpu.memory_space<vmem>>
    %dma_start3A_1440 = arith.constant 0 : i32
    %dma_start3A_1441 = tpu.memref_slice %arg6[%dma_start3A_1431, %dma_start3A_1440] : memref<51x320000xf32, #tpu.memory_space<hbm>> -> memref<1x320000xf32, #tpu.memory_space<hbm>>
    %dma_start3A_1442 = tpu.memref_squeeze %dma_start3A_1441 : memref<1x320000xf32, #tpu.memory_space<hbm>> -> memref<320000xf32, #tpu.memory_space<hbm>>
    %dma_start3A_1443 = arith.constant 0 : i32
    %dma_start3A_1444 = tpu.memref_slice %dma_start3A_1442[%dma_start3A_1443] : memref<320000xf32, #tpu.memory_space<hbm>> -> memref<320000xf32, #tpu.memory_space<hbm>>
    tpu.enqueue_indirect_dma source(%dma_start3A_1444 : memref<320000xf32, #tpu.memory_space<hbm>>) target(%dma_start3A_1436 : memref<80xf32, #tpu.memory_space<vmem>>) offsets(%dma_start3A_1439 : memref<80xi32, #tpu.memory_space<vmem>>) semaphore(%arg12 : memref<!tpu.dma_semaphore, #tpu.memory_space<semaphore_mem>>)
    %dma_start3A_1445 = arith.constant 25 : i32
    %dma_start3A_1446 = arith.constant 1 : i32
    %dma_start3A_1447 = arith.constant 31 : i32
    %dma_start3A_1448 = arith.constant 80 : i32
    %dma_start3A_1449 = tpu.memref_slice %arg11[%dma_start3A_1447, %dma_start3A_1448] : memref<57x160xf32, #tpu.memory_space<vmem>> -> memref<1x80xf32, #tpu.memory_space<vmem>>
    %dma_start3A_1450 = tpu.memref_squeeze %dma_start3A_1449 : memref<1x80xf32, #tpu.memory_space<vmem>> -> memref<80xf32, #tpu.memory_space<vmem>>
    %dma_start3A_1451 = arith.constant 0 : i32
    %dma_start3A_1452 = tpu.memref_slice %arg10[%dma_start3A_1446, %dma_start3A_1451] : memref<2x80xi32, #tpu.memory_space<vmem>> -> memref<1x80xi32, #tpu.memory_space<vmem>>
    %dma_start3A_1453 = tpu.memref_squeeze %dma_start3A_1452 : memref<1x80xi32, #tpu.memory_space<vmem>> -> memref<80xi32, #tpu.memory_space<vmem>>
    %dma_start3A_1454 = arith.constant 0 : i32
    %dma_start3A_1455 = tpu.memref_slice %arg6[%dma_start3A_1445, %dma_start3A_1454] : memref<51x320000xf32, #tpu.memory_space<hbm>> -> memref<1x320000xf32, #tpu.memory_space<hbm>>
    %dma_start3A_1456 = tpu.memref_squeeze %dma_start3A_1455 : memref<1x320000xf32, #tpu.memory_space<hbm>> -> memref<320000xf32, #tpu.memory_space<hbm>>
    %dma_start3A_1457 = arith.constant 0 : i32
    %dma_start3A_1458 = tpu.memref_slice %dma_start3A_1456[%dma_start3A_1457] : memref<320000xf32, #tpu.memory_space<hbm>> -> memref<320000xf32, #tpu.memory_space<hbm>>
    tpu.enqueue_indirect_dma source(%dma_start3A_1458 : memref<320000xf32, #tpu.memory_space<hbm>>) target(%dma_start3A_1450 : memref<80xf32, #tpu.memory_space<vmem>>) offsets(%dma_start3A_1453 : memref<80xi32, #tpu.memory_space<vmem>>) semaphore(%arg12 : memref<!tpu.dma_semaphore, #tpu.memory_space<semaphore_mem>>)
    %dma_start3A_1459 = arith.constant 26 : i32
    %dma_start3A_1460 = arith.constant 1 : i32
    %dma_start3A_1461 = arith.constant 32 : i32
    %dma_start3A_1462 = arith.constant 80 : i32
    %dma_start3A_1463 = tpu.memref_slice %arg11[%dma_start3A_1461, %dma_start3A_1462] : memref<57x160xf32, #tpu.memory_space<vmem>> -> memref<1x80xf32, #tpu.memory_space<vmem>>
    %dma_start3A_1464 = tpu.memref_squeeze %dma_start3A_1463 : memref<1x80xf32, #tpu.memory_space<vmem>> -> memref<80xf32, #tpu.memory_space<vmem>>
    %dma_start3A_1465 = arith.constant 0 : i32
    %dma_start3A_1466 = tpu.memref_slice %arg10[%dma_start3A_1460, %dma_start3A_1465] : memref<2x80xi32, #tpu.memory_space<vmem>> -> memref<1x80xi32, #tpu.memory_space<vmem>>
    %dma_start3A_1467 = tpu.memref_squeeze %dma_start3A_1466 : memref<1x80xi32, #tpu.memory_space<vmem>> -> memref<80xi32, #tpu.memory_space<vmem>>
    %dma_start3A_1468 = arith.constant 0 : i32
    %dma_start3A_1469 = tpu.memref_slice %arg6[%dma_start3A_1459, %dma_start3A_1468] : memref<51x320000xf32, #tpu.memory_space<hbm>> -> memref<1x320000xf32, #tpu.memory_space<hbm>>
    %dma_start3A_1470 = tpu.memref_squeeze %dma_start3A_1469 : memref<1x320000xf32, #tpu.memory_space<hbm>> -> memref<320000xf32, #tpu.memory_space<hbm>>
    %dma_start3A_1471 = arith.constant 0 : i32
    %dma_start3A_1472 = tpu.memref_slice %dma_start3A_1470[%dma_start3A_1471] : memref<320000xf32, #tpu.memory_space<hbm>> -> memref<320000xf32, #tpu.memory_space<hbm>>
    tpu.enqueue_indirect_dma source(%dma_start3A_1472 : memref<320000xf32, #tpu.memory_space<hbm>>) target(%dma_start3A_1464 : memref<80xf32, #tpu.memory_space<vmem>>) offsets(%dma_start3A_1467 : memref<80xi32, #tpu.memory_space<vmem>>) semaphore(%arg12 : memref<!tpu.dma_semaphore, #tpu.memory_space<semaphore_mem>>)
    %dma_start3A_1473 = arith.constant 27 : i32
    %dma_start3A_1474 = arith.constant 1 : i32
    %dma_start3A_1475 = arith.constant 33 : i32
    %dma_start3A_1476 = arith.constant 80 : i32
    %dma_start3A_1477 = tpu.memref_slice %arg11[%dma_start3A_1475, %dma_start3A_1476] : memref<57x160xf32, #tpu.memory_space<vmem>> -> memref<1x80xf32, #tpu.memory_space<vmem>>
    %dma_start3A_1478 = tpu.memref_squeeze %dma_start3A_1477 : memref<1x80xf32, #tpu.memory_space<vmem>> -> memref<80xf32, #tpu.memory_space<vmem>>
    %dma_start3A_1479 = arith.constant 0 : i32
    %dma_start3A_1480 = tpu.memref_slice %arg10[%dma_start3A_1474, %dma_start3A_1479] : memref<2x80xi32, #tpu.memory_space<vmem>> -> memref<1x80xi32, #tpu.memory_space<vmem>>
    %dma_start3A_1481 = tpu.memref_squeeze %dma_start3A_1480 : memref<1x80xi32, #tpu.memory_space<vmem>> -> memref<80xi32, #tpu.memory_space<vmem>>
    %dma_start3A_1482 = arith.constant 0 : i32
    %dma_start3A_1483 = tpu.memref_slice %arg6[%dma_start3A_1473, %dma_start3A_1482] : memref<51x320000xf32, #tpu.memory_space<hbm>> -> memref<1x320000xf32, #tpu.memory_space<hbm>>
    %dma_start3A_1484 = tpu.memref_squeeze %dma_start3A_1483 : memref<1x320000xf32, #tpu.memory_space<hbm>> -> memref<320000xf32, #tpu.memory_space<hbm>>
    %dma_start3A_1485 = arith.constant 0 : i32
    %dma_start3A_1486 = tpu.memref_slice %dma_start3A_1484[%dma_start3A_1485] : memref<320000xf32, #tpu.memory_space<hbm>> -> memref<320000xf32, #tpu.memory_space<hbm>>
    tpu.enqueue_indirect_dma source(%dma_start3A_1486 : memref<320000xf32, #tpu.memory_space<hbm>>) target(%dma_start3A_1478 : memref<80xf32, #tpu.memory_space<vmem>>) offsets(%dma_start3A_1481 : memref<80xi32, #tpu.memory_space<vmem>>) semaphore(%arg12 : memref<!tpu.dma_semaphore, #tpu.memory_space<semaphore_mem>>)
    %dma_start3A_1487 = arith.constant 28 : i32
    %dma_start3A_1488 = arith.constant 1 : i32
    %dma_start3A_1489 = arith.constant 34 : i32
    %dma_start3A_1490 = arith.constant 80 : i32
    %dma_start3A_1491 = tpu.memref_slice %arg11[%dma_start3A_1489, %dma_start3A_1490] : memref<57x160xf32, #tpu.memory_space<vmem>> -> memref<1x80xf32, #tpu.memory_space<vmem>>
    %dma_start3A_1492 = tpu.memref_squeeze %dma_start3A_1491 : memref<1x80xf32, #tpu.memory_space<vmem>> -> memref<80xf32, #tpu.memory_space<vmem>>
    %dma_start3A_1493 = arith.constant 0 : i32
    %dma_start3A_1494 = tpu.memref_slice %arg10[%dma_start3A_1488, %dma_start3A_1493] : memref<2x80xi32, #tpu.memory_space<vmem>> -> memref<1x80xi32, #tpu.memory_space<vmem>>
    %dma_start3A_1495 = tpu.memref_squeeze %dma_start3A_1494 : memref<1x80xi32, #tpu.memory_space<vmem>> -> memref<80xi32, #tpu.memory_space<vmem>>
    %dma_start3A_1496 = arith.constant 0 : i32
    %dma_start3A_1497 = tpu.memref_slice %arg6[%dma_start3A_1487, %dma_start3A_1496] : memref<51x320000xf32, #tpu.memory_space<hbm>> -> memref<1x320000xf32, #tpu.memory_space<hbm>>
    %dma_start3A_1498 = tpu.memref_squeeze %dma_start3A_1497 : memref<1x320000xf32, #tpu.memory_space<hbm>> -> memref<320000xf32, #tpu.memory_space<hbm>>
    %dma_start3A_1499 = arith.constant 0 : i32
    %dma_start3A_1500 = tpu.memref_slice %dma_start3A_1498[%dma_start3A_1499] : memref<320000xf32, #tpu.memory_space<hbm>> -> memref<320000xf32, #tpu.memory_space<hbm>>
    tpu.enqueue_indirect_dma source(%dma_start3A_1500 : memref<320000xf32, #tpu.memory_space<hbm>>) target(%dma_start3A_1492 : memref<80xf32, #tpu.memory_space<vmem>>) offsets(%dma_start3A_1495 : memref<80xi32, #tpu.memory_space<vmem>>) semaphore(%arg12 : memref<!tpu.dma_semaphore, #tpu.memory_space<semaphore_mem>>)
    %dma_start3A_1501 = arith.constant 29 : i32
    %dma_start3A_1502 = arith.constant 1 : i32
    %dma_start3A_1503 = arith.constant 35 : i32
    %dma_start3A_1504 = arith.constant 80 : i32
    %dma_start3A_1505 = tpu.memref_slice %arg11[%dma_start3A_1503, %dma_start3A_1504] : memref<57x160xf32, #tpu.memory_space<vmem>> -> memref<1x80xf32, #tpu.memory_space<vmem>>
    %dma_start3A_1506 = tpu.memref_squeeze %dma_start3A_1505 : memref<1x80xf32, #tpu.memory_space<vmem>> -> memref<80xf32, #tpu.memory_space<vmem>>
    %dma_start3A_1507 = arith.constant 0 : i32
    %dma_start3A_1508 = tpu.memref_slice %arg10[%dma_start3A_1502, %dma_start3A_1507] : memref<2x80xi32, #tpu.memory_space<vmem>> -> memref<1x80xi32, #tpu.memory_space<vmem>>
    %dma_start3A_1509 = tpu.memref_squeeze %dma_start3A_1508 : memref<1x80xi32, #tpu.memory_space<vmem>> -> memref<80xi32, #tpu.memory_space<vmem>>
    %dma_start3A_1510 = arith.constant 0 : i32
    %dma_start3A_1511 = tpu.memref_slice %arg6[%dma_start3A_1501, %dma_start3A_1510] : memref<51x320000xf32, #tpu.memory_space<hbm>> -> memref<1x320000xf32, #tpu.memory_space<hbm>>
    %dma_start3A_1512 = tpu.memref_squeeze %dma_start3A_1511 : memref<1x320000xf32, #tpu.memory_space<hbm>> -> memref<320000xf32, #tpu.memory_space<hbm>>
    %dma_start3A_1513 = arith.constant 0 : i32
    %dma_start3A_1514 = tpu.memref_slice %dma_start3A_1512[%dma_start3A_1513] : memref<320000xf32, #tpu.memory_space<hbm>> -> memref<320000xf32, #tpu.memory_space<hbm>>
    tpu.enqueue_indirect_dma source(%dma_start3A_1514 : memref<320000xf32, #tpu.memory_space<hbm>>) target(%dma_start3A_1506 : memref<80xf32, #tpu.memory_space<vmem>>) offsets(%dma_start3A_1509 : memref<80xi32, #tpu.memory_space<vmem>>) semaphore(%arg12 : memref<!tpu.dma_semaphore, #tpu.memory_space<semaphore_mem>>)
    %dma_start3A_1515 = arith.constant 30 : i32
    %dma_start3A_1516 = arith.constant 1 : i32
    %dma_start3A_1517 = arith.constant 36 : i32
    %dma_start3A_1518 = arith.constant 80 : i32
    %dma_start3A_1519 = tpu.memref_slice %arg11[%dma_start3A_1517, %dma_start3A_1518] : memref<57x160xf32, #tpu.memory_space<vmem>> -> memref<1x80xf32, #tpu.memory_space<vmem>>
    %dma_start3A_1520 = tpu.memref_squeeze %dma_start3A_1519 : memref<1x80xf32, #tpu.memory_space<vmem>> -> memref<80xf32, #tpu.memory_space<vmem>>
    %dma_start3A_1521 = arith.constant 0 : i32
    %dma_start3A_1522 = tpu.memref_slice %arg10[%dma_start3A_1516, %dma_start3A_1521] : memref<2x80xi32, #tpu.memory_space<vmem>> -> memref<1x80xi32, #tpu.memory_space<vmem>>
    %dma_start3A_1523 = tpu.memref_squeeze %dma_start3A_1522 : memref<1x80xi32, #tpu.memory_space<vmem>> -> memref<80xi32, #tpu.memory_space<vmem>>
    %dma_start3A_1524 = arith.constant 0 : i32
    %dma_start3A_1525 = tpu.memref_slice %arg6[%dma_start3A_1515, %dma_start3A_1524] : memref<51x320000xf32, #tpu.memory_space<hbm>> -> memref<1x320000xf32, #tpu.memory_space<hbm>>
    %dma_start3A_1526 = tpu.memref_squeeze %dma_start3A_1525 : memref<1x320000xf32, #tpu.memory_space<hbm>> -> memref<320000xf32, #tpu.memory_space<hbm>>
    %dma_start3A_1527 = arith.constant 0 : i32
    %dma_start3A_1528 = tpu.memref_slice %dma_start3A_1526[%dma_start3A_1527] : memref<320000xf32, #tpu.memory_space<hbm>> -> memref<320000xf32, #tpu.memory_space<hbm>>
    tpu.enqueue_indirect_dma source(%dma_start3A_1528 : memref<320000xf32, #tpu.memory_space<hbm>>) target(%dma_start3A_1520 : memref<80xf32, #tpu.memory_space<vmem>>) offsets(%dma_start3A_1523 : memref<80xi32, #tpu.memory_space<vmem>>) semaphore(%arg12 : memref<!tpu.dma_semaphore, #tpu.memory_space<semaphore_mem>>)
    %dma_start3A_1529 = arith.constant 31 : i32
    %dma_start3A_1530 = arith.constant 1 : i32
    %dma_start3A_1531 = arith.constant 37 : i32
    %dma_start3A_1532 = arith.constant 80 : i32
    %dma_start3A_1533 = tpu.memref_slice %arg11[%dma_start3A_1531, %dma_start3A_1532] : memref<57x160xf32, #tpu.memory_space<vmem>> -> memref<1x80xf32, #tpu.memory_space<vmem>>
    %dma_start3A_1534 = tpu.memref_squeeze %dma_start3A_1533 : memref<1x80xf32, #tpu.memory_space<vmem>> -> memref<80xf32, #tpu.memory_space<vmem>>
    %dma_start3A_1535 = arith.constant 0 : i32
    %dma_start3A_1536 = tpu.memref_slice %arg10[%dma_start3A_1530, %dma_start3A_1535] : memref<2x80xi32, #tpu.memory_space<vmem>> -> memref<1x80xi32, #tpu.memory_space<vmem>>
    %dma_start3A_1537 = tpu.memref_squeeze %dma_start3A_1536 : memref<1x80xi32, #tpu.memory_space<vmem>> -> memref<80xi32, #tpu.memory_space<vmem>>
    %dma_start3A_1538 = arith.constant 0 : i32
    %dma_start3A_1539 = tpu.memref_slice %arg6[%dma_start3A_1529, %dma_start3A_1538] : memref<51x320000xf32, #tpu.memory_space<hbm>> -> memref<1x320000xf32, #tpu.memory_space<hbm>>
    %dma_start3A_1540 = tpu.memref_squeeze %dma_start3A_1539 : memref<1x320000xf32, #tpu.memory_space<hbm>> -> memref<320000xf32, #tpu.memory_space<hbm>>
    %dma_start3A_1541 = arith.constant 0 : i32
    %dma_start3A_1542 = tpu.memref_slice %dma_start3A_1540[%dma_start3A_1541] : memref<320000xf32, #tpu.memory_space<hbm>> -> memref<320000xf32, #tpu.memory_space<hbm>>
    tpu.enqueue_indirect_dma source(%dma_start3A_1542 : memref<320000xf32, #tpu.memory_space<hbm>>) target(%dma_start3A_1534 : memref<80xf32, #tpu.memory_space<vmem>>) offsets(%dma_start3A_1537 : memref<80xi32, #tpu.memory_space<vmem>>) semaphore(%arg12 : memref<!tpu.dma_semaphore, #tpu.memory_space<semaphore_mem>>)
    %dma_start3A_1543 = arith.constant 32 : i32
    %dma_start3A_1544 = arith.constant 1 : i32
    %dma_start3A_1545 = arith.constant 38 : i32
    %dma_start3A_1546 = arith.constant 80 : i32
    %dma_start3A_1547 = tpu.memref_slice %arg11[%dma_start3A_1545, %dma_start3A_1546] : memref<57x160xf32, #tpu.memory_space<vmem>> -> memref<1x80xf32, #tpu.memory_space<vmem>>
    %dma_start3A_1548 = tpu.memref_squeeze %dma_start3A_1547 : memref<1x80xf32, #tpu.memory_space<vmem>> -> memref<80xf32, #tpu.memory_space<vmem>>
    %dma_start3A_1549 = arith.constant 0 : i32
    %dma_start3A_1550 = tpu.memref_slice %arg10[%dma_start3A_1544, %dma_start3A_1549] : memref<2x80xi32, #tpu.memory_space<vmem>> -> memref<1x80xi32, #tpu.memory_space<vmem>>
    %dma_start3A_1551 = tpu.memref_squeeze %dma_start3A_1550 : memref<1x80xi32, #tpu.memory_space<vmem>> -> memref<80xi32, #tpu.memory_space<vmem>>
    %dma_start3A_1552 = arith.constant 0 : i32
    %dma_start3A_1553 = tpu.memref_slice %arg6[%dma_start3A_1543, %dma_start3A_1552] : memref<51x320000xf32, #tpu.memory_space<hbm>> -> memref<1x320000xf32, #tpu.memory_space<hbm>>
    %dma_start3A_1554 = tpu.memref_squeeze %dma_start3A_1553 : memref<1x320000xf32, #tpu.memory_space<hbm>> -> memref<320000xf32, #tpu.memory_space<hbm>>
    %dma_start3A_1555 = arith.constant 0 : i32
    %dma_start3A_1556 = tpu.memref_slice %dma_start3A_1554[%dma_start3A_1555] : memref<320000xf32, #tpu.memory_space<hbm>> -> memref<320000xf32, #tpu.memory_space<hbm>>
    tpu.enqueue_indirect_dma source(%dma_start3A_1556 : memref<320000xf32, #tpu.memory_space<hbm>>) target(%dma_start3A_1548 : memref<80xf32, #tpu.memory_space<vmem>>) offsets(%dma_start3A_1551 : memref<80xi32, #tpu.memory_space<vmem>>) semaphore(%arg12 : memref<!tpu.dma_semaphore, #tpu.memory_space<semaphore_mem>>)
    %dma_start3A_1557 = arith.constant 33 : i32
    %dma_start3A_1558 = arith.constant 1 : i32
    %dma_start3A_1559 = arith.constant 39 : i32
    %dma_start3A_1560 = arith.constant 80 : i32
    %dma_start3A_1561 = tpu.memref_slice %arg11[%dma_start3A_1559, %dma_start3A_1560] : memref<57x160xf32, #tpu.memory_space<vmem>> -> memref<1x80xf32, #tpu.memory_space<vmem>>
    %dma_start3A_1562 = tpu.memref_squeeze %dma_start3A_1561 : memref<1x80xf32, #tpu.memory_space<vmem>> -> memref<80xf32, #tpu.memory_space<vmem>>
    %dma_start3A_1563 = arith.constant 0 : i32
    %dma_start3A_1564 = tpu.memref_slice %arg10[%dma_start3A_1558, %dma_start3A_1563] : memref<2x80xi32, #tpu.memory_space<vmem>> -> memref<1x80xi32, #tpu.memory_space<vmem>>
    %dma_start3A_1565 = tpu.memref_squeeze %dma_start3A_1564 : memref<1x80xi32, #tpu.memory_space<vmem>> -> memref<80xi32, #tpu.memory_space<vmem>>
    %dma_start3A_1566 = arith.constant 0 : i32
    %dma_start3A_1567 = tpu.memref_slice %arg6[%dma_start3A_1557, %dma_start3A_1566] : memref<51x320000xf32, #tpu.memory_space<hbm>> -> memref<1x320000xf32, #tpu.memory_space<hbm>>
    %dma_start3A_1568 = tpu.memref_squeeze %dma_start3A_1567 : memref<1x320000xf32, #tpu.memory_space<hbm>> -> memref<320000xf32, #tpu.memory_space<hbm>>
    %dma_start3A_1569 = arith.constant 0 : i32
    %dma_start3A_1570 = tpu.memref_slice %dma_start3A_1568[%dma_start3A_1569] : memref<320000xf32, #tpu.memory_space<hbm>> -> memref<320000xf32, #tpu.memory_space<hbm>>
    tpu.enqueue_indirect_dma source(%dma_start3A_1570 : memref<320000xf32, #tpu.memory_space<hbm>>) target(%dma_start3A_1562 : memref<80xf32, #tpu.memory_space<vmem>>) offsets(%dma_start3A_1565 : memref<80xi32, #tpu.memory_space<vmem>>) semaphore(%arg12 : memref<!tpu.dma_semaphore, #tpu.memory_space<semaphore_mem>>)
    %dma_start3A_1571 = arith.constant 34 : i32
    %dma_start3A_1572 = arith.constant 1 : i32
    %dma_start3A_1573 = arith.constant 40 : i32
    %dma_start3A_1574 = arith.constant 80 : i32
    %dma_start3A_1575 = tpu.memref_slice %arg11[%dma_start3A_1573, %dma_start3A_1574] : memref<57x160xf32, #tpu.memory_space<vmem>> -> memref<1x80xf32, #tpu.memory_space<vmem>>
    %dma_start3A_1576 = tpu.memref_squeeze %dma_start3A_1575 : memref<1x80xf32, #tpu.memory_space<vmem>> -> memref<80xf32, #tpu.memory_space<vmem>>
    %dma_start3A_1577 = arith.constant 0 : i32
    %dma_start3A_1578 = tpu.memref_slice %arg10[%dma_start3A_1572, %dma_start3A_1577] : memref<2x80xi32, #tpu.memory_space<vmem>> -> memref<1x80xi32, #tpu.memory_space<vmem>>
    %dma_start3A_1579 = tpu.memref_squeeze %dma_start3A_1578 : memref<1x80xi32, #tpu.memory_space<vmem>> -> memref<80xi32, #tpu.memory_space<vmem>>
    %dma_start3A_1580 = arith.constant 0 : i32
    %dma_start3A_1581 = tpu.memref_slice %arg6[%dma_start3A_1571, %dma_start3A_1580] : memref<51x320000xf32, #tpu.memory_space<hbm>> -> memref<1x320000xf32, #tpu.memory_space<hbm>>
    %dma_start3A_1582 = tpu.memref_squeeze %dma_start3A_1581 : memref<1x320000xf32, #tpu.memory_space<hbm>> -> memref<320000xf32, #tpu.memory_space<hbm>>
    %dma_start3A_1583 = arith.constant 0 : i32
    %dma_start3A_1584 = tpu.memref_slice %dma_start3A_1582[%dma_start3A_1583] : memref<320000xf32, #tpu.memory_space<hbm>> -> memref<320000xf32, #tpu.memory_space<hbm>>
    tpu.enqueue_indirect_dma source(%dma_start3A_1584 : memref<320000xf32, #tpu.memory_space<hbm>>) target(%dma_start3A_1576 : memref<80xf32, #tpu.memory_space<vmem>>) offsets(%dma_start3A_1579 : memref<80xi32, #tpu.memory_space<vmem>>) semaphore(%arg12 : memref<!tpu.dma_semaphore, #tpu.memory_space<semaphore_mem>>)
    %dma_start3A_1585 = arith.constant 35 : i32
    %dma_start3A_1586 = arith.constant 1 : i32
    %dma_start3A_1587 = arith.constant 41 : i32
    %dma_start3A_1588 = arith.constant 80 : i32
    %dma_start3A_1589 = tpu.memref_slice %arg11[%dma_start3A_1587, %dma_start3A_1588] : memref<57x160xf32, #tpu.memory_space<vmem>> -> memref<1x80xf32, #tpu.memory_space<vmem>>
    %dma_start3A_1590 = tpu.memref_squeeze %dma_start3A_1589 : memref<1x80xf32, #tpu.memory_space<vmem>> -> memref<80xf32, #tpu.memory_space<vmem>>
    %dma_start3A_1591 = arith.constant 0 : i32
    %dma_start3A_1592 = tpu.memref_slice %arg10[%dma_start3A_1586, %dma_start3A_1591] : memref<2x80xi32, #tpu.memory_space<vmem>> -> memref<1x80xi32, #tpu.memory_space<vmem>>
    %dma_start3A_1593 = tpu.memref_squeeze %dma_start3A_1592 : memref<1x80xi32, #tpu.memory_space<vmem>> -> memref<80xi32, #tpu.memory_space<vmem>>
    %dma_start3A_1594 = arith.constant 0 : i32
    %dma_start3A_1595 = tpu.memref_slice %arg6[%dma_start3A_1585, %dma_start3A_1594] : memref<51x320000xf32, #tpu.memory_space<hbm>> -> memref<1x320000xf32, #tpu.memory_space<hbm>>
    %dma_start3A_1596 = tpu.memref_squeeze %dma_start3A_1595 : memref<1x320000xf32, #tpu.memory_space<hbm>> -> memref<320000xf32, #tpu.memory_space<hbm>>
    %dma_start3A_1597 = arith.constant 0 : i32
    %dma_start3A_1598 = tpu.memref_slice %dma_start3A_1596[%dma_start3A_1597] : memref<320000xf32, #tpu.memory_space<hbm>> -> memref<320000xf32, #tpu.memory_space<hbm>>
    tpu.enqueue_indirect_dma source(%dma_start3A_1598 : memref<320000xf32, #tpu.memory_space<hbm>>) target(%dma_start3A_1590 : memref<80xf32, #tpu.memory_space<vmem>>) offsets(%dma_start3A_1593 : memref<80xi32, #tpu.memory_space<vmem>>) semaphore(%arg12 : memref<!tpu.dma_semaphore, #tpu.memory_space<semaphore_mem>>)
    %dma_start3A_1599 = arith.constant 36 : i32
    %dma_start3A_1600 = arith.constant 1 : i32
    %dma_start3A_1601 = arith.constant 42 : i32
    %dma_start3A_1602 = arith.constant 80 : i32
    %dma_start3A_1603 = tpu.memref_slice %arg11[%dma_start3A_1601, %dma_start3A_1602] : memref<57x160xf32, #tpu.memory_space<vmem>> -> memref<1x80xf32, #tpu.memory_space<vmem>>
    %dma_start3A_1604 = tpu.memref_squeeze %dma_start3A_1603 : memref<1x80xf32, #tpu.memory_space<vmem>> -> memref<80xf32, #tpu.memory_space<vmem>>
    %dma_start3A_1605 = arith.constant 0 : i32
    %dma_start3A_1606 = tpu.memref_slice %arg10[%dma_start3A_1600, %dma_start3A_1605] : memref<2x80xi32, #tpu.memory_space<vmem>> -> memref<1x80xi32, #tpu.memory_space<vmem>>
    %dma_start3A_1607 = tpu.memref_squeeze %dma_start3A_1606 : memref<1x80xi32, #tpu.memory_space<vmem>> -> memref<80xi32, #tpu.memory_space<vmem>>
    %dma_start3A_1608 = arith.constant 0 : i32
    %dma_start3A_1609 = tpu.memref_slice %arg6[%dma_start3A_1599, %dma_start3A_1608] : memref<51x320000xf32, #tpu.memory_space<hbm>> -> memref<1x320000xf32, #tpu.memory_space<hbm>>
    %dma_start3A_1610 = tpu.memref_squeeze %dma_start3A_1609 : memref<1x320000xf32, #tpu.memory_space<hbm>> -> memref<320000xf32, #tpu.memory_space<hbm>>
    %dma_start3A_1611 = arith.constant 0 : i32
    %dma_start3A_1612 = tpu.memref_slice %dma_start3A_1610[%dma_start3A_1611] : memref<320000xf32, #tpu.memory_space<hbm>> -> memref<320000xf32, #tpu.memory_space<hbm>>
    tpu.enqueue_indirect_dma source(%dma_start3A_1612 : memref<320000xf32, #tpu.memory_space<hbm>>) target(%dma_start3A_1604 : memref<80xf32, #tpu.memory_space<vmem>>) offsets(%dma_start3A_1607 : memref<80xi32, #tpu.memory_space<vmem>>) semaphore(%arg12 : memref<!tpu.dma_semaphore, #tpu.memory_space<semaphore_mem>>)
    %dma_start3A_1613 = arith.constant 37 : i32
    %dma_start3A_1614 = arith.constant 1 : i32
    %dma_start3A_1615 = arith.constant 43 : i32
    %dma_start3A_1616 = arith.constant 80 : i32
    %dma_start3A_1617 = tpu.memref_slice %arg11[%dma_start3A_1615, %dma_start3A_1616] : memref<57x160xf32, #tpu.memory_space<vmem>> -> memref<1x80xf32, #tpu.memory_space<vmem>>
    %dma_start3A_1618 = tpu.memref_squeeze %dma_start3A_1617 : memref<1x80xf32, #tpu.memory_space<vmem>> -> memref<80xf32, #tpu.memory_space<vmem>>
    %dma_start3A_1619 = arith.constant 0 : i32
    %dma_start3A_1620 = tpu.memref_slice %arg10[%dma_start3A_1614, %dma_start3A_1619] : memref<2x80xi32, #tpu.memory_space<vmem>> -> memref<1x80xi32, #tpu.memory_space<vmem>>
    %dma_start3A_1621 = tpu.memref_squeeze %dma_start3A_1620 : memref<1x80xi32, #tpu.memory_space<vmem>> -> memref<80xi32, #tpu.memory_space<vmem>>
    %dma_start3A_1622 = arith.constant 0 : i32
    %dma_start3A_1623 = tpu.memref_slice %arg6[%dma_start3A_1613, %dma_start3A_1622] : memref<51x320000xf32, #tpu.memory_space<hbm>> -> memref<1x320000xf32, #tpu.memory_space<hbm>>
    %dma_start3A_1624 = tpu.memref_squeeze %dma_start3A_1623 : memref<1x320000xf32, #tpu.memory_space<hbm>> -> memref<320000xf32, #tpu.memory_space<hbm>>
    %dma_start3A_1625 = arith.constant 0 : i32
    %dma_start3A_1626 = tpu.memref_slice %dma_start3A_1624[%dma_start3A_1625] : memref<320000xf32, #tpu.memory_space<hbm>> -> memref<320000xf32, #tpu.memory_space<hbm>>
    tpu.enqueue_indirect_dma source(%dma_start3A_1626 : memref<320000xf32, #tpu.memory_space<hbm>>) target(%dma_start3A_1618 : memref<80xf32, #tpu.memory_space<vmem>>) offsets(%dma_start3A_1621 : memref<80xi32, #tpu.memory_space<vmem>>) semaphore(%arg12 : memref<!tpu.dma_semaphore, #tpu.memory_space<semaphore_mem>>)
    %dma_start3A_1627 = arith.constant 38 : i32
    %dma_start3A_1628 = arith.constant 1 : i32
    %dma_start3A_1629 = arith.constant 44 : i32
    %dma_start3A_1630 = arith.constant 80 : i32
    %dma_start3A_1631 = tpu.memref_slice %arg11[%dma_start3A_1629, %dma_start3A_1630] : memref<57x160xf32, #tpu.memory_space<vmem>> -> memref<1x80xf32, #tpu.memory_space<vmem>>
    %dma_start3A_1632 = tpu.memref_squeeze %dma_start3A_1631 : memref<1x80xf32, #tpu.memory_space<vmem>> -> memref<80xf32, #tpu.memory_space<vmem>>
    %dma_start3A_1633 = arith.constant 0 : i32
    %dma_start3A_1634 = tpu.memref_slice %arg10[%dma_start3A_1628, %dma_start3A_1633] : memref<2x80xi32, #tpu.memory_space<vmem>> -> memref<1x80xi32, #tpu.memory_space<vmem>>
    %dma_start3A_1635 = tpu.memref_squeeze %dma_start3A_1634 : memref<1x80xi32, #tpu.memory_space<vmem>> -> memref<80xi32, #tpu.memory_space<vmem>>
    %dma_start3A_1636 = arith.constant 0 : i32
    %dma_start3A_1637 = tpu.memref_slice %arg6[%dma_start3A_1627, %dma_start3A_1636] : memref<51x320000xf32, #tpu.memory_space<hbm>> -> memref<1x320000xf32, #tpu.memory_space<hbm>>
    %dma_start3A_1638 = tpu.memref_squeeze %dma_start3A_1637 : memref<1x320000xf32, #tpu.memory_space<hbm>> -> memref<320000xf32, #tpu.memory_space<hbm>>
    %dma_start3A_1639 = arith.constant 0 : i32
    %dma_start3A_1640 = tpu.memref_slice %dma_start3A_1638[%dma_start3A_1639] : memref<320000xf32, #tpu.memory_space<hbm>> -> memref<320000xf32, #tpu.memory_space<hbm>>
    tpu.enqueue_indirect_dma source(%dma_start3A_1640 : memref<320000xf32, #tpu.memory_space<hbm>>) target(%dma_start3A_1632 : memref<80xf32, #tpu.memory_space<vmem>>) offsets(%dma_start3A_1635 : memref<80xi32, #tpu.memory_space<vmem>>) semaphore(%arg12 : memref<!tpu.dma_semaphore, #tpu.memory_space<semaphore_mem>>)
    %dma_start3A_1641 = arith.constant 39 : i32
    %dma_start3A_1642 = arith.constant 1 : i32
    %dma_start3A_1643 = arith.constant 45 : i32
    %dma_start3A_1644 = arith.constant 80 : i32
    %dma_start3A_1645 = tpu.memref_slice %arg11[%dma_start3A_1643, %dma_start3A_1644] : memref<57x160xf32, #tpu.memory_space<vmem>> -> memref<1x80xf32, #tpu.memory_space<vmem>>
    %dma_start3A_1646 = tpu.memref_squeeze %dma_start3A_1645 : memref<1x80xf32, #tpu.memory_space<vmem>> -> memref<80xf32, #tpu.memory_space<vmem>>
    %dma_start3A_1647 = arith.constant 0 : i32
    %dma_start3A_1648 = tpu.memref_slice %arg10[%dma_start3A_1642, %dma_start3A_1647] : memref<2x80xi32, #tpu.memory_space<vmem>> -> memref<1x80xi32, #tpu.memory_space<vmem>>
    %dma_start3A_1649 = tpu.memref_squeeze %dma_start3A_1648 : memref<1x80xi32, #tpu.memory_space<vmem>> -> memref<80xi32, #tpu.memory_space<vmem>>
    %dma_start3A_1650 = arith.constant 0 : i32
    %dma_start3A_1651 = tpu.memref_slice %arg6[%dma_start3A_1641, %dma_start3A_1650] : memref<51x320000xf32, #tpu.memory_space<hbm>> -> memref<1x320000xf32, #tpu.memory_space<hbm>>
    %dma_start3A_1652 = tpu.memref_squeeze %dma_start3A_1651 : memref<1x320000xf32, #tpu.memory_space<hbm>> -> memref<320000xf32, #tpu.memory_space<hbm>>
    %dma_start3A_1653 = arith.constant 0 : i32
    %dma_start3A_1654 = tpu.memref_slice %dma_start3A_1652[%dma_start3A_1653] : memref<320000xf32, #tpu.memory_space<hbm>> -> memref<320000xf32, #tpu.memory_space<hbm>>
    tpu.enqueue_indirect_dma source(%dma_start3A_1654 : memref<320000xf32, #tpu.memory_space<hbm>>) target(%dma_start3A_1646 : memref<80xf32, #tpu.memory_space<vmem>>) offsets(%dma_start3A_1649 : memref<80xi32, #tpu.memory_space<vmem>>) semaphore(%arg12 : memref<!tpu.dma_semaphore, #tpu.memory_space<semaphore_mem>>)
    %dma_start3A_1655 = arith.constant 40 : i32
    %dma_start3A_1656 = arith.constant 1 : i32
    %dma_start3A_1657 = arith.constant 46 : i32
    %dma_start3A_1658 = arith.constant 80 : i32
    %dma_start3A_1659 = tpu.memref_slice %arg11[%dma_start3A_1657, %dma_start3A_1658] : memref<57x160xf32, #tpu.memory_space<vmem>> -> memref<1x80xf32, #tpu.memory_space<vmem>>
    %dma_start3A_1660 = tpu.memref_squeeze %dma_start3A_1659 : memref<1x80xf32, #tpu.memory_space<vmem>> -> memref<80xf32, #tpu.memory_space<vmem>>
    %dma_start3A_1661 = arith.constant 0 : i32
    %dma_start3A_1662 = tpu.memref_slice %arg10[%dma_start3A_1656, %dma_start3A_1661] : memref<2x80xi32, #tpu.memory_space<vmem>> -> memref<1x80xi32, #tpu.memory_space<vmem>>
    %dma_start3A_1663 = tpu.memref_squeeze %dma_start3A_1662 : memref<1x80xi32, #tpu.memory_space<vmem>> -> memref<80xi32, #tpu.memory_space<vmem>>
    %dma_start3A_1664 = arith.constant 0 : i32
    %dma_start3A_1665 = tpu.memref_slice %arg6[%dma_start3A_1655, %dma_start3A_1664] : memref<51x320000xf32, #tpu.memory_space<hbm>> -> memref<1x320000xf32, #tpu.memory_space<hbm>>
    %dma_start3A_1666 = tpu.memref_squeeze %dma_start3A_1665 : memref<1x320000xf32, #tpu.memory_space<hbm>> -> memref<320000xf32, #tpu.memory_space<hbm>>
    %dma_start3A_1667 = arith.constant 0 : i32
    %dma_start3A_1668 = tpu.memref_slice %dma_start3A_1666[%dma_start3A_1667] : memref<320000xf32, #tpu.memory_space<hbm>> -> memref<320000xf32, #tpu.memory_space<hbm>>
    tpu.enqueue_indirect_dma source(%dma_start3A_1668 : memref<320000xf32, #tpu.memory_space<hbm>>) target(%dma_start3A_1660 : memref<80xf32, #tpu.memory_space<vmem>>) offsets(%dma_start3A_1663 : memref<80xi32, #tpu.memory_space<vmem>>) semaphore(%arg12 : memref<!tpu.dma_semaphore, #tpu.memory_space<semaphore_mem>>)
    %dma_start3A_1669 = arith.constant 41 : i32
    %dma_start3A_1670 = arith.constant 1 : i32
    %dma_start3A_1671 = arith.constant 47 : i32
    %dma_start3A_1672 = arith.constant 80 : i32
    %dma_start3A_1673 = tpu.memref_slice %arg11[%dma_start3A_1671, %dma_start3A_1672] : memref<57x160xf32, #tpu.memory_space<vmem>> -> memref<1x80xf32, #tpu.memory_space<vmem>>
    %dma_start3A_1674 = tpu.memref_squeeze %dma_start3A_1673 : memref<1x80xf32, #tpu.memory_space<vmem>> -> memref<80xf32, #tpu.memory_space<vmem>>
    %dma_start3A_1675 = arith.constant 0 : i32
    %dma_start3A_1676 = tpu.memref_slice %arg10[%dma_start3A_1670, %dma_start3A_1675] : memref<2x80xi32, #tpu.memory_space<vmem>> -> memref<1x80xi32, #tpu.memory_space<vmem>>
    %dma_start3A_1677 = tpu.memref_squeeze %dma_start3A_1676 : memref<1x80xi32, #tpu.memory_space<vmem>> -> memref<80xi32, #tpu.memory_space<vmem>>
    %dma_start3A_1678 = arith.constant 0 : i32
    %dma_start3A_1679 = tpu.memref_slice %arg6[%dma_start3A_1669, %dma_start3A_1678] : memref<51x320000xf32, #tpu.memory_space<hbm>> -> memref<1x320000xf32, #tpu.memory_space<hbm>>
    %dma_start3A_1680 = tpu.memref_squeeze %dma_start3A_1679 : memref<1x320000xf32, #tpu.memory_space<hbm>> -> memref<320000xf32, #tpu.memory_space<hbm>>
    %dma_start3A_1681 = arith.constant 0 : i32
    %dma_start3A_1682 = tpu.memref_slice %dma_start3A_1680[%dma_start3A_1681] : memref<320000xf32, #tpu.memory_space<hbm>> -> memref<320000xf32, #tpu.memory_space<hbm>>
    tpu.enqueue_indirect_dma source(%dma_start3A_1682 : memref<320000xf32, #tpu.memory_space<hbm>>) target(%dma_start3A_1674 : memref<80xf32, #tpu.memory_space<vmem>>) offsets(%dma_start3A_1677 : memref<80xi32, #tpu.memory_space<vmem>>) semaphore(%arg12 : memref<!tpu.dma_semaphore, #tpu.memory_space<semaphore_mem>>)
    %dma_start3A_1683 = arith.constant 42 : i32
    %dma_start3A_1684 = arith.constant 1 : i32
    %dma_start3A_1685 = arith.constant 48 : i32
    %dma_start3A_1686 = arith.constant 80 : i32
    %dma_start3A_1687 = tpu.memref_slice %arg11[%dma_start3A_1685, %dma_start3A_1686] : memref<57x160xf32, #tpu.memory_space<vmem>> -> memref<1x80xf32, #tpu.memory_space<vmem>>
    %dma_start3A_1688 = tpu.memref_squeeze %dma_start3A_1687 : memref<1x80xf32, #tpu.memory_space<vmem>> -> memref<80xf32, #tpu.memory_space<vmem>>
    %dma_start3A_1689 = arith.constant 0 : i32
    %dma_start3A_1690 = tpu.memref_slice %arg10[%dma_start3A_1684, %dma_start3A_1689] : memref<2x80xi32, #tpu.memory_space<vmem>> -> memref<1x80xi32, #tpu.memory_space<vmem>>
    %dma_start3A_1691 = tpu.memref_squeeze %dma_start3A_1690 : memref<1x80xi32, #tpu.memory_space<vmem>> -> memref<80xi32, #tpu.memory_space<vmem>>
    %dma_start3A_1692 = arith.constant 0 : i32
    %dma_start3A_1693 = tpu.memref_slice %arg6[%dma_start3A_1683, %dma_start3A_1692] : memref<51x320000xf32, #tpu.memory_space<hbm>> -> memref<1x320000xf32, #tpu.memory_space<hbm>>
    %dma_start3A_1694 = tpu.memref_squeeze %dma_start3A_1693 : memref<1x320000xf32, #tpu.memory_space<hbm>> -> memref<320000xf32, #tpu.memory_space<hbm>>
    %dma_start3A_1695 = arith.constant 0 : i32
    %dma_start3A_1696 = tpu.memref_slice %dma_start3A_1694[%dma_start3A_1695] : memref<320000xf32, #tpu.memory_space<hbm>> -> memref<320000xf32, #tpu.memory_space<hbm>>
    tpu.enqueue_indirect_dma source(%dma_start3A_1696 : memref<320000xf32, #tpu.memory_space<hbm>>) target(%dma_start3A_1688 : memref<80xf32, #tpu.memory_space<vmem>>) offsets(%dma_start3A_1691 : memref<80xi32, #tpu.memory_space<vmem>>) semaphore(%arg12 : memref<!tpu.dma_semaphore, #tpu.memory_space<semaphore_mem>>)
    %dma_start3A_1697 = arith.constant 43 : i32
    %dma_start3A_1698 = arith.constant 1 : i32
    %dma_start3A_1699 = arith.constant 49 : i32
    %dma_start3A_1700 = arith.constant 80 : i32
    %dma_start3A_1701 = tpu.memref_slice %arg11[%dma_start3A_1699, %dma_start3A_1700] : memref<57x160xf32, #tpu.memory_space<vmem>> -> memref<1x80xf32, #tpu.memory_space<vmem>>
    %dma_start3A_1702 = tpu.memref_squeeze %dma_start3A_1701 : memref<1x80xf32, #tpu.memory_space<vmem>> -> memref<80xf32, #tpu.memory_space<vmem>>
    %dma_start3A_1703 = arith.constant 0 : i32
    %dma_start3A_1704 = tpu.memref_slice %arg10[%dma_start3A_1698, %dma_start3A_1703] : memref<2x80xi32, #tpu.memory_space<vmem>> -> memref<1x80xi32, #tpu.memory_space<vmem>>
    %dma_start3A_1705 = tpu.memref_squeeze %dma_start3A_1704 : memref<1x80xi32, #tpu.memory_space<vmem>> -> memref<80xi32, #tpu.memory_space<vmem>>
    %dma_start3A_1706 = arith.constant 0 : i32
    %dma_start3A_1707 = tpu.memref_slice %arg6[%dma_start3A_1697, %dma_start3A_1706] : memref<51x320000xf32, #tpu.memory_space<hbm>> -> memref<1x320000xf32, #tpu.memory_space<hbm>>
    %dma_start3A_1708 = tpu.memref_squeeze %dma_start3A_1707 : memref<1x320000xf32, #tpu.memory_space<hbm>> -> memref<320000xf32, #tpu.memory_space<hbm>>
    %dma_start3A_1709 = arith.constant 0 : i32
    %dma_start3A_1710 = tpu.memref_slice %dma_start3A_1708[%dma_start3A_1709] : memref<320000xf32, #tpu.memory_space<hbm>> -> memref<320000xf32, #tpu.memory_space<hbm>>
    tpu.enqueue_indirect_dma source(%dma_start3A_1710 : memref<320000xf32, #tpu.memory_space<hbm>>) target(%dma_start3A_1702 : memref<80xf32, #tpu.memory_space<vmem>>) offsets(%dma_start3A_1705 : memref<80xi32, #tpu.memory_space<vmem>>) semaphore(%arg12 : memref<!tpu.dma_semaphore, #tpu.memory_space<semaphore_mem>>)
    %dma_start3A_1711 = arith.constant 44 : i32
    %dma_start3A_1712 = arith.constant 1 : i32
    %dma_start3A_1713 = arith.constant 50 : i32
    %dma_start3A_1714 = arith.constant 80 : i32
    %dma_start3A_1715 = tpu.memref_slice %arg11[%dma_start3A_1713, %dma_start3A_1714] : memref<57x160xf32, #tpu.memory_space<vmem>> -> memref<1x80xf32, #tpu.memory_space<vmem>>
    %dma_start3A_1716 = tpu.memref_squeeze %dma_start3A_1715 : memref<1x80xf32, #tpu.memory_space<vmem>> -> memref<80xf32, #tpu.memory_space<vmem>>
    %dma_start3A_1717 = arith.constant 0 : i32
    %dma_start3A_1718 = tpu.memref_slice %arg10[%dma_start3A_1712, %dma_start3A_1717] : memref<2x80xi32, #tpu.memory_space<vmem>> -> memref<1x80xi32, #tpu.memory_space<vmem>>
    %dma_start3A_1719 = tpu.memref_squeeze %dma_start3A_1718 : memref<1x80xi32, #tpu.memory_space<vmem>> -> memref<80xi32, #tpu.memory_space<vmem>>
    %dma_start3A_1720 = arith.constant 0 : i32
    %dma_start3A_1721 = tpu.memref_slice %arg6[%dma_start3A_1711, %dma_start3A_1720] : memref<51x320000xf32, #tpu.memory_space<hbm>> -> memref<1x320000xf32, #tpu.memory_space<hbm>>
    %dma_start3A_1722 = tpu.memref_squeeze %dma_start3A_1721 : memref<1x320000xf32, #tpu.memory_space<hbm>> -> memref<320000xf32, #tpu.memory_space<hbm>>
    %dma_start3A_1723 = arith.constant 0 : i32
    %dma_start3A_1724 = tpu.memref_slice %dma_start3A_1722[%dma_start3A_1723] : memref<320000xf32, #tpu.memory_space<hbm>> -> memref<320000xf32, #tpu.memory_space<hbm>>
    tpu.enqueue_indirect_dma source(%dma_start3A_1724 : memref<320000xf32, #tpu.memory_space<hbm>>) target(%dma_start3A_1716 : memref<80xf32, #tpu.memory_space<vmem>>) offsets(%dma_start3A_1719 : memref<80xi32, #tpu.memory_space<vmem>>) semaphore(%arg12 : memref<!tpu.dma_semaphore, #tpu.memory_space<semaphore_mem>>)
    %dma_start3A_1725 = arith.constant 45 : i32
    %dma_start3A_1726 = arith.constant 1 : i32
    %dma_start3A_1727 = arith.constant 51 : i32
    %dma_start3A_1728 = arith.constant 80 : i32
    %dma_start3A_1729 = tpu.memref_slice %arg11[%dma_start3A_1727, %dma_start3A_1728] : memref<57x160xf32, #tpu.memory_space<vmem>> -> memref<1x80xf32, #tpu.memory_space<vmem>>
    %dma_start3A_1730 = tpu.memref_squeeze %dma_start3A_1729 : memref<1x80xf32, #tpu.memory_space<vmem>> -> memref<80xf32, #tpu.memory_space<vmem>>
    %dma_start3A_1731 = arith.constant 0 : i32
    %dma_start3A_1732 = tpu.memref_slice %arg10[%dma_start3A_1726, %dma_start3A_1731] : memref<2x80xi32, #tpu.memory_space<vmem>> -> memref<1x80xi32, #tpu.memory_space<vmem>>
    %dma_start3A_1733 = tpu.memref_squeeze %dma_start3A_1732 : memref<1x80xi32, #tpu.memory_space<vmem>> -> memref<80xi32, #tpu.memory_space<vmem>>
    %dma_start3A_1734 = arith.constant 0 : i32
    %dma_start3A_1735 = tpu.memref_slice %arg6[%dma_start3A_1725, %dma_start3A_1734] : memref<51x320000xf32, #tpu.memory_space<hbm>> -> memref<1x320000xf32, #tpu.memory_space<hbm>>
    %dma_start3A_1736 = tpu.memref_squeeze %dma_start3A_1735 : memref<1x320000xf32, #tpu.memory_space<hbm>> -> memref<320000xf32, #tpu.memory_space<hbm>>
    %dma_start3A_1737 = arith.constant 0 : i32
    %dma_start3A_1738 = tpu.memref_slice %dma_start3A_1736[%dma_start3A_1737] : memref<320000xf32, #tpu.memory_space<hbm>> -> memref<320000xf32, #tpu.memory_space<hbm>>
    tpu.enqueue_indirect_dma source(%dma_start3A_1738 : memref<320000xf32, #tpu.memory_space<hbm>>) target(%dma_start3A_1730 : memref<80xf32, #tpu.memory_space<vmem>>) offsets(%dma_start3A_1733 : memref<80xi32, #tpu.memory_space<vmem>>) semaphore(%arg12 : memref<!tpu.dma_semaphore, #tpu.memory_space<semaphore_mem>>)
    %dma_start3A_1739 = arith.constant 46 : i32
    %dma_start3A_1740 = arith.constant 1 : i32
    %dma_start3A_1741 = arith.constant 52 : i32
    %dma_start3A_1742 = arith.constant 80 : i32
    %dma_start3A_1743 = tpu.memref_slice %arg11[%dma_start3A_1741, %dma_start3A_1742] : memref<57x160xf32, #tpu.memory_space<vmem>> -> memref<1x80xf32, #tpu.memory_space<vmem>>
    %dma_start3A_1744 = tpu.memref_squeeze %dma_start3A_1743 : memref<1x80xf32, #tpu.memory_space<vmem>> -> memref<80xf32, #tpu.memory_space<vmem>>
    %dma_start3A_1745 = arith.constant 0 : i32
    %dma_start3A_1746 = tpu.memref_slice %arg10[%dma_start3A_1740, %dma_start3A_1745] : memref<2x80xi32, #tpu.memory_space<vmem>> -> memref<1x80xi32, #tpu.memory_space<vmem>>
    %dma_start3A_1747 = tpu.memref_squeeze %dma_start3A_1746 : memref<1x80xi32, #tpu.memory_space<vmem>> -> memref<80xi32, #tpu.memory_space<vmem>>
    %dma_start3A_1748 = arith.constant 0 : i32
    %dma_start3A_1749 = tpu.memref_slice %arg6[%dma_start3A_1739, %dma_start3A_1748] : memref<51x320000xf32, #tpu.memory_space<hbm>> -> memref<1x320000xf32, #tpu.memory_space<hbm>>
    %dma_start3A_1750 = tpu.memref_squeeze %dma_start3A_1749 : memref<1x320000xf32, #tpu.memory_space<hbm>> -> memref<320000xf32, #tpu.memory_space<hbm>>
    %dma_start3A_1751 = arith.constant 0 : i32
    %dma_start3A_1752 = tpu.memref_slice %dma_start3A_1750[%dma_start3A_1751] : memref<320000xf32, #tpu.memory_space<hbm>> -> memref<320000xf32, #tpu.memory_space<hbm>>
    tpu.enqueue_indirect_dma source(%dma_start3A_1752 : memref<320000xf32, #tpu.memory_space<hbm>>) target(%dma_start3A_1744 : memref<80xf32, #tpu.memory_space<vmem>>) offsets(%dma_start3A_1747 : memref<80xi32, #tpu.memory_space<vmem>>) semaphore(%arg12 : memref<!tpu.dma_semaphore, #tpu.memory_space<semaphore_mem>>)
    %dma_start3A_1753 = arith.constant 47 : i32
    %dma_start3A_1754 = arith.constant 1 : i32
    %dma_start3A_1755 = arith.constant 53 : i32
    %dma_start3A_1756 = arith.constant 80 : i32
    %dma_start3A_1757 = tpu.memref_slice %arg11[%dma_start3A_1755, %dma_start3A_1756] : memref<57x160xf32, #tpu.memory_space<vmem>> -> memref<1x80xf32, #tpu.memory_space<vmem>>
    %dma_start3A_1758 = tpu.memref_squeeze %dma_start3A_1757 : memref<1x80xf32, #tpu.memory_space<vmem>> -> memref<80xf32, #tpu.memory_space<vmem>>
    %dma_start3A_1759 = arith.constant 0 : i32
    %dma_start3A_1760 = tpu.memref_slice %arg10[%dma_start3A_1754, %dma_start3A_1759] : memref<2x80xi32, #tpu.memory_space<vmem>> -> memref<1x80xi32, #tpu.memory_space<vmem>>
    %dma_start3A_1761 = tpu.memref_squeeze %dma_start3A_1760 : memref<1x80xi32, #tpu.memory_space<vmem>> -> memref<80xi32, #tpu.memory_space<vmem>>
    %dma_start3A_1762 = arith.constant 0 : i32
    %dma_start3A_1763 = tpu.memref_slice %arg6[%dma_start3A_1753, %dma_start3A_1762] : memref<51x320000xf32, #tpu.memory_space<hbm>> -> memref<1x320000xf32, #tpu.memory_space<hbm>>
    %dma_start3A_1764 = tpu.memref_squeeze %dma_start3A_1763 : memref<1x320000xf32, #tpu.memory_space<hbm>> -> memref<320000xf32, #tpu.memory_space<hbm>>
    %dma_start3A_1765 = arith.constant 0 : i32
    %dma_start3A_1766 = tpu.memref_slice %dma_start3A_1764[%dma_start3A_1765] : memref<320000xf32, #tpu.memory_space<hbm>> -> memref<320000xf32, #tpu.memory_space<hbm>>
    tpu.enqueue_indirect_dma source(%dma_start3A_1766 : memref<320000xf32, #tpu.memory_space<hbm>>) target(%dma_start3A_1758 : memref<80xf32, #tpu.memory_space<vmem>>) offsets(%dma_start3A_1761 : memref<80xi32, #tpu.memory_space<vmem>>) semaphore(%arg12 : memref<!tpu.dma_semaphore, #tpu.memory_space<semaphore_mem>>)
    %dma_start3A_1767 = arith.constant 48 : i32
    %dma_start3A_1768 = arith.constant 1 : i32
    %dma_start3A_1769 = arith.constant 54 : i32
    %dma_start3A_1770 = arith.constant 80 : i32
    %dma_start3A_1771 = tpu.memref_slice %arg11[%dma_start3A_1769, %dma_start3A_1770] : memref<57x160xf32, #tpu.memory_space<vmem>> -> memref<1x80xf32, #tpu.memory_space<vmem>>
    %dma_start3A_1772 = tpu.memref_squeeze %dma_start3A_1771 : memref<1x80xf32, #tpu.memory_space<vmem>> -> memref<80xf32, #tpu.memory_space<vmem>>
    %dma_start3A_1773 = arith.constant 0 : i32
    %dma_start3A_1774 = tpu.memref_slice %arg10[%dma_start3A_1768, %dma_start3A_1773] : memref<2x80xi32, #tpu.memory_space<vmem>> -> memref<1x80xi32, #tpu.memory_space<vmem>>
    %dma_start3A_1775 = tpu.memref_squeeze %dma_start3A_1774 : memref<1x80xi32, #tpu.memory_space<vmem>> -> memref<80xi32, #tpu.memory_space<vmem>>
    %dma_start3A_1776 = arith.constant 0 : i32
    %dma_start3A_1777 = tpu.memref_slice %arg6[%dma_start3A_1767, %dma_start3A_1776] : memref<51x320000xf32, #tpu.memory_space<hbm>> -> memref<1x320000xf32, #tpu.memory_space<hbm>>
    %dma_start3A_1778 = tpu.memref_squeeze %dma_start3A_1777 : memref<1x320000xf32, #tpu.memory_space<hbm>> -> memref<320000xf32, #tpu.memory_space<hbm>>
    %dma_start3A_1779 = arith.constant 0 : i32
    %dma_start3A_1780 = tpu.memref_slice %dma_start3A_1778[%dma_start3A_1779] : memref<320000xf32, #tpu.memory_space<hbm>> -> memref<320000xf32, #tpu.memory_space<hbm>>
    tpu.enqueue_indirect_dma source(%dma_start3A_1780 : memref<320000xf32, #tpu.memory_space<hbm>>) target(%dma_start3A_1772 : memref<80xf32, #tpu.memory_space<vmem>>) offsets(%dma_start3A_1775 : memref<80xi32, #tpu.memory_space<vmem>>) semaphore(%arg12 : memref<!tpu.dma_semaphore, #tpu.memory_space<semaphore_mem>>)
    %dma_start3A_1781 = arith.constant 49 : i32
    %dma_start3A_1782 = arith.constant 1 : i32
    %dma_start3A_1783 = arith.constant 55 : i32
    %dma_start3A_1784 = arith.constant 80 : i32
    %dma_start3A_1785 = tpu.memref_slice %arg11[%dma_start3A_1783, %dma_start3A_1784] : memref<57x160xf32, #tpu.memory_space<vmem>> -> memref<1x80xf32, #tpu.memory_space<vmem>>
    %dma_start3A_1786 = tpu.memref_squeeze %dma_start3A_1785 : memref<1x80xf32, #tpu.memory_space<vmem>> -> memref<80xf32, #tpu.memory_space<vmem>>
    %dma_start3A_1787 = arith.constant 0 : i32
    %dma_start3A_1788 = tpu.memref_slice %arg10[%dma_start3A_1782, %dma_start3A_1787] : memref<2x80xi32, #tpu.memory_space<vmem>> -> memref<1x80xi32, #tpu.memory_space<vmem>>
    %dma_start3A_1789 = tpu.memref_squeeze %dma_start3A_1788 : memref<1x80xi32, #tpu.memory_space<vmem>> -> memref<80xi32, #tpu.memory_space<vmem>>
    %dma_start3A_1790 = arith.constant 0 : i32
    %dma_start3A_1791 = tpu.memref_slice %arg6[%dma_start3A_1781, %dma_start3A_1790] : memref<51x320000xf32, #tpu.memory_space<hbm>> -> memref<1x320000xf32, #tpu.memory_space<hbm>>
    %dma_start3A_1792 = tpu.memref_squeeze %dma_start3A_1791 : memref<1x320000xf32, #tpu.memory_space<hbm>> -> memref<320000xf32, #tpu.memory_space<hbm>>
    %dma_start3A_1793 = arith.constant 0 : i32
    %dma_start3A_1794 = tpu.memref_slice %dma_start3A_1792[%dma_start3A_1793] : memref<320000xf32, #tpu.memory_space<hbm>> -> memref<320000xf32, #tpu.memory_space<hbm>>
    tpu.enqueue_indirect_dma source(%dma_start3A_1794 : memref<320000xf32, #tpu.memory_space<hbm>>) target(%dma_start3A_1786 : memref<80xf32, #tpu.memory_space<vmem>>) offsets(%dma_start3A_1789 : memref<80xi32, #tpu.memory_space<vmem>>) semaphore(%arg12 : memref<!tpu.dma_semaphore, #tpu.memory_space<semaphore_mem>>)
    %dma_start3A_1795 = arith.constant 50 : i32
    %dma_start3A_1796 = arith.constant 1 : i32
    %dma_start3A_1797 = arith.constant 56 : i32
    %dma_start3A_1798 = arith.constant 80 : i32
    %dma_start3A_1799 = tpu.memref_slice %arg11[%dma_start3A_1797, %dma_start3A_1798] : memref<57x160xf32, #tpu.memory_space<vmem>> -> memref<1x80xf32, #tpu.memory_space<vmem>>
    %dma_start3A_1800 = tpu.memref_squeeze %dma_start3A_1799 : memref<1x80xf32, #tpu.memory_space<vmem>> -> memref<80xf32, #tpu.memory_space<vmem>>
    %dma_start3A_1801 = arith.constant 0 : i32
    %dma_start3A_1802 = tpu.memref_slice %arg10[%dma_start3A_1796, %dma_start3A_1801] : memref<2x80xi32, #tpu.memory_space<vmem>> -> memref<1x80xi32, #tpu.memory_space<vmem>>
    %dma_start3A_1803 = tpu.memref_squeeze %dma_start3A_1802 : memref<1x80xi32, #tpu.memory_space<vmem>> -> memref<80xi32, #tpu.memory_space<vmem>>
    %dma_start3A_1804 = arith.constant 0 : i32
    %dma_start3A_1805 = tpu.memref_slice %arg6[%dma_start3A_1795, %dma_start3A_1804] : memref<51x320000xf32, #tpu.memory_space<hbm>> -> memref<1x320000xf32, #tpu.memory_space<hbm>>
    %dma_start3A_1806 = tpu.memref_squeeze %dma_start3A_1805 : memref<1x320000xf32, #tpu.memory_space<hbm>> -> memref<320000xf32, #tpu.memory_space<hbm>>
    %dma_start3A_1807 = arith.constant 0 : i32
    %dma_start3A_1808 = tpu.memref_slice %dma_start3A_1806[%dma_start3A_1807] : memref<320000xf32, #tpu.memory_space<hbm>> -> memref<320000xf32, #tpu.memory_space<hbm>>
    tpu.enqueue_indirect_dma source(%dma_start3A_1808 : memref<320000xf32, #tpu.memory_space<hbm>>) target(%dma_start3A_1800 : memref<80xf32, #tpu.memory_space<vmem>>) offsets(%dma_start3A_1803 : memref<80xi32, #tpu.memory_space<vmem>>) semaphore(%arg12 : memref<!tpu.dma_semaphore, #tpu.memory_space<semaphore_mem>>)
    %dma_wait3A = arith.constant 0 : i32
    %dma_wait3A_1809 = arith.constant 5 : i32
    %dma_wait3A_1810 = arith.constant 0 : i32
    %dma_wait3A_1811 = tpu.memref_slice %arg11[%dma_wait3A_1809, %dma_wait3A_1810] : memref<57x160xf32, #tpu.memory_space<vmem>> -> memref<1x80xf32, #tpu.memory_space<vmem>>
    %dma_wait3A_1812 = tpu.memref_squeeze %dma_wait3A_1811 : memref<1x80xf32, #tpu.memory_space<vmem>> -> memref<80xf32, #tpu.memory_space<vmem>>
    %dma_wait3A_1813 = arith.constant 0 : i32
    %dma_wait3A_1814 = tpu.memref_slice %arg10[%dma_wait3A, %dma_wait3A_1813] : memref<2x80xi32, #tpu.memory_space<vmem>> -> memref<1x80xi32, #tpu.memory_space<vmem>>
    %dma_wait3A_1815 = tpu.memref_squeeze %dma_wait3A_1814 : memref<1x80xi32, #tpu.memory_space<vmem>> -> memref<80xi32, #tpu.memory_space<vmem>>
    %dma_wait3A_1816 = arith.constant 0 : i32
    %dma_wait3A_1817 = tpu.memref_slice %arg5[%dma_wait3A_1816] : memref<320000xf32, #tpu.memory_space<hbm>> -> memref<320000xf32, #tpu.memory_space<hbm>>
    tpu.wait_indirect_dma semaphore(%arg12 : memref<!tpu.dma_semaphore, #tpu.memory_space<semaphore_mem>>) src(%dma_wait3A_1817 : memref<320000xf32, #tpu.memory_space<hbm>>) dst(%dma_wait3A_1812 : memref<80xf32, #tpu.memory_space<vmem>>)
    %dma_wait3A_1818 = arith.constant 0 : i32
    %dma_wait3A_1819 = arith.constant 0 : i32
    %dma_wait3A_1820 = arith.constant 1 : i32
    %dma_wait3A_1821 = arith.constant 0 : i32
    %dma_wait3A_1822 = tpu.memref_slice %arg11[%dma_wait3A_1820, %dma_wait3A_1821] : memref<57x160xf32, #tpu.memory_space<vmem>> -> memref<1x80xf32, #tpu.memory_space<vmem>>
    %dma_wait3A_1823 = tpu.memref_squeeze %dma_wait3A_1822 : memref<1x80xf32, #tpu.memory_space<vmem>> -> memref<80xf32, #tpu.memory_space<vmem>>
    %dma_wait3A_1824 = arith.constant 0 : i32
    %dma_wait3A_1825 = tpu.memref_slice %arg10[%dma_wait3A_1819, %dma_wait3A_1824] : memref<2x80xi32, #tpu.memory_space<vmem>> -> memref<1x80xi32, #tpu.memory_space<vmem>>
    %dma_wait3A_1826 = tpu.memref_squeeze %dma_wait3A_1825 : memref<1x80xi32, #tpu.memory_space<vmem>> -> memref<80xi32, #tpu.memory_space<vmem>>
    %dma_wait3A_1827 = arith.constant 0 : i32
    %dma_wait3A_1828 = tpu.memref_slice %arg4[%dma_wait3A_1818, %dma_wait3A_1827] : memref<4x320000xf32, #tpu.memory_space<hbm>> -> memref<1x320000xf32, #tpu.memory_space<hbm>>
    %dma_wait3A_1829 = tpu.memref_squeeze %dma_wait3A_1828 : memref<1x320000xf32, #tpu.memory_space<hbm>> -> memref<320000xf32, #tpu.memory_space<hbm>>
    %dma_wait3A_1830 = arith.constant 0 : i32
    %dma_wait3A_1831 = tpu.memref_slice %dma_wait3A_1829[%dma_wait3A_1830] : memref<320000xf32, #tpu.memory_space<hbm>> -> memref<320000xf32, #tpu.memory_space<hbm>>
    tpu.wait_indirect_dma semaphore(%arg12 : memref<!tpu.dma_semaphore, #tpu.memory_space<semaphore_mem>>) src(%dma_wait3A_1831 : memref<320000xf32, #tpu.memory_space<hbm>>) dst(%dma_wait3A_1823 : memref<80xf32, #tpu.memory_space<vmem>>)
    %dma_wait3A_1832 = arith.constant 1 : i32
    %dma_wait3A_1833 = arith.constant 0 : i32
    %dma_wait3A_1834 = arith.constant 2 : i32
    %dma_wait3A_1835 = arith.constant 0 : i32
    %dma_wait3A_1836 = tpu.memref_slice %arg11[%dma_wait3A_1834, %dma_wait3A_1835] : memref<57x160xf32, #tpu.memory_space<vmem>> -> memref<1x80xf32, #tpu.memory_space<vmem>>
    %dma_wait3A_1837 = tpu.memref_squeeze %dma_wait3A_1836 : memref<1x80xf32, #tpu.memory_space<vmem>> -> memref<80xf32, #tpu.memory_space<vmem>>
    %dma_wait3A_1838 = arith.constant 0 : i32
    %dma_wait3A_1839 = tpu.memref_slice %arg10[%dma_wait3A_1833, %dma_wait3A_1838] : memref<2x80xi32, #tpu.memory_space<vmem>> -> memref<1x80xi32, #tpu.memory_space<vmem>>
    %dma_wait3A_1840 = tpu.memref_squeeze %dma_wait3A_1839 : memref<1x80xi32, #tpu.memory_space<vmem>> -> memref<80xi32, #tpu.memory_space<vmem>>
    %dma_wait3A_1841 = arith.constant 0 : i32
    %dma_wait3A_1842 = tpu.memref_slice %arg4[%dma_wait3A_1832, %dma_wait3A_1841] : memref<4x320000xf32, #tpu.memory_space<hbm>> -> memref<1x320000xf32, #tpu.memory_space<hbm>>
    %dma_wait3A_1843 = tpu.memref_squeeze %dma_wait3A_1842 : memref<1x320000xf32, #tpu.memory_space<hbm>> -> memref<320000xf32, #tpu.memory_space<hbm>>
    %dma_wait3A_1844 = arith.constant 0 : i32
    %dma_wait3A_1845 = tpu.memref_slice %dma_wait3A_1843[%dma_wait3A_1844] : memref<320000xf32, #tpu.memory_space<hbm>> -> memref<320000xf32, #tpu.memory_space<hbm>>
    tpu.wait_indirect_dma semaphore(%arg12 : memref<!tpu.dma_semaphore, #tpu.memory_space<semaphore_mem>>) src(%dma_wait3A_1845 : memref<320000xf32, #tpu.memory_space<hbm>>) dst(%dma_wait3A_1837 : memref<80xf32, #tpu.memory_space<vmem>>)
    %dma_wait3A_1846 = arith.constant 2 : i32
    %dma_wait3A_1847 = arith.constant 0 : i32
    %dma_wait3A_1848 = arith.constant 3 : i32
    %dma_wait3A_1849 = arith.constant 0 : i32
    %dma_wait3A_1850 = tpu.memref_slice %arg11[%dma_wait3A_1848, %dma_wait3A_1849] : memref<57x160xf32, #tpu.memory_space<vmem>> -> memref<1x80xf32, #tpu.memory_space<vmem>>
    %dma_wait3A_1851 = tpu.memref_squeeze %dma_wait3A_1850 : memref<1x80xf32, #tpu.memory_space<vmem>> -> memref<80xf32, #tpu.memory_space<vmem>>
    %dma_wait3A_1852 = arith.constant 0 : i32
    %dma_wait3A_1853 = tpu.memref_slice %arg10[%dma_wait3A_1847, %dma_wait3A_1852] : memref<2x80xi32, #tpu.memory_space<vmem>> -> memref<1x80xi32, #tpu.memory_space<vmem>>
    %dma_wait3A_1854 = tpu.memref_squeeze %dma_wait3A_1853 : memref<1x80xi32, #tpu.memory_space<vmem>> -> memref<80xi32, #tpu.memory_space<vmem>>
    %dma_wait3A_1855 = arith.constant 0 : i32
    %dma_wait3A_1856 = tpu.memref_slice %arg4[%dma_wait3A_1846, %dma_wait3A_1855] : memref<4x320000xf32, #tpu.memory_space<hbm>> -> memref<1x320000xf32, #tpu.memory_space<hbm>>
    %dma_wait3A_1857 = tpu.memref_squeeze %dma_wait3A_1856 : memref<1x320000xf32, #tpu.memory_space<hbm>> -> memref<320000xf32, #tpu.memory_space<hbm>>
    %dma_wait3A_1858 = arith.constant 0 : i32
    %dma_wait3A_1859 = tpu.memref_slice %dma_wait3A_1857[%dma_wait3A_1858] : memref<320000xf32, #tpu.memory_space<hbm>> -> memref<320000xf32, #tpu.memory_space<hbm>>
    tpu.wait_indirect_dma semaphore(%arg12 : memref<!tpu.dma_semaphore, #tpu.memory_space<semaphore_mem>>) src(%dma_wait3A_1859 : memref<320000xf32, #tpu.memory_space<hbm>>) dst(%dma_wait3A_1851 : memref<80xf32, #tpu.memory_space<vmem>>)
    %dma_wait3A_1860 = arith.constant 3 : i32
    %dma_wait3A_1861 = arith.constant 0 : i32
    %dma_wait3A_1862 = arith.constant 4 : i32
    %dma_wait3A_1863 = arith.constant 0 : i32
    %dma_wait3A_1864 = tpu.memref_slice %arg11[%dma_wait3A_1862, %dma_wait3A_1863] : memref<57x160xf32, #tpu.memory_space<vmem>> -> memref<1x80xf32, #tpu.memory_space<vmem>>
    %dma_wait3A_1865 = tpu.memref_squeeze %dma_wait3A_1864 : memref<1x80xf32, #tpu.memory_space<vmem>> -> memref<80xf32, #tpu.memory_space<vmem>>
    %dma_wait3A_1866 = arith.constant 0 : i32
    %dma_wait3A_1867 = tpu.memref_slice %arg10[%dma_wait3A_1861, %dma_wait3A_1866] : memref<2x80xi32, #tpu.memory_space<vmem>> -> memref<1x80xi32, #tpu.memory_space<vmem>>
    %dma_wait3A_1868 = tpu.memref_squeeze %dma_wait3A_1867 : memref<1x80xi32, #tpu.memory_space<vmem>> -> memref<80xi32, #tpu.memory_space<vmem>>
    %dma_wait3A_1869 = arith.constant 0 : i32
    %dma_wait3A_1870 = tpu.memref_slice %arg4[%dma_wait3A_1860, %dma_wait3A_1869] : memref<4x320000xf32, #tpu.memory_space<hbm>> -> memref<1x320000xf32, #tpu.memory_space<hbm>>
    %dma_wait3A_1871 = tpu.memref_squeeze %dma_wait3A_1870 : memref<1x320000xf32, #tpu.memory_space<hbm>> -> memref<320000xf32, #tpu.memory_space<hbm>>
    %dma_wait3A_1872 = arith.constant 0 : i32
    %dma_wait3A_1873 = tpu.memref_slice %dma_wait3A_1871[%dma_wait3A_1872] : memref<320000xf32, #tpu.memory_space<hbm>> -> memref<320000xf32, #tpu.memory_space<hbm>>
    tpu.wait_indirect_dma semaphore(%arg12 : memref<!tpu.dma_semaphore, #tpu.memory_space<semaphore_mem>>) src(%dma_wait3A_1873 : memref<320000xf32, #tpu.memory_space<hbm>>) dst(%dma_wait3A_1865 : memref<80xf32, #tpu.memory_space<vmem>>)
    %dma_wait3A_1874 = arith.constant 0 : i32
    %dma_wait3A_1875 = arith.constant 0 : i32
    %dma_wait3A_1876 = arith.constant 6 : i32
    %dma_wait3A_1877 = arith.constant 0 : i32
    %dma_wait3A_1878 = tpu.memref_slice %arg11[%dma_wait3A_1876, %dma_wait3A_1877] : memref<57x160xf32, #tpu.memory_space<vmem>> -> memref<1x80xf32, #tpu.memory_space<vmem>>
    %dma_wait3A_1879 = tpu.memref_squeeze %dma_wait3A_1878 : memref<1x80xf32, #tpu.memory_space<vmem>> -> memref<80xf32, #tpu.memory_space<vmem>>
    %dma_wait3A_1880 = arith.constant 0 : i32
    %dma_wait3A_1881 = tpu.memref_slice %arg10[%dma_wait3A_1875, %dma_wait3A_1880] : memref<2x80xi32, #tpu.memory_space<vmem>> -> memref<1x80xi32, #tpu.memory_space<vmem>>
    %dma_wait3A_1882 = tpu.memref_squeeze %dma_wait3A_1881 : memref<1x80xi32, #tpu.memory_space<vmem>> -> memref<80xi32, #tpu.memory_space<vmem>>
    %dma_wait3A_1883 = arith.constant 0 : i32
    %dma_wait3A_1884 = tpu.memref_slice %arg6[%dma_wait3A_1874, %dma_wait3A_1883] : memref<51x320000xf32, #tpu.memory_space<hbm>> -> memref<1x320000xf32, #tpu.memory_space<hbm>>
    %dma_wait3A_1885 = tpu.memref_squeeze %dma_wait3A_1884 : memref<1x320000xf32, #tpu.memory_space<hbm>> -> memref<320000xf32, #tpu.memory_space<hbm>>
    %dma_wait3A_1886 = arith.constant 0 : i32
    %dma_wait3A_1887 = tpu.memref_slice %dma_wait3A_1885[%dma_wait3A_1886] : memref<320000xf32, #tpu.memory_space<hbm>> -> memref<320000xf32, #tpu.memory_space<hbm>>
    tpu.wait_indirect_dma semaphore(%arg12 : memref<!tpu.dma_semaphore, #tpu.memory_space<semaphore_mem>>) src(%dma_wait3A_1887 : memref<320000xf32, #tpu.memory_space<hbm>>) dst(%dma_wait3A_1879 : memref<80xf32, #tpu.memory_space<vmem>>)
    %dma_wait3A_1888 = arith.constant 1 : i32
    %dma_wait3A_1889 = arith.constant 0 : i32
    %dma_wait3A_1890 = arith.constant 7 : i32
    %dma_wait3A_1891 = arith.constant 0 : i32
    %dma_wait3A_1892 = tpu.memref_slice %arg11[%dma_wait3A_1890, %dma_wait3A_1891] : memref<57x160xf32, #tpu.memory_space<vmem>> -> memref<1x80xf32, #tpu.memory_space<vmem>>
    %dma_wait3A_1893 = tpu.memref_squeeze %dma_wait3A_1892 : memref<1x80xf32, #tpu.memory_space<vmem>> -> memref<80xf32, #tpu.memory_space<vmem>>
    %dma_wait3A_1894 = arith.constant 0 : i32
    %dma_wait3A_1895 = tpu.memref_slice %arg10[%dma_wait3A_1889, %dma_wait3A_1894] : memref<2x80xi32, #tpu.memory_space<vmem>> -> memref<1x80xi32, #tpu.memory_space<vmem>>
    %dma_wait3A_1896 = tpu.memref_squeeze %dma_wait3A_1895 : memref<1x80xi32, #tpu.memory_space<vmem>> -> memref<80xi32, #tpu.memory_space<vmem>>
    %dma_wait3A_1897 = arith.constant 0 : i32
    %dma_wait3A_1898 = tpu.memref_slice %arg6[%dma_wait3A_1888, %dma_wait3A_1897] : memref<51x320000xf32, #tpu.memory_space<hbm>> -> memref<1x320000xf32, #tpu.memory_space<hbm>>
    %dma_wait3A_1899 = tpu.memref_squeeze %dma_wait3A_1898 : memref<1x320000xf32, #tpu.memory_space<hbm>> -> memref<320000xf32, #tpu.memory_space<hbm>>
    %dma_wait3A_1900 = arith.constant 0 : i32
    %dma_wait3A_1901 = tpu.memref_slice %dma_wait3A_1899[%dma_wait3A_1900] : memref<320000xf32, #tpu.memory_space<hbm>> -> memref<320000xf32, #tpu.memory_space<hbm>>
    tpu.wait_indirect_dma semaphore(%arg12 : memref<!tpu.dma_semaphore, #tpu.memory_space<semaphore_mem>>) src(%dma_wait3A_1901 : memref<320000xf32, #tpu.memory_space<hbm>>) dst(%dma_wait3A_1893 : memref<80xf32, #tpu.memory_space<vmem>>)
    %dma_wait3A_1902 = arith.constant 2 : i32
    %dma_wait3A_1903 = arith.constant 0 : i32
    %dma_wait3A_1904 = arith.constant 8 : i32
    %dma_wait3A_1905 = arith.constant 0 : i32
    %dma_wait3A_1906 = tpu.memref_slice %arg11[%dma_wait3A_1904, %dma_wait3A_1905] : memref<57x160xf32, #tpu.memory_space<vmem>> -> memref<1x80xf32, #tpu.memory_space<vmem>>
    %dma_wait3A_1907 = tpu.memref_squeeze %dma_wait3A_1906 : memref<1x80xf32, #tpu.memory_space<vmem>> -> memref<80xf32, #tpu.memory_space<vmem>>
    %dma_wait3A_1908 = arith.constant 0 : i32
    %dma_wait3A_1909 = tpu.memref_slice %arg10[%dma_wait3A_1903, %dma_wait3A_1908] : memref<2x80xi32, #tpu.memory_space<vmem>> -> memref<1x80xi32, #tpu.memory_space<vmem>>
    %dma_wait3A_1910 = tpu.memref_squeeze %dma_wait3A_1909 : memref<1x80xi32, #tpu.memory_space<vmem>> -> memref<80xi32, #tpu.memory_space<vmem>>
    %dma_wait3A_1911 = arith.constant 0 : i32
    %dma_wait3A_1912 = tpu.memref_slice %arg6[%dma_wait3A_1902, %dma_wait3A_1911] : memref<51x320000xf32, #tpu.memory_space<hbm>> -> memref<1x320000xf32, #tpu.memory_space<hbm>>
    %dma_wait3A_1913 = tpu.memref_squeeze %dma_wait3A_1912 : memref<1x320000xf32, #tpu.memory_space<hbm>> -> memref<320000xf32, #tpu.memory_space<hbm>>
    %dma_wait3A_1914 = arith.constant 0 : i32
    %dma_wait3A_1915 = tpu.memref_slice %dma_wait3A_1913[%dma_wait3A_1914] : memref<320000xf32, #tpu.memory_space<hbm>> -> memref<320000xf32, #tpu.memory_space<hbm>>
    tpu.wait_indirect_dma semaphore(%arg12 : memref<!tpu.dma_semaphore, #tpu.memory_space<semaphore_mem>>) src(%dma_wait3A_1915 : memref<320000xf32, #tpu.memory_space<hbm>>) dst(%dma_wait3A_1907 : memref<80xf32, #tpu.memory_space<vmem>>)
    %dma_wait3A_1916 = arith.constant 3 : i32
    %dma_wait3A_1917 = arith.constant 0 : i32
    %dma_wait3A_1918 = arith.constant 9 : i32
    %dma_wait3A_1919 = arith.constant 0 : i32
    %dma_wait3A_1920 = tpu.memref_slice %arg11[%dma_wait3A_1918, %dma_wait3A_1919] : memref<57x160xf32, #tpu.memory_space<vmem>> -> memref<1x80xf32, #tpu.memory_space<vmem>>
    %dma_wait3A_1921 = tpu.memref_squeeze %dma_wait3A_1920 : memref<1x80xf32, #tpu.memory_space<vmem>> -> memref<80xf32, #tpu.memory_space<vmem>>
    %dma_wait3A_1922 = arith.constant 0 : i32
    %dma_wait3A_1923 = tpu.memref_slice %arg10[%dma_wait3A_1917, %dma_wait3A_1922] : memref<2x80xi32, #tpu.memory_space<vmem>> -> memref<1x80xi32, #tpu.memory_space<vmem>>
    %dma_wait3A_1924 = tpu.memref_squeeze %dma_wait3A_1923 : memref<1x80xi32, #tpu.memory_space<vmem>> -> memref<80xi32, #tpu.memory_space<vmem>>
    %dma_wait3A_1925 = arith.constant 0 : i32
    %dma_wait3A_1926 = tpu.memref_slice %arg6[%dma_wait3A_1916, %dma_wait3A_1925] : memref<51x320000xf32, #tpu.memory_space<hbm>> -> memref<1x320000xf32, #tpu.memory_space<hbm>>
    %dma_wait3A_1927 = tpu.memref_squeeze %dma_wait3A_1926 : memref<1x320000xf32, #tpu.memory_space<hbm>> -> memref<320000xf32, #tpu.memory_space<hbm>>
    %dma_wait3A_1928 = arith.constant 0 : i32
    %dma_wait3A_1929 = tpu.memref_slice %dma_wait3A_1927[%dma_wait3A_1928] : memref<320000xf32, #tpu.memory_space<hbm>> -> memref<320000xf32, #tpu.memory_space<hbm>>
    tpu.wait_indirect_dma semaphore(%arg12 : memref<!tpu.dma_semaphore, #tpu.memory_space<semaphore_mem>>) src(%dma_wait3A_1929 : memref<320000xf32, #tpu.memory_space<hbm>>) dst(%dma_wait3A_1921 : memref<80xf32, #tpu.memory_space<vmem>>)
    %dma_wait3A_1930 = arith.constant 4 : i32
    %dma_wait3A_1931 = arith.constant 0 : i32
    %dma_wait3A_1932 = arith.constant 10 : i32
    %dma_wait3A_1933 = arith.constant 0 : i32
    %dma_wait3A_1934 = tpu.memref_slice %arg11[%dma_wait3A_1932, %dma_wait3A_1933] : memref<57x160xf32, #tpu.memory_space<vmem>> -> memref<1x80xf32, #tpu.memory_space<vmem>>
    %dma_wait3A_1935 = tpu.memref_squeeze %dma_wait3A_1934 : memref<1x80xf32, #tpu.memory_space<vmem>> -> memref<80xf32, #tpu.memory_space<vmem>>
    %dma_wait3A_1936 = arith.constant 0 : i32
    %dma_wait3A_1937 = tpu.memref_slice %arg10[%dma_wait3A_1931, %dma_wait3A_1936] : memref<2x80xi32, #tpu.memory_space<vmem>> -> memref<1x80xi32, #tpu.memory_space<vmem>>
    %dma_wait3A_1938 = tpu.memref_squeeze %dma_wait3A_1937 : memref<1x80xi32, #tpu.memory_space<vmem>> -> memref<80xi32, #tpu.memory_space<vmem>>
    %dma_wait3A_1939 = arith.constant 0 : i32
    %dma_wait3A_1940 = tpu.memref_slice %arg6[%dma_wait3A_1930, %dma_wait3A_1939] : memref<51x320000xf32, #tpu.memory_space<hbm>> -> memref<1x320000xf32, #tpu.memory_space<hbm>>
    %dma_wait3A_1941 = tpu.memref_squeeze %dma_wait3A_1940 : memref<1x320000xf32, #tpu.memory_space<hbm>> -> memref<320000xf32, #tpu.memory_space<hbm>>
    %dma_wait3A_1942 = arith.constant 0 : i32
    %dma_wait3A_1943 = tpu.memref_slice %dma_wait3A_1941[%dma_wait3A_1942] : memref<320000xf32, #tpu.memory_space<hbm>> -> memref<320000xf32, #tpu.memory_space<hbm>>
    tpu.wait_indirect_dma semaphore(%arg12 : memref<!tpu.dma_semaphore, #tpu.memory_space<semaphore_mem>>) src(%dma_wait3A_1943 : memref<320000xf32, #tpu.memory_space<hbm>>) dst(%dma_wait3A_1935 : memref<80xf32, #tpu.memory_space<vmem>>)
    %dma_wait3A_1944 = arith.constant 5 : i32
    %dma_wait3A_1945 = arith.constant 0 : i32
    %dma_wait3A_1946 = arith.constant 11 : i32
    %dma_wait3A_1947 = arith.constant 0 : i32
    %dma_wait3A_1948 = tpu.memref_slice %arg11[%dma_wait3A_1946, %dma_wait3A_1947] : memref<57x160xf32, #tpu.memory_space<vmem>> -> memref<1x80xf32, #tpu.memory_space<vmem>>
    %dma_wait3A_1949 = tpu.memref_squeeze %dma_wait3A_1948 : memref<1x80xf32, #tpu.memory_space<vmem>> -> memref<80xf32, #tpu.memory_space<vmem>>
    %dma_wait3A_1950 = arith.constant 0 : i32
    %dma_wait3A_1951 = tpu.memref_slice %arg10[%dma_wait3A_1945, %dma_wait3A_1950] : memref<2x80xi32, #tpu.memory_space<vmem>> -> memref<1x80xi32, #tpu.memory_space<vmem>>
    %dma_wait3A_1952 = tpu.memref_squeeze %dma_wait3A_1951 : memref<1x80xi32, #tpu.memory_space<vmem>> -> memref<80xi32, #tpu.memory_space<vmem>>
    %dma_wait3A_1953 = arith.constant 0 : i32
    %dma_wait3A_1954 = tpu.memref_slice %arg6[%dma_wait3A_1944, %dma_wait3A_1953] : memref<51x320000xf32, #tpu.memory_space<hbm>> -> memref<1x320000xf32, #tpu.memory_space<hbm>>
    %dma_wait3A_1955 = tpu.memref_squeeze %dma_wait3A_1954 : memref<1x320000xf32, #tpu.memory_space<hbm>> -> memref<320000xf32, #tpu.memory_space<hbm>>
    %dma_wait3A_1956 = arith.constant 0 : i32
    %dma_wait3A_1957 = tpu.memref_slice %dma_wait3A_1955[%dma_wait3A_1956] : memref<320000xf32, #tpu.memory_space<hbm>> -> memref<320000xf32, #tpu.memory_space<hbm>>
    tpu.wait_indirect_dma semaphore(%arg12 : memref<!tpu.dma_semaphore, #tpu.memory_space<semaphore_mem>>) src(%dma_wait3A_1957 : memref<320000xf32, #tpu.memory_space<hbm>>) dst(%dma_wait3A_1949 : memref<80xf32, #tpu.memory_space<vmem>>)
    %dma_wait3A_1958 = arith.constant 6 : i32
    %dma_wait3A_1959 = arith.constant 0 : i32
    %dma_wait3A_1960 = arith.constant 12 : i32
    %dma_wait3A_1961 = arith.constant 0 : i32
    %dma_wait3A_1962 = tpu.memref_slice %arg11[%dma_wait3A_1960, %dma_wait3A_1961] : memref<57x160xf32, #tpu.memory_space<vmem>> -> memref<1x80xf32, #tpu.memory_space<vmem>>
    %dma_wait3A_1963 = tpu.memref_squeeze %dma_wait3A_1962 : memref<1x80xf32, #tpu.memory_space<vmem>> -> memref<80xf32, #tpu.memory_space<vmem>>
    %dma_wait3A_1964 = arith.constant 0 : i32
    %dma_wait3A_1965 = tpu.memref_slice %arg10[%dma_wait3A_1959, %dma_wait3A_1964] : memref<2x80xi32, #tpu.memory_space<vmem>> -> memref<1x80xi32, #tpu.memory_space<vmem>>
    %dma_wait3A_1966 = tpu.memref_squeeze %dma_wait3A_1965 : memref<1x80xi32, #tpu.memory_space<vmem>> -> memref<80xi32, #tpu.memory_space<vmem>>
    %dma_wait3A_1967 = arith.constant 0 : i32
    %dma_wait3A_1968 = tpu.memref_slice %arg6[%dma_wait3A_1958, %dma_wait3A_1967] : memref<51x320000xf32, #tpu.memory_space<hbm>> -> memref<1x320000xf32, #tpu.memory_space<hbm>>
    %dma_wait3A_1969 = tpu.memref_squeeze %dma_wait3A_1968 : memref<1x320000xf32, #tpu.memory_space<hbm>> -> memref<320000xf32, #tpu.memory_space<hbm>>
    %dma_wait3A_1970 = arith.constant 0 : i32
    %dma_wait3A_1971 = tpu.memref_slice %dma_wait3A_1969[%dma_wait3A_1970] : memref<320000xf32, #tpu.memory_space<hbm>> -> memref<320000xf32, #tpu.memory_space<hbm>>
    tpu.wait_indirect_dma semaphore(%arg12 : memref<!tpu.dma_semaphore, #tpu.memory_space<semaphore_mem>>) src(%dma_wait3A_1971 : memref<320000xf32, #tpu.memory_space<hbm>>) dst(%dma_wait3A_1963 : memref<80xf32, #tpu.memory_space<vmem>>)
    %dma_wait3A_1972 = arith.constant 7 : i32
    %dma_wait3A_1973 = arith.constant 0 : i32
    %dma_wait3A_1974 = arith.constant 13 : i32
    %dma_wait3A_1975 = arith.constant 0 : i32
    %dma_wait3A_1976 = tpu.memref_slice %arg11[%dma_wait3A_1974, %dma_wait3A_1975] : memref<57x160xf32, #tpu.memory_space<vmem>> -> memref<1x80xf32, #tpu.memory_space<vmem>>
    %dma_wait3A_1977 = tpu.memref_squeeze %dma_wait3A_1976 : memref<1x80xf32, #tpu.memory_space<vmem>> -> memref<80xf32, #tpu.memory_space<vmem>>
    %dma_wait3A_1978 = arith.constant 0 : i32
    %dma_wait3A_1979 = tpu.memref_slice %arg10[%dma_wait3A_1973, %dma_wait3A_1978] : memref<2x80xi32, #tpu.memory_space<vmem>> -> memref<1x80xi32, #tpu.memory_space<vmem>>
    %dma_wait3A_1980 = tpu.memref_squeeze %dma_wait3A_1979 : memref<1x80xi32, #tpu.memory_space<vmem>> -> memref<80xi32, #tpu.memory_space<vmem>>
    %dma_wait3A_1981 = arith.constant 0 : i32
    %dma_wait3A_1982 = tpu.memref_slice %arg6[%dma_wait3A_1972, %dma_wait3A_1981] : memref<51x320000xf32, #tpu.memory_space<hbm>> -> memref<1x320000xf32, #tpu.memory_space<hbm>>
    %dma_wait3A_1983 = tpu.memref_squeeze %dma_wait3A_1982 : memref<1x320000xf32, #tpu.memory_space<hbm>> -> memref<320000xf32, #tpu.memory_space<hbm>>
    %dma_wait3A_1984 = arith.constant 0 : i32
    %dma_wait3A_1985 = tpu.memref_slice %dma_wait3A_1983[%dma_wait3A_1984] : memref<320000xf32, #tpu.memory_space<hbm>> -> memref<320000xf32, #tpu.memory_space<hbm>>
    tpu.wait_indirect_dma semaphore(%arg12 : memref<!tpu.dma_semaphore, #tpu.memory_space<semaphore_mem>>) src(%dma_wait3A_1985 : memref<320000xf32, #tpu.memory_space<hbm>>) dst(%dma_wait3A_1977 : memref<80xf32, #tpu.memory_space<vmem>>)
    %dma_wait3A_1986 = arith.constant 8 : i32
    %dma_wait3A_1987 = arith.constant 0 : i32
    %dma_wait3A_1988 = arith.constant 14 : i32
    %dma_wait3A_1989 = arith.constant 0 : i32
    %dma_wait3A_1990 = tpu.memref_slice %arg11[%dma_wait3A_1988, %dma_wait3A_1989] : memref<57x160xf32, #tpu.memory_space<vmem>> -> memref<1x80xf32, #tpu.memory_space<vmem>>
    %dma_wait3A_1991 = tpu.memref_squeeze %dma_wait3A_1990 : memref<1x80xf32, #tpu.memory_space<vmem>> -> memref<80xf32, #tpu.memory_space<vmem>>
    %dma_wait3A_1992 = arith.constant 0 : i32
    %dma_wait3A_1993 = tpu.memref_slice %arg10[%dma_wait3A_1987, %dma_wait3A_1992] : memref<2x80xi32, #tpu.memory_space<vmem>> -> memref<1x80xi32, #tpu.memory_space<vmem>>
    %dma_wait3A_1994 = tpu.memref_squeeze %dma_wait3A_1993 : memref<1x80xi32, #tpu.memory_space<vmem>> -> memref<80xi32, #tpu.memory_space<vmem>>
    %dma_wait3A_1995 = arith.constant 0 : i32
    %dma_wait3A_1996 = tpu.memref_slice %arg6[%dma_wait3A_1986, %dma_wait3A_1995] : memref<51x320000xf32, #tpu.memory_space<hbm>> -> memref<1x320000xf32, #tpu.memory_space<hbm>>
    %dma_wait3A_1997 = tpu.memref_squeeze %dma_wait3A_1996 : memref<1x320000xf32, #tpu.memory_space<hbm>> -> memref<320000xf32, #tpu.memory_space<hbm>>
    %dma_wait3A_1998 = arith.constant 0 : i32
    %dma_wait3A_1999 = tpu.memref_slice %dma_wait3A_1997[%dma_wait3A_1998] : memref<320000xf32, #tpu.memory_space<hbm>> -> memref<320000xf32, #tpu.memory_space<hbm>>
    tpu.wait_indirect_dma semaphore(%arg12 : memref<!tpu.dma_semaphore, #tpu.memory_space<semaphore_mem>>) src(%dma_wait3A_1999 : memref<320000xf32, #tpu.memory_space<hbm>>) dst(%dma_wait3A_1991 : memref<80xf32, #tpu.memory_space<vmem>>)
    %dma_wait3A_2000 = arith.constant 9 : i32
    %dma_wait3A_2001 = arith.constant 0 : i32
    %dma_wait3A_2002 = arith.constant 15 : i32
    %dma_wait3A_2003 = arith.constant 0 : i32
    %dma_wait3A_2004 = tpu.memref_slice %arg11[%dma_wait3A_2002, %dma_wait3A_2003] : memref<57x160xf32, #tpu.memory_space<vmem>> -> memref<1x80xf32, #tpu.memory_space<vmem>>
    %dma_wait3A_2005 = tpu.memref_squeeze %dma_wait3A_2004 : memref<1x80xf32, #tpu.memory_space<vmem>> -> memref<80xf32, #tpu.memory_space<vmem>>
    %dma_wait3A_2006 = arith.constant 0 : i32
    %dma_wait3A_2007 = tpu.memref_slice %arg10[%dma_wait3A_2001, %dma_wait3A_2006] : memref<2x80xi32, #tpu.memory_space<vmem>> -> memref<1x80xi32, #tpu.memory_space<vmem>>
    %dma_wait3A_2008 = tpu.memref_squeeze %dma_wait3A_2007 : memref<1x80xi32, #tpu.memory_space<vmem>> -> memref<80xi32, #tpu.memory_space<vmem>>
    %dma_wait3A_2009 = arith.constant 0 : i32
    %dma_wait3A_2010 = tpu.memref_slice %arg6[%dma_wait3A_2000, %dma_wait3A_2009] : memref<51x320000xf32, #tpu.memory_space<hbm>> -> memref<1x320000xf32, #tpu.memory_space<hbm>>
    %dma_wait3A_2011 = tpu.memref_squeeze %dma_wait3A_2010 : memref<1x320000xf32, #tpu.memory_space<hbm>> -> memref<320000xf32, #tpu.memory_space<hbm>>
    %dma_wait3A_2012 = arith.constant 0 : i32
    %dma_wait3A_2013 = tpu.memref_slice %dma_wait3A_2011[%dma_wait3A_2012] : memref<320000xf32, #tpu.memory_space<hbm>> -> memref<320000xf32, #tpu.memory_space<hbm>>
    tpu.wait_indirect_dma semaphore(%arg12 : memref<!tpu.dma_semaphore, #tpu.memory_space<semaphore_mem>>) src(%dma_wait3A_2013 : memref<320000xf32, #tpu.memory_space<hbm>>) dst(%dma_wait3A_2005 : memref<80xf32, #tpu.memory_space<vmem>>)
    %dma_wait3A_2014 = arith.constant 10 : i32
    %dma_wait3A_2015 = arith.constant 0 : i32
    %dma_wait3A_2016 = arith.constant 16 : i32
    %dma_wait3A_2017 = arith.constant 0 : i32
    %dma_wait3A_2018 = tpu.memref_slice %arg11[%dma_wait3A_2016, %dma_wait3A_2017] : memref<57x160xf32, #tpu.memory_space<vmem>> -> memref<1x80xf32, #tpu.memory_space<vmem>>
    %dma_wait3A_2019 = tpu.memref_squeeze %dma_wait3A_2018 : memref<1x80xf32, #tpu.memory_space<vmem>> -> memref<80xf32, #tpu.memory_space<vmem>>
    %dma_wait3A_2020 = arith.constant 0 : i32
    %dma_wait3A_2021 = tpu.memref_slice %arg10[%dma_wait3A_2015, %dma_wait3A_2020] : memref<2x80xi32, #tpu.memory_space<vmem>> -> memref<1x80xi32, #tpu.memory_space<vmem>>
    %dma_wait3A_2022 = tpu.memref_squeeze %dma_wait3A_2021 : memref<1x80xi32, #tpu.memory_space<vmem>> -> memref<80xi32, #tpu.memory_space<vmem>>
    %dma_wait3A_2023 = arith.constant 0 : i32
    %dma_wait3A_2024 = tpu.memref_slice %arg6[%dma_wait3A_2014, %dma_wait3A_2023] : memref<51x320000xf32, #tpu.memory_space<hbm>> -> memref<1x320000xf32, #tpu.memory_space<hbm>>
    %dma_wait3A_2025 = tpu.memref_squeeze %dma_wait3A_2024 : memref<1x320000xf32, #tpu.memory_space<hbm>> -> memref<320000xf32, #tpu.memory_space<hbm>>
    %dma_wait3A_2026 = arith.constant 0 : i32
    %dma_wait3A_2027 = tpu.memref_slice %dma_wait3A_2025[%dma_wait3A_2026] : memref<320000xf32, #tpu.memory_space<hbm>> -> memref<320000xf32, #tpu.memory_space<hbm>>
    tpu.wait_indirect_dma semaphore(%arg12 : memref<!tpu.dma_semaphore, #tpu.memory_space<semaphore_mem>>) src(%dma_wait3A_2027 : memref<320000xf32, #tpu.memory_space<hbm>>) dst(%dma_wait3A_2019 : memref<80xf32, #tpu.memory_space<vmem>>)
    %dma_wait3A_2028 = arith.constant 11 : i32
    %dma_wait3A_2029 = arith.constant 0 : i32
    %dma_wait3A_2030 = arith.constant 17 : i32
    %dma_wait3A_2031 = arith.constant 0 : i32
    %dma_wait3A_2032 = tpu.memref_slice %arg11[%dma_wait3A_2030, %dma_wait3A_2031] : memref<57x160xf32, #tpu.memory_space<vmem>> -> memref<1x80xf32, #tpu.memory_space<vmem>>
    %dma_wait3A_2033 = tpu.memref_squeeze %dma_wait3A_2032 : memref<1x80xf32, #tpu.memory_space<vmem>> -> memref<80xf32, #tpu.memory_space<vmem>>
    %dma_wait3A_2034 = arith.constant 0 : i32
    %dma_wait3A_2035 = tpu.memref_slice %arg10[%dma_wait3A_2029, %dma_wait3A_2034] : memref<2x80xi32, #tpu.memory_space<vmem>> -> memref<1x80xi32, #tpu.memory_space<vmem>>
    %dma_wait3A_2036 = tpu.memref_squeeze %dma_wait3A_2035 : memref<1x80xi32, #tpu.memory_space<vmem>> -> memref<80xi32, #tpu.memory_space<vmem>>
    %dma_wait3A_2037 = arith.constant 0 : i32
    %dma_wait3A_2038 = tpu.memref_slice %arg6[%dma_wait3A_2028, %dma_wait3A_2037] : memref<51x320000xf32, #tpu.memory_space<hbm>> -> memref<1x320000xf32, #tpu.memory_space<hbm>>
    %dma_wait3A_2039 = tpu.memref_squeeze %dma_wait3A_2038 : memref<1x320000xf32, #tpu.memory_space<hbm>> -> memref<320000xf32, #tpu.memory_space<hbm>>
    %dma_wait3A_2040 = arith.constant 0 : i32
    %dma_wait3A_2041 = tpu.memref_slice %dma_wait3A_2039[%dma_wait3A_2040] : memref<320000xf32, #tpu.memory_space<hbm>> -> memref<320000xf32, #tpu.memory_space<hbm>>
    tpu.wait_indirect_dma semaphore(%arg12 : memref<!tpu.dma_semaphore, #tpu.memory_space<semaphore_mem>>) src(%dma_wait3A_2041 : memref<320000xf32, #tpu.memory_space<hbm>>) dst(%dma_wait3A_2033 : memref<80xf32, #tpu.memory_space<vmem>>)
    %dma_wait3A_2042 = arith.constant 12 : i32
    %dma_wait3A_2043 = arith.constant 0 : i32
    %dma_wait3A_2044 = arith.constant 18 : i32
    %dma_wait3A_2045 = arith.constant 0 : i32
    %dma_wait3A_2046 = tpu.memref_slice %arg11[%dma_wait3A_2044, %dma_wait3A_2045] : memref<57x160xf32, #tpu.memory_space<vmem>> -> memref<1x80xf32, #tpu.memory_space<vmem>>
    %dma_wait3A_2047 = tpu.memref_squeeze %dma_wait3A_2046 : memref<1x80xf32, #tpu.memory_space<vmem>> -> memref<80xf32, #tpu.memory_space<vmem>>
    %dma_wait3A_2048 = arith.constant 0 : i32
    %dma_wait3A_2049 = tpu.memref_slice %arg10[%dma_wait3A_2043, %dma_wait3A_2048] : memref<2x80xi32, #tpu.memory_space<vmem>> -> memref<1x80xi32, #tpu.memory_space<vmem>>
    %dma_wait3A_2050 = tpu.memref_squeeze %dma_wait3A_2049 : memref<1x80xi32, #tpu.memory_space<vmem>> -> memref<80xi32, #tpu.memory_space<vmem>>
    %dma_wait3A_2051 = arith.constant 0 : i32
    %dma_wait3A_2052 = tpu.memref_slice %arg6[%dma_wait3A_2042, %dma_wait3A_2051] : memref<51x320000xf32, #tpu.memory_space<hbm>> -> memref<1x320000xf32, #tpu.memory_space<hbm>>
    %dma_wait3A_2053 = tpu.memref_squeeze %dma_wait3A_2052 : memref<1x320000xf32, #tpu.memory_space<hbm>> -> memref<320000xf32, #tpu.memory_space<hbm>>
    %dma_wait3A_2054 = arith.constant 0 : i32
    %dma_wait3A_2055 = tpu.memref_slice %dma_wait3A_2053[%dma_wait3A_2054] : memref<320000xf32, #tpu.memory_space<hbm>> -> memref<320000xf32, #tpu.memory_space<hbm>>
    tpu.wait_indirect_dma semaphore(%arg12 : memref<!tpu.dma_semaphore, #tpu.memory_space<semaphore_mem>>) src(%dma_wait3A_2055 : memref<320000xf32, #tpu.memory_space<hbm>>) dst(%dma_wait3A_2047 : memref<80xf32, #tpu.memory_space<vmem>>)
    %dma_wait3A_2056 = arith.constant 13 : i32
    %dma_wait3A_2057 = arith.constant 0 : i32
    %dma_wait3A_2058 = arith.constant 19 : i32
    %dma_wait3A_2059 = arith.constant 0 : i32
    %dma_wait3A_2060 = tpu.memref_slice %arg11[%dma_wait3A_2058, %dma_wait3A_2059] : memref<57x160xf32, #tpu.memory_space<vmem>> -> memref<1x80xf32, #tpu.memory_space<vmem>>
    %dma_wait3A_2061 = tpu.memref_squeeze %dma_wait3A_2060 : memref<1x80xf32, #tpu.memory_space<vmem>> -> memref<80xf32, #tpu.memory_space<vmem>>
    %dma_wait3A_2062 = arith.constant 0 : i32
    %dma_wait3A_2063 = tpu.memref_slice %arg10[%dma_wait3A_2057, %dma_wait3A_2062] : memref<2x80xi32, #tpu.memory_space<vmem>> -> memref<1x80xi32, #tpu.memory_space<vmem>>
    %dma_wait3A_2064 = tpu.memref_squeeze %dma_wait3A_2063 : memref<1x80xi32, #tpu.memory_space<vmem>> -> memref<80xi32, #tpu.memory_space<vmem>>
    %dma_wait3A_2065 = arith.constant 0 : i32
    %dma_wait3A_2066 = tpu.memref_slice %arg6[%dma_wait3A_2056, %dma_wait3A_2065] : memref<51x320000xf32, #tpu.memory_space<hbm>> -> memref<1x320000xf32, #tpu.memory_space<hbm>>
    %dma_wait3A_2067 = tpu.memref_squeeze %dma_wait3A_2066 : memref<1x320000xf32, #tpu.memory_space<hbm>> -> memref<320000xf32, #tpu.memory_space<hbm>>
    %dma_wait3A_2068 = arith.constant 0 : i32
    %dma_wait3A_2069 = tpu.memref_slice %dma_wait3A_2067[%dma_wait3A_2068] : memref<320000xf32, #tpu.memory_space<hbm>> -> memref<320000xf32, #tpu.memory_space<hbm>>
    tpu.wait_indirect_dma semaphore(%arg12 : memref<!tpu.dma_semaphore, #tpu.memory_space<semaphore_mem>>) src(%dma_wait3A_2069 : memref<320000xf32, #tpu.memory_space<hbm>>) dst(%dma_wait3A_2061 : memref<80xf32, #tpu.memory_space<vmem>>)
    %dma_wait3A_2070 = arith.constant 14 : i32
    %dma_wait3A_2071 = arith.constant 0 : i32
    %dma_wait3A_2072 = arith.constant 20 : i32
    %dma_wait3A_2073 = arith.constant 0 : i32
    %dma_wait3A_2074 = tpu.memref_slice %arg11[%dma_wait3A_2072, %dma_wait3A_2073] : memref<57x160xf32, #tpu.memory_space<vmem>> -> memref<1x80xf32, #tpu.memory_space<vmem>>
    %dma_wait3A_2075 = tpu.memref_squeeze %dma_wait3A_2074 : memref<1x80xf32, #tpu.memory_space<vmem>> -> memref<80xf32, #tpu.memory_space<vmem>>
    %dma_wait3A_2076 = arith.constant 0 : i32
    %dma_wait3A_2077 = tpu.memref_slice %arg10[%dma_wait3A_2071, %dma_wait3A_2076] : memref<2x80xi32, #tpu.memory_space<vmem>> -> memref<1x80xi32, #tpu.memory_space<vmem>>
    %dma_wait3A_2078 = tpu.memref_squeeze %dma_wait3A_2077 : memref<1x80xi32, #tpu.memory_space<vmem>> -> memref<80xi32, #tpu.memory_space<vmem>>
    %dma_wait3A_2079 = arith.constant 0 : i32
    %dma_wait3A_2080 = tpu.memref_slice %arg6[%dma_wait3A_2070, %dma_wait3A_2079] : memref<51x320000xf32, #tpu.memory_space<hbm>> -> memref<1x320000xf32, #tpu.memory_space<hbm>>
    %dma_wait3A_2081 = tpu.memref_squeeze %dma_wait3A_2080 : memref<1x320000xf32, #tpu.memory_space<hbm>> -> memref<320000xf32, #tpu.memory_space<hbm>>
    %dma_wait3A_2082 = arith.constant 0 : i32
    %dma_wait3A_2083 = tpu.memref_slice %dma_wait3A_2081[%dma_wait3A_2082] : memref<320000xf32, #tpu.memory_space<hbm>> -> memref<320000xf32, #tpu.memory_space<hbm>>
    tpu.wait_indirect_dma semaphore(%arg12 : memref<!tpu.dma_semaphore, #tpu.memory_space<semaphore_mem>>) src(%dma_wait3A_2083 : memref<320000xf32, #tpu.memory_space<hbm>>) dst(%dma_wait3A_2075 : memref<80xf32, #tpu.memory_space<vmem>>)
    %dma_wait3A_2084 = arith.constant 15 : i32
    %dma_wait3A_2085 = arith.constant 0 : i32
    %dma_wait3A_2086 = arith.constant 21 : i32
    %dma_wait3A_2087 = arith.constant 0 : i32
    %dma_wait3A_2088 = tpu.memref_slice %arg11[%dma_wait3A_2086, %dma_wait3A_2087] : memref<57x160xf32, #tpu.memory_space<vmem>> -> memref<1x80xf32, #tpu.memory_space<vmem>>
    %dma_wait3A_2089 = tpu.memref_squeeze %dma_wait3A_2088 : memref<1x80xf32, #tpu.memory_space<vmem>> -> memref<80xf32, #tpu.memory_space<vmem>>
    %dma_wait3A_2090 = arith.constant 0 : i32
    %dma_wait3A_2091 = tpu.memref_slice %arg10[%dma_wait3A_2085, %dma_wait3A_2090] : memref<2x80xi32, #tpu.memory_space<vmem>> -> memref<1x80xi32, #tpu.memory_space<vmem>>
    %dma_wait3A_2092 = tpu.memref_squeeze %dma_wait3A_2091 : memref<1x80xi32, #tpu.memory_space<vmem>> -> memref<80xi32, #tpu.memory_space<vmem>>
    %dma_wait3A_2093 = arith.constant 0 : i32
    %dma_wait3A_2094 = tpu.memref_slice %arg6[%dma_wait3A_2084, %dma_wait3A_2093] : memref<51x320000xf32, #tpu.memory_space<hbm>> -> memref<1x320000xf32, #tpu.memory_space<hbm>>
    %dma_wait3A_2095 = tpu.memref_squeeze %dma_wait3A_2094 : memref<1x320000xf32, #tpu.memory_space<hbm>> -> memref<320000xf32, #tpu.memory_space<hbm>>
    %dma_wait3A_2096 = arith.constant 0 : i32
    %dma_wait3A_2097 = tpu.memref_slice %dma_wait3A_2095[%dma_wait3A_2096] : memref<320000xf32, #tpu.memory_space<hbm>> -> memref<320000xf32, #tpu.memory_space<hbm>>
    tpu.wait_indirect_dma semaphore(%arg12 : memref<!tpu.dma_semaphore, #tpu.memory_space<semaphore_mem>>) src(%dma_wait3A_2097 : memref<320000xf32, #tpu.memory_space<hbm>>) dst(%dma_wait3A_2089 : memref<80xf32, #tpu.memory_space<vmem>>)
    %dma_wait3A_2098 = arith.constant 16 : i32
    %dma_wait3A_2099 = arith.constant 0 : i32
    %dma_wait3A_2100 = arith.constant 22 : i32
    %dma_wait3A_2101 = arith.constant 0 : i32
    %dma_wait3A_2102 = tpu.memref_slice %arg11[%dma_wait3A_2100, %dma_wait3A_2101] : memref<57x160xf32, #tpu.memory_space<vmem>> -> memref<1x80xf32, #tpu.memory_space<vmem>>
    %dma_wait3A_2103 = tpu.memref_squeeze %dma_wait3A_2102 : memref<1x80xf32, #tpu.memory_space<vmem>> -> memref<80xf32, #tpu.memory_space<vmem>>
    %dma_wait3A_2104 = arith.constant 0 : i32
    %dma_wait3A_2105 = tpu.memref_slice %arg10[%dma_wait3A_2099, %dma_wait3A_2104] : memref<2x80xi32, #tpu.memory_space<vmem>> -> memref<1x80xi32, #tpu.memory_space<vmem>>
    %dma_wait3A_2106 = tpu.memref_squeeze %dma_wait3A_2105 : memref<1x80xi32, #tpu.memory_space<vmem>> -> memref<80xi32, #tpu.memory_space<vmem>>
    %dma_wait3A_2107 = arith.constant 0 : i32
    %dma_wait3A_2108 = tpu.memref_slice %arg6[%dma_wait3A_2098, %dma_wait3A_2107] : memref<51x320000xf32, #tpu.memory_space<hbm>> -> memref<1x320000xf32, #tpu.memory_space<hbm>>
    %dma_wait3A_2109 = tpu.memref_squeeze %dma_wait3A_2108 : memref<1x320000xf32, #tpu.memory_space<hbm>> -> memref<320000xf32, #tpu.memory_space<hbm>>
    %dma_wait3A_2110 = arith.constant 0 : i32
    %dma_wait3A_2111 = tpu.memref_slice %dma_wait3A_2109[%dma_wait3A_2110] : memref<320000xf32, #tpu.memory_space<hbm>> -> memref<320000xf32, #tpu.memory_space<hbm>>
    tpu.wait_indirect_dma semaphore(%arg12 : memref<!tpu.dma_semaphore, #tpu.memory_space<semaphore_mem>>) src(%dma_wait3A_2111 : memref<320000xf32, #tpu.memory_space<hbm>>) dst(%dma_wait3A_2103 : memref<80xf32, #tpu.memory_space<vmem>>)
    %dma_wait3A_2112 = arith.constant 17 : i32
    %dma_wait3A_2113 = arith.constant 0 : i32
    %dma_wait3A_2114 = arith.constant 23 : i32
    %dma_wait3A_2115 = arith.constant 0 : i32
    %dma_wait3A_2116 = tpu.memref_slice %arg11[%dma_wait3A_2114, %dma_wait3A_2115] : memref<57x160xf32, #tpu.memory_space<vmem>> -> memref<1x80xf32, #tpu.memory_space<vmem>>
    %dma_wait3A_2117 = tpu.memref_squeeze %dma_wait3A_2116 : memref<1x80xf32, #tpu.memory_space<vmem>> -> memref<80xf32, #tpu.memory_space<vmem>>
    %dma_wait3A_2118 = arith.constant 0 : i32
    %dma_wait3A_2119 = tpu.memref_slice %arg10[%dma_wait3A_2113, %dma_wait3A_2118] : memref<2x80xi32, #tpu.memory_space<vmem>> -> memref<1x80xi32, #tpu.memory_space<vmem>>
    %dma_wait3A_2120 = tpu.memref_squeeze %dma_wait3A_2119 : memref<1x80xi32, #tpu.memory_space<vmem>> -> memref<80xi32, #tpu.memory_space<vmem>>
    %dma_wait3A_2121 = arith.constant 0 : i32
    %dma_wait3A_2122 = tpu.memref_slice %arg6[%dma_wait3A_2112, %dma_wait3A_2121] : memref<51x320000xf32, #tpu.memory_space<hbm>> -> memref<1x320000xf32, #tpu.memory_space<hbm>>
    %dma_wait3A_2123 = tpu.memref_squeeze %dma_wait3A_2122 : memref<1x320000xf32, #tpu.memory_space<hbm>> -> memref<320000xf32, #tpu.memory_space<hbm>>
    %dma_wait3A_2124 = arith.constant 0 : i32
    %dma_wait3A_2125 = tpu.memref_slice %dma_wait3A_2123[%dma_wait3A_2124] : memref<320000xf32, #tpu.memory_space<hbm>> -> memref<320000xf32, #tpu.memory_space<hbm>>
    tpu.wait_indirect_dma semaphore(%arg12 : memref<!tpu.dma_semaphore, #tpu.memory_space<semaphore_mem>>) src(%dma_wait3A_2125 : memref<320000xf32, #tpu.memory_space<hbm>>) dst(%dma_wait3A_2117 : memref<80xf32, #tpu.memory_space<vmem>>)
    %dma_wait3A_2126 = arith.constant 18 : i32
    %dma_wait3A_2127 = arith.constant 0 : i32
    %dma_wait3A_2128 = arith.constant 24 : i32
    %dma_wait3A_2129 = arith.constant 0 : i32
    %dma_wait3A_2130 = tpu.memref_slice %arg11[%dma_wait3A_2128, %dma_wait3A_2129] : memref<57x160xf32, #tpu.memory_space<vmem>> -> memref<1x80xf32, #tpu.memory_space<vmem>>
    %dma_wait3A_2131 = tpu.memref_squeeze %dma_wait3A_2130 : memref<1x80xf32, #tpu.memory_space<vmem>> -> memref<80xf32, #tpu.memory_space<vmem>>
    %dma_wait3A_2132 = arith.constant 0 : i32
    %dma_wait3A_2133 = tpu.memref_slice %arg10[%dma_wait3A_2127, %dma_wait3A_2132] : memref<2x80xi32, #tpu.memory_space<vmem>> -> memref<1x80xi32, #tpu.memory_space<vmem>>
    %dma_wait3A_2134 = tpu.memref_squeeze %dma_wait3A_2133 : memref<1x80xi32, #tpu.memory_space<vmem>> -> memref<80xi32, #tpu.memory_space<vmem>>
    %dma_wait3A_2135 = arith.constant 0 : i32
    %dma_wait3A_2136 = tpu.memref_slice %arg6[%dma_wait3A_2126, %dma_wait3A_2135] : memref<51x320000xf32, #tpu.memory_space<hbm>> -> memref<1x320000xf32, #tpu.memory_space<hbm>>
    %dma_wait3A_2137 = tpu.memref_squeeze %dma_wait3A_2136 : memref<1x320000xf32, #tpu.memory_space<hbm>> -> memref<320000xf32, #tpu.memory_space<hbm>>
    %dma_wait3A_2138 = arith.constant 0 : i32
    %dma_wait3A_2139 = tpu.memref_slice %dma_wait3A_2137[%dma_wait3A_2138] : memref<320000xf32, #tpu.memory_space<hbm>> -> memref<320000xf32, #tpu.memory_space<hbm>>
    tpu.wait_indirect_dma semaphore(%arg12 : memref<!tpu.dma_semaphore, #tpu.memory_space<semaphore_mem>>) src(%dma_wait3A_2139 : memref<320000xf32, #tpu.memory_space<hbm>>) dst(%dma_wait3A_2131 : memref<80xf32, #tpu.memory_space<vmem>>)
    %dma_wait3A_2140 = arith.constant 19 : i32
    %dma_wait3A_2141 = arith.constant 0 : i32
    %dma_wait3A_2142 = arith.constant 25 : i32
    %dma_wait3A_2143 = arith.constant 0 : i32
    %dma_wait3A_2144 = tpu.memref_slice %arg11[%dma_wait3A_2142, %dma_wait3A_2143] : memref<57x160xf32, #tpu.memory_space<vmem>> -> memref<1x80xf32, #tpu.memory_space<vmem>>
    %dma_wait3A_2145 = tpu.memref_squeeze %dma_wait3A_2144 : memref<1x80xf32, #tpu.memory_space<vmem>> -> memref<80xf32, #tpu.memory_space<vmem>>
    %dma_wait3A_2146 = arith.constant 0 : i32
    %dma_wait3A_2147 = tpu.memref_slice %arg10[%dma_wait3A_2141, %dma_wait3A_2146] : memref<2x80xi32, #tpu.memory_space<vmem>> -> memref<1x80xi32, #tpu.memory_space<vmem>>
    %dma_wait3A_2148 = tpu.memref_squeeze %dma_wait3A_2147 : memref<1x80xi32, #tpu.memory_space<vmem>> -> memref<80xi32, #tpu.memory_space<vmem>>
    %dma_wait3A_2149 = arith.constant 0 : i32
    %dma_wait3A_2150 = tpu.memref_slice %arg6[%dma_wait3A_2140, %dma_wait3A_2149] : memref<51x320000xf32, #tpu.memory_space<hbm>> -> memref<1x320000xf32, #tpu.memory_space<hbm>>
    %dma_wait3A_2151 = tpu.memref_squeeze %dma_wait3A_2150 : memref<1x320000xf32, #tpu.memory_space<hbm>> -> memref<320000xf32, #tpu.memory_space<hbm>>
    %dma_wait3A_2152 = arith.constant 0 : i32
    %dma_wait3A_2153 = tpu.memref_slice %dma_wait3A_2151[%dma_wait3A_2152] : memref<320000xf32, #tpu.memory_space<hbm>> -> memref<320000xf32, #tpu.memory_space<hbm>>
    tpu.wait_indirect_dma semaphore(%arg12 : memref<!tpu.dma_semaphore, #tpu.memory_space<semaphore_mem>>) src(%dma_wait3A_2153 : memref<320000xf32, #tpu.memory_space<hbm>>) dst(%dma_wait3A_2145 : memref<80xf32, #tpu.memory_space<vmem>>)
    %dma_wait3A_2154 = arith.constant 20 : i32
    %dma_wait3A_2155 = arith.constant 0 : i32
    %dma_wait3A_2156 = arith.constant 26 : i32
    %dma_wait3A_2157 = arith.constant 0 : i32
    %dma_wait3A_2158 = tpu.memref_slice %arg11[%dma_wait3A_2156, %dma_wait3A_2157] : memref<57x160xf32, #tpu.memory_space<vmem>> -> memref<1x80xf32, #tpu.memory_space<vmem>>
    %dma_wait3A_2159 = tpu.memref_squeeze %dma_wait3A_2158 : memref<1x80xf32, #tpu.memory_space<vmem>> -> memref<80xf32, #tpu.memory_space<vmem>>
    %dma_wait3A_2160 = arith.constant 0 : i32
    %dma_wait3A_2161 = tpu.memref_slice %arg10[%dma_wait3A_2155, %dma_wait3A_2160] : memref<2x80xi32, #tpu.memory_space<vmem>> -> memref<1x80xi32, #tpu.memory_space<vmem>>
    %dma_wait3A_2162 = tpu.memref_squeeze %dma_wait3A_2161 : memref<1x80xi32, #tpu.memory_space<vmem>> -> memref<80xi32, #tpu.memory_space<vmem>>
    %dma_wait3A_2163 = arith.constant 0 : i32
    %dma_wait3A_2164 = tpu.memref_slice %arg6[%dma_wait3A_2154, %dma_wait3A_2163] : memref<51x320000xf32, #tpu.memory_space<hbm>> -> memref<1x320000xf32, #tpu.memory_space<hbm>>
    %dma_wait3A_2165 = tpu.memref_squeeze %dma_wait3A_2164 : memref<1x320000xf32, #tpu.memory_space<hbm>> -> memref<320000xf32, #tpu.memory_space<hbm>>
    %dma_wait3A_2166 = arith.constant 0 : i32
    %dma_wait3A_2167 = tpu.memref_slice %dma_wait3A_2165[%dma_wait3A_2166] : memref<320000xf32, #tpu.memory_space<hbm>> -> memref<320000xf32, #tpu.memory_space<hbm>>
    tpu.wait_indirect_dma semaphore(%arg12 : memref<!tpu.dma_semaphore, #tpu.memory_space<semaphore_mem>>) src(%dma_wait3A_2167 : memref<320000xf32, #tpu.memory_space<hbm>>) dst(%dma_wait3A_2159 : memref<80xf32, #tpu.memory_space<vmem>>)
    %dma_wait3A_2168 = arith.constant 21 : i32
    %dma_wait3A_2169 = arith.constant 0 : i32
    %dma_wait3A_2170 = arith.constant 27 : i32
    %dma_wait3A_2171 = arith.constant 0 : i32
    %dma_wait3A_2172 = tpu.memref_slice %arg11[%dma_wait3A_2170, %dma_wait3A_2171] : memref<57x160xf32, #tpu.memory_space<vmem>> -> memref<1x80xf32, #tpu.memory_space<vmem>>
    %dma_wait3A_2173 = tpu.memref_squeeze %dma_wait3A_2172 : memref<1x80xf32, #tpu.memory_space<vmem>> -> memref<80xf32, #tpu.memory_space<vmem>>
    %dma_wait3A_2174 = arith.constant 0 : i32
    %dma_wait3A_2175 = tpu.memref_slice %arg10[%dma_wait3A_2169, %dma_wait3A_2174] : memref<2x80xi32, #tpu.memory_space<vmem>> -> memref<1x80xi32, #tpu.memory_space<vmem>>
    %dma_wait3A_2176 = tpu.memref_squeeze %dma_wait3A_2175 : memref<1x80xi32, #tpu.memory_space<vmem>> -> memref<80xi32, #tpu.memory_space<vmem>>
    %dma_wait3A_2177 = arith.constant 0 : i32
    %dma_wait3A_2178 = tpu.memref_slice %arg6[%dma_wait3A_2168, %dma_wait3A_2177] : memref<51x320000xf32, #tpu.memory_space<hbm>> -> memref<1x320000xf32, #tpu.memory_space<hbm>>
    %dma_wait3A_2179 = tpu.memref_squeeze %dma_wait3A_2178 : memref<1x320000xf32, #tpu.memory_space<hbm>> -> memref<320000xf32, #tpu.memory_space<hbm>>
    %dma_wait3A_2180 = arith.constant 0 : i32
    %dma_wait3A_2181 = tpu.memref_slice %dma_wait3A_2179[%dma_wait3A_2180] : memref<320000xf32, #tpu.memory_space<hbm>> -> memref<320000xf32, #tpu.memory_space<hbm>>
    tpu.wait_indirect_dma semaphore(%arg12 : memref<!tpu.dma_semaphore, #tpu.memory_space<semaphore_mem>>) src(%dma_wait3A_2181 : memref<320000xf32, #tpu.memory_space<hbm>>) dst(%dma_wait3A_2173 : memref<80xf32, #tpu.memory_space<vmem>>)
    %dma_wait3A_2182 = arith.constant 22 : i32
    %dma_wait3A_2183 = arith.constant 0 : i32
    %dma_wait3A_2184 = arith.constant 28 : i32
    %dma_wait3A_2185 = arith.constant 0 : i32
    %dma_wait3A_2186 = tpu.memref_slice %arg11[%dma_wait3A_2184, %dma_wait3A_2185] : memref<57x160xf32, #tpu.memory_space<vmem>> -> memref<1x80xf32, #tpu.memory_space<vmem>>
    %dma_wait3A_2187 = tpu.memref_squeeze %dma_wait3A_2186 : memref<1x80xf32, #tpu.memory_space<vmem>> -> memref<80xf32, #tpu.memory_space<vmem>>
    %dma_wait3A_2188 = arith.constant 0 : i32
    %dma_wait3A_2189 = tpu.memref_slice %arg10[%dma_wait3A_2183, %dma_wait3A_2188] : memref<2x80xi32, #tpu.memory_space<vmem>> -> memref<1x80xi32, #tpu.memory_space<vmem>>
    %dma_wait3A_2190 = tpu.memref_squeeze %dma_wait3A_2189 : memref<1x80xi32, #tpu.memory_space<vmem>> -> memref<80xi32, #tpu.memory_space<vmem>>
    %dma_wait3A_2191 = arith.constant 0 : i32
    %dma_wait3A_2192 = tpu.memref_slice %arg6[%dma_wait3A_2182, %dma_wait3A_2191] : memref<51x320000xf32, #tpu.memory_space<hbm>> -> memref<1x320000xf32, #tpu.memory_space<hbm>>
    %dma_wait3A_2193 = tpu.memref_squeeze %dma_wait3A_2192 : memref<1x320000xf32, #tpu.memory_space<hbm>> -> memref<320000xf32, #tpu.memory_space<hbm>>
    %dma_wait3A_2194 = arith.constant 0 : i32
    %dma_wait3A_2195 = tpu.memref_slice %dma_wait3A_2193[%dma_wait3A_2194] : memref<320000xf32, #tpu.memory_space<hbm>> -> memref<320000xf32, #tpu.memory_space<hbm>>
    tpu.wait_indirect_dma semaphore(%arg12 : memref<!tpu.dma_semaphore, #tpu.memory_space<semaphore_mem>>) src(%dma_wait3A_2195 : memref<320000xf32, #tpu.memory_space<hbm>>) dst(%dma_wait3A_2187 : memref<80xf32, #tpu.memory_space<vmem>>)
    %dma_wait3A_2196 = arith.constant 23 : i32
    %dma_wait3A_2197 = arith.constant 0 : i32
    %dma_wait3A_2198 = arith.constant 29 : i32
    %dma_wait3A_2199 = arith.constant 0 : i32
    %dma_wait3A_2200 = tpu.memref_slice %arg11[%dma_wait3A_2198, %dma_wait3A_2199] : memref<57x160xf32, #tpu.memory_space<vmem>> -> memref<1x80xf32, #tpu.memory_space<vmem>>
    %dma_wait3A_2201 = tpu.memref_squeeze %dma_wait3A_2200 : memref<1x80xf32, #tpu.memory_space<vmem>> -> memref<80xf32, #tpu.memory_space<vmem>>
    %dma_wait3A_2202 = arith.constant 0 : i32
    %dma_wait3A_2203 = tpu.memref_slice %arg10[%dma_wait3A_2197, %dma_wait3A_2202] : memref<2x80xi32, #tpu.memory_space<vmem>> -> memref<1x80xi32, #tpu.memory_space<vmem>>
    %dma_wait3A_2204 = tpu.memref_squeeze %dma_wait3A_2203 : memref<1x80xi32, #tpu.memory_space<vmem>> -> memref<80xi32, #tpu.memory_space<vmem>>
    %dma_wait3A_2205 = arith.constant 0 : i32
    %dma_wait3A_2206 = tpu.memref_slice %arg6[%dma_wait3A_2196, %dma_wait3A_2205] : memref<51x320000xf32, #tpu.memory_space<hbm>> -> memref<1x320000xf32, #tpu.memory_space<hbm>>
    %dma_wait3A_2207 = tpu.memref_squeeze %dma_wait3A_2206 : memref<1x320000xf32, #tpu.memory_space<hbm>> -> memref<320000xf32, #tpu.memory_space<hbm>>
    %dma_wait3A_2208 = arith.constant 0 : i32
    %dma_wait3A_2209 = tpu.memref_slice %dma_wait3A_2207[%dma_wait3A_2208] : memref<320000xf32, #tpu.memory_space<hbm>> -> memref<320000xf32, #tpu.memory_space<hbm>>
    tpu.wait_indirect_dma semaphore(%arg12 : memref<!tpu.dma_semaphore, #tpu.memory_space<semaphore_mem>>) src(%dma_wait3A_2209 : memref<320000xf32, #tpu.memory_space<hbm>>) dst(%dma_wait3A_2201 : memref<80xf32, #tpu.memory_space<vmem>>)
    %dma_wait3A_2210 = arith.constant 24 : i32
    %dma_wait3A_2211 = arith.constant 0 : i32
    %dma_wait3A_2212 = arith.constant 30 : i32
    %dma_wait3A_2213 = arith.constant 0 : i32
    %dma_wait3A_2214 = tpu.memref_slice %arg11[%dma_wait3A_2212, %dma_wait3A_2213] : memref<57x160xf32, #tpu.memory_space<vmem>> -> memref<1x80xf32, #tpu.memory_space<vmem>>
    %dma_wait3A_2215 = tpu.memref_squeeze %dma_wait3A_2214 : memref<1x80xf32, #tpu.memory_space<vmem>> -> memref<80xf32, #tpu.memory_space<vmem>>
    %dma_wait3A_2216 = arith.constant 0 : i32
    %dma_wait3A_2217 = tpu.memref_slice %arg10[%dma_wait3A_2211, %dma_wait3A_2216] : memref<2x80xi32, #tpu.memory_space<vmem>> -> memref<1x80xi32, #tpu.memory_space<vmem>>
    %dma_wait3A_2218 = tpu.memref_squeeze %dma_wait3A_2217 : memref<1x80xi32, #tpu.memory_space<vmem>> -> memref<80xi32, #tpu.memory_space<vmem>>
    %dma_wait3A_2219 = arith.constant 0 : i32
    %dma_wait3A_2220 = tpu.memref_slice %arg6[%dma_wait3A_2210, %dma_wait3A_2219] : memref<51x320000xf32, #tpu.memory_space<hbm>> -> memref<1x320000xf32, #tpu.memory_space<hbm>>
    %dma_wait3A_2221 = tpu.memref_squeeze %dma_wait3A_2220 : memref<1x320000xf32, #tpu.memory_space<hbm>> -> memref<320000xf32, #tpu.memory_space<hbm>>
    %dma_wait3A_2222 = arith.constant 0 : i32
    %dma_wait3A_2223 = tpu.memref_slice %dma_wait3A_2221[%dma_wait3A_2222] : memref<320000xf32, #tpu.memory_space<hbm>> -> memref<320000xf32, #tpu.memory_space<hbm>>
    tpu.wait_indirect_dma semaphore(%arg12 : memref<!tpu.dma_semaphore, #tpu.memory_space<semaphore_mem>>) src(%dma_wait3A_2223 : memref<320000xf32, #tpu.memory_space<hbm>>) dst(%dma_wait3A_2215 : memref<80xf32, #tpu.memory_space<vmem>>)
    %dma_wait3A_2224 = arith.constant 25 : i32
    %dma_wait3A_2225 = arith.constant 0 : i32
    %dma_wait3A_2226 = arith.constant 31 : i32
    %dma_wait3A_2227 = arith.constant 0 : i32
    %dma_wait3A_2228 = tpu.memref_slice %arg11[%dma_wait3A_2226, %dma_wait3A_2227] : memref<57x160xf32, #tpu.memory_space<vmem>> -> memref<1x80xf32, #tpu.memory_space<vmem>>
    %dma_wait3A_2229 = tpu.memref_squeeze %dma_wait3A_2228 : memref<1x80xf32, #tpu.memory_space<vmem>> -> memref<80xf32, #tpu.memory_space<vmem>>
    %dma_wait3A_2230 = arith.constant 0 : i32
    %dma_wait3A_2231 = tpu.memref_slice %arg10[%dma_wait3A_2225, %dma_wait3A_2230] : memref<2x80xi32, #tpu.memory_space<vmem>> -> memref<1x80xi32, #tpu.memory_space<vmem>>
    %dma_wait3A_2232 = tpu.memref_squeeze %dma_wait3A_2231 : memref<1x80xi32, #tpu.memory_space<vmem>> -> memref<80xi32, #tpu.memory_space<vmem>>
    %dma_wait3A_2233 = arith.constant 0 : i32
    %dma_wait3A_2234 = tpu.memref_slice %arg6[%dma_wait3A_2224, %dma_wait3A_2233] : memref<51x320000xf32, #tpu.memory_space<hbm>> -> memref<1x320000xf32, #tpu.memory_space<hbm>>
    %dma_wait3A_2235 = tpu.memref_squeeze %dma_wait3A_2234 : memref<1x320000xf32, #tpu.memory_space<hbm>> -> memref<320000xf32, #tpu.memory_space<hbm>>
    %dma_wait3A_2236 = arith.constant 0 : i32
    %dma_wait3A_2237 = tpu.memref_slice %dma_wait3A_2235[%dma_wait3A_2236] : memref<320000xf32, #tpu.memory_space<hbm>> -> memref<320000xf32, #tpu.memory_space<hbm>>
    tpu.wait_indirect_dma semaphore(%arg12 : memref<!tpu.dma_semaphore, #tpu.memory_space<semaphore_mem>>) src(%dma_wait3A_2237 : memref<320000xf32, #tpu.memory_space<hbm>>) dst(%dma_wait3A_2229 : memref<80xf32, #tpu.memory_space<vmem>>)
    %dma_wait3A_2238 = arith.constant 26 : i32
    %dma_wait3A_2239 = arith.constant 0 : i32
    %dma_wait3A_2240 = arith.constant 32 : i32
    %dma_wait3A_2241 = arith.constant 0 : i32
    %dma_wait3A_2242 = tpu.memref_slice %arg11[%dma_wait3A_2240, %dma_wait3A_2241] : memref<57x160xf32, #tpu.memory_space<vmem>> -> memref<1x80xf32, #tpu.memory_space<vmem>>
    %dma_wait3A_2243 = tpu.memref_squeeze %dma_wait3A_2242 : memref<1x80xf32, #tpu.memory_space<vmem>> -> memref<80xf32, #tpu.memory_space<vmem>>
    %dma_wait3A_2244 = arith.constant 0 : i32
    %dma_wait3A_2245 = tpu.memref_slice %arg10[%dma_wait3A_2239, %dma_wait3A_2244] : memref<2x80xi32, #tpu.memory_space<vmem>> -> memref<1x80xi32, #tpu.memory_space<vmem>>
    %dma_wait3A_2246 = tpu.memref_squeeze %dma_wait3A_2245 : memref<1x80xi32, #tpu.memory_space<vmem>> -> memref<80xi32, #tpu.memory_space<vmem>>
    %dma_wait3A_2247 = arith.constant 0 : i32
    %dma_wait3A_2248 = tpu.memref_slice %arg6[%dma_wait3A_2238, %dma_wait3A_2247] : memref<51x320000xf32, #tpu.memory_space<hbm>> -> memref<1x320000xf32, #tpu.memory_space<hbm>>
    %dma_wait3A_2249 = tpu.memref_squeeze %dma_wait3A_2248 : memref<1x320000xf32, #tpu.memory_space<hbm>> -> memref<320000xf32, #tpu.memory_space<hbm>>
    %dma_wait3A_2250 = arith.constant 0 : i32
    %dma_wait3A_2251 = tpu.memref_slice %dma_wait3A_2249[%dma_wait3A_2250] : memref<320000xf32, #tpu.memory_space<hbm>> -> memref<320000xf32, #tpu.memory_space<hbm>>
    tpu.wait_indirect_dma semaphore(%arg12 : memref<!tpu.dma_semaphore, #tpu.memory_space<semaphore_mem>>) src(%dma_wait3A_2251 : memref<320000xf32, #tpu.memory_space<hbm>>) dst(%dma_wait3A_2243 : memref<80xf32, #tpu.memory_space<vmem>>)
    %dma_wait3A_2252 = arith.constant 27 : i32
    %dma_wait3A_2253 = arith.constant 0 : i32
    %dma_wait3A_2254 = arith.constant 33 : i32
    %dma_wait3A_2255 = arith.constant 0 : i32
    %dma_wait3A_2256 = tpu.memref_slice %arg11[%dma_wait3A_2254, %dma_wait3A_2255] : memref<57x160xf32, #tpu.memory_space<vmem>> -> memref<1x80xf32, #tpu.memory_space<vmem>>
    %dma_wait3A_2257 = tpu.memref_squeeze %dma_wait3A_2256 : memref<1x80xf32, #tpu.memory_space<vmem>> -> memref<80xf32, #tpu.memory_space<vmem>>
    %dma_wait3A_2258 = arith.constant 0 : i32
    %dma_wait3A_2259 = tpu.memref_slice %arg10[%dma_wait3A_2253, %dma_wait3A_2258] : memref<2x80xi32, #tpu.memory_space<vmem>> -> memref<1x80xi32, #tpu.memory_space<vmem>>
    %dma_wait3A_2260 = tpu.memref_squeeze %dma_wait3A_2259 : memref<1x80xi32, #tpu.memory_space<vmem>> -> memref<80xi32, #tpu.memory_space<vmem>>
    %dma_wait3A_2261 = arith.constant 0 : i32
    %dma_wait3A_2262 = tpu.memref_slice %arg6[%dma_wait3A_2252, %dma_wait3A_2261] : memref<51x320000xf32, #tpu.memory_space<hbm>> -> memref<1x320000xf32, #tpu.memory_space<hbm>>
    %dma_wait3A_2263 = tpu.memref_squeeze %dma_wait3A_2262 : memref<1x320000xf32, #tpu.memory_space<hbm>> -> memref<320000xf32, #tpu.memory_space<hbm>>
    %dma_wait3A_2264 = arith.constant 0 : i32
    %dma_wait3A_2265 = tpu.memref_slice %dma_wait3A_2263[%dma_wait3A_2264] : memref<320000xf32, #tpu.memory_space<hbm>> -> memref<320000xf32, #tpu.memory_space<hbm>>
    tpu.wait_indirect_dma semaphore(%arg12 : memref<!tpu.dma_semaphore, #tpu.memory_space<semaphore_mem>>) src(%dma_wait3A_2265 : memref<320000xf32, #tpu.memory_space<hbm>>) dst(%dma_wait3A_2257 : memref<80xf32, #tpu.memory_space<vmem>>)
    %dma_wait3A_2266 = arith.constant 28 : i32
    %dma_wait3A_2267 = arith.constant 0 : i32
    %dma_wait3A_2268 = arith.constant 34 : i32
    %dma_wait3A_2269 = arith.constant 0 : i32
    %dma_wait3A_2270 = tpu.memref_slice %arg11[%dma_wait3A_2268, %dma_wait3A_2269] : memref<57x160xf32, #tpu.memory_space<vmem>> -> memref<1x80xf32, #tpu.memory_space<vmem>>
    %dma_wait3A_2271 = tpu.memref_squeeze %dma_wait3A_2270 : memref<1x80xf32, #tpu.memory_space<vmem>> -> memref<80xf32, #tpu.memory_space<vmem>>
    %dma_wait3A_2272 = arith.constant 0 : i32
    %dma_wait3A_2273 = tpu.memref_slice %arg10[%dma_wait3A_2267, %dma_wait3A_2272] : memref<2x80xi32, #tpu.memory_space<vmem>> -> memref<1x80xi32, #tpu.memory_space<vmem>>
    %dma_wait3A_2274 = tpu.memref_squeeze %dma_wait3A_2273 : memref<1x80xi32, #tpu.memory_space<vmem>> -> memref<80xi32, #tpu.memory_space<vmem>>
    %dma_wait3A_2275 = arith.constant 0 : i32
    %dma_wait3A_2276 = tpu.memref_slice %arg6[%dma_wait3A_2266, %dma_wait3A_2275] : memref<51x320000xf32, #tpu.memory_space<hbm>> -> memref<1x320000xf32, #tpu.memory_space<hbm>>
    %dma_wait3A_2277 = tpu.memref_squeeze %dma_wait3A_2276 : memref<1x320000xf32, #tpu.memory_space<hbm>> -> memref<320000xf32, #tpu.memory_space<hbm>>
    %dma_wait3A_2278 = arith.constant 0 : i32
    %dma_wait3A_2279 = tpu.memref_slice %dma_wait3A_2277[%dma_wait3A_2278] : memref<320000xf32, #tpu.memory_space<hbm>> -> memref<320000xf32, #tpu.memory_space<hbm>>
    tpu.wait_indirect_dma semaphore(%arg12 : memref<!tpu.dma_semaphore, #tpu.memory_space<semaphore_mem>>) src(%dma_wait3A_2279 : memref<320000xf32, #tpu.memory_space<hbm>>) dst(%dma_wait3A_2271 : memref<80xf32, #tpu.memory_space<vmem>>)
    %dma_wait3A_2280 = arith.constant 29 : i32
    %dma_wait3A_2281 = arith.constant 0 : i32
    %dma_wait3A_2282 = arith.constant 35 : i32
    %dma_wait3A_2283 = arith.constant 0 : i32
    %dma_wait3A_2284 = tpu.memref_slice %arg11[%dma_wait3A_2282, %dma_wait3A_2283] : memref<57x160xf32, #tpu.memory_space<vmem>> -> memref<1x80xf32, #tpu.memory_space<vmem>>
    %dma_wait3A_2285 = tpu.memref_squeeze %dma_wait3A_2284 : memref<1x80xf32, #tpu.memory_space<vmem>> -> memref<80xf32, #tpu.memory_space<vmem>>
    %dma_wait3A_2286 = arith.constant 0 : i32
    %dma_wait3A_2287 = tpu.memref_slice %arg10[%dma_wait3A_2281, %dma_wait3A_2286] : memref<2x80xi32, #tpu.memory_space<vmem>> -> memref<1x80xi32, #tpu.memory_space<vmem>>
    %dma_wait3A_2288 = tpu.memref_squeeze %dma_wait3A_2287 : memref<1x80xi32, #tpu.memory_space<vmem>> -> memref<80xi32, #tpu.memory_space<vmem>>
    %dma_wait3A_2289 = arith.constant 0 : i32
    %dma_wait3A_2290 = tpu.memref_slice %arg6[%dma_wait3A_2280, %dma_wait3A_2289] : memref<51x320000xf32, #tpu.memory_space<hbm>> -> memref<1x320000xf32, #tpu.memory_space<hbm>>
    %dma_wait3A_2291 = tpu.memref_squeeze %dma_wait3A_2290 : memref<1x320000xf32, #tpu.memory_space<hbm>> -> memref<320000xf32, #tpu.memory_space<hbm>>
    %dma_wait3A_2292 = arith.constant 0 : i32
    %dma_wait3A_2293 = tpu.memref_slice %dma_wait3A_2291[%dma_wait3A_2292] : memref<320000xf32, #tpu.memory_space<hbm>> -> memref<320000xf32, #tpu.memory_space<hbm>>
    tpu.wait_indirect_dma semaphore(%arg12 : memref<!tpu.dma_semaphore, #tpu.memory_space<semaphore_mem>>) src(%dma_wait3A_2293 : memref<320000xf32, #tpu.memory_space<hbm>>) dst(%dma_wait3A_2285 : memref<80xf32, #tpu.memory_space<vmem>>)
    %dma_wait3A_2294 = arith.constant 30 : i32
    %dma_wait3A_2295 = arith.constant 0 : i32
    %dma_wait3A_2296 = arith.constant 36 : i32
    %dma_wait3A_2297 = arith.constant 0 : i32
    %dma_wait3A_2298 = tpu.memref_slice %arg11[%dma_wait3A_2296, %dma_wait3A_2297] : memref<57x160xf32, #tpu.memory_space<vmem>> -> memref<1x80xf32, #tpu.memory_space<vmem>>
    %dma_wait3A_2299 = tpu.memref_squeeze %dma_wait3A_2298 : memref<1x80xf32, #tpu.memory_space<vmem>> -> memref<80xf32, #tpu.memory_space<vmem>>
    %dma_wait3A_2300 = arith.constant 0 : i32
    %dma_wait3A_2301 = tpu.memref_slice %arg10[%dma_wait3A_2295, %dma_wait3A_2300] : memref<2x80xi32, #tpu.memory_space<vmem>> -> memref<1x80xi32, #tpu.memory_space<vmem>>
    %dma_wait3A_2302 = tpu.memref_squeeze %dma_wait3A_2301 : memref<1x80xi32, #tpu.memory_space<vmem>> -> memref<80xi32, #tpu.memory_space<vmem>>
    %dma_wait3A_2303 = arith.constant 0 : i32
    %dma_wait3A_2304 = tpu.memref_slice %arg6[%dma_wait3A_2294, %dma_wait3A_2303] : memref<51x320000xf32, #tpu.memory_space<hbm>> -> memref<1x320000xf32, #tpu.memory_space<hbm>>
    %dma_wait3A_2305 = tpu.memref_squeeze %dma_wait3A_2304 : memref<1x320000xf32, #tpu.memory_space<hbm>> -> memref<320000xf32, #tpu.memory_space<hbm>>
    %dma_wait3A_2306 = arith.constant 0 : i32
    %dma_wait3A_2307 = tpu.memref_slice %dma_wait3A_2305[%dma_wait3A_2306] : memref<320000xf32, #tpu.memory_space<hbm>> -> memref<320000xf32, #tpu.memory_space<hbm>>
    tpu.wait_indirect_dma semaphore(%arg12 : memref<!tpu.dma_semaphore, #tpu.memory_space<semaphore_mem>>) src(%dma_wait3A_2307 : memref<320000xf32, #tpu.memory_space<hbm>>) dst(%dma_wait3A_2299 : memref<80xf32, #tpu.memory_space<vmem>>)
    %dma_wait3A_2308 = arith.constant 31 : i32
    %dma_wait3A_2309 = arith.constant 0 : i32
    %dma_wait3A_2310 = arith.constant 37 : i32
    %dma_wait3A_2311 = arith.constant 0 : i32
    %dma_wait3A_2312 = tpu.memref_slice %arg11[%dma_wait3A_2310, %dma_wait3A_2311] : memref<57x160xf32, #tpu.memory_space<vmem>> -> memref<1x80xf32, #tpu.memory_space<vmem>>
    %dma_wait3A_2313 = tpu.memref_squeeze %dma_wait3A_2312 : memref<1x80xf32, #tpu.memory_space<vmem>> -> memref<80xf32, #tpu.memory_space<vmem>>
    %dma_wait3A_2314 = arith.constant 0 : i32
    %dma_wait3A_2315 = tpu.memref_slice %arg10[%dma_wait3A_2309, %dma_wait3A_2314] : memref<2x80xi32, #tpu.memory_space<vmem>> -> memref<1x80xi32, #tpu.memory_space<vmem>>
    %dma_wait3A_2316 = tpu.memref_squeeze %dma_wait3A_2315 : memref<1x80xi32, #tpu.memory_space<vmem>> -> memref<80xi32, #tpu.memory_space<vmem>>
    %dma_wait3A_2317 = arith.constant 0 : i32
    %dma_wait3A_2318 = tpu.memref_slice %arg6[%dma_wait3A_2308, %dma_wait3A_2317] : memref<51x320000xf32, #tpu.memory_space<hbm>> -> memref<1x320000xf32, #tpu.memory_space<hbm>>
    %dma_wait3A_2319 = tpu.memref_squeeze %dma_wait3A_2318 : memref<1x320000xf32, #tpu.memory_space<hbm>> -> memref<320000xf32, #tpu.memory_space<hbm>>
    %dma_wait3A_2320 = arith.constant 0 : i32
    %dma_wait3A_2321 = tpu.memref_slice %dma_wait3A_2319[%dma_wait3A_2320] : memref<320000xf32, #tpu.memory_space<hbm>> -> memref<320000xf32, #tpu.memory_space<hbm>>
    tpu.wait_indirect_dma semaphore(%arg12 : memref<!tpu.dma_semaphore, #tpu.memory_space<semaphore_mem>>) src(%dma_wait3A_2321 : memref<320000xf32, #tpu.memory_space<hbm>>) dst(%dma_wait3A_2313 : memref<80xf32, #tpu.memory_space<vmem>>)
    %dma_wait3A_2322 = arith.constant 32 : i32
    %dma_wait3A_2323 = arith.constant 0 : i32
    %dma_wait3A_2324 = arith.constant 38 : i32
    %dma_wait3A_2325 = arith.constant 0 : i32
    %dma_wait3A_2326 = tpu.memref_slice %arg11[%dma_wait3A_2324, %dma_wait3A_2325] : memref<57x160xf32, #tpu.memory_space<vmem>> -> memref<1x80xf32, #tpu.memory_space<vmem>>
    %dma_wait3A_2327 = tpu.memref_squeeze %dma_wait3A_2326 : memref<1x80xf32, #tpu.memory_space<vmem>> -> memref<80xf32, #tpu.memory_space<vmem>>
    %dma_wait3A_2328 = arith.constant 0 : i32
    %dma_wait3A_2329 = tpu.memref_slice %arg10[%dma_wait3A_2323, %dma_wait3A_2328] : memref<2x80xi32, #tpu.memory_space<vmem>> -> memref<1x80xi32, #tpu.memory_space<vmem>>
    %dma_wait3A_2330 = tpu.memref_squeeze %dma_wait3A_2329 : memref<1x80xi32, #tpu.memory_space<vmem>> -> memref<80xi32, #tpu.memory_space<vmem>>
    %dma_wait3A_2331 = arith.constant 0 : i32
    %dma_wait3A_2332 = tpu.memref_slice %arg6[%dma_wait3A_2322, %dma_wait3A_2331] : memref<51x320000xf32, #tpu.memory_space<hbm>> -> memref<1x320000xf32, #tpu.memory_space<hbm>>
    %dma_wait3A_2333 = tpu.memref_squeeze %dma_wait3A_2332 : memref<1x320000xf32, #tpu.memory_space<hbm>> -> memref<320000xf32, #tpu.memory_space<hbm>>
    %dma_wait3A_2334 = arith.constant 0 : i32
    %dma_wait3A_2335 = tpu.memref_slice %dma_wait3A_2333[%dma_wait3A_2334] : memref<320000xf32, #tpu.memory_space<hbm>> -> memref<320000xf32, #tpu.memory_space<hbm>>
    tpu.wait_indirect_dma semaphore(%arg12 : memref<!tpu.dma_semaphore, #tpu.memory_space<semaphore_mem>>) src(%dma_wait3A_2335 : memref<320000xf32, #tpu.memory_space<hbm>>) dst(%dma_wait3A_2327 : memref<80xf32, #tpu.memory_space<vmem>>)
    %dma_wait3A_2336 = arith.constant 33 : i32
    %dma_wait3A_2337 = arith.constant 0 : i32
    %dma_wait3A_2338 = arith.constant 39 : i32
    %dma_wait3A_2339 = arith.constant 0 : i32
    %dma_wait3A_2340 = tpu.memref_slice %arg11[%dma_wait3A_2338, %dma_wait3A_2339] : memref<57x160xf32, #tpu.memory_space<vmem>> -> memref<1x80xf32, #tpu.memory_space<vmem>>
    %dma_wait3A_2341 = tpu.memref_squeeze %dma_wait3A_2340 : memref<1x80xf32, #tpu.memory_space<vmem>> -> memref<80xf32, #tpu.memory_space<vmem>>
    %dma_wait3A_2342 = arith.constant 0 : i32
    %dma_wait3A_2343 = tpu.memref_slice %arg10[%dma_wait3A_2337, %dma_wait3A_2342] : memref<2x80xi32, #tpu.memory_space<vmem>> -> memref<1x80xi32, #tpu.memory_space<vmem>>
    %dma_wait3A_2344 = tpu.memref_squeeze %dma_wait3A_2343 : memref<1x80xi32, #tpu.memory_space<vmem>> -> memref<80xi32, #tpu.memory_space<vmem>>
    %dma_wait3A_2345 = arith.constant 0 : i32
    %dma_wait3A_2346 = tpu.memref_slice %arg6[%dma_wait3A_2336, %dma_wait3A_2345] : memref<51x320000xf32, #tpu.memory_space<hbm>> -> memref<1x320000xf32, #tpu.memory_space<hbm>>
    %dma_wait3A_2347 = tpu.memref_squeeze %dma_wait3A_2346 : memref<1x320000xf32, #tpu.memory_space<hbm>> -> memref<320000xf32, #tpu.memory_space<hbm>>
    %dma_wait3A_2348 = arith.constant 0 : i32
    %dma_wait3A_2349 = tpu.memref_slice %dma_wait3A_2347[%dma_wait3A_2348] : memref<320000xf32, #tpu.memory_space<hbm>> -> memref<320000xf32, #tpu.memory_space<hbm>>
    tpu.wait_indirect_dma semaphore(%arg12 : memref<!tpu.dma_semaphore, #tpu.memory_space<semaphore_mem>>) src(%dma_wait3A_2349 : memref<320000xf32, #tpu.memory_space<hbm>>) dst(%dma_wait3A_2341 : memref<80xf32, #tpu.memory_space<vmem>>)
    %dma_wait3A_2350 = arith.constant 34 : i32
    %dma_wait3A_2351 = arith.constant 0 : i32
    %dma_wait3A_2352 = arith.constant 40 : i32
    %dma_wait3A_2353 = arith.constant 0 : i32
    %dma_wait3A_2354 = tpu.memref_slice %arg11[%dma_wait3A_2352, %dma_wait3A_2353] : memref<57x160xf32, #tpu.memory_space<vmem>> -> memref<1x80xf32, #tpu.memory_space<vmem>>
    %dma_wait3A_2355 = tpu.memref_squeeze %dma_wait3A_2354 : memref<1x80xf32, #tpu.memory_space<vmem>> -> memref<80xf32, #tpu.memory_space<vmem>>
    %dma_wait3A_2356 = arith.constant 0 : i32
    %dma_wait3A_2357 = tpu.memref_slice %arg10[%dma_wait3A_2351, %dma_wait3A_2356] : memref<2x80xi32, #tpu.memory_space<vmem>> -> memref<1x80xi32, #tpu.memory_space<vmem>>
    %dma_wait3A_2358 = tpu.memref_squeeze %dma_wait3A_2357 : memref<1x80xi32, #tpu.memory_space<vmem>> -> memref<80xi32, #tpu.memory_space<vmem>>
    %dma_wait3A_2359 = arith.constant 0 : i32
    %dma_wait3A_2360 = tpu.memref_slice %arg6[%dma_wait3A_2350, %dma_wait3A_2359] : memref<51x320000xf32, #tpu.memory_space<hbm>> -> memref<1x320000xf32, #tpu.memory_space<hbm>>
    %dma_wait3A_2361 = tpu.memref_squeeze %dma_wait3A_2360 : memref<1x320000xf32, #tpu.memory_space<hbm>> -> memref<320000xf32, #tpu.memory_space<hbm>>
    %dma_wait3A_2362 = arith.constant 0 : i32
    %dma_wait3A_2363 = tpu.memref_slice %dma_wait3A_2361[%dma_wait3A_2362] : memref<320000xf32, #tpu.memory_space<hbm>> -> memref<320000xf32, #tpu.memory_space<hbm>>
    tpu.wait_indirect_dma semaphore(%arg12 : memref<!tpu.dma_semaphore, #tpu.memory_space<semaphore_mem>>) src(%dma_wait3A_2363 : memref<320000xf32, #tpu.memory_space<hbm>>) dst(%dma_wait3A_2355 : memref<80xf32, #tpu.memory_space<vmem>>)
    %dma_wait3A_2364 = arith.constant 35 : i32
    %dma_wait3A_2365 = arith.constant 0 : i32
    %dma_wait3A_2366 = arith.constant 41 : i32
    %dma_wait3A_2367 = arith.constant 0 : i32
    %dma_wait3A_2368 = tpu.memref_slice %arg11[%dma_wait3A_2366, %dma_wait3A_2367] : memref<57x160xf32, #tpu.memory_space<vmem>> -> memref<1x80xf32, #tpu.memory_space<vmem>>
    %dma_wait3A_2369 = tpu.memref_squeeze %dma_wait3A_2368 : memref<1x80xf32, #tpu.memory_space<vmem>> -> memref<80xf32, #tpu.memory_space<vmem>>
    %dma_wait3A_2370 = arith.constant 0 : i32
    %dma_wait3A_2371 = tpu.memref_slice %arg10[%dma_wait3A_2365, %dma_wait3A_2370] : memref<2x80xi32, #tpu.memory_space<vmem>> -> memref<1x80xi32, #tpu.memory_space<vmem>>
    %dma_wait3A_2372 = tpu.memref_squeeze %dma_wait3A_2371 : memref<1x80xi32, #tpu.memory_space<vmem>> -> memref<80xi32, #tpu.memory_space<vmem>>
    %dma_wait3A_2373 = arith.constant 0 : i32
    %dma_wait3A_2374 = tpu.memref_slice %arg6[%dma_wait3A_2364, %dma_wait3A_2373] : memref<51x320000xf32, #tpu.memory_space<hbm>> -> memref<1x320000xf32, #tpu.memory_space<hbm>>
    %dma_wait3A_2375 = tpu.memref_squeeze %dma_wait3A_2374 : memref<1x320000xf32, #tpu.memory_space<hbm>> -> memref<320000xf32, #tpu.memory_space<hbm>>
    %dma_wait3A_2376 = arith.constant 0 : i32
    %dma_wait3A_2377 = tpu.memref_slice %dma_wait3A_2375[%dma_wait3A_2376] : memref<320000xf32, #tpu.memory_space<hbm>> -> memref<320000xf32, #tpu.memory_space<hbm>>
    tpu.wait_indirect_dma semaphore(%arg12 : memref<!tpu.dma_semaphore, #tpu.memory_space<semaphore_mem>>) src(%dma_wait3A_2377 : memref<320000xf32, #tpu.memory_space<hbm>>) dst(%dma_wait3A_2369 : memref<80xf32, #tpu.memory_space<vmem>>)
    %dma_wait3A_2378 = arith.constant 36 : i32
    %dma_wait3A_2379 = arith.constant 0 : i32
    %dma_wait3A_2380 = arith.constant 42 : i32
    %dma_wait3A_2381 = arith.constant 0 : i32
    %dma_wait3A_2382 = tpu.memref_slice %arg11[%dma_wait3A_2380, %dma_wait3A_2381] : memref<57x160xf32, #tpu.memory_space<vmem>> -> memref<1x80xf32, #tpu.memory_space<vmem>>
    %dma_wait3A_2383 = tpu.memref_squeeze %dma_wait3A_2382 : memref<1x80xf32, #tpu.memory_space<vmem>> -> memref<80xf32, #tpu.memory_space<vmem>>
    %dma_wait3A_2384 = arith.constant 0 : i32
    %dma_wait3A_2385 = tpu.memref_slice %arg10[%dma_wait3A_2379, %dma_wait3A_2384] : memref<2x80xi32, #tpu.memory_space<vmem>> -> memref<1x80xi32, #tpu.memory_space<vmem>>
    %dma_wait3A_2386 = tpu.memref_squeeze %dma_wait3A_2385 : memref<1x80xi32, #tpu.memory_space<vmem>> -> memref<80xi32, #tpu.memory_space<vmem>>
    %dma_wait3A_2387 = arith.constant 0 : i32
    %dma_wait3A_2388 = tpu.memref_slice %arg6[%dma_wait3A_2378, %dma_wait3A_2387] : memref<51x320000xf32, #tpu.memory_space<hbm>> -> memref<1x320000xf32, #tpu.memory_space<hbm>>
    %dma_wait3A_2389 = tpu.memref_squeeze %dma_wait3A_2388 : memref<1x320000xf32, #tpu.memory_space<hbm>> -> memref<320000xf32, #tpu.memory_space<hbm>>
    %dma_wait3A_2390 = arith.constant 0 : i32
    %dma_wait3A_2391 = tpu.memref_slice %dma_wait3A_2389[%dma_wait3A_2390] : memref<320000xf32, #tpu.memory_space<hbm>> -> memref<320000xf32, #tpu.memory_space<hbm>>
    tpu.wait_indirect_dma semaphore(%arg12 : memref<!tpu.dma_semaphore, #tpu.memory_space<semaphore_mem>>) src(%dma_wait3A_2391 : memref<320000xf32, #tpu.memory_space<hbm>>) dst(%dma_wait3A_2383 : memref<80xf32, #tpu.memory_space<vmem>>)
    %dma_wait3A_2392 = arith.constant 37 : i32
    %dma_wait3A_2393 = arith.constant 0 : i32
    %dma_wait3A_2394 = arith.constant 43 : i32
    %dma_wait3A_2395 = arith.constant 0 : i32
    %dma_wait3A_2396 = tpu.memref_slice %arg11[%dma_wait3A_2394, %dma_wait3A_2395] : memref<57x160xf32, #tpu.memory_space<vmem>> -> memref<1x80xf32, #tpu.memory_space<vmem>>
    %dma_wait3A_2397 = tpu.memref_squeeze %dma_wait3A_2396 : memref<1x80xf32, #tpu.memory_space<vmem>> -> memref<80xf32, #tpu.memory_space<vmem>>
    %dma_wait3A_2398 = arith.constant 0 : i32
    %dma_wait3A_2399 = tpu.memref_slice %arg10[%dma_wait3A_2393, %dma_wait3A_2398] : memref<2x80xi32, #tpu.memory_space<vmem>> -> memref<1x80xi32, #tpu.memory_space<vmem>>
    %dma_wait3A_2400 = tpu.memref_squeeze %dma_wait3A_2399 : memref<1x80xi32, #tpu.memory_space<vmem>> -> memref<80xi32, #tpu.memory_space<vmem>>
    %dma_wait3A_2401 = arith.constant 0 : i32
    %dma_wait3A_2402 = tpu.memref_slice %arg6[%dma_wait3A_2392, %dma_wait3A_2401] : memref<51x320000xf32, #tpu.memory_space<hbm>> -> memref<1x320000xf32, #tpu.memory_space<hbm>>
    %dma_wait3A_2403 = tpu.memref_squeeze %dma_wait3A_2402 : memref<1x320000xf32, #tpu.memory_space<hbm>> -> memref<320000xf32, #tpu.memory_space<hbm>>
    %dma_wait3A_2404 = arith.constant 0 : i32
    %dma_wait3A_2405 = tpu.memref_slice %dma_wait3A_2403[%dma_wait3A_2404] : memref<320000xf32, #tpu.memory_space<hbm>> -> memref<320000xf32, #tpu.memory_space<hbm>>
    tpu.wait_indirect_dma semaphore(%arg12 : memref<!tpu.dma_semaphore, #tpu.memory_space<semaphore_mem>>) src(%dma_wait3A_2405 : memref<320000xf32, #tpu.memory_space<hbm>>) dst(%dma_wait3A_2397 : memref<80xf32, #tpu.memory_space<vmem>>)
    %dma_wait3A_2406 = arith.constant 38 : i32
    %dma_wait3A_2407 = arith.constant 0 : i32
    %dma_wait3A_2408 = arith.constant 44 : i32
    %dma_wait3A_2409 = arith.constant 0 : i32
    %dma_wait3A_2410 = tpu.memref_slice %arg11[%dma_wait3A_2408, %dma_wait3A_2409] : memref<57x160xf32, #tpu.memory_space<vmem>> -> memref<1x80xf32, #tpu.memory_space<vmem>>
    %dma_wait3A_2411 = tpu.memref_squeeze %dma_wait3A_2410 : memref<1x80xf32, #tpu.memory_space<vmem>> -> memref<80xf32, #tpu.memory_space<vmem>>
    %dma_wait3A_2412 = arith.constant 0 : i32
    %dma_wait3A_2413 = tpu.memref_slice %arg10[%dma_wait3A_2407, %dma_wait3A_2412] : memref<2x80xi32, #tpu.memory_space<vmem>> -> memref<1x80xi32, #tpu.memory_space<vmem>>
    %dma_wait3A_2414 = tpu.memref_squeeze %dma_wait3A_2413 : memref<1x80xi32, #tpu.memory_space<vmem>> -> memref<80xi32, #tpu.memory_space<vmem>>
    %dma_wait3A_2415 = arith.constant 0 : i32
    %dma_wait3A_2416 = tpu.memref_slice %arg6[%dma_wait3A_2406, %dma_wait3A_2415] : memref<51x320000xf32, #tpu.memory_space<hbm>> -> memref<1x320000xf32, #tpu.memory_space<hbm>>
    %dma_wait3A_2417 = tpu.memref_squeeze %dma_wait3A_2416 : memref<1x320000xf32, #tpu.memory_space<hbm>> -> memref<320000xf32, #tpu.memory_space<hbm>>
    %dma_wait3A_2418 = arith.constant 0 : i32
    %dma_wait3A_2419 = tpu.memref_slice %dma_wait3A_2417[%dma_wait3A_2418] : memref<320000xf32, #tpu.memory_space<hbm>> -> memref<320000xf32, #tpu.memory_space<hbm>>
    tpu.wait_indirect_dma semaphore(%arg12 : memref<!tpu.dma_semaphore, #tpu.memory_space<semaphore_mem>>) src(%dma_wait3A_2419 : memref<320000xf32, #tpu.memory_space<hbm>>) dst(%dma_wait3A_2411 : memref<80xf32, #tpu.memory_space<vmem>>)
    %dma_wait3A_2420 = arith.constant 39 : i32
    %dma_wait3A_2421 = arith.constant 0 : i32
    %dma_wait3A_2422 = arith.constant 45 : i32
    %dma_wait3A_2423 = arith.constant 0 : i32
    %dma_wait3A_2424 = tpu.memref_slice %arg11[%dma_wait3A_2422, %dma_wait3A_2423] : memref<57x160xf32, #tpu.memory_space<vmem>> -> memref<1x80xf32, #tpu.memory_space<vmem>>
    %dma_wait3A_2425 = tpu.memref_squeeze %dma_wait3A_2424 : memref<1x80xf32, #tpu.memory_space<vmem>> -> memref<80xf32, #tpu.memory_space<vmem>>
    %dma_wait3A_2426 = arith.constant 0 : i32
    %dma_wait3A_2427 = tpu.memref_slice %arg10[%dma_wait3A_2421, %dma_wait3A_2426] : memref<2x80xi32, #tpu.memory_space<vmem>> -> memref<1x80xi32, #tpu.memory_space<vmem>>
    %dma_wait3A_2428 = tpu.memref_squeeze %dma_wait3A_2427 : memref<1x80xi32, #tpu.memory_space<vmem>> -> memref<80xi32, #tpu.memory_space<vmem>>
    %dma_wait3A_2429 = arith.constant 0 : i32
    %dma_wait3A_2430 = tpu.memref_slice %arg6[%dma_wait3A_2420, %dma_wait3A_2429] : memref<51x320000xf32, #tpu.memory_space<hbm>> -> memref<1x320000xf32, #tpu.memory_space<hbm>>
    %dma_wait3A_2431 = tpu.memref_squeeze %dma_wait3A_2430 : memref<1x320000xf32, #tpu.memory_space<hbm>> -> memref<320000xf32, #tpu.memory_space<hbm>>
    %dma_wait3A_2432 = arith.constant 0 : i32
    %dma_wait3A_2433 = tpu.memref_slice %dma_wait3A_2431[%dma_wait3A_2432] : memref<320000xf32, #tpu.memory_space<hbm>> -> memref<320000xf32, #tpu.memory_space<hbm>>
    tpu.wait_indirect_dma semaphore(%arg12 : memref<!tpu.dma_semaphore, #tpu.memory_space<semaphore_mem>>) src(%dma_wait3A_2433 : memref<320000xf32, #tpu.memory_space<hbm>>) dst(%dma_wait3A_2425 : memref<80xf32, #tpu.memory_space<vmem>>)
    %dma_wait3A_2434 = arith.constant 40 : i32
    %dma_wait3A_2435 = arith.constant 0 : i32
    %dma_wait3A_2436 = arith.constant 46 : i32
    %dma_wait3A_2437 = arith.constant 0 : i32
    %dma_wait3A_2438 = tpu.memref_slice %arg11[%dma_wait3A_2436, %dma_wait3A_2437] : memref<57x160xf32, #tpu.memory_space<vmem>> -> memref<1x80xf32, #tpu.memory_space<vmem>>
    %dma_wait3A_2439 = tpu.memref_squeeze %dma_wait3A_2438 : memref<1x80xf32, #tpu.memory_space<vmem>> -> memref<80xf32, #tpu.memory_space<vmem>>
    %dma_wait3A_2440 = arith.constant 0 : i32
    %dma_wait3A_2441 = tpu.memref_slice %arg10[%dma_wait3A_2435, %dma_wait3A_2440] : memref<2x80xi32, #tpu.memory_space<vmem>> -> memref<1x80xi32, #tpu.memory_space<vmem>>
    %dma_wait3A_2442 = tpu.memref_squeeze %dma_wait3A_2441 : memref<1x80xi32, #tpu.memory_space<vmem>> -> memref<80xi32, #tpu.memory_space<vmem>>
    %dma_wait3A_2443 = arith.constant 0 : i32
    %dma_wait3A_2444 = tpu.memref_slice %arg6[%dma_wait3A_2434, %dma_wait3A_2443] : memref<51x320000xf32, #tpu.memory_space<hbm>> -> memref<1x320000xf32, #tpu.memory_space<hbm>>
    %dma_wait3A_2445 = tpu.memref_squeeze %dma_wait3A_2444 : memref<1x320000xf32, #tpu.memory_space<hbm>> -> memref<320000xf32, #tpu.memory_space<hbm>>
    %dma_wait3A_2446 = arith.constant 0 : i32
    %dma_wait3A_2447 = tpu.memref_slice %dma_wait3A_2445[%dma_wait3A_2446] : memref<320000xf32, #tpu.memory_space<hbm>> -> memref<320000xf32, #tpu.memory_space<hbm>>
    tpu.wait_indirect_dma semaphore(%arg12 : memref<!tpu.dma_semaphore, #tpu.memory_space<semaphore_mem>>) src(%dma_wait3A_2447 : memref<320000xf32, #tpu.memory_space<hbm>>) dst(%dma_wait3A_2439 : memref<80xf32, #tpu.memory_space<vmem>>)
    %dma_wait3A_2448 = arith.constant 41 : i32
    %dma_wait3A_2449 = arith.constant 0 : i32
    %dma_wait3A_2450 = arith.constant 47 : i32
    %dma_wait3A_2451 = arith.constant 0 : i32
    %dma_wait3A_2452 = tpu.memref_slice %arg11[%dma_wait3A_2450, %dma_wait3A_2451] : memref<57x160xf32, #tpu.memory_space<vmem>> -> memref<1x80xf32, #tpu.memory_space<vmem>>
    %dma_wait3A_2453 = tpu.memref_squeeze %dma_wait3A_2452 : memref<1x80xf32, #tpu.memory_space<vmem>> -> memref<80xf32, #tpu.memory_space<vmem>>
    %dma_wait3A_2454 = arith.constant 0 : i32
    %dma_wait3A_2455 = tpu.memref_slice %arg10[%dma_wait3A_2449, %dma_wait3A_2454] : memref<2x80xi32, #tpu.memory_space<vmem>> -> memref<1x80xi32, #tpu.memory_space<vmem>>
    %dma_wait3A_2456 = tpu.memref_squeeze %dma_wait3A_2455 : memref<1x80xi32, #tpu.memory_space<vmem>> -> memref<80xi32, #tpu.memory_space<vmem>>
    %dma_wait3A_2457 = arith.constant 0 : i32
    %dma_wait3A_2458 = tpu.memref_slice %arg6[%dma_wait3A_2448, %dma_wait3A_2457] : memref<51x320000xf32, #tpu.memory_space<hbm>> -> memref<1x320000xf32, #tpu.memory_space<hbm>>
    %dma_wait3A_2459 = tpu.memref_squeeze %dma_wait3A_2458 : memref<1x320000xf32, #tpu.memory_space<hbm>> -> memref<320000xf32, #tpu.memory_space<hbm>>
    %dma_wait3A_2460 = arith.constant 0 : i32
    %dma_wait3A_2461 = tpu.memref_slice %dma_wait3A_2459[%dma_wait3A_2460] : memref<320000xf32, #tpu.memory_space<hbm>> -> memref<320000xf32, #tpu.memory_space<hbm>>
    tpu.wait_indirect_dma semaphore(%arg12 : memref<!tpu.dma_semaphore, #tpu.memory_space<semaphore_mem>>) src(%dma_wait3A_2461 : memref<320000xf32, #tpu.memory_space<hbm>>) dst(%dma_wait3A_2453 : memref<80xf32, #tpu.memory_space<vmem>>)
    %dma_wait3A_2462 = arith.constant 42 : i32
    %dma_wait3A_2463 = arith.constant 0 : i32
    %dma_wait3A_2464 = arith.constant 48 : i32
    %dma_wait3A_2465 = arith.constant 0 : i32
    %dma_wait3A_2466 = tpu.memref_slice %arg11[%dma_wait3A_2464, %dma_wait3A_2465] : memref<57x160xf32, #tpu.memory_space<vmem>> -> memref<1x80xf32, #tpu.memory_space<vmem>>
    %dma_wait3A_2467 = tpu.memref_squeeze %dma_wait3A_2466 : memref<1x80xf32, #tpu.memory_space<vmem>> -> memref<80xf32, #tpu.memory_space<vmem>>
    %dma_wait3A_2468 = arith.constant 0 : i32
    %dma_wait3A_2469 = tpu.memref_slice %arg10[%dma_wait3A_2463, %dma_wait3A_2468] : memref<2x80xi32, #tpu.memory_space<vmem>> -> memref<1x80xi32, #tpu.memory_space<vmem>>
    %dma_wait3A_2470 = tpu.memref_squeeze %dma_wait3A_2469 : memref<1x80xi32, #tpu.memory_space<vmem>> -> memref<80xi32, #tpu.memory_space<vmem>>
    %dma_wait3A_2471 = arith.constant 0 : i32
    %dma_wait3A_2472 = tpu.memref_slice %arg6[%dma_wait3A_2462, %dma_wait3A_2471] : memref<51x320000xf32, #tpu.memory_space<hbm>> -> memref<1x320000xf32, #tpu.memory_space<hbm>>
    %dma_wait3A_2473 = tpu.memref_squeeze %dma_wait3A_2472 : memref<1x320000xf32, #tpu.memory_space<hbm>> -> memref<320000xf32, #tpu.memory_space<hbm>>
    %dma_wait3A_2474 = arith.constant 0 : i32
    %dma_wait3A_2475 = tpu.memref_slice %dma_wait3A_2473[%dma_wait3A_2474] : memref<320000xf32, #tpu.memory_space<hbm>> -> memref<320000xf32, #tpu.memory_space<hbm>>
    tpu.wait_indirect_dma semaphore(%arg12 : memref<!tpu.dma_semaphore, #tpu.memory_space<semaphore_mem>>) src(%dma_wait3A_2475 : memref<320000xf32, #tpu.memory_space<hbm>>) dst(%dma_wait3A_2467 : memref<80xf32, #tpu.memory_space<vmem>>)
    %dma_wait3A_2476 = arith.constant 43 : i32
    %dma_wait3A_2477 = arith.constant 0 : i32
    %dma_wait3A_2478 = arith.constant 49 : i32
    %dma_wait3A_2479 = arith.constant 0 : i32
    %dma_wait3A_2480 = tpu.memref_slice %arg11[%dma_wait3A_2478, %dma_wait3A_2479] : memref<57x160xf32, #tpu.memory_space<vmem>> -> memref<1x80xf32, #tpu.memory_space<vmem>>
    %dma_wait3A_2481 = tpu.memref_squeeze %dma_wait3A_2480 : memref<1x80xf32, #tpu.memory_space<vmem>> -> memref<80xf32, #tpu.memory_space<vmem>>
    %dma_wait3A_2482 = arith.constant 0 : i32
    %dma_wait3A_2483 = tpu.memref_slice %arg10[%dma_wait3A_2477, %dma_wait3A_2482] : memref<2x80xi32, #tpu.memory_space<vmem>> -> memref<1x80xi32, #tpu.memory_space<vmem>>
    %dma_wait3A_2484 = tpu.memref_squeeze %dma_wait3A_2483 : memref<1x80xi32, #tpu.memory_space<vmem>> -> memref<80xi32, #tpu.memory_space<vmem>>
    %dma_wait3A_2485 = arith.constant 0 : i32
    %dma_wait3A_2486 = tpu.memref_slice %arg6[%dma_wait3A_2476, %dma_wait3A_2485] : memref<51x320000xf32, #tpu.memory_space<hbm>> -> memref<1x320000xf32, #tpu.memory_space<hbm>>
    %dma_wait3A_2487 = tpu.memref_squeeze %dma_wait3A_2486 : memref<1x320000xf32, #tpu.memory_space<hbm>> -> memref<320000xf32, #tpu.memory_space<hbm>>
    %dma_wait3A_2488 = arith.constant 0 : i32
    %dma_wait3A_2489 = tpu.memref_slice %dma_wait3A_2487[%dma_wait3A_2488] : memref<320000xf32, #tpu.memory_space<hbm>> -> memref<320000xf32, #tpu.memory_space<hbm>>
    tpu.wait_indirect_dma semaphore(%arg12 : memref<!tpu.dma_semaphore, #tpu.memory_space<semaphore_mem>>) src(%dma_wait3A_2489 : memref<320000xf32, #tpu.memory_space<hbm>>) dst(%dma_wait3A_2481 : memref<80xf32, #tpu.memory_space<vmem>>)
    %dma_wait3A_2490 = arith.constant 44 : i32
    %dma_wait3A_2491 = arith.constant 0 : i32
    %dma_wait3A_2492 = arith.constant 50 : i32
    %dma_wait3A_2493 = arith.constant 0 : i32
    %dma_wait3A_2494 = tpu.memref_slice %arg11[%dma_wait3A_2492, %dma_wait3A_2493] : memref<57x160xf32, #tpu.memory_space<vmem>> -> memref<1x80xf32, #tpu.memory_space<vmem>>
    %dma_wait3A_2495 = tpu.memref_squeeze %dma_wait3A_2494 : memref<1x80xf32, #tpu.memory_space<vmem>> -> memref<80xf32, #tpu.memory_space<vmem>>
    %dma_wait3A_2496 = arith.constant 0 : i32
    %dma_wait3A_2497 = tpu.memref_slice %arg10[%dma_wait3A_2491, %dma_wait3A_2496] : memref<2x80xi32, #tpu.memory_space<vmem>> -> memref<1x80xi32, #tpu.memory_space<vmem>>
    %dma_wait3A_2498 = tpu.memref_squeeze %dma_wait3A_2497 : memref<1x80xi32, #tpu.memory_space<vmem>> -> memref<80xi32, #tpu.memory_space<vmem>>
    %dma_wait3A_2499 = arith.constant 0 : i32
    %dma_wait3A_2500 = tpu.memref_slice %arg6[%dma_wait3A_2490, %dma_wait3A_2499] : memref<51x320000xf32, #tpu.memory_space<hbm>> -> memref<1x320000xf32, #tpu.memory_space<hbm>>
    %dma_wait3A_2501 = tpu.memref_squeeze %dma_wait3A_2500 : memref<1x320000xf32, #tpu.memory_space<hbm>> -> memref<320000xf32, #tpu.memory_space<hbm>>
    %dma_wait3A_2502 = arith.constant 0 : i32
    %dma_wait3A_2503 = tpu.memref_slice %dma_wait3A_2501[%dma_wait3A_2502] : memref<320000xf32, #tpu.memory_space<hbm>> -> memref<320000xf32, #tpu.memory_space<hbm>>
    tpu.wait_indirect_dma semaphore(%arg12 : memref<!tpu.dma_semaphore, #tpu.memory_space<semaphore_mem>>) src(%dma_wait3A_2503 : memref<320000xf32, #tpu.memory_space<hbm>>) dst(%dma_wait3A_2495 : memref<80xf32, #tpu.memory_space<vmem>>)
    %dma_wait3A_2504 = arith.constant 45 : i32
    %dma_wait3A_2505 = arith.constant 0 : i32
    %dma_wait3A_2506 = arith.constant 51 : i32
    %dma_wait3A_2507 = arith.constant 0 : i32
    %dma_wait3A_2508 = tpu.memref_slice %arg11[%dma_wait3A_2506, %dma_wait3A_2507] : memref<57x160xf32, #tpu.memory_space<vmem>> -> memref<1x80xf32, #tpu.memory_space<vmem>>
    %dma_wait3A_2509 = tpu.memref_squeeze %dma_wait3A_2508 : memref<1x80xf32, #tpu.memory_space<vmem>> -> memref<80xf32, #tpu.memory_space<vmem>>
    %dma_wait3A_2510 = arith.constant 0 : i32
    %dma_wait3A_2511 = tpu.memref_slice %arg10[%dma_wait3A_2505, %dma_wait3A_2510] : memref<2x80xi32, #tpu.memory_space<vmem>> -> memref<1x80xi32, #tpu.memory_space<vmem>>
    %dma_wait3A_2512 = tpu.memref_squeeze %dma_wait3A_2511 : memref<1x80xi32, #tpu.memory_space<vmem>> -> memref<80xi32, #tpu.memory_space<vmem>>
    %dma_wait3A_2513 = arith.constant 0 : i32
    %dma_wait3A_2514 = tpu.memref_slice %arg6[%dma_wait3A_2504, %dma_wait3A_2513] : memref<51x320000xf32, #tpu.memory_space<hbm>> -> memref<1x320000xf32, #tpu.memory_space<hbm>>
    %dma_wait3A_2515 = tpu.memref_squeeze %dma_wait3A_2514 : memref<1x320000xf32, #tpu.memory_space<hbm>> -> memref<320000xf32, #tpu.memory_space<hbm>>
    %dma_wait3A_2516 = arith.constant 0 : i32
    %dma_wait3A_2517 = tpu.memref_slice %dma_wait3A_2515[%dma_wait3A_2516] : memref<320000xf32, #tpu.memory_space<hbm>> -> memref<320000xf32, #tpu.memory_space<hbm>>
    tpu.wait_indirect_dma semaphore(%arg12 : memref<!tpu.dma_semaphore, #tpu.memory_space<semaphore_mem>>) src(%dma_wait3A_2517 : memref<320000xf32, #tpu.memory_space<hbm>>) dst(%dma_wait3A_2509 : memref<80xf32, #tpu.memory_space<vmem>>)
    %dma_wait3A_2518 = arith.constant 46 : i32
    %dma_wait3A_2519 = arith.constant 0 : i32
    %dma_wait3A_2520 = arith.constant 52 : i32
    %dma_wait3A_2521 = arith.constant 0 : i32
    %dma_wait3A_2522 = tpu.memref_slice %arg11[%dma_wait3A_2520, %dma_wait3A_2521] : memref<57x160xf32, #tpu.memory_space<vmem>> -> memref<1x80xf32, #tpu.memory_space<vmem>>
    %dma_wait3A_2523 = tpu.memref_squeeze %dma_wait3A_2522 : memref<1x80xf32, #tpu.memory_space<vmem>> -> memref<80xf32, #tpu.memory_space<vmem>>
    %dma_wait3A_2524 = arith.constant 0 : i32
    %dma_wait3A_2525 = tpu.memref_slice %arg10[%dma_wait3A_2519, %dma_wait3A_2524] : memref<2x80xi32, #tpu.memory_space<vmem>> -> memref<1x80xi32, #tpu.memory_space<vmem>>
    %dma_wait3A_2526 = tpu.memref_squeeze %dma_wait3A_2525 : memref<1x80xi32, #tpu.memory_space<vmem>> -> memref<80xi32, #tpu.memory_space<vmem>>
    %dma_wait3A_2527 = arith.constant 0 : i32
    %dma_wait3A_2528 = tpu.memref_slice %arg6[%dma_wait3A_2518, %dma_wait3A_2527] : memref<51x320000xf32, #tpu.memory_space<hbm>> -> memref<1x320000xf32, #tpu.memory_space<hbm>>
    %dma_wait3A_2529 = tpu.memref_squeeze %dma_wait3A_2528 : memref<1x320000xf32, #tpu.memory_space<hbm>> -> memref<320000xf32, #tpu.memory_space<hbm>>
    %dma_wait3A_2530 = arith.constant 0 : i32
    %dma_wait3A_2531 = tpu.memref_slice %dma_wait3A_2529[%dma_wait3A_2530] : memref<320000xf32, #tpu.memory_space<hbm>> -> memref<320000xf32, #tpu.memory_space<hbm>>
    tpu.wait_indirect_dma semaphore(%arg12 : memref<!tpu.dma_semaphore, #tpu.memory_space<semaphore_mem>>) src(%dma_wait3A_2531 : memref<320000xf32, #tpu.memory_space<hbm>>) dst(%dma_wait3A_2523 : memref<80xf32, #tpu.memory_space<vmem>>)
    %dma_wait3A_2532 = arith.constant 47 : i32
    %dma_wait3A_2533 = arith.constant 0 : i32
    %dma_wait3A_2534 = arith.constant 53 : i32
    %dma_wait3A_2535 = arith.constant 0 : i32
    %dma_wait3A_2536 = tpu.memref_slice %arg11[%dma_wait3A_2534, %dma_wait3A_2535] : memref<57x160xf32, #tpu.memory_space<vmem>> -> memref<1x80xf32, #tpu.memory_space<vmem>>
    %dma_wait3A_2537 = tpu.memref_squeeze %dma_wait3A_2536 : memref<1x80xf32, #tpu.memory_space<vmem>> -> memref<80xf32, #tpu.memory_space<vmem>>
    %dma_wait3A_2538 = arith.constant 0 : i32
    %dma_wait3A_2539 = tpu.memref_slice %arg10[%dma_wait3A_2533, %dma_wait3A_2538] : memref<2x80xi32, #tpu.memory_space<vmem>> -> memref<1x80xi32, #tpu.memory_space<vmem>>
    %dma_wait3A_2540 = tpu.memref_squeeze %dma_wait3A_2539 : memref<1x80xi32, #tpu.memory_space<vmem>> -> memref<80xi32, #tpu.memory_space<vmem>>
    %dma_wait3A_2541 = arith.constant 0 : i32
    %dma_wait3A_2542 = tpu.memref_slice %arg6[%dma_wait3A_2532, %dma_wait3A_2541] : memref<51x320000xf32, #tpu.memory_space<hbm>> -> memref<1x320000xf32, #tpu.memory_space<hbm>>
    %dma_wait3A_2543 = tpu.memref_squeeze %dma_wait3A_2542 : memref<1x320000xf32, #tpu.memory_space<hbm>> -> memref<320000xf32, #tpu.memory_space<hbm>>
    %dma_wait3A_2544 = arith.constant 0 : i32
    %dma_wait3A_2545 = tpu.memref_slice %dma_wait3A_2543[%dma_wait3A_2544] : memref<320000xf32, #tpu.memory_space<hbm>> -> memref<320000xf32, #tpu.memory_space<hbm>>
    tpu.wait_indirect_dma semaphore(%arg12 : memref<!tpu.dma_semaphore, #tpu.memory_space<semaphore_mem>>) src(%dma_wait3A_2545 : memref<320000xf32, #tpu.memory_space<hbm>>) dst(%dma_wait3A_2537 : memref<80xf32, #tpu.memory_space<vmem>>)
    %dma_wait3A_2546 = arith.constant 48 : i32
    %dma_wait3A_2547 = arith.constant 0 : i32
    %dma_wait3A_2548 = arith.constant 54 : i32
    %dma_wait3A_2549 = arith.constant 0 : i32
    %dma_wait3A_2550 = tpu.memref_slice %arg11[%dma_wait3A_2548, %dma_wait3A_2549] : memref<57x160xf32, #tpu.memory_space<vmem>> -> memref<1x80xf32, #tpu.memory_space<vmem>>
    %dma_wait3A_2551 = tpu.memref_squeeze %dma_wait3A_2550 : memref<1x80xf32, #tpu.memory_space<vmem>> -> memref<80xf32, #tpu.memory_space<vmem>>
    %dma_wait3A_2552 = arith.constant 0 : i32
    %dma_wait3A_2553 = tpu.memref_slice %arg10[%dma_wait3A_2547, %dma_wait3A_2552] : memref<2x80xi32, #tpu.memory_space<vmem>> -> memref<1x80xi32, #tpu.memory_space<vmem>>
    %dma_wait3A_2554 = tpu.memref_squeeze %dma_wait3A_2553 : memref<1x80xi32, #tpu.memory_space<vmem>> -> memref<80xi32, #tpu.memory_space<vmem>>
    %dma_wait3A_2555 = arith.constant 0 : i32
    %dma_wait3A_2556 = tpu.memref_slice %arg6[%dma_wait3A_2546, %dma_wait3A_2555] : memref<51x320000xf32, #tpu.memory_space<hbm>> -> memref<1x320000xf32, #tpu.memory_space<hbm>>
    %dma_wait3A_2557 = tpu.memref_squeeze %dma_wait3A_2556 : memref<1x320000xf32, #tpu.memory_space<hbm>> -> memref<320000xf32, #tpu.memory_space<hbm>>
    %dma_wait3A_2558 = arith.constant 0 : i32
    %dma_wait3A_2559 = tpu.memref_slice %dma_wait3A_2557[%dma_wait3A_2558] : memref<320000xf32, #tpu.memory_space<hbm>> -> memref<320000xf32, #tpu.memory_space<hbm>>
    tpu.wait_indirect_dma semaphore(%arg12 : memref<!tpu.dma_semaphore, #tpu.memory_space<semaphore_mem>>) src(%dma_wait3A_2559 : memref<320000xf32, #tpu.memory_space<hbm>>) dst(%dma_wait3A_2551 : memref<80xf32, #tpu.memory_space<vmem>>)
    %dma_wait3A_2560 = arith.constant 49 : i32
    %dma_wait3A_2561 = arith.constant 0 : i32
    %dma_wait3A_2562 = arith.constant 55 : i32
    %dma_wait3A_2563 = arith.constant 0 : i32
    %dma_wait3A_2564 = tpu.memref_slice %arg11[%dma_wait3A_2562, %dma_wait3A_2563] : memref<57x160xf32, #tpu.memory_space<vmem>> -> memref<1x80xf32, #tpu.memory_space<vmem>>
    %dma_wait3A_2565 = tpu.memref_squeeze %dma_wait3A_2564 : memref<1x80xf32, #tpu.memory_space<vmem>> -> memref<80xf32, #tpu.memory_space<vmem>>
    %dma_wait3A_2566 = arith.constant 0 : i32
    %dma_wait3A_2567 = tpu.memref_slice %arg10[%dma_wait3A_2561, %dma_wait3A_2566] : memref<2x80xi32, #tpu.memory_space<vmem>> -> memref<1x80xi32, #tpu.memory_space<vmem>>
    %dma_wait3A_2568 = tpu.memref_squeeze %dma_wait3A_2567 : memref<1x80xi32, #tpu.memory_space<vmem>> -> memref<80xi32, #tpu.memory_space<vmem>>
    %dma_wait3A_2569 = arith.constant 0 : i32
    %dma_wait3A_2570 = tpu.memref_slice %arg6[%dma_wait3A_2560, %dma_wait3A_2569] : memref<51x320000xf32, #tpu.memory_space<hbm>> -> memref<1x320000xf32, #tpu.memory_space<hbm>>
    %dma_wait3A_2571 = tpu.memref_squeeze %dma_wait3A_2570 : memref<1x320000xf32, #tpu.memory_space<hbm>> -> memref<320000xf32, #tpu.memory_space<hbm>>
    %dma_wait3A_2572 = arith.constant 0 : i32
    %dma_wait3A_2573 = tpu.memref_slice %dma_wait3A_2571[%dma_wait3A_2572] : memref<320000xf32, #tpu.memory_space<hbm>> -> memref<320000xf32, #tpu.memory_space<hbm>>
    tpu.wait_indirect_dma semaphore(%arg12 : memref<!tpu.dma_semaphore, #tpu.memory_space<semaphore_mem>>) src(%dma_wait3A_2573 : memref<320000xf32, #tpu.memory_space<hbm>>) dst(%dma_wait3A_2565 : memref<80xf32, #tpu.memory_space<vmem>>)
    %dma_wait3A_2574 = arith.constant 50 : i32
    %dma_wait3A_2575 = arith.constant 0 : i32
    %dma_wait3A_2576 = arith.constant 56 : i32
    %dma_wait3A_2577 = arith.constant 0 : i32
    %dma_wait3A_2578 = tpu.memref_slice %arg11[%dma_wait3A_2576, %dma_wait3A_2577] : memref<57x160xf32, #tpu.memory_space<vmem>> -> memref<1x80xf32, #tpu.memory_space<vmem>>
    %dma_wait3A_2579 = tpu.memref_squeeze %dma_wait3A_2578 : memref<1x80xf32, #tpu.memory_space<vmem>> -> memref<80xf32, #tpu.memory_space<vmem>>
    %dma_wait3A_2580 = arith.constant 0 : i32
    %dma_wait3A_2581 = tpu.memref_slice %arg10[%dma_wait3A_2575, %dma_wait3A_2580] : memref<2x80xi32, #tpu.memory_space<vmem>> -> memref<1x80xi32, #tpu.memory_space<vmem>>
    %dma_wait3A_2582 = tpu.memref_squeeze %dma_wait3A_2581 : memref<1x80xi32, #tpu.memory_space<vmem>> -> memref<80xi32, #tpu.memory_space<vmem>>
    %dma_wait3A_2583 = arith.constant 0 : i32
    %dma_wait3A_2584 = tpu.memref_slice %arg6[%dma_wait3A_2574, %dma_wait3A_2583] : memref<51x320000xf32, #tpu.memory_space<hbm>> -> memref<1x320000xf32, #tpu.memory_space<hbm>>
    %dma_wait3A_2585 = tpu.memref_squeeze %dma_wait3A_2584 : memref<1x320000xf32, #tpu.memory_space<hbm>> -> memref<320000xf32, #tpu.memory_space<hbm>>
    %dma_wait3A_2586 = arith.constant 0 : i32
    %dma_wait3A_2587 = tpu.memref_slice %dma_wait3A_2585[%dma_wait3A_2586] : memref<320000xf32, #tpu.memory_space<hbm>> -> memref<320000xf32, #tpu.memory_space<hbm>>
    tpu.wait_indirect_dma semaphore(%arg12 : memref<!tpu.dma_semaphore, #tpu.memory_space<semaphore_mem>>) src(%dma_wait3A_2587 : memref<320000xf32, #tpu.memory_space<hbm>>) dst(%dma_wait3A_2579 : memref<80xf32, #tpu.memory_space<vmem>>)
    %dma_wait3A_2588 = arith.constant 1 : i32
    %dma_wait3A_2589 = arith.constant 5 : i32
    %dma_wait3A_2590 = arith.constant 80 : i32
    %dma_wait3A_2591 = tpu.memref_slice %arg11[%dma_wait3A_2589, %dma_wait3A_2590] : memref<57x160xf32, #tpu.memory_space<vmem>> -> memref<1x80xf32, #tpu.memory_space<vmem>>
    %dma_wait3A_2592 = tpu.memref_squeeze %dma_wait3A_2591 : memref<1x80xf32, #tpu.memory_space<vmem>> -> memref<80xf32, #tpu.memory_space<vmem>>
    %dma_wait3A_2593 = arith.constant 0 : i32
    %dma_wait3A_2594 = tpu.memref_slice %arg10[%dma_wait3A_2588, %dma_wait3A_2593] : memref<2x80xi32, #tpu.memory_space<vmem>> -> memref<1x80xi32, #tpu.memory_space<vmem>>
    %dma_wait3A_2595 = tpu.memref_squeeze %dma_wait3A_2594 : memref<1x80xi32, #tpu.memory_space<vmem>> -> memref<80xi32, #tpu.memory_space<vmem>>
    %dma_wait3A_2596 = arith.constant 0 : i32
    %dma_wait3A_2597 = tpu.memref_slice %arg5[%dma_wait3A_2596] : memref<320000xf32, #tpu.memory_space<hbm>> -> memref<320000xf32, #tpu.memory_space<hbm>>
    tpu.wait_indirect_dma semaphore(%arg12 : memref<!tpu.dma_semaphore, #tpu.memory_space<semaphore_mem>>) src(%dma_wait3A_2597 : memref<320000xf32, #tpu.memory_space<hbm>>) dst(%dma_wait3A_2592 : memref<80xf32, #tpu.memory_space<vmem>>)
    %dma_wait3A_2598 = arith.constant 0 : i32
    %dma_wait3A_2599 = arith.constant 1 : i32
    %dma_wait3A_2600 = arith.constant 1 : i32
    %dma_wait3A_2601 = arith.constant 80 : i32
    %dma_wait3A_2602 = tpu.memref_slice %arg11[%dma_wait3A_2600, %dma_wait3A_2601] : memref<57x160xf32, #tpu.memory_space<vmem>> -> memref<1x80xf32, #tpu.memory_space<vmem>>
    %dma_wait3A_2603 = tpu.memref_squeeze %dma_wait3A_2602 : memref<1x80xf32, #tpu.memory_space<vmem>> -> memref<80xf32, #tpu.memory_space<vmem>>
    %dma_wait3A_2604 = arith.constant 0 : i32
    %dma_wait3A_2605 = tpu.memref_slice %arg10[%dma_wait3A_2599, %dma_wait3A_2604] : memref<2x80xi32, #tpu.memory_space<vmem>> -> memref<1x80xi32, #tpu.memory_space<vmem>>
    %dma_wait3A_2606 = tpu.memref_squeeze %dma_wait3A_2605 : memref<1x80xi32, #tpu.memory_space<vmem>> -> memref<80xi32, #tpu.memory_space<vmem>>
    %dma_wait3A_2607 = arith.constant 0 : i32
    %dma_wait3A_2608 = tpu.memref_slice %arg4[%dma_wait3A_2598, %dma_wait3A_2607] : memref<4x320000xf32, #tpu.memory_space<hbm>> -> memref<1x320000xf32, #tpu.memory_space<hbm>>
    %dma_wait3A_2609 = tpu.memref_squeeze %dma_wait3A_2608 : memref<1x320000xf32, #tpu.memory_space<hbm>> -> memref<320000xf32, #tpu.memory_space<hbm>>
    %dma_wait3A_2610 = arith.constant 0 : i32
    %dma_wait3A_2611 = tpu.memref_slice %dma_wait3A_2609[%dma_wait3A_2610] : memref<320000xf32, #tpu.memory_space<hbm>> -> memref<320000xf32, #tpu.memory_space<hbm>>
    tpu.wait_indirect_dma semaphore(%arg12 : memref<!tpu.dma_semaphore, #tpu.memory_space<semaphore_mem>>) src(%dma_wait3A_2611 : memref<320000xf32, #tpu.memory_space<hbm>>) dst(%dma_wait3A_2603 : memref<80xf32, #tpu.memory_space<vmem>>)
    %dma_wait3A_2612 = arith.constant 1 : i32
    %dma_wait3A_2613 = arith.constant 1 : i32
    %dma_wait3A_2614 = arith.constant 2 : i32
    %dma_wait3A_2615 = arith.constant 80 : i32
    %dma_wait3A_2616 = tpu.memref_slice %arg11[%dma_wait3A_2614, %dma_wait3A_2615] : memref<57x160xf32, #tpu.memory_space<vmem>> -> memref<1x80xf32, #tpu.memory_space<vmem>>
    %dma_wait3A_2617 = tpu.memref_squeeze %dma_wait3A_2616 : memref<1x80xf32, #tpu.memory_space<vmem>> -> memref<80xf32, #tpu.memory_space<vmem>>
    %dma_wait3A_2618 = arith.constant 0 : i32
    %dma_wait3A_2619 = tpu.memref_slice %arg10[%dma_wait3A_2613, %dma_wait3A_2618] : memref<2x80xi32, #tpu.memory_space<vmem>> -> memref<1x80xi32, #tpu.memory_space<vmem>>
    %dma_wait3A_2620 = tpu.memref_squeeze %dma_wait3A_2619 : memref<1x80xi32, #tpu.memory_space<vmem>> -> memref<80xi32, #tpu.memory_space<vmem>>
    %dma_wait3A_2621 = arith.constant 0 : i32
    %dma_wait3A_2622 = tpu.memref_slice %arg4[%dma_wait3A_2612, %dma_wait3A_2621] : memref<4x320000xf32, #tpu.memory_space<hbm>> -> memref<1x320000xf32, #tpu.memory_space<hbm>>
    %dma_wait3A_2623 = tpu.memref_squeeze %dma_wait3A_2622 : memref<1x320000xf32, #tpu.memory_space<hbm>> -> memref<320000xf32, #tpu.memory_space<hbm>>
    %dma_wait3A_2624 = arith.constant 0 : i32
    %dma_wait3A_2625 = tpu.memref_slice %dma_wait3A_2623[%dma_wait3A_2624] : memref<320000xf32, #tpu.memory_space<hbm>> -> memref<320000xf32, #tpu.memory_space<hbm>>
    tpu.wait_indirect_dma semaphore(%arg12 : memref<!tpu.dma_semaphore, #tpu.memory_space<semaphore_mem>>) src(%dma_wait3A_2625 : memref<320000xf32, #tpu.memory_space<hbm>>) dst(%dma_wait3A_2617 : memref<80xf32, #tpu.memory_space<vmem>>)
    %dma_wait3A_2626 = arith.constant 2 : i32
    %dma_wait3A_2627 = arith.constant 1 : i32
    %dma_wait3A_2628 = arith.constant 3 : i32
    %dma_wait3A_2629 = arith.constant 80 : i32
    %dma_wait3A_2630 = tpu.memref_slice %arg11[%dma_wait3A_2628, %dma_wait3A_2629] : memref<57x160xf32, #tpu.memory_space<vmem>> -> memref<1x80xf32, #tpu.memory_space<vmem>>
    %dma_wait3A_2631 = tpu.memref_squeeze %dma_wait3A_2630 : memref<1x80xf32, #tpu.memory_space<vmem>> -> memref<80xf32, #tpu.memory_space<vmem>>
    %dma_wait3A_2632 = arith.constant 0 : i32
    %dma_wait3A_2633 = tpu.memref_slice %arg10[%dma_wait3A_2627, %dma_wait3A_2632] : memref<2x80xi32, #tpu.memory_space<vmem>> -> memref<1x80xi32, #tpu.memory_space<vmem>>
    %dma_wait3A_2634 = tpu.memref_squeeze %dma_wait3A_2633 : memref<1x80xi32, #tpu.memory_space<vmem>> -> memref<80xi32, #tpu.memory_space<vmem>>
    %dma_wait3A_2635 = arith.constant 0 : i32
    %dma_wait3A_2636 = tpu.memref_slice %arg4[%dma_wait3A_2626, %dma_wait3A_2635] : memref<4x320000xf32, #tpu.memory_space<hbm>> -> memref<1x320000xf32, #tpu.memory_space<hbm>>
    %dma_wait3A_2637 = tpu.memref_squeeze %dma_wait3A_2636 : memref<1x320000xf32, #tpu.memory_space<hbm>> -> memref<320000xf32, #tpu.memory_space<hbm>>
    %dma_wait3A_2638 = arith.constant 0 : i32
    %dma_wait3A_2639 = tpu.memref_slice %dma_wait3A_2637[%dma_wait3A_2638] : memref<320000xf32, #tpu.memory_space<hbm>> -> memref<320000xf32, #tpu.memory_space<hbm>>
    tpu.wait_indirect_dma semaphore(%arg12 : memref<!tpu.dma_semaphore, #tpu.memory_space<semaphore_mem>>) src(%dma_wait3A_2639 : memref<320000xf32, #tpu.memory_space<hbm>>) dst(%dma_wait3A_2631 : memref<80xf32, #tpu.memory_space<vmem>>)
    %dma_wait3A_2640 = arith.constant 3 : i32
    %dma_wait3A_2641 = arith.constant 1 : i32
    %dma_wait3A_2642 = arith.constant 4 : i32
    %dma_wait3A_2643 = arith.constant 80 : i32
    %dma_wait3A_2644 = tpu.memref_slice %arg11[%dma_wait3A_2642, %dma_wait3A_2643] : memref<57x160xf32, #tpu.memory_space<vmem>> -> memref<1x80xf32, #tpu.memory_space<vmem>>
    %dma_wait3A_2645 = tpu.memref_squeeze %dma_wait3A_2644 : memref<1x80xf32, #tpu.memory_space<vmem>> -> memref<80xf32, #tpu.memory_space<vmem>>
    %dma_wait3A_2646 = arith.constant 0 : i32
    %dma_wait3A_2647 = tpu.memref_slice %arg10[%dma_wait3A_2641, %dma_wait3A_2646] : memref<2x80xi32, #tpu.memory_space<vmem>> -> memref<1x80xi32, #tpu.memory_space<vmem>>
    %dma_wait3A_2648 = tpu.memref_squeeze %dma_wait3A_2647 : memref<1x80xi32, #tpu.memory_space<vmem>> -> memref<80xi32, #tpu.memory_space<vmem>>
    %dma_wait3A_2649 = arith.constant 0 : i32
    %dma_wait3A_2650 = tpu.memref_slice %arg4[%dma_wait3A_2640, %dma_wait3A_2649] : memref<4x320000xf32, #tpu.memory_space<hbm>> -> memref<1x320000xf32, #tpu.memory_space<hbm>>
    %dma_wait3A_2651 = tpu.memref_squeeze %dma_wait3A_2650 : memref<1x320000xf32, #tpu.memory_space<hbm>> -> memref<320000xf32, #tpu.memory_space<hbm>>
    %dma_wait3A_2652 = arith.constant 0 : i32
    %dma_wait3A_2653 = tpu.memref_slice %dma_wait3A_2651[%dma_wait3A_2652] : memref<320000xf32, #tpu.memory_space<hbm>> -> memref<320000xf32, #tpu.memory_space<hbm>>
    tpu.wait_indirect_dma semaphore(%arg12 : memref<!tpu.dma_semaphore, #tpu.memory_space<semaphore_mem>>) src(%dma_wait3A_2653 : memref<320000xf32, #tpu.memory_space<hbm>>) dst(%dma_wait3A_2645 : memref<80xf32, #tpu.memory_space<vmem>>)
    %dma_wait3A_2654 = arith.constant 0 : i32
    %dma_wait3A_2655 = arith.constant 1 : i32
    %dma_wait3A_2656 = arith.constant 6 : i32
    %dma_wait3A_2657 = arith.constant 80 : i32
    %dma_wait3A_2658 = tpu.memref_slice %arg11[%dma_wait3A_2656, %dma_wait3A_2657] : memref<57x160xf32, #tpu.memory_space<vmem>> -> memref<1x80xf32, #tpu.memory_space<vmem>>
    %dma_wait3A_2659 = tpu.memref_squeeze %dma_wait3A_2658 : memref<1x80xf32, #tpu.memory_space<vmem>> -> memref<80xf32, #tpu.memory_space<vmem>>
    %dma_wait3A_2660 = arith.constant 0 : i32
    %dma_wait3A_2661 = tpu.memref_slice %arg10[%dma_wait3A_2655, %dma_wait3A_2660] : memref<2x80xi32, #tpu.memory_space<vmem>> -> memref<1x80xi32, #tpu.memory_space<vmem>>
    %dma_wait3A_2662 = tpu.memref_squeeze %dma_wait3A_2661 : memref<1x80xi32, #tpu.memory_space<vmem>> -> memref<80xi32, #tpu.memory_space<vmem>>
    %dma_wait3A_2663 = arith.constant 0 : i32
    %dma_wait3A_2664 = tpu.memref_slice %arg6[%dma_wait3A_2654, %dma_wait3A_2663] : memref<51x320000xf32, #tpu.memory_space<hbm>> -> memref<1x320000xf32, #tpu.memory_space<hbm>>
    %dma_wait3A_2665 = tpu.memref_squeeze %dma_wait3A_2664 : memref<1x320000xf32, #tpu.memory_space<hbm>> -> memref<320000xf32, #tpu.memory_space<hbm>>
    %dma_wait3A_2666 = arith.constant 0 : i32
    %dma_wait3A_2667 = tpu.memref_slice %dma_wait3A_2665[%dma_wait3A_2666] : memref<320000xf32, #tpu.memory_space<hbm>> -> memref<320000xf32, #tpu.memory_space<hbm>>
    tpu.wait_indirect_dma semaphore(%arg12 : memref<!tpu.dma_semaphore, #tpu.memory_space<semaphore_mem>>) src(%dma_wait3A_2667 : memref<320000xf32, #tpu.memory_space<hbm>>) dst(%dma_wait3A_2659 : memref<80xf32, #tpu.memory_space<vmem>>)
    %dma_wait3A_2668 = arith.constant 1 : i32
    %dma_wait3A_2669 = arith.constant 1 : i32
    %dma_wait3A_2670 = arith.constant 7 : i32
    %dma_wait3A_2671 = arith.constant 80 : i32
    %dma_wait3A_2672 = tpu.memref_slice %arg11[%dma_wait3A_2670, %dma_wait3A_2671] : memref<57x160xf32, #tpu.memory_space<vmem>> -> memref<1x80xf32, #tpu.memory_space<vmem>>
    %dma_wait3A_2673 = tpu.memref_squeeze %dma_wait3A_2672 : memref<1x80xf32, #tpu.memory_space<vmem>> -> memref<80xf32, #tpu.memory_space<vmem>>
    %dma_wait3A_2674 = arith.constant 0 : i32
    %dma_wait3A_2675 = tpu.memref_slice %arg10[%dma_wait3A_2669, %dma_wait3A_2674] : memref<2x80xi32, #tpu.memory_space<vmem>> -> memref<1x80xi32, #tpu.memory_space<vmem>>
    %dma_wait3A_2676 = tpu.memref_squeeze %dma_wait3A_2675 : memref<1x80xi32, #tpu.memory_space<vmem>> -> memref<80xi32, #tpu.memory_space<vmem>>
    %dma_wait3A_2677 = arith.constant 0 : i32
    %dma_wait3A_2678 = tpu.memref_slice %arg6[%dma_wait3A_2668, %dma_wait3A_2677] : memref<51x320000xf32, #tpu.memory_space<hbm>> -> memref<1x320000xf32, #tpu.memory_space<hbm>>
    %dma_wait3A_2679 = tpu.memref_squeeze %dma_wait3A_2678 : memref<1x320000xf32, #tpu.memory_space<hbm>> -> memref<320000xf32, #tpu.memory_space<hbm>>
    %dma_wait3A_2680 = arith.constant 0 : i32
    %dma_wait3A_2681 = tpu.memref_slice %dma_wait3A_2679[%dma_wait3A_2680] : memref<320000xf32, #tpu.memory_space<hbm>> -> memref<320000xf32, #tpu.memory_space<hbm>>
    tpu.wait_indirect_dma semaphore(%arg12 : memref<!tpu.dma_semaphore, #tpu.memory_space<semaphore_mem>>) src(%dma_wait3A_2681 : memref<320000xf32, #tpu.memory_space<hbm>>) dst(%dma_wait3A_2673 : memref<80xf32, #tpu.memory_space<vmem>>)
    %dma_wait3A_2682 = arith.constant 2 : i32
    %dma_wait3A_2683 = arith.constant 1 : i32
    %dma_wait3A_2684 = arith.constant 8 : i32
    %dma_wait3A_2685 = arith.constant 80 : i32
    %dma_wait3A_2686 = tpu.memref_slice %arg11[%dma_wait3A_2684, %dma_wait3A_2685] : memref<57x160xf32, #tpu.memory_space<vmem>> -> memref<1x80xf32, #tpu.memory_space<vmem>>
    %dma_wait3A_2687 = tpu.memref_squeeze %dma_wait3A_2686 : memref<1x80xf32, #tpu.memory_space<vmem>> -> memref<80xf32, #tpu.memory_space<vmem>>
    %dma_wait3A_2688 = arith.constant 0 : i32
    %dma_wait3A_2689 = tpu.memref_slice %arg10[%dma_wait3A_2683, %dma_wait3A_2688] : memref<2x80xi32, #tpu.memory_space<vmem>> -> memref<1x80xi32, #tpu.memory_space<vmem>>
    %dma_wait3A_2690 = tpu.memref_squeeze %dma_wait3A_2689 : memref<1x80xi32, #tpu.memory_space<vmem>> -> memref<80xi32, #tpu.memory_space<vmem>>
    %dma_wait3A_2691 = arith.constant 0 : i32
    %dma_wait3A_2692 = tpu.memref_slice %arg6[%dma_wait3A_2682, %dma_wait3A_2691] : memref<51x320000xf32, #tpu.memory_space<hbm>> -> memref<1x320000xf32, #tpu.memory_space<hbm>>
    %dma_wait3A_2693 = tpu.memref_squeeze %dma_wait3A_2692 : memref<1x320000xf32, #tpu.memory_space<hbm>> -> memref<320000xf32, #tpu.memory_space<hbm>>
    %dma_wait3A_2694 = arith.constant 0 : i32
    %dma_wait3A_2695 = tpu.memref_slice %dma_wait3A_2693[%dma_wait3A_2694] : memref<320000xf32, #tpu.memory_space<hbm>> -> memref<320000xf32, #tpu.memory_space<hbm>>
    tpu.wait_indirect_dma semaphore(%arg12 : memref<!tpu.dma_semaphore, #tpu.memory_space<semaphore_mem>>) src(%dma_wait3A_2695 : memref<320000xf32, #tpu.memory_space<hbm>>) dst(%dma_wait3A_2687 : memref<80xf32, #tpu.memory_space<vmem>>)
    %dma_wait3A_2696 = arith.constant 3 : i32
    %dma_wait3A_2697 = arith.constant 1 : i32
    %dma_wait3A_2698 = arith.constant 9 : i32
    %dma_wait3A_2699 = arith.constant 80 : i32
    %dma_wait3A_2700 = tpu.memref_slice %arg11[%dma_wait3A_2698, %dma_wait3A_2699] : memref<57x160xf32, #tpu.memory_space<vmem>> -> memref<1x80xf32, #tpu.memory_space<vmem>>
    %dma_wait3A_2701 = tpu.memref_squeeze %dma_wait3A_2700 : memref<1x80xf32, #tpu.memory_space<vmem>> -> memref<80xf32, #tpu.memory_space<vmem>>
    %dma_wait3A_2702 = arith.constant 0 : i32
    %dma_wait3A_2703 = tpu.memref_slice %arg10[%dma_wait3A_2697, %dma_wait3A_2702] : memref<2x80xi32, #tpu.memory_space<vmem>> -> memref<1x80xi32, #tpu.memory_space<vmem>>
    %dma_wait3A_2704 = tpu.memref_squeeze %dma_wait3A_2703 : memref<1x80xi32, #tpu.memory_space<vmem>> -> memref<80xi32, #tpu.memory_space<vmem>>
    %dma_wait3A_2705 = arith.constant 0 : i32
    %dma_wait3A_2706 = tpu.memref_slice %arg6[%dma_wait3A_2696, %dma_wait3A_2705] : memref<51x320000xf32, #tpu.memory_space<hbm>> -> memref<1x320000xf32, #tpu.memory_space<hbm>>
    %dma_wait3A_2707 = tpu.memref_squeeze %dma_wait3A_2706 : memref<1x320000xf32, #tpu.memory_space<hbm>> -> memref<320000xf32, #tpu.memory_space<hbm>>
    %dma_wait3A_2708 = arith.constant 0 : i32
    %dma_wait3A_2709 = tpu.memref_slice %dma_wait3A_2707[%dma_wait3A_2708] : memref<320000xf32, #tpu.memory_space<hbm>> -> memref<320000xf32, #tpu.memory_space<hbm>>
    tpu.wait_indirect_dma semaphore(%arg12 : memref<!tpu.dma_semaphore, #tpu.memory_space<semaphore_mem>>) src(%dma_wait3A_2709 : memref<320000xf32, #tpu.memory_space<hbm>>) dst(%dma_wait3A_2701 : memref<80xf32, #tpu.memory_space<vmem>>)
    %dma_wait3A_2710 = arith.constant 4 : i32
    %dma_wait3A_2711 = arith.constant 1 : i32
    %dma_wait3A_2712 = arith.constant 10 : i32
    %dma_wait3A_2713 = arith.constant 80 : i32
    %dma_wait3A_2714 = tpu.memref_slice %arg11[%dma_wait3A_2712, %dma_wait3A_2713] : memref<57x160xf32, #tpu.memory_space<vmem>> -> memref<1x80xf32, #tpu.memory_space<vmem>>
    %dma_wait3A_2715 = tpu.memref_squeeze %dma_wait3A_2714 : memref<1x80xf32, #tpu.memory_space<vmem>> -> memref<80xf32, #tpu.memory_space<vmem>>
    %dma_wait3A_2716 = arith.constant 0 : i32
    %dma_wait3A_2717 = tpu.memref_slice %arg10[%dma_wait3A_2711, %dma_wait3A_2716] : memref<2x80xi32, #tpu.memory_space<vmem>> -> memref<1x80xi32, #tpu.memory_space<vmem>>
    %dma_wait3A_2718 = tpu.memref_squeeze %dma_wait3A_2717 : memref<1x80xi32, #tpu.memory_space<vmem>> -> memref<80xi32, #tpu.memory_space<vmem>>
    %dma_wait3A_2719 = arith.constant 0 : i32
    %dma_wait3A_2720 = tpu.memref_slice %arg6[%dma_wait3A_2710, %dma_wait3A_2719] : memref<51x320000xf32, #tpu.memory_space<hbm>> -> memref<1x320000xf32, #tpu.memory_space<hbm>>
    %dma_wait3A_2721 = tpu.memref_squeeze %dma_wait3A_2720 : memref<1x320000xf32, #tpu.memory_space<hbm>> -> memref<320000xf32, #tpu.memory_space<hbm>>
    %dma_wait3A_2722 = arith.constant 0 : i32
    %dma_wait3A_2723 = tpu.memref_slice %dma_wait3A_2721[%dma_wait3A_2722] : memref<320000xf32, #tpu.memory_space<hbm>> -> memref<320000xf32, #tpu.memory_space<hbm>>
    tpu.wait_indirect_dma semaphore(%arg12 : memref<!tpu.dma_semaphore, #tpu.memory_space<semaphore_mem>>) src(%dma_wait3A_2723 : memref<320000xf32, #tpu.memory_space<hbm>>) dst(%dma_wait3A_2715 : memref<80xf32, #tpu.memory_space<vmem>>)
    %dma_wait3A_2724 = arith.constant 5 : i32
    %dma_wait3A_2725 = arith.constant 1 : i32
    %dma_wait3A_2726 = arith.constant 11 : i32
    %dma_wait3A_2727 = arith.constant 80 : i32
    %dma_wait3A_2728 = tpu.memref_slice %arg11[%dma_wait3A_2726, %dma_wait3A_2727] : memref<57x160xf32, #tpu.memory_space<vmem>> -> memref<1x80xf32, #tpu.memory_space<vmem>>
    %dma_wait3A_2729 = tpu.memref_squeeze %dma_wait3A_2728 : memref<1x80xf32, #tpu.memory_space<vmem>> -> memref<80xf32, #tpu.memory_space<vmem>>
    %dma_wait3A_2730 = arith.constant 0 : i32
    %dma_wait3A_2731 = tpu.memref_slice %arg10[%dma_wait3A_2725, %dma_wait3A_2730] : memref<2x80xi32, #tpu.memory_space<vmem>> -> memref<1x80xi32, #tpu.memory_space<vmem>>
    %dma_wait3A_2732 = tpu.memref_squeeze %dma_wait3A_2731 : memref<1x80xi32, #tpu.memory_space<vmem>> -> memref<80xi32, #tpu.memory_space<vmem>>
    %dma_wait3A_2733 = arith.constant 0 : i32
    %dma_wait3A_2734 = tpu.memref_slice %arg6[%dma_wait3A_2724, %dma_wait3A_2733] : memref<51x320000xf32, #tpu.memory_space<hbm>> -> memref<1x320000xf32, #tpu.memory_space<hbm>>
    %dma_wait3A_2735 = tpu.memref_squeeze %dma_wait3A_2734 : memref<1x320000xf32, #tpu.memory_space<hbm>> -> memref<320000xf32, #tpu.memory_space<hbm>>
    %dma_wait3A_2736 = arith.constant 0 : i32
    %dma_wait3A_2737 = tpu.memref_slice %dma_wait3A_2735[%dma_wait3A_2736] : memref<320000xf32, #tpu.memory_space<hbm>> -> memref<320000xf32, #tpu.memory_space<hbm>>
    tpu.wait_indirect_dma semaphore(%arg12 : memref<!tpu.dma_semaphore, #tpu.memory_space<semaphore_mem>>) src(%dma_wait3A_2737 : memref<320000xf32, #tpu.memory_space<hbm>>) dst(%dma_wait3A_2729 : memref<80xf32, #tpu.memory_space<vmem>>)
    %dma_wait3A_2738 = arith.constant 6 : i32
    %dma_wait3A_2739 = arith.constant 1 : i32
    %dma_wait3A_2740 = arith.constant 12 : i32
    %dma_wait3A_2741 = arith.constant 80 : i32
    %dma_wait3A_2742 = tpu.memref_slice %arg11[%dma_wait3A_2740, %dma_wait3A_2741] : memref<57x160xf32, #tpu.memory_space<vmem>> -> memref<1x80xf32, #tpu.memory_space<vmem>>
    %dma_wait3A_2743 = tpu.memref_squeeze %dma_wait3A_2742 : memref<1x80xf32, #tpu.memory_space<vmem>> -> memref<80xf32, #tpu.memory_space<vmem>>
    %dma_wait3A_2744 = arith.constant 0 : i32
    %dma_wait3A_2745 = tpu.memref_slice %arg10[%dma_wait3A_2739, %dma_wait3A_2744] : memref<2x80xi32, #tpu.memory_space<vmem>> -> memref<1x80xi32, #tpu.memory_space<vmem>>
    %dma_wait3A_2746 = tpu.memref_squeeze %dma_wait3A_2745 : memref<1x80xi32, #tpu.memory_space<vmem>> -> memref<80xi32, #tpu.memory_space<vmem>>
    %dma_wait3A_2747 = arith.constant 0 : i32
    %dma_wait3A_2748 = tpu.memref_slice %arg6[%dma_wait3A_2738, %dma_wait3A_2747] : memref<51x320000xf32, #tpu.memory_space<hbm>> -> memref<1x320000xf32, #tpu.memory_space<hbm>>
    %dma_wait3A_2749 = tpu.memref_squeeze %dma_wait3A_2748 : memref<1x320000xf32, #tpu.memory_space<hbm>> -> memref<320000xf32, #tpu.memory_space<hbm>>
    %dma_wait3A_2750 = arith.constant 0 : i32
    %dma_wait3A_2751 = tpu.memref_slice %dma_wait3A_2749[%dma_wait3A_2750] : memref<320000xf32, #tpu.memory_space<hbm>> -> memref<320000xf32, #tpu.memory_space<hbm>>
    tpu.wait_indirect_dma semaphore(%arg12 : memref<!tpu.dma_semaphore, #tpu.memory_space<semaphore_mem>>) src(%dma_wait3A_2751 : memref<320000xf32, #tpu.memory_space<hbm>>) dst(%dma_wait3A_2743 : memref<80xf32, #tpu.memory_space<vmem>>)
    %dma_wait3A_2752 = arith.constant 7 : i32
    %dma_wait3A_2753 = arith.constant 1 : i32
    %dma_wait3A_2754 = arith.constant 13 : i32
    %dma_wait3A_2755 = arith.constant 80 : i32
    %dma_wait3A_2756 = tpu.memref_slice %arg11[%dma_wait3A_2754, %dma_wait3A_2755] : memref<57x160xf32, #tpu.memory_space<vmem>> -> memref<1x80xf32, #tpu.memory_space<vmem>>
    %dma_wait3A_2757 = tpu.memref_squeeze %dma_wait3A_2756 : memref<1x80xf32, #tpu.memory_space<vmem>> -> memref<80xf32, #tpu.memory_space<vmem>>
    %dma_wait3A_2758 = arith.constant 0 : i32
    %dma_wait3A_2759 = tpu.memref_slice %arg10[%dma_wait3A_2753, %dma_wait3A_2758] : memref<2x80xi32, #tpu.memory_space<vmem>> -> memref<1x80xi32, #tpu.memory_space<vmem>>
    %dma_wait3A_2760 = tpu.memref_squeeze %dma_wait3A_2759 : memref<1x80xi32, #tpu.memory_space<vmem>> -> memref<80xi32, #tpu.memory_space<vmem>>
    %dma_wait3A_2761 = arith.constant 0 : i32
    %dma_wait3A_2762 = tpu.memref_slice %arg6[%dma_wait3A_2752, %dma_wait3A_2761] : memref<51x320000xf32, #tpu.memory_space<hbm>> -> memref<1x320000xf32, #tpu.memory_space<hbm>>
    %dma_wait3A_2763 = tpu.memref_squeeze %dma_wait3A_2762 : memref<1x320000xf32, #tpu.memory_space<hbm>> -> memref<320000xf32, #tpu.memory_space<hbm>>
    %dma_wait3A_2764 = arith.constant 0 : i32
    %dma_wait3A_2765 = tpu.memref_slice %dma_wait3A_2763[%dma_wait3A_2764] : memref<320000xf32, #tpu.memory_space<hbm>> -> memref<320000xf32, #tpu.memory_space<hbm>>
    tpu.wait_indirect_dma semaphore(%arg12 : memref<!tpu.dma_semaphore, #tpu.memory_space<semaphore_mem>>) src(%dma_wait3A_2765 : memref<320000xf32, #tpu.memory_space<hbm>>) dst(%dma_wait3A_2757 : memref<80xf32, #tpu.memory_space<vmem>>)
    %dma_wait3A_2766 = arith.constant 8 : i32
    %dma_wait3A_2767 = arith.constant 1 : i32
    %dma_wait3A_2768 = arith.constant 14 : i32
    %dma_wait3A_2769 = arith.constant 80 : i32
    %dma_wait3A_2770 = tpu.memref_slice %arg11[%dma_wait3A_2768, %dma_wait3A_2769] : memref<57x160xf32, #tpu.memory_space<vmem>> -> memref<1x80xf32, #tpu.memory_space<vmem>>
    %dma_wait3A_2771 = tpu.memref_squeeze %dma_wait3A_2770 : memref<1x80xf32, #tpu.memory_space<vmem>> -> memref<80xf32, #tpu.memory_space<vmem>>
    %dma_wait3A_2772 = arith.constant 0 : i32
    %dma_wait3A_2773 = tpu.memref_slice %arg10[%dma_wait3A_2767, %dma_wait3A_2772] : memref<2x80xi32, #tpu.memory_space<vmem>> -> memref<1x80xi32, #tpu.memory_space<vmem>>
    %dma_wait3A_2774 = tpu.memref_squeeze %dma_wait3A_2773 : memref<1x80xi32, #tpu.memory_space<vmem>> -> memref<80xi32, #tpu.memory_space<vmem>>
    %dma_wait3A_2775 = arith.constant 0 : i32
    %dma_wait3A_2776 = tpu.memref_slice %arg6[%dma_wait3A_2766, %dma_wait3A_2775] : memref<51x320000xf32, #tpu.memory_space<hbm>> -> memref<1x320000xf32, #tpu.memory_space<hbm>>
    %dma_wait3A_2777 = tpu.memref_squeeze %dma_wait3A_2776 : memref<1x320000xf32, #tpu.memory_space<hbm>> -> memref<320000xf32, #tpu.memory_space<hbm>>
    %dma_wait3A_2778 = arith.constant 0 : i32
    %dma_wait3A_2779 = tpu.memref_slice %dma_wait3A_2777[%dma_wait3A_2778] : memref<320000xf32, #tpu.memory_space<hbm>> -> memref<320000xf32, #tpu.memory_space<hbm>>
    tpu.wait_indirect_dma semaphore(%arg12 : memref<!tpu.dma_semaphore, #tpu.memory_space<semaphore_mem>>) src(%dma_wait3A_2779 : memref<320000xf32, #tpu.memory_space<hbm>>) dst(%dma_wait3A_2771 : memref<80xf32, #tpu.memory_space<vmem>>)
    %dma_wait3A_2780 = arith.constant 9 : i32
    %dma_wait3A_2781 = arith.constant 1 : i32
    %dma_wait3A_2782 = arith.constant 15 : i32
    %dma_wait3A_2783 = arith.constant 80 : i32
    %dma_wait3A_2784 = tpu.memref_slice %arg11[%dma_wait3A_2782, %dma_wait3A_2783] : memref<57x160xf32, #tpu.memory_space<vmem>> -> memref<1x80xf32, #tpu.memory_space<vmem>>
    %dma_wait3A_2785 = tpu.memref_squeeze %dma_wait3A_2784 : memref<1x80xf32, #tpu.memory_space<vmem>> -> memref<80xf32, #tpu.memory_space<vmem>>
    %dma_wait3A_2786 = arith.constant 0 : i32
    %dma_wait3A_2787 = tpu.memref_slice %arg10[%dma_wait3A_2781, %dma_wait3A_2786] : memref<2x80xi32, #tpu.memory_space<vmem>> -> memref<1x80xi32, #tpu.memory_space<vmem>>
    %dma_wait3A_2788 = tpu.memref_squeeze %dma_wait3A_2787 : memref<1x80xi32, #tpu.memory_space<vmem>> -> memref<80xi32, #tpu.memory_space<vmem>>
    %dma_wait3A_2789 = arith.constant 0 : i32
    %dma_wait3A_2790 = tpu.memref_slice %arg6[%dma_wait3A_2780, %dma_wait3A_2789] : memref<51x320000xf32, #tpu.memory_space<hbm>> -> memref<1x320000xf32, #tpu.memory_space<hbm>>
    %dma_wait3A_2791 = tpu.memref_squeeze %dma_wait3A_2790 : memref<1x320000xf32, #tpu.memory_space<hbm>> -> memref<320000xf32, #tpu.memory_space<hbm>>
    %dma_wait3A_2792 = arith.constant 0 : i32
    %dma_wait3A_2793 = tpu.memref_slice %dma_wait3A_2791[%dma_wait3A_2792] : memref<320000xf32, #tpu.memory_space<hbm>> -> memref<320000xf32, #tpu.memory_space<hbm>>
    tpu.wait_indirect_dma semaphore(%arg12 : memref<!tpu.dma_semaphore, #tpu.memory_space<semaphore_mem>>) src(%dma_wait3A_2793 : memref<320000xf32, #tpu.memory_space<hbm>>) dst(%dma_wait3A_2785 : memref<80xf32, #tpu.memory_space<vmem>>)
    %dma_wait3A_2794 = arith.constant 10 : i32
    %dma_wait3A_2795 = arith.constant 1 : i32
    %dma_wait3A_2796 = arith.constant 16 : i32
    %dma_wait3A_2797 = arith.constant 80 : i32
    %dma_wait3A_2798 = tpu.memref_slice %arg11[%dma_wait3A_2796, %dma_wait3A_2797] : memref<57x160xf32, #tpu.memory_space<vmem>> -> memref<1x80xf32, #tpu.memory_space<vmem>>
    %dma_wait3A_2799 = tpu.memref_squeeze %dma_wait3A_2798 : memref<1x80xf32, #tpu.memory_space<vmem>> -> memref<80xf32, #tpu.memory_space<vmem>>
    %dma_wait3A_2800 = arith.constant 0 : i32
    %dma_wait3A_2801 = tpu.memref_slice %arg10[%dma_wait3A_2795, %dma_wait3A_2800] : memref<2x80xi32, #tpu.memory_space<vmem>> -> memref<1x80xi32, #tpu.memory_space<vmem>>
    %dma_wait3A_2802 = tpu.memref_squeeze %dma_wait3A_2801 : memref<1x80xi32, #tpu.memory_space<vmem>> -> memref<80xi32, #tpu.memory_space<vmem>>
    %dma_wait3A_2803 = arith.constant 0 : i32
    %dma_wait3A_2804 = tpu.memref_slice %arg6[%dma_wait3A_2794, %dma_wait3A_2803] : memref<51x320000xf32, #tpu.memory_space<hbm>> -> memref<1x320000xf32, #tpu.memory_space<hbm>>
    %dma_wait3A_2805 = tpu.memref_squeeze %dma_wait3A_2804 : memref<1x320000xf32, #tpu.memory_space<hbm>> -> memref<320000xf32, #tpu.memory_space<hbm>>
    %dma_wait3A_2806 = arith.constant 0 : i32
    %dma_wait3A_2807 = tpu.memref_slice %dma_wait3A_2805[%dma_wait3A_2806] : memref<320000xf32, #tpu.memory_space<hbm>> -> memref<320000xf32, #tpu.memory_space<hbm>>
    tpu.wait_indirect_dma semaphore(%arg12 : memref<!tpu.dma_semaphore, #tpu.memory_space<semaphore_mem>>) src(%dma_wait3A_2807 : memref<320000xf32, #tpu.memory_space<hbm>>) dst(%dma_wait3A_2799 : memref<80xf32, #tpu.memory_space<vmem>>)
    %dma_wait3A_2808 = arith.constant 11 : i32
    %dma_wait3A_2809 = arith.constant 1 : i32
    %dma_wait3A_2810 = arith.constant 17 : i32
    %dma_wait3A_2811 = arith.constant 80 : i32
    %dma_wait3A_2812 = tpu.memref_slice %arg11[%dma_wait3A_2810, %dma_wait3A_2811] : memref<57x160xf32, #tpu.memory_space<vmem>> -> memref<1x80xf32, #tpu.memory_space<vmem>>
    %dma_wait3A_2813 = tpu.memref_squeeze %dma_wait3A_2812 : memref<1x80xf32, #tpu.memory_space<vmem>> -> memref<80xf32, #tpu.memory_space<vmem>>
    %dma_wait3A_2814 = arith.constant 0 : i32
    %dma_wait3A_2815 = tpu.memref_slice %arg10[%dma_wait3A_2809, %dma_wait3A_2814] : memref<2x80xi32, #tpu.memory_space<vmem>> -> memref<1x80xi32, #tpu.memory_space<vmem>>
    %dma_wait3A_2816 = tpu.memref_squeeze %dma_wait3A_2815 : memref<1x80xi32, #tpu.memory_space<vmem>> -> memref<80xi32, #tpu.memory_space<vmem>>
    %dma_wait3A_2817 = arith.constant 0 : i32
    %dma_wait3A_2818 = tpu.memref_slice %arg6[%dma_wait3A_2808, %dma_wait3A_2817] : memref<51x320000xf32, #tpu.memory_space<hbm>> -> memref<1x320000xf32, #tpu.memory_space<hbm>>
    %dma_wait3A_2819 = tpu.memref_squeeze %dma_wait3A_2818 : memref<1x320000xf32, #tpu.memory_space<hbm>> -> memref<320000xf32, #tpu.memory_space<hbm>>
    %dma_wait3A_2820 = arith.constant 0 : i32
    %dma_wait3A_2821 = tpu.memref_slice %dma_wait3A_2819[%dma_wait3A_2820] : memref<320000xf32, #tpu.memory_space<hbm>> -> memref<320000xf32, #tpu.memory_space<hbm>>
    tpu.wait_indirect_dma semaphore(%arg12 : memref<!tpu.dma_semaphore, #tpu.memory_space<semaphore_mem>>) src(%dma_wait3A_2821 : memref<320000xf32, #tpu.memory_space<hbm>>) dst(%dma_wait3A_2813 : memref<80xf32, #tpu.memory_space<vmem>>)
    %dma_wait3A_2822 = arith.constant 12 : i32
    %dma_wait3A_2823 = arith.constant 1 : i32
    %dma_wait3A_2824 = arith.constant 18 : i32
    %dma_wait3A_2825 = arith.constant 80 : i32
    %dma_wait3A_2826 = tpu.memref_slice %arg11[%dma_wait3A_2824, %dma_wait3A_2825] : memref<57x160xf32, #tpu.memory_space<vmem>> -> memref<1x80xf32, #tpu.memory_space<vmem>>
    %dma_wait3A_2827 = tpu.memref_squeeze %dma_wait3A_2826 : memref<1x80xf32, #tpu.memory_space<vmem>> -> memref<80xf32, #tpu.memory_space<vmem>>
    %dma_wait3A_2828 = arith.constant 0 : i32
    %dma_wait3A_2829 = tpu.memref_slice %arg10[%dma_wait3A_2823, %dma_wait3A_2828] : memref<2x80xi32, #tpu.memory_space<vmem>> -> memref<1x80xi32, #tpu.memory_space<vmem>>
    %dma_wait3A_2830 = tpu.memref_squeeze %dma_wait3A_2829 : memref<1x80xi32, #tpu.memory_space<vmem>> -> memref<80xi32, #tpu.memory_space<vmem>>
    %dma_wait3A_2831 = arith.constant 0 : i32
    %dma_wait3A_2832 = tpu.memref_slice %arg6[%dma_wait3A_2822, %dma_wait3A_2831] : memref<51x320000xf32, #tpu.memory_space<hbm>> -> memref<1x320000xf32, #tpu.memory_space<hbm>>
    %dma_wait3A_2833 = tpu.memref_squeeze %dma_wait3A_2832 : memref<1x320000xf32, #tpu.memory_space<hbm>> -> memref<320000xf32, #tpu.memory_space<hbm>>
    %dma_wait3A_2834 = arith.constant 0 : i32
    %dma_wait3A_2835 = tpu.memref_slice %dma_wait3A_2833[%dma_wait3A_2834] : memref<320000xf32, #tpu.memory_space<hbm>> -> memref<320000xf32, #tpu.memory_space<hbm>>
    tpu.wait_indirect_dma semaphore(%arg12 : memref<!tpu.dma_semaphore, #tpu.memory_space<semaphore_mem>>) src(%dma_wait3A_2835 : memref<320000xf32, #tpu.memory_space<hbm>>) dst(%dma_wait3A_2827 : memref<80xf32, #tpu.memory_space<vmem>>)
    %dma_wait3A_2836 = arith.constant 13 : i32
    %dma_wait3A_2837 = arith.constant 1 : i32
    %dma_wait3A_2838 = arith.constant 19 : i32
    %dma_wait3A_2839 = arith.constant 80 : i32
    %dma_wait3A_2840 = tpu.memref_slice %arg11[%dma_wait3A_2838, %dma_wait3A_2839] : memref<57x160xf32, #tpu.memory_space<vmem>> -> memref<1x80xf32, #tpu.memory_space<vmem>>
    %dma_wait3A_2841 = tpu.memref_squeeze %dma_wait3A_2840 : memref<1x80xf32, #tpu.memory_space<vmem>> -> memref<80xf32, #tpu.memory_space<vmem>>
    %dma_wait3A_2842 = arith.constant 0 : i32
    %dma_wait3A_2843 = tpu.memref_slice %arg10[%dma_wait3A_2837, %dma_wait3A_2842] : memref<2x80xi32, #tpu.memory_space<vmem>> -> memref<1x80xi32, #tpu.memory_space<vmem>>
    %dma_wait3A_2844 = tpu.memref_squeeze %dma_wait3A_2843 : memref<1x80xi32, #tpu.memory_space<vmem>> -> memref<80xi32, #tpu.memory_space<vmem>>
    %dma_wait3A_2845 = arith.constant 0 : i32
    %dma_wait3A_2846 = tpu.memref_slice %arg6[%dma_wait3A_2836, %dma_wait3A_2845] : memref<51x320000xf32, #tpu.memory_space<hbm>> -> memref<1x320000xf32, #tpu.memory_space<hbm>>
    %dma_wait3A_2847 = tpu.memref_squeeze %dma_wait3A_2846 : memref<1x320000xf32, #tpu.memory_space<hbm>> -> memref<320000xf32, #tpu.memory_space<hbm>>
    %dma_wait3A_2848 = arith.constant 0 : i32
    %dma_wait3A_2849 = tpu.memref_slice %dma_wait3A_2847[%dma_wait3A_2848] : memref<320000xf32, #tpu.memory_space<hbm>> -> memref<320000xf32, #tpu.memory_space<hbm>>
    tpu.wait_indirect_dma semaphore(%arg12 : memref<!tpu.dma_semaphore, #tpu.memory_space<semaphore_mem>>) src(%dma_wait3A_2849 : memref<320000xf32, #tpu.memory_space<hbm>>) dst(%dma_wait3A_2841 : memref<80xf32, #tpu.memory_space<vmem>>)
    %dma_wait3A_2850 = arith.constant 14 : i32
    %dma_wait3A_2851 = arith.constant 1 : i32
    %dma_wait3A_2852 = arith.constant 20 : i32
    %dma_wait3A_2853 = arith.constant 80 : i32
    %dma_wait3A_2854 = tpu.memref_slice %arg11[%dma_wait3A_2852, %dma_wait3A_2853] : memref<57x160xf32, #tpu.memory_space<vmem>> -> memref<1x80xf32, #tpu.memory_space<vmem>>
    %dma_wait3A_2855 = tpu.memref_squeeze %dma_wait3A_2854 : memref<1x80xf32, #tpu.memory_space<vmem>> -> memref<80xf32, #tpu.memory_space<vmem>>
    %dma_wait3A_2856 = arith.constant 0 : i32
    %dma_wait3A_2857 = tpu.memref_slice %arg10[%dma_wait3A_2851, %dma_wait3A_2856] : memref<2x80xi32, #tpu.memory_space<vmem>> -> memref<1x80xi32, #tpu.memory_space<vmem>>
    %dma_wait3A_2858 = tpu.memref_squeeze %dma_wait3A_2857 : memref<1x80xi32, #tpu.memory_space<vmem>> -> memref<80xi32, #tpu.memory_space<vmem>>
    %dma_wait3A_2859 = arith.constant 0 : i32
    %dma_wait3A_2860 = tpu.memref_slice %arg6[%dma_wait3A_2850, %dma_wait3A_2859] : memref<51x320000xf32, #tpu.memory_space<hbm>> -> memref<1x320000xf32, #tpu.memory_space<hbm>>
    %dma_wait3A_2861 = tpu.memref_squeeze %dma_wait3A_2860 : memref<1x320000xf32, #tpu.memory_space<hbm>> -> memref<320000xf32, #tpu.memory_space<hbm>>
    %dma_wait3A_2862 = arith.constant 0 : i32
    %dma_wait3A_2863 = tpu.memref_slice %dma_wait3A_2861[%dma_wait3A_2862] : memref<320000xf32, #tpu.memory_space<hbm>> -> memref<320000xf32, #tpu.memory_space<hbm>>
    tpu.wait_indirect_dma semaphore(%arg12 : memref<!tpu.dma_semaphore, #tpu.memory_space<semaphore_mem>>) src(%dma_wait3A_2863 : memref<320000xf32, #tpu.memory_space<hbm>>) dst(%dma_wait3A_2855 : memref<80xf32, #tpu.memory_space<vmem>>)
    %dma_wait3A_2864 = arith.constant 15 : i32
    %dma_wait3A_2865 = arith.constant 1 : i32
    %dma_wait3A_2866 = arith.constant 21 : i32
    %dma_wait3A_2867 = arith.constant 80 : i32
    %dma_wait3A_2868 = tpu.memref_slice %arg11[%dma_wait3A_2866, %dma_wait3A_2867] : memref<57x160xf32, #tpu.memory_space<vmem>> -> memref<1x80xf32, #tpu.memory_space<vmem>>
    %dma_wait3A_2869 = tpu.memref_squeeze %dma_wait3A_2868 : memref<1x80xf32, #tpu.memory_space<vmem>> -> memref<80xf32, #tpu.memory_space<vmem>>
    %dma_wait3A_2870 = arith.constant 0 : i32
    %dma_wait3A_2871 = tpu.memref_slice %arg10[%dma_wait3A_2865, %dma_wait3A_2870] : memref<2x80xi32, #tpu.memory_space<vmem>> -> memref<1x80xi32, #tpu.memory_space<vmem>>
    %dma_wait3A_2872 = tpu.memref_squeeze %dma_wait3A_2871 : memref<1x80xi32, #tpu.memory_space<vmem>> -> memref<80xi32, #tpu.memory_space<vmem>>
    %dma_wait3A_2873 = arith.constant 0 : i32
    %dma_wait3A_2874 = tpu.memref_slice %arg6[%dma_wait3A_2864, %dma_wait3A_2873] : memref<51x320000xf32, #tpu.memory_space<hbm>> -> memref<1x320000xf32, #tpu.memory_space<hbm>>
    %dma_wait3A_2875 = tpu.memref_squeeze %dma_wait3A_2874 : memref<1x320000xf32, #tpu.memory_space<hbm>> -> memref<320000xf32, #tpu.memory_space<hbm>>
    %dma_wait3A_2876 = arith.constant 0 : i32
    %dma_wait3A_2877 = tpu.memref_slice %dma_wait3A_2875[%dma_wait3A_2876] : memref<320000xf32, #tpu.memory_space<hbm>> -> memref<320000xf32, #tpu.memory_space<hbm>>
    tpu.wait_indirect_dma semaphore(%arg12 : memref<!tpu.dma_semaphore, #tpu.memory_space<semaphore_mem>>) src(%dma_wait3A_2877 : memref<320000xf32, #tpu.memory_space<hbm>>) dst(%dma_wait3A_2869 : memref<80xf32, #tpu.memory_space<vmem>>)
    %dma_wait3A_2878 = arith.constant 16 : i32
    %dma_wait3A_2879 = arith.constant 1 : i32
    %dma_wait3A_2880 = arith.constant 22 : i32
    %dma_wait3A_2881 = arith.constant 80 : i32
    %dma_wait3A_2882 = tpu.memref_slice %arg11[%dma_wait3A_2880, %dma_wait3A_2881] : memref<57x160xf32, #tpu.memory_space<vmem>> -> memref<1x80xf32, #tpu.memory_space<vmem>>
    %dma_wait3A_2883 = tpu.memref_squeeze %dma_wait3A_2882 : memref<1x80xf32, #tpu.memory_space<vmem>> -> memref<80xf32, #tpu.memory_space<vmem>>
    %dma_wait3A_2884 = arith.constant 0 : i32
    %dma_wait3A_2885 = tpu.memref_slice %arg10[%dma_wait3A_2879, %dma_wait3A_2884] : memref<2x80xi32, #tpu.memory_space<vmem>> -> memref<1x80xi32, #tpu.memory_space<vmem>>
    %dma_wait3A_2886 = tpu.memref_squeeze %dma_wait3A_2885 : memref<1x80xi32, #tpu.memory_space<vmem>> -> memref<80xi32, #tpu.memory_space<vmem>>
    %dma_wait3A_2887 = arith.constant 0 : i32
    %dma_wait3A_2888 = tpu.memref_slice %arg6[%dma_wait3A_2878, %dma_wait3A_2887] : memref<51x320000xf32, #tpu.memory_space<hbm>> -> memref<1x320000xf32, #tpu.memory_space<hbm>>
    %dma_wait3A_2889 = tpu.memref_squeeze %dma_wait3A_2888 : memref<1x320000xf32, #tpu.memory_space<hbm>> -> memref<320000xf32, #tpu.memory_space<hbm>>
    %dma_wait3A_2890 = arith.constant 0 : i32
    %dma_wait3A_2891 = tpu.memref_slice %dma_wait3A_2889[%dma_wait3A_2890] : memref<320000xf32, #tpu.memory_space<hbm>> -> memref<320000xf32, #tpu.memory_space<hbm>>
    tpu.wait_indirect_dma semaphore(%arg12 : memref<!tpu.dma_semaphore, #tpu.memory_space<semaphore_mem>>) src(%dma_wait3A_2891 : memref<320000xf32, #tpu.memory_space<hbm>>) dst(%dma_wait3A_2883 : memref<80xf32, #tpu.memory_space<vmem>>)
    %dma_wait3A_2892 = arith.constant 17 : i32
    %dma_wait3A_2893 = arith.constant 1 : i32
    %dma_wait3A_2894 = arith.constant 23 : i32
    %dma_wait3A_2895 = arith.constant 80 : i32
    %dma_wait3A_2896 = tpu.memref_slice %arg11[%dma_wait3A_2894, %dma_wait3A_2895] : memref<57x160xf32, #tpu.memory_space<vmem>> -> memref<1x80xf32, #tpu.memory_space<vmem>>
    %dma_wait3A_2897 = tpu.memref_squeeze %dma_wait3A_2896 : memref<1x80xf32, #tpu.memory_space<vmem>> -> memref<80xf32, #tpu.memory_space<vmem>>
    %dma_wait3A_2898 = arith.constant 0 : i32
    %dma_wait3A_2899 = tpu.memref_slice %arg10[%dma_wait3A_2893, %dma_wait3A_2898] : memref<2x80xi32, #tpu.memory_space<vmem>> -> memref<1x80xi32, #tpu.memory_space<vmem>>
    %dma_wait3A_2900 = tpu.memref_squeeze %dma_wait3A_2899 : memref<1x80xi32, #tpu.memory_space<vmem>> -> memref<80xi32, #tpu.memory_space<vmem>>
    %dma_wait3A_2901 = arith.constant 0 : i32
    %dma_wait3A_2902 = tpu.memref_slice %arg6[%dma_wait3A_2892, %dma_wait3A_2901] : memref<51x320000xf32, #tpu.memory_space<hbm>> -> memref<1x320000xf32, #tpu.memory_space<hbm>>
    %dma_wait3A_2903 = tpu.memref_squeeze %dma_wait3A_2902 : memref<1x320000xf32, #tpu.memory_space<hbm>> -> memref<320000xf32, #tpu.memory_space<hbm>>
    %dma_wait3A_2904 = arith.constant 0 : i32
    %dma_wait3A_2905 = tpu.memref_slice %dma_wait3A_2903[%dma_wait3A_2904] : memref<320000xf32, #tpu.memory_space<hbm>> -> memref<320000xf32, #tpu.memory_space<hbm>>
    tpu.wait_indirect_dma semaphore(%arg12 : memref<!tpu.dma_semaphore, #tpu.memory_space<semaphore_mem>>) src(%dma_wait3A_2905 : memref<320000xf32, #tpu.memory_space<hbm>>) dst(%dma_wait3A_2897 : memref<80xf32, #tpu.memory_space<vmem>>)
    %dma_wait3A_2906 = arith.constant 18 : i32
    %dma_wait3A_2907 = arith.constant 1 : i32
    %dma_wait3A_2908 = arith.constant 24 : i32
    %dma_wait3A_2909 = arith.constant 80 : i32
    %dma_wait3A_2910 = tpu.memref_slice %arg11[%dma_wait3A_2908, %dma_wait3A_2909] : memref<57x160xf32, #tpu.memory_space<vmem>> -> memref<1x80xf32, #tpu.memory_space<vmem>>
    %dma_wait3A_2911 = tpu.memref_squeeze %dma_wait3A_2910 : memref<1x80xf32, #tpu.memory_space<vmem>> -> memref<80xf32, #tpu.memory_space<vmem>>
    %dma_wait3A_2912 = arith.constant 0 : i32
    %dma_wait3A_2913 = tpu.memref_slice %arg10[%dma_wait3A_2907, %dma_wait3A_2912] : memref<2x80xi32, #tpu.memory_space<vmem>> -> memref<1x80xi32, #tpu.memory_space<vmem>>
    %dma_wait3A_2914 = tpu.memref_squeeze %dma_wait3A_2913 : memref<1x80xi32, #tpu.memory_space<vmem>> -> memref<80xi32, #tpu.memory_space<vmem>>
    %dma_wait3A_2915 = arith.constant 0 : i32
    %dma_wait3A_2916 = tpu.memref_slice %arg6[%dma_wait3A_2906, %dma_wait3A_2915] : memref<51x320000xf32, #tpu.memory_space<hbm>> -> memref<1x320000xf32, #tpu.memory_space<hbm>>
    %dma_wait3A_2917 = tpu.memref_squeeze %dma_wait3A_2916 : memref<1x320000xf32, #tpu.memory_space<hbm>> -> memref<320000xf32, #tpu.memory_space<hbm>>
    %dma_wait3A_2918 = arith.constant 0 : i32
    %dma_wait3A_2919 = tpu.memref_slice %dma_wait3A_2917[%dma_wait3A_2918] : memref<320000xf32, #tpu.memory_space<hbm>> -> memref<320000xf32, #tpu.memory_space<hbm>>
    tpu.wait_indirect_dma semaphore(%arg12 : memref<!tpu.dma_semaphore, #tpu.memory_space<semaphore_mem>>) src(%dma_wait3A_2919 : memref<320000xf32, #tpu.memory_space<hbm>>) dst(%dma_wait3A_2911 : memref<80xf32, #tpu.memory_space<vmem>>)
    %dma_wait3A_2920 = arith.constant 19 : i32
    %dma_wait3A_2921 = arith.constant 1 : i32
    %dma_wait3A_2922 = arith.constant 25 : i32
    %dma_wait3A_2923 = arith.constant 80 : i32
    %dma_wait3A_2924 = tpu.memref_slice %arg11[%dma_wait3A_2922, %dma_wait3A_2923] : memref<57x160xf32, #tpu.memory_space<vmem>> -> memref<1x80xf32, #tpu.memory_space<vmem>>
    %dma_wait3A_2925 = tpu.memref_squeeze %dma_wait3A_2924 : memref<1x80xf32, #tpu.memory_space<vmem>> -> memref<80xf32, #tpu.memory_space<vmem>>
    %dma_wait3A_2926 = arith.constant 0 : i32
    %dma_wait3A_2927 = tpu.memref_slice %arg10[%dma_wait3A_2921, %dma_wait3A_2926] : memref<2x80xi32, #tpu.memory_space<vmem>> -> memref<1x80xi32, #tpu.memory_space<vmem>>
    %dma_wait3A_2928 = tpu.memref_squeeze %dma_wait3A_2927 : memref<1x80xi32, #tpu.memory_space<vmem>> -> memref<80xi32, #tpu.memory_space<vmem>>
    %dma_wait3A_2929 = arith.constant 0 : i32
    %dma_wait3A_2930 = tpu.memref_slice %arg6[%dma_wait3A_2920, %dma_wait3A_2929] : memref<51x320000xf32, #tpu.memory_space<hbm>> -> memref<1x320000xf32, #tpu.memory_space<hbm>>
    %dma_wait3A_2931 = tpu.memref_squeeze %dma_wait3A_2930 : memref<1x320000xf32, #tpu.memory_space<hbm>> -> memref<320000xf32, #tpu.memory_space<hbm>>
    %dma_wait3A_2932 = arith.constant 0 : i32
    %dma_wait3A_2933 = tpu.memref_slice %dma_wait3A_2931[%dma_wait3A_2932] : memref<320000xf32, #tpu.memory_space<hbm>> -> memref<320000xf32, #tpu.memory_space<hbm>>
    tpu.wait_indirect_dma semaphore(%arg12 : memref<!tpu.dma_semaphore, #tpu.memory_space<semaphore_mem>>) src(%dma_wait3A_2933 : memref<320000xf32, #tpu.memory_space<hbm>>) dst(%dma_wait3A_2925 : memref<80xf32, #tpu.memory_space<vmem>>)
    %dma_wait3A_2934 = arith.constant 20 : i32
    %dma_wait3A_2935 = arith.constant 1 : i32
    %dma_wait3A_2936 = arith.constant 26 : i32
    %dma_wait3A_2937 = arith.constant 80 : i32
    %dma_wait3A_2938 = tpu.memref_slice %arg11[%dma_wait3A_2936, %dma_wait3A_2937] : memref<57x160xf32, #tpu.memory_space<vmem>> -> memref<1x80xf32, #tpu.memory_space<vmem>>
    %dma_wait3A_2939 = tpu.memref_squeeze %dma_wait3A_2938 : memref<1x80xf32, #tpu.memory_space<vmem>> -> memref<80xf32, #tpu.memory_space<vmem>>
    %dma_wait3A_2940 = arith.constant 0 : i32
    %dma_wait3A_2941 = tpu.memref_slice %arg10[%dma_wait3A_2935, %dma_wait3A_2940] : memref<2x80xi32, #tpu.memory_space<vmem>> -> memref<1x80xi32, #tpu.memory_space<vmem>>
    %dma_wait3A_2942 = tpu.memref_squeeze %dma_wait3A_2941 : memref<1x80xi32, #tpu.memory_space<vmem>> -> memref<80xi32, #tpu.memory_space<vmem>>
    %dma_wait3A_2943 = arith.constant 0 : i32
    %dma_wait3A_2944 = tpu.memref_slice %arg6[%dma_wait3A_2934, %dma_wait3A_2943] : memref<51x320000xf32, #tpu.memory_space<hbm>> -> memref<1x320000xf32, #tpu.memory_space<hbm>>
    %dma_wait3A_2945 = tpu.memref_squeeze %dma_wait3A_2944 : memref<1x320000xf32, #tpu.memory_space<hbm>> -> memref<320000xf32, #tpu.memory_space<hbm>>
    %dma_wait3A_2946 = arith.constant 0 : i32
    %dma_wait3A_2947 = tpu.memref_slice %dma_wait3A_2945[%dma_wait3A_2946] : memref<320000xf32, #tpu.memory_space<hbm>> -> memref<320000xf32, #tpu.memory_space<hbm>>
    tpu.wait_indirect_dma semaphore(%arg12 : memref<!tpu.dma_semaphore, #tpu.memory_space<semaphore_mem>>) src(%dma_wait3A_2947 : memref<320000xf32, #tpu.memory_space<hbm>>) dst(%dma_wait3A_2939 : memref<80xf32, #tpu.memory_space<vmem>>)
    %dma_wait3A_2948 = arith.constant 21 : i32
    %dma_wait3A_2949 = arith.constant 1 : i32
    %dma_wait3A_2950 = arith.constant 27 : i32
    %dma_wait3A_2951 = arith.constant 80 : i32
    %dma_wait3A_2952 = tpu.memref_slice %arg11[%dma_wait3A_2950, %dma_wait3A_2951] : memref<57x160xf32, #tpu.memory_space<vmem>> -> memref<1x80xf32, #tpu.memory_space<vmem>>
    %dma_wait3A_2953 = tpu.memref_squeeze %dma_wait3A_2952 : memref<1x80xf32, #tpu.memory_space<vmem>> -> memref<80xf32, #tpu.memory_space<vmem>>
    %dma_wait3A_2954 = arith.constant 0 : i32
    %dma_wait3A_2955 = tpu.memref_slice %arg10[%dma_wait3A_2949, %dma_wait3A_2954] : memref<2x80xi32, #tpu.memory_space<vmem>> -> memref<1x80xi32, #tpu.memory_space<vmem>>
    %dma_wait3A_2956 = tpu.memref_squeeze %dma_wait3A_2955 : memref<1x80xi32, #tpu.memory_space<vmem>> -> memref<80xi32, #tpu.memory_space<vmem>>
    %dma_wait3A_2957 = arith.constant 0 : i32
    %dma_wait3A_2958 = tpu.memref_slice %arg6[%dma_wait3A_2948, %dma_wait3A_2957] : memref<51x320000xf32, #tpu.memory_space<hbm>> -> memref<1x320000xf32, #tpu.memory_space<hbm>>
    %dma_wait3A_2959 = tpu.memref_squeeze %dma_wait3A_2958 : memref<1x320000xf32, #tpu.memory_space<hbm>> -> memref<320000xf32, #tpu.memory_space<hbm>>
    %dma_wait3A_2960 = arith.constant 0 : i32
    %dma_wait3A_2961 = tpu.memref_slice %dma_wait3A_2959[%dma_wait3A_2960] : memref<320000xf32, #tpu.memory_space<hbm>> -> memref<320000xf32, #tpu.memory_space<hbm>>
    tpu.wait_indirect_dma semaphore(%arg12 : memref<!tpu.dma_semaphore, #tpu.memory_space<semaphore_mem>>) src(%dma_wait3A_2961 : memref<320000xf32, #tpu.memory_space<hbm>>) dst(%dma_wait3A_2953 : memref<80xf32, #tpu.memory_space<vmem>>)
    %dma_wait3A_2962 = arith.constant 22 : i32
    %dma_wait3A_2963 = arith.constant 1 : i32
    %dma_wait3A_2964 = arith.constant 28 : i32
    %dma_wait3A_2965 = arith.constant 80 : i32
    %dma_wait3A_2966 = tpu.memref_slice %arg11[%dma_wait3A_2964, %dma_wait3A_2965] : memref<57x160xf32, #tpu.memory_space<vmem>> -> memref<1x80xf32, #tpu.memory_space<vmem>>
    %dma_wait3A_2967 = tpu.memref_squeeze %dma_wait3A_2966 : memref<1x80xf32, #tpu.memory_space<vmem>> -> memref<80xf32, #tpu.memory_space<vmem>>
    %dma_wait3A_2968 = arith.constant 0 : i32
    %dma_wait3A_2969 = tpu.memref_slice %arg10[%dma_wait3A_2963, %dma_wait3A_2968] : memref<2x80xi32, #tpu.memory_space<vmem>> -> memref<1x80xi32, #tpu.memory_space<vmem>>
    %dma_wait3A_2970 = tpu.memref_squeeze %dma_wait3A_2969 : memref<1x80xi32, #tpu.memory_space<vmem>> -> memref<80xi32, #tpu.memory_space<vmem>>
    %dma_wait3A_2971 = arith.constant 0 : i32
    %dma_wait3A_2972 = tpu.memref_slice %arg6[%dma_wait3A_2962, %dma_wait3A_2971] : memref<51x320000xf32, #tpu.memory_space<hbm>> -> memref<1x320000xf32, #tpu.memory_space<hbm>>
    %dma_wait3A_2973 = tpu.memref_squeeze %dma_wait3A_2972 : memref<1x320000xf32, #tpu.memory_space<hbm>> -> memref<320000xf32, #tpu.memory_space<hbm>>
    %dma_wait3A_2974 = arith.constant 0 : i32
    %dma_wait3A_2975 = tpu.memref_slice %dma_wait3A_2973[%dma_wait3A_2974] : memref<320000xf32, #tpu.memory_space<hbm>> -> memref<320000xf32, #tpu.memory_space<hbm>>
    tpu.wait_indirect_dma semaphore(%arg12 : memref<!tpu.dma_semaphore, #tpu.memory_space<semaphore_mem>>) src(%dma_wait3A_2975 : memref<320000xf32, #tpu.memory_space<hbm>>) dst(%dma_wait3A_2967 : memref<80xf32, #tpu.memory_space<vmem>>)
    %dma_wait3A_2976 = arith.constant 23 : i32
    %dma_wait3A_2977 = arith.constant 1 : i32
    %dma_wait3A_2978 = arith.constant 29 : i32
    %dma_wait3A_2979 = arith.constant 80 : i32
    %dma_wait3A_2980 = tpu.memref_slice %arg11[%dma_wait3A_2978, %dma_wait3A_2979] : memref<57x160xf32, #tpu.memory_space<vmem>> -> memref<1x80xf32, #tpu.memory_space<vmem>>
    %dma_wait3A_2981 = tpu.memref_squeeze %dma_wait3A_2980 : memref<1x80xf32, #tpu.memory_space<vmem>> -> memref<80xf32, #tpu.memory_space<vmem>>
    %dma_wait3A_2982 = arith.constant 0 : i32
    %dma_wait3A_2983 = tpu.memref_slice %arg10[%dma_wait3A_2977, %dma_wait3A_2982] : memref<2x80xi32, #tpu.memory_space<vmem>> -> memref<1x80xi32, #tpu.memory_space<vmem>>
    %dma_wait3A_2984 = tpu.memref_squeeze %dma_wait3A_2983 : memref<1x80xi32, #tpu.memory_space<vmem>> -> memref<80xi32, #tpu.memory_space<vmem>>
    %dma_wait3A_2985 = arith.constant 0 : i32
    %dma_wait3A_2986 = tpu.memref_slice %arg6[%dma_wait3A_2976, %dma_wait3A_2985] : memref<51x320000xf32, #tpu.memory_space<hbm>> -> memref<1x320000xf32, #tpu.memory_space<hbm>>
    %dma_wait3A_2987 = tpu.memref_squeeze %dma_wait3A_2986 : memref<1x320000xf32, #tpu.memory_space<hbm>> -> memref<320000xf32, #tpu.memory_space<hbm>>
    %dma_wait3A_2988 = arith.constant 0 : i32
    %dma_wait3A_2989 = tpu.memref_slice %dma_wait3A_2987[%dma_wait3A_2988] : memref<320000xf32, #tpu.memory_space<hbm>> -> memref<320000xf32, #tpu.memory_space<hbm>>
    tpu.wait_indirect_dma semaphore(%arg12 : memref<!tpu.dma_semaphore, #tpu.memory_space<semaphore_mem>>) src(%dma_wait3A_2989 : memref<320000xf32, #tpu.memory_space<hbm>>) dst(%dma_wait3A_2981 : memref<80xf32, #tpu.memory_space<vmem>>)
    %dma_wait3A_2990 = arith.constant 24 : i32
    %dma_wait3A_2991 = arith.constant 1 : i32
    %dma_wait3A_2992 = arith.constant 30 : i32
    %dma_wait3A_2993 = arith.constant 80 : i32
    %dma_wait3A_2994 = tpu.memref_slice %arg11[%dma_wait3A_2992, %dma_wait3A_2993] : memref<57x160xf32, #tpu.memory_space<vmem>> -> memref<1x80xf32, #tpu.memory_space<vmem>>
    %dma_wait3A_2995 = tpu.memref_squeeze %dma_wait3A_2994 : memref<1x80xf32, #tpu.memory_space<vmem>> -> memref<80xf32, #tpu.memory_space<vmem>>
    %dma_wait3A_2996 = arith.constant 0 : i32
    %dma_wait3A_2997 = tpu.memref_slice %arg10[%dma_wait3A_2991, %dma_wait3A_2996] : memref<2x80xi32, #tpu.memory_space<vmem>> -> memref<1x80xi32, #tpu.memory_space<vmem>>
    %dma_wait3A_2998 = tpu.memref_squeeze %dma_wait3A_2997 : memref<1x80xi32, #tpu.memory_space<vmem>> -> memref<80xi32, #tpu.memory_space<vmem>>
    %dma_wait3A_2999 = arith.constant 0 : i32
    %dma_wait3A_3000 = tpu.memref_slice %arg6[%dma_wait3A_2990, %dma_wait3A_2999] : memref<51x320000xf32, #tpu.memory_space<hbm>> -> memref<1x320000xf32, #tpu.memory_space<hbm>>
    %dma_wait3A_3001 = tpu.memref_squeeze %dma_wait3A_3000 : memref<1x320000xf32, #tpu.memory_space<hbm>> -> memref<320000xf32, #tpu.memory_space<hbm>>
    %dma_wait3A_3002 = arith.constant 0 : i32
    %dma_wait3A_3003 = tpu.memref_slice %dma_wait3A_3001[%dma_wait3A_3002] : memref<320000xf32, #tpu.memory_space<hbm>> -> memref<320000xf32, #tpu.memory_space<hbm>>
    tpu.wait_indirect_dma semaphore(%arg12 : memref<!tpu.dma_semaphore, #tpu.memory_space<semaphore_mem>>) src(%dma_wait3A_3003 : memref<320000xf32, #tpu.memory_space<hbm>>) dst(%dma_wait3A_2995 : memref<80xf32, #tpu.memory_space<vmem>>)
    %dma_wait3A_3004 = arith.constant 25 : i32
    %dma_wait3A_3005 = arith.constant 1 : i32
    %dma_wait3A_3006 = arith.constant 31 : i32
    %dma_wait3A_3007 = arith.constant 80 : i32
    %dma_wait3A_3008 = tpu.memref_slice %arg11[%dma_wait3A_3006, %dma_wait3A_3007] : memref<57x160xf32, #tpu.memory_space<vmem>> -> memref<1x80xf32, #tpu.memory_space<vmem>>
    %dma_wait3A_3009 = tpu.memref_squeeze %dma_wait3A_3008 : memref<1x80xf32, #tpu.memory_space<vmem>> -> memref<80xf32, #tpu.memory_space<vmem>>
    %dma_wait3A_3010 = arith.constant 0 : i32
    %dma_wait3A_3011 = tpu.memref_slice %arg10[%dma_wait3A_3005, %dma_wait3A_3010] : memref<2x80xi32, #tpu.memory_space<vmem>> -> memref<1x80xi32, #tpu.memory_space<vmem>>
    %dma_wait3A_3012 = tpu.memref_squeeze %dma_wait3A_3011 : memref<1x80xi32, #tpu.memory_space<vmem>> -> memref<80xi32, #tpu.memory_space<vmem>>
    %dma_wait3A_3013 = arith.constant 0 : i32
    %dma_wait3A_3014 = tpu.memref_slice %arg6[%dma_wait3A_3004, %dma_wait3A_3013] : memref<51x320000xf32, #tpu.memory_space<hbm>> -> memref<1x320000xf32, #tpu.memory_space<hbm>>
    %dma_wait3A_3015 = tpu.memref_squeeze %dma_wait3A_3014 : memref<1x320000xf32, #tpu.memory_space<hbm>> -> memref<320000xf32, #tpu.memory_space<hbm>>
    %dma_wait3A_3016 = arith.constant 0 : i32
    %dma_wait3A_3017 = tpu.memref_slice %dma_wait3A_3015[%dma_wait3A_3016] : memref<320000xf32, #tpu.memory_space<hbm>> -> memref<320000xf32, #tpu.memory_space<hbm>>
    tpu.wait_indirect_dma semaphore(%arg12 : memref<!tpu.dma_semaphore, #tpu.memory_space<semaphore_mem>>) src(%dma_wait3A_3017 : memref<320000xf32, #tpu.memory_space<hbm>>) dst(%dma_wait3A_3009 : memref<80xf32, #tpu.memory_space<vmem>>)
    %dma_wait3A_3018 = arith.constant 26 : i32
    %dma_wait3A_3019 = arith.constant 1 : i32
    %dma_wait3A_3020 = arith.constant 32 : i32
    %dma_wait3A_3021 = arith.constant 80 : i32
    %dma_wait3A_3022 = tpu.memref_slice %arg11[%dma_wait3A_3020, %dma_wait3A_3021] : memref<57x160xf32, #tpu.memory_space<vmem>> -> memref<1x80xf32, #tpu.memory_space<vmem>>
    %dma_wait3A_3023 = tpu.memref_squeeze %dma_wait3A_3022 : memref<1x80xf32, #tpu.memory_space<vmem>> -> memref<80xf32, #tpu.memory_space<vmem>>
    %dma_wait3A_3024 = arith.constant 0 : i32
    %dma_wait3A_3025 = tpu.memref_slice %arg10[%dma_wait3A_3019, %dma_wait3A_3024] : memref<2x80xi32, #tpu.memory_space<vmem>> -> memref<1x80xi32, #tpu.memory_space<vmem>>
    %dma_wait3A_3026 = tpu.memref_squeeze %dma_wait3A_3025 : memref<1x80xi32, #tpu.memory_space<vmem>> -> memref<80xi32, #tpu.memory_space<vmem>>
    %dma_wait3A_3027 = arith.constant 0 : i32
    %dma_wait3A_3028 = tpu.memref_slice %arg6[%dma_wait3A_3018, %dma_wait3A_3027] : memref<51x320000xf32, #tpu.memory_space<hbm>> -> memref<1x320000xf32, #tpu.memory_space<hbm>>
    %dma_wait3A_3029 = tpu.memref_squeeze %dma_wait3A_3028 : memref<1x320000xf32, #tpu.memory_space<hbm>> -> memref<320000xf32, #tpu.memory_space<hbm>>
    %dma_wait3A_3030 = arith.constant 0 : i32
    %dma_wait3A_3031 = tpu.memref_slice %dma_wait3A_3029[%dma_wait3A_3030] : memref<320000xf32, #tpu.memory_space<hbm>> -> memref<320000xf32, #tpu.memory_space<hbm>>
    tpu.wait_indirect_dma semaphore(%arg12 : memref<!tpu.dma_semaphore, #tpu.memory_space<semaphore_mem>>) src(%dma_wait3A_3031 : memref<320000xf32, #tpu.memory_space<hbm>>) dst(%dma_wait3A_3023 : memref<80xf32, #tpu.memory_space<vmem>>)
    %dma_wait3A_3032 = arith.constant 27 : i32
    %dma_wait3A_3033 = arith.constant 1 : i32
    %dma_wait3A_3034 = arith.constant 33 : i32
    %dma_wait3A_3035 = arith.constant 80 : i32
    %dma_wait3A_3036 = tpu.memref_slice %arg11[%dma_wait3A_3034, %dma_wait3A_3035] : memref<57x160xf32, #tpu.memory_space<vmem>> -> memref<1x80xf32, #tpu.memory_space<vmem>>
    %dma_wait3A_3037 = tpu.memref_squeeze %dma_wait3A_3036 : memref<1x80xf32, #tpu.memory_space<vmem>> -> memref<80xf32, #tpu.memory_space<vmem>>
    %dma_wait3A_3038 = arith.constant 0 : i32
    %dma_wait3A_3039 = tpu.memref_slice %arg10[%dma_wait3A_3033, %dma_wait3A_3038] : memref<2x80xi32, #tpu.memory_space<vmem>> -> memref<1x80xi32, #tpu.memory_space<vmem>>
    %dma_wait3A_3040 = tpu.memref_squeeze %dma_wait3A_3039 : memref<1x80xi32, #tpu.memory_space<vmem>> -> memref<80xi32, #tpu.memory_space<vmem>>
    %dma_wait3A_3041 = arith.constant 0 : i32
    %dma_wait3A_3042 = tpu.memref_slice %arg6[%dma_wait3A_3032, %dma_wait3A_3041] : memref<51x320000xf32, #tpu.memory_space<hbm>> -> memref<1x320000xf32, #tpu.memory_space<hbm>>
    %dma_wait3A_3043 = tpu.memref_squeeze %dma_wait3A_3042 : memref<1x320000xf32, #tpu.memory_space<hbm>> -> memref<320000xf32, #tpu.memory_space<hbm>>
    %dma_wait3A_3044 = arith.constant 0 : i32
    %dma_wait3A_3045 = tpu.memref_slice %dma_wait3A_3043[%dma_wait3A_3044] : memref<320000xf32, #tpu.memory_space<hbm>> -> memref<320000xf32, #tpu.memory_space<hbm>>
    tpu.wait_indirect_dma semaphore(%arg12 : memref<!tpu.dma_semaphore, #tpu.memory_space<semaphore_mem>>) src(%dma_wait3A_3045 : memref<320000xf32, #tpu.memory_space<hbm>>) dst(%dma_wait3A_3037 : memref<80xf32, #tpu.memory_space<vmem>>)
    %dma_wait3A_3046 = arith.constant 28 : i32
    %dma_wait3A_3047 = arith.constant 1 : i32
    %dma_wait3A_3048 = arith.constant 34 : i32
    %dma_wait3A_3049 = arith.constant 80 : i32
    %dma_wait3A_3050 = tpu.memref_slice %arg11[%dma_wait3A_3048, %dma_wait3A_3049] : memref<57x160xf32, #tpu.memory_space<vmem>> -> memref<1x80xf32, #tpu.memory_space<vmem>>
    %dma_wait3A_3051 = tpu.memref_squeeze %dma_wait3A_3050 : memref<1x80xf32, #tpu.memory_space<vmem>> -> memref<80xf32, #tpu.memory_space<vmem>>
    %dma_wait3A_3052 = arith.constant 0 : i32
    %dma_wait3A_3053 = tpu.memref_slice %arg10[%dma_wait3A_3047, %dma_wait3A_3052] : memref<2x80xi32, #tpu.memory_space<vmem>> -> memref<1x80xi32, #tpu.memory_space<vmem>>
    %dma_wait3A_3054 = tpu.memref_squeeze %dma_wait3A_3053 : memref<1x80xi32, #tpu.memory_space<vmem>> -> memref<80xi32, #tpu.memory_space<vmem>>
    %dma_wait3A_3055 = arith.constant 0 : i32
    %dma_wait3A_3056 = tpu.memref_slice %arg6[%dma_wait3A_3046, %dma_wait3A_3055] : memref<51x320000xf32, #tpu.memory_space<hbm>> -> memref<1x320000xf32, #tpu.memory_space<hbm>>
    %dma_wait3A_3057 = tpu.memref_squeeze %dma_wait3A_3056 : memref<1x320000xf32, #tpu.memory_space<hbm>> -> memref<320000xf32, #tpu.memory_space<hbm>>
    %dma_wait3A_3058 = arith.constant 0 : i32
    %dma_wait3A_3059 = tpu.memref_slice %dma_wait3A_3057[%dma_wait3A_3058] : memref<320000xf32, #tpu.memory_space<hbm>> -> memref<320000xf32, #tpu.memory_space<hbm>>
    tpu.wait_indirect_dma semaphore(%arg12 : memref<!tpu.dma_semaphore, #tpu.memory_space<semaphore_mem>>) src(%dma_wait3A_3059 : memref<320000xf32, #tpu.memory_space<hbm>>) dst(%dma_wait3A_3051 : memref<80xf32, #tpu.memory_space<vmem>>)
    %dma_wait3A_3060 = arith.constant 29 : i32
    %dma_wait3A_3061 = arith.constant 1 : i32
    %dma_wait3A_3062 = arith.constant 35 : i32
    %dma_wait3A_3063 = arith.constant 80 : i32
    %dma_wait3A_3064 = tpu.memref_slice %arg11[%dma_wait3A_3062, %dma_wait3A_3063] : memref<57x160xf32, #tpu.memory_space<vmem>> -> memref<1x80xf32, #tpu.memory_space<vmem>>
    %dma_wait3A_3065 = tpu.memref_squeeze %dma_wait3A_3064 : memref<1x80xf32, #tpu.memory_space<vmem>> -> memref<80xf32, #tpu.memory_space<vmem>>
    %dma_wait3A_3066 = arith.constant 0 : i32
    %dma_wait3A_3067 = tpu.memref_slice %arg10[%dma_wait3A_3061, %dma_wait3A_3066] : memref<2x80xi32, #tpu.memory_space<vmem>> -> memref<1x80xi32, #tpu.memory_space<vmem>>
    %dma_wait3A_3068 = tpu.memref_squeeze %dma_wait3A_3067 : memref<1x80xi32, #tpu.memory_space<vmem>> -> memref<80xi32, #tpu.memory_space<vmem>>
    %dma_wait3A_3069 = arith.constant 0 : i32
    %dma_wait3A_3070 = tpu.memref_slice %arg6[%dma_wait3A_3060, %dma_wait3A_3069] : memref<51x320000xf32, #tpu.memory_space<hbm>> -> memref<1x320000xf32, #tpu.memory_space<hbm>>
    %dma_wait3A_3071 = tpu.memref_squeeze %dma_wait3A_3070 : memref<1x320000xf32, #tpu.memory_space<hbm>> -> memref<320000xf32, #tpu.memory_space<hbm>>
    %dma_wait3A_3072 = arith.constant 0 : i32
    %dma_wait3A_3073 = tpu.memref_slice %dma_wait3A_3071[%dma_wait3A_3072] : memref<320000xf32, #tpu.memory_space<hbm>> -> memref<320000xf32, #tpu.memory_space<hbm>>
    tpu.wait_indirect_dma semaphore(%arg12 : memref<!tpu.dma_semaphore, #tpu.memory_space<semaphore_mem>>) src(%dma_wait3A_3073 : memref<320000xf32, #tpu.memory_space<hbm>>) dst(%dma_wait3A_3065 : memref<80xf32, #tpu.memory_space<vmem>>)
    %dma_wait3A_3074 = arith.constant 30 : i32
    %dma_wait3A_3075 = arith.constant 1 : i32
    %dma_wait3A_3076 = arith.constant 36 : i32
    %dma_wait3A_3077 = arith.constant 80 : i32
    %dma_wait3A_3078 = tpu.memref_slice %arg11[%dma_wait3A_3076, %dma_wait3A_3077] : memref<57x160xf32, #tpu.memory_space<vmem>> -> memref<1x80xf32, #tpu.memory_space<vmem>>
    %dma_wait3A_3079 = tpu.memref_squeeze %dma_wait3A_3078 : memref<1x80xf32, #tpu.memory_space<vmem>> -> memref<80xf32, #tpu.memory_space<vmem>>
    %dma_wait3A_3080 = arith.constant 0 : i32
    %dma_wait3A_3081 = tpu.memref_slice %arg10[%dma_wait3A_3075, %dma_wait3A_3080] : memref<2x80xi32, #tpu.memory_space<vmem>> -> memref<1x80xi32, #tpu.memory_space<vmem>>
    %dma_wait3A_3082 = tpu.memref_squeeze %dma_wait3A_3081 : memref<1x80xi32, #tpu.memory_space<vmem>> -> memref<80xi32, #tpu.memory_space<vmem>>
    %dma_wait3A_3083 = arith.constant 0 : i32
    %dma_wait3A_3084 = tpu.memref_slice %arg6[%dma_wait3A_3074, %dma_wait3A_3083] : memref<51x320000xf32, #tpu.memory_space<hbm>> -> memref<1x320000xf32, #tpu.memory_space<hbm>>
    %dma_wait3A_3085 = tpu.memref_squeeze %dma_wait3A_3084 : memref<1x320000xf32, #tpu.memory_space<hbm>> -> memref<320000xf32, #tpu.memory_space<hbm>>
    %dma_wait3A_3086 = arith.constant 0 : i32
    %dma_wait3A_3087 = tpu.memref_slice %dma_wait3A_3085[%dma_wait3A_3086] : memref<320000xf32, #tpu.memory_space<hbm>> -> memref<320000xf32, #tpu.memory_space<hbm>>
    tpu.wait_indirect_dma semaphore(%arg12 : memref<!tpu.dma_semaphore, #tpu.memory_space<semaphore_mem>>) src(%dma_wait3A_3087 : memref<320000xf32, #tpu.memory_space<hbm>>) dst(%dma_wait3A_3079 : memref<80xf32, #tpu.memory_space<vmem>>)
    %dma_wait3A_3088 = arith.constant 31 : i32
    %dma_wait3A_3089 = arith.constant 1 : i32
    %dma_wait3A_3090 = arith.constant 37 : i32
    %dma_wait3A_3091 = arith.constant 80 : i32
    %dma_wait3A_3092 = tpu.memref_slice %arg11[%dma_wait3A_3090, %dma_wait3A_3091] : memref<57x160xf32, #tpu.memory_space<vmem>> -> memref<1x80xf32, #tpu.memory_space<vmem>>
    %dma_wait3A_3093 = tpu.memref_squeeze %dma_wait3A_3092 : memref<1x80xf32, #tpu.memory_space<vmem>> -> memref<80xf32, #tpu.memory_space<vmem>>
    %dma_wait3A_3094 = arith.constant 0 : i32
    %dma_wait3A_3095 = tpu.memref_slice %arg10[%dma_wait3A_3089, %dma_wait3A_3094] : memref<2x80xi32, #tpu.memory_space<vmem>> -> memref<1x80xi32, #tpu.memory_space<vmem>>
    %dma_wait3A_3096 = tpu.memref_squeeze %dma_wait3A_3095 : memref<1x80xi32, #tpu.memory_space<vmem>> -> memref<80xi32, #tpu.memory_space<vmem>>
    %dma_wait3A_3097 = arith.constant 0 : i32
    %dma_wait3A_3098 = tpu.memref_slice %arg6[%dma_wait3A_3088, %dma_wait3A_3097] : memref<51x320000xf32, #tpu.memory_space<hbm>> -> memref<1x320000xf32, #tpu.memory_space<hbm>>
    %dma_wait3A_3099 = tpu.memref_squeeze %dma_wait3A_3098 : memref<1x320000xf32, #tpu.memory_space<hbm>> -> memref<320000xf32, #tpu.memory_space<hbm>>
    %dma_wait3A_3100 = arith.constant 0 : i32
    %dma_wait3A_3101 = tpu.memref_slice %dma_wait3A_3099[%dma_wait3A_3100] : memref<320000xf32, #tpu.memory_space<hbm>> -> memref<320000xf32, #tpu.memory_space<hbm>>
    tpu.wait_indirect_dma semaphore(%arg12 : memref<!tpu.dma_semaphore, #tpu.memory_space<semaphore_mem>>) src(%dma_wait3A_3101 : memref<320000xf32, #tpu.memory_space<hbm>>) dst(%dma_wait3A_3093 : memref<80xf32, #tpu.memory_space<vmem>>)
    %dma_wait3A_3102 = arith.constant 32 : i32
    %dma_wait3A_3103 = arith.constant 1 : i32
    %dma_wait3A_3104 = arith.constant 38 : i32
    %dma_wait3A_3105 = arith.constant 80 : i32
    %dma_wait3A_3106 = tpu.memref_slice %arg11[%dma_wait3A_3104, %dma_wait3A_3105] : memref<57x160xf32, #tpu.memory_space<vmem>> -> memref<1x80xf32, #tpu.memory_space<vmem>>
    %dma_wait3A_3107 = tpu.memref_squeeze %dma_wait3A_3106 : memref<1x80xf32, #tpu.memory_space<vmem>> -> memref<80xf32, #tpu.memory_space<vmem>>
    %dma_wait3A_3108 = arith.constant 0 : i32
    %dma_wait3A_3109 = tpu.memref_slice %arg10[%dma_wait3A_3103, %dma_wait3A_3108] : memref<2x80xi32, #tpu.memory_space<vmem>> -> memref<1x80xi32, #tpu.memory_space<vmem>>
    %dma_wait3A_3110 = tpu.memref_squeeze %dma_wait3A_3109 : memref<1x80xi32, #tpu.memory_space<vmem>> -> memref<80xi32, #tpu.memory_space<vmem>>
    %dma_wait3A_3111 = arith.constant 0 : i32
    %dma_wait3A_3112 = tpu.memref_slice %arg6[%dma_wait3A_3102, %dma_wait3A_3111] : memref<51x320000xf32, #tpu.memory_space<hbm>> -> memref<1x320000xf32, #tpu.memory_space<hbm>>
    %dma_wait3A_3113 = tpu.memref_squeeze %dma_wait3A_3112 : memref<1x320000xf32, #tpu.memory_space<hbm>> -> memref<320000xf32, #tpu.memory_space<hbm>>
    %dma_wait3A_3114 = arith.constant 0 : i32
    %dma_wait3A_3115 = tpu.memref_slice %dma_wait3A_3113[%dma_wait3A_3114] : memref<320000xf32, #tpu.memory_space<hbm>> -> memref<320000xf32, #tpu.memory_space<hbm>>
    tpu.wait_indirect_dma semaphore(%arg12 : memref<!tpu.dma_semaphore, #tpu.memory_space<semaphore_mem>>) src(%dma_wait3A_3115 : memref<320000xf32, #tpu.memory_space<hbm>>) dst(%dma_wait3A_3107 : memref<80xf32, #tpu.memory_space<vmem>>)
    %dma_wait3A_3116 = arith.constant 33 : i32
    %dma_wait3A_3117 = arith.constant 1 : i32
    %dma_wait3A_3118 = arith.constant 39 : i32
    %dma_wait3A_3119 = arith.constant 80 : i32
    %dma_wait3A_3120 = tpu.memref_slice %arg11[%dma_wait3A_3118, %dma_wait3A_3119] : memref<57x160xf32, #tpu.memory_space<vmem>> -> memref<1x80xf32, #tpu.memory_space<vmem>>
    %dma_wait3A_3121 = tpu.memref_squeeze %dma_wait3A_3120 : memref<1x80xf32, #tpu.memory_space<vmem>> -> memref<80xf32, #tpu.memory_space<vmem>>
    %dma_wait3A_3122 = arith.constant 0 : i32
    %dma_wait3A_3123 = tpu.memref_slice %arg10[%dma_wait3A_3117, %dma_wait3A_3122] : memref<2x80xi32, #tpu.memory_space<vmem>> -> memref<1x80xi32, #tpu.memory_space<vmem>>
    %dma_wait3A_3124 = tpu.memref_squeeze %dma_wait3A_3123 : memref<1x80xi32, #tpu.memory_space<vmem>> -> memref<80xi32, #tpu.memory_space<vmem>>
    %dma_wait3A_3125 = arith.constant 0 : i32
    %dma_wait3A_3126 = tpu.memref_slice %arg6[%dma_wait3A_3116, %dma_wait3A_3125] : memref<51x320000xf32, #tpu.memory_space<hbm>> -> memref<1x320000xf32, #tpu.memory_space<hbm>>
    %dma_wait3A_3127 = tpu.memref_squeeze %dma_wait3A_3126 : memref<1x320000xf32, #tpu.memory_space<hbm>> -> memref<320000xf32, #tpu.memory_space<hbm>>
    %dma_wait3A_3128 = arith.constant 0 : i32
    %dma_wait3A_3129 = tpu.memref_slice %dma_wait3A_3127[%dma_wait3A_3128] : memref<320000xf32, #tpu.memory_space<hbm>> -> memref<320000xf32, #tpu.memory_space<hbm>>
    tpu.wait_indirect_dma semaphore(%arg12 : memref<!tpu.dma_semaphore, #tpu.memory_space<semaphore_mem>>) src(%dma_wait3A_3129 : memref<320000xf32, #tpu.memory_space<hbm>>) dst(%dma_wait3A_3121 : memref<80xf32, #tpu.memory_space<vmem>>)
    %dma_wait3A_3130 = arith.constant 34 : i32
    %dma_wait3A_3131 = arith.constant 1 : i32
    %dma_wait3A_3132 = arith.constant 40 : i32
    %dma_wait3A_3133 = arith.constant 80 : i32
    %dma_wait3A_3134 = tpu.memref_slice %arg11[%dma_wait3A_3132, %dma_wait3A_3133] : memref<57x160xf32, #tpu.memory_space<vmem>> -> memref<1x80xf32, #tpu.memory_space<vmem>>
    %dma_wait3A_3135 = tpu.memref_squeeze %dma_wait3A_3134 : memref<1x80xf32, #tpu.memory_space<vmem>> -> memref<80xf32, #tpu.memory_space<vmem>>
    %dma_wait3A_3136 = arith.constant 0 : i32
    %dma_wait3A_3137 = tpu.memref_slice %arg10[%dma_wait3A_3131, %dma_wait3A_3136] : memref<2x80xi32, #tpu.memory_space<vmem>> -> memref<1x80xi32, #tpu.memory_space<vmem>>
    %dma_wait3A_3138 = tpu.memref_squeeze %dma_wait3A_3137 : memref<1x80xi32, #tpu.memory_space<vmem>> -> memref<80xi32, #tpu.memory_space<vmem>>
    %dma_wait3A_3139 = arith.constant 0 : i32
    %dma_wait3A_3140 = tpu.memref_slice %arg6[%dma_wait3A_3130, %dma_wait3A_3139] : memref<51x320000xf32, #tpu.memory_space<hbm>> -> memref<1x320000xf32, #tpu.memory_space<hbm>>
    %dma_wait3A_3141 = tpu.memref_squeeze %dma_wait3A_3140 : memref<1x320000xf32, #tpu.memory_space<hbm>> -> memref<320000xf32, #tpu.memory_space<hbm>>
    %dma_wait3A_3142 = arith.constant 0 : i32
    %dma_wait3A_3143 = tpu.memref_slice %dma_wait3A_3141[%dma_wait3A_3142] : memref<320000xf32, #tpu.memory_space<hbm>> -> memref<320000xf32, #tpu.memory_space<hbm>>
    tpu.wait_indirect_dma semaphore(%arg12 : memref<!tpu.dma_semaphore, #tpu.memory_space<semaphore_mem>>) src(%dma_wait3A_3143 : memref<320000xf32, #tpu.memory_space<hbm>>) dst(%dma_wait3A_3135 : memref<80xf32, #tpu.memory_space<vmem>>)
    %dma_wait3A_3144 = arith.constant 35 : i32
    %dma_wait3A_3145 = arith.constant 1 : i32
    %dma_wait3A_3146 = arith.constant 41 : i32
    %dma_wait3A_3147 = arith.constant 80 : i32
    %dma_wait3A_3148 = tpu.memref_slice %arg11[%dma_wait3A_3146, %dma_wait3A_3147] : memref<57x160xf32, #tpu.memory_space<vmem>> -> memref<1x80xf32, #tpu.memory_space<vmem>>
    %dma_wait3A_3149 = tpu.memref_squeeze %dma_wait3A_3148 : memref<1x80xf32, #tpu.memory_space<vmem>> -> memref<80xf32, #tpu.memory_space<vmem>>
    %dma_wait3A_3150 = arith.constant 0 : i32
    %dma_wait3A_3151 = tpu.memref_slice %arg10[%dma_wait3A_3145, %dma_wait3A_3150] : memref<2x80xi32, #tpu.memory_space<vmem>> -> memref<1x80xi32, #tpu.memory_space<vmem>>
    %dma_wait3A_3152 = tpu.memref_squeeze %dma_wait3A_3151 : memref<1x80xi32, #tpu.memory_space<vmem>> -> memref<80xi32, #tpu.memory_space<vmem>>
    %dma_wait3A_3153 = arith.constant 0 : i32
    %dma_wait3A_3154 = tpu.memref_slice %arg6[%dma_wait3A_3144, %dma_wait3A_3153] : memref<51x320000xf32, #tpu.memory_space<hbm>> -> memref<1x320000xf32, #tpu.memory_space<hbm>>
    %dma_wait3A_3155 = tpu.memref_squeeze %dma_wait3A_3154 : memref<1x320000xf32, #tpu.memory_space<hbm>> -> memref<320000xf32, #tpu.memory_space<hbm>>
    %dma_wait3A_3156 = arith.constant 0 : i32
    %dma_wait3A_3157 = tpu.memref_slice %dma_wait3A_3155[%dma_wait3A_3156] : memref<320000xf32, #tpu.memory_space<hbm>> -> memref<320000xf32, #tpu.memory_space<hbm>>
    tpu.wait_indirect_dma semaphore(%arg12 : memref<!tpu.dma_semaphore, #tpu.memory_space<semaphore_mem>>) src(%dma_wait3A_3157 : memref<320000xf32, #tpu.memory_space<hbm>>) dst(%dma_wait3A_3149 : memref<80xf32, #tpu.memory_space<vmem>>)
    %dma_wait3A_3158 = arith.constant 36 : i32
    %dma_wait3A_3159 = arith.constant 1 : i32
    %dma_wait3A_3160 = arith.constant 42 : i32
    %dma_wait3A_3161 = arith.constant 80 : i32
    %dma_wait3A_3162 = tpu.memref_slice %arg11[%dma_wait3A_3160, %dma_wait3A_3161] : memref<57x160xf32, #tpu.memory_space<vmem>> -> memref<1x80xf32, #tpu.memory_space<vmem>>
    %dma_wait3A_3163 = tpu.memref_squeeze %dma_wait3A_3162 : memref<1x80xf32, #tpu.memory_space<vmem>> -> memref<80xf32, #tpu.memory_space<vmem>>
    %dma_wait3A_3164 = arith.constant 0 : i32
    %dma_wait3A_3165 = tpu.memref_slice %arg10[%dma_wait3A_3159, %dma_wait3A_3164] : memref<2x80xi32, #tpu.memory_space<vmem>> -> memref<1x80xi32, #tpu.memory_space<vmem>>
    %dma_wait3A_3166 = tpu.memref_squeeze %dma_wait3A_3165 : memref<1x80xi32, #tpu.memory_space<vmem>> -> memref<80xi32, #tpu.memory_space<vmem>>
    %dma_wait3A_3167 = arith.constant 0 : i32
    %dma_wait3A_3168 = tpu.memref_slice %arg6[%dma_wait3A_3158, %dma_wait3A_3167] : memref<51x320000xf32, #tpu.memory_space<hbm>> -> memref<1x320000xf32, #tpu.memory_space<hbm>>
    %dma_wait3A_3169 = tpu.memref_squeeze %dma_wait3A_3168 : memref<1x320000xf32, #tpu.memory_space<hbm>> -> memref<320000xf32, #tpu.memory_space<hbm>>
    %dma_wait3A_3170 = arith.constant 0 : i32
    %dma_wait3A_3171 = tpu.memref_slice %dma_wait3A_3169[%dma_wait3A_3170] : memref<320000xf32, #tpu.memory_space<hbm>> -> memref<320000xf32, #tpu.memory_space<hbm>>
    tpu.wait_indirect_dma semaphore(%arg12 : memref<!tpu.dma_semaphore, #tpu.memory_space<semaphore_mem>>) src(%dma_wait3A_3171 : memref<320000xf32, #tpu.memory_space<hbm>>) dst(%dma_wait3A_3163 : memref<80xf32, #tpu.memory_space<vmem>>)
    %dma_wait3A_3172 = arith.constant 37 : i32
    %dma_wait3A_3173 = arith.constant 1 : i32
    %dma_wait3A_3174 = arith.constant 43 : i32
    %dma_wait3A_3175 = arith.constant 80 : i32
    %dma_wait3A_3176 = tpu.memref_slice %arg11[%dma_wait3A_3174, %dma_wait3A_3175] : memref<57x160xf32, #tpu.memory_space<vmem>> -> memref<1x80xf32, #tpu.memory_space<vmem>>
    %dma_wait3A_3177 = tpu.memref_squeeze %dma_wait3A_3176 : memref<1x80xf32, #tpu.memory_space<vmem>> -> memref<80xf32, #tpu.memory_space<vmem>>
    %dma_wait3A_3178 = arith.constant 0 : i32
    %dma_wait3A_3179 = tpu.memref_slice %arg10[%dma_wait3A_3173, %dma_wait3A_3178] : memref<2x80xi32, #tpu.memory_space<vmem>> -> memref<1x80xi32, #tpu.memory_space<vmem>>
    %dma_wait3A_3180 = tpu.memref_squeeze %dma_wait3A_3179 : memref<1x80xi32, #tpu.memory_space<vmem>> -> memref<80xi32, #tpu.memory_space<vmem>>
    %dma_wait3A_3181 = arith.constant 0 : i32
    %dma_wait3A_3182 = tpu.memref_slice %arg6[%dma_wait3A_3172, %dma_wait3A_3181] : memref<51x320000xf32, #tpu.memory_space<hbm>> -> memref<1x320000xf32, #tpu.memory_space<hbm>>
    %dma_wait3A_3183 = tpu.memref_squeeze %dma_wait3A_3182 : memref<1x320000xf32, #tpu.memory_space<hbm>> -> memref<320000xf32, #tpu.memory_space<hbm>>
    %dma_wait3A_3184 = arith.constant 0 : i32
    %dma_wait3A_3185 = tpu.memref_slice %dma_wait3A_3183[%dma_wait3A_3184] : memref<320000xf32, #tpu.memory_space<hbm>> -> memref<320000xf32, #tpu.memory_space<hbm>>
    tpu.wait_indirect_dma semaphore(%arg12 : memref<!tpu.dma_semaphore, #tpu.memory_space<semaphore_mem>>) src(%dma_wait3A_3185 : memref<320000xf32, #tpu.memory_space<hbm>>) dst(%dma_wait3A_3177 : memref<80xf32, #tpu.memory_space<vmem>>)
    %dma_wait3A_3186 = arith.constant 38 : i32
    %dma_wait3A_3187 = arith.constant 1 : i32
    %dma_wait3A_3188 = arith.constant 44 : i32
    %dma_wait3A_3189 = arith.constant 80 : i32
    %dma_wait3A_3190 = tpu.memref_slice %arg11[%dma_wait3A_3188, %dma_wait3A_3189] : memref<57x160xf32, #tpu.memory_space<vmem>> -> memref<1x80xf32, #tpu.memory_space<vmem>>
    %dma_wait3A_3191 = tpu.memref_squeeze %dma_wait3A_3190 : memref<1x80xf32, #tpu.memory_space<vmem>> -> memref<80xf32, #tpu.memory_space<vmem>>
    %dma_wait3A_3192 = arith.constant 0 : i32
    %dma_wait3A_3193 = tpu.memref_slice %arg10[%dma_wait3A_3187, %dma_wait3A_3192] : memref<2x80xi32, #tpu.memory_space<vmem>> -> memref<1x80xi32, #tpu.memory_space<vmem>>
    %dma_wait3A_3194 = tpu.memref_squeeze %dma_wait3A_3193 : memref<1x80xi32, #tpu.memory_space<vmem>> -> memref<80xi32, #tpu.memory_space<vmem>>
    %dma_wait3A_3195 = arith.constant 0 : i32
    %dma_wait3A_3196 = tpu.memref_slice %arg6[%dma_wait3A_3186, %dma_wait3A_3195] : memref<51x320000xf32, #tpu.memory_space<hbm>> -> memref<1x320000xf32, #tpu.memory_space<hbm>>
    %dma_wait3A_3197 = tpu.memref_squeeze %dma_wait3A_3196 : memref<1x320000xf32, #tpu.memory_space<hbm>> -> memref<320000xf32, #tpu.memory_space<hbm>>
    %dma_wait3A_3198 = arith.constant 0 : i32
    %dma_wait3A_3199 = tpu.memref_slice %dma_wait3A_3197[%dma_wait3A_3198] : memref<320000xf32, #tpu.memory_space<hbm>> -> memref<320000xf32, #tpu.memory_space<hbm>>
    tpu.wait_indirect_dma semaphore(%arg12 : memref<!tpu.dma_semaphore, #tpu.memory_space<semaphore_mem>>) src(%dma_wait3A_3199 : memref<320000xf32, #tpu.memory_space<hbm>>) dst(%dma_wait3A_3191 : memref<80xf32, #tpu.memory_space<vmem>>)
    %dma_wait3A_3200 = arith.constant 39 : i32
    %dma_wait3A_3201 = arith.constant 1 : i32
    %dma_wait3A_3202 = arith.constant 45 : i32
    %dma_wait3A_3203 = arith.constant 80 : i32
    %dma_wait3A_3204 = tpu.memref_slice %arg11[%dma_wait3A_3202, %dma_wait3A_3203] : memref<57x160xf32, #tpu.memory_space<vmem>> -> memref<1x80xf32, #tpu.memory_space<vmem>>
    %dma_wait3A_3205 = tpu.memref_squeeze %dma_wait3A_3204 : memref<1x80xf32, #tpu.memory_space<vmem>> -> memref<80xf32, #tpu.memory_space<vmem>>
    %dma_wait3A_3206 = arith.constant 0 : i32
    %dma_wait3A_3207 = tpu.memref_slice %arg10[%dma_wait3A_3201, %dma_wait3A_3206] : memref<2x80xi32, #tpu.memory_space<vmem>> -> memref<1x80xi32, #tpu.memory_space<vmem>>
    %dma_wait3A_3208 = tpu.memref_squeeze %dma_wait3A_3207 : memref<1x80xi32, #tpu.memory_space<vmem>> -> memref<80xi32, #tpu.memory_space<vmem>>
    %dma_wait3A_3209 = arith.constant 0 : i32
    %dma_wait3A_3210 = tpu.memref_slice %arg6[%dma_wait3A_3200, %dma_wait3A_3209] : memref<51x320000xf32, #tpu.memory_space<hbm>> -> memref<1x320000xf32, #tpu.memory_space<hbm>>
    %dma_wait3A_3211 = tpu.memref_squeeze %dma_wait3A_3210 : memref<1x320000xf32, #tpu.memory_space<hbm>> -> memref<320000xf32, #tpu.memory_space<hbm>>
    %dma_wait3A_3212 = arith.constant 0 : i32
    %dma_wait3A_3213 = tpu.memref_slice %dma_wait3A_3211[%dma_wait3A_3212] : memref<320000xf32, #tpu.memory_space<hbm>> -> memref<320000xf32, #tpu.memory_space<hbm>>
    tpu.wait_indirect_dma semaphore(%arg12 : memref<!tpu.dma_semaphore, #tpu.memory_space<semaphore_mem>>) src(%dma_wait3A_3213 : memref<320000xf32, #tpu.memory_space<hbm>>) dst(%dma_wait3A_3205 : memref<80xf32, #tpu.memory_space<vmem>>)
    %dma_wait3A_3214 = arith.constant 40 : i32
    %dma_wait3A_3215 = arith.constant 1 : i32
    %dma_wait3A_3216 = arith.constant 46 : i32
    %dma_wait3A_3217 = arith.constant 80 : i32
    %dma_wait3A_3218 = tpu.memref_slice %arg11[%dma_wait3A_3216, %dma_wait3A_3217] : memref<57x160xf32, #tpu.memory_space<vmem>> -> memref<1x80xf32, #tpu.memory_space<vmem>>
    %dma_wait3A_3219 = tpu.memref_squeeze %dma_wait3A_3218 : memref<1x80xf32, #tpu.memory_space<vmem>> -> memref<80xf32, #tpu.memory_space<vmem>>
    %dma_wait3A_3220 = arith.constant 0 : i32
    %dma_wait3A_3221 = tpu.memref_slice %arg10[%dma_wait3A_3215, %dma_wait3A_3220] : memref<2x80xi32, #tpu.memory_space<vmem>> -> memref<1x80xi32, #tpu.memory_space<vmem>>
    %dma_wait3A_3222 = tpu.memref_squeeze %dma_wait3A_3221 : memref<1x80xi32, #tpu.memory_space<vmem>> -> memref<80xi32, #tpu.memory_space<vmem>>
    %dma_wait3A_3223 = arith.constant 0 : i32
    %dma_wait3A_3224 = tpu.memref_slice %arg6[%dma_wait3A_3214, %dma_wait3A_3223] : memref<51x320000xf32, #tpu.memory_space<hbm>> -> memref<1x320000xf32, #tpu.memory_space<hbm>>
    %dma_wait3A_3225 = tpu.memref_squeeze %dma_wait3A_3224 : memref<1x320000xf32, #tpu.memory_space<hbm>> -> memref<320000xf32, #tpu.memory_space<hbm>>
    %dma_wait3A_3226 = arith.constant 0 : i32
    %dma_wait3A_3227 = tpu.memref_slice %dma_wait3A_3225[%dma_wait3A_3226] : memref<320000xf32, #tpu.memory_space<hbm>> -> memref<320000xf32, #tpu.memory_space<hbm>>
    tpu.wait_indirect_dma semaphore(%arg12 : memref<!tpu.dma_semaphore, #tpu.memory_space<semaphore_mem>>) src(%dma_wait3A_3227 : memref<320000xf32, #tpu.memory_space<hbm>>) dst(%dma_wait3A_3219 : memref<80xf32, #tpu.memory_space<vmem>>)
    %dma_wait3A_3228 = arith.constant 41 : i32
    %dma_wait3A_3229 = arith.constant 1 : i32
    %dma_wait3A_3230 = arith.constant 47 : i32
    %dma_wait3A_3231 = arith.constant 80 : i32
    %dma_wait3A_3232 = tpu.memref_slice %arg11[%dma_wait3A_3230, %dma_wait3A_3231] : memref<57x160xf32, #tpu.memory_space<vmem>> -> memref<1x80xf32, #tpu.memory_space<vmem>>
    %dma_wait3A_3233 = tpu.memref_squeeze %dma_wait3A_3232 : memref<1x80xf32, #tpu.memory_space<vmem>> -> memref<80xf32, #tpu.memory_space<vmem>>
    %dma_wait3A_3234 = arith.constant 0 : i32
    %dma_wait3A_3235 = tpu.memref_slice %arg10[%dma_wait3A_3229, %dma_wait3A_3234] : memref<2x80xi32, #tpu.memory_space<vmem>> -> memref<1x80xi32, #tpu.memory_space<vmem>>
    %dma_wait3A_3236 = tpu.memref_squeeze %dma_wait3A_3235 : memref<1x80xi32, #tpu.memory_space<vmem>> -> memref<80xi32, #tpu.memory_space<vmem>>
    %dma_wait3A_3237 = arith.constant 0 : i32
    %dma_wait3A_3238 = tpu.memref_slice %arg6[%dma_wait3A_3228, %dma_wait3A_3237] : memref<51x320000xf32, #tpu.memory_space<hbm>> -> memref<1x320000xf32, #tpu.memory_space<hbm>>
    %dma_wait3A_3239 = tpu.memref_squeeze %dma_wait3A_3238 : memref<1x320000xf32, #tpu.memory_space<hbm>> -> memref<320000xf32, #tpu.memory_space<hbm>>
    %dma_wait3A_3240 = arith.constant 0 : i32
    %dma_wait3A_3241 = tpu.memref_slice %dma_wait3A_3239[%dma_wait3A_3240] : memref<320000xf32, #tpu.memory_space<hbm>> -> memref<320000xf32, #tpu.memory_space<hbm>>
    tpu.wait_indirect_dma semaphore(%arg12 : memref<!tpu.dma_semaphore, #tpu.memory_space<semaphore_mem>>) src(%dma_wait3A_3241 : memref<320000xf32, #tpu.memory_space<hbm>>) dst(%dma_wait3A_3233 : memref<80xf32, #tpu.memory_space<vmem>>)
    %dma_wait3A_3242 = arith.constant 42 : i32
    %dma_wait3A_3243 = arith.constant 1 : i32
    %dma_wait3A_3244 = arith.constant 48 : i32
    %dma_wait3A_3245 = arith.constant 80 : i32
    %dma_wait3A_3246 = tpu.memref_slice %arg11[%dma_wait3A_3244, %dma_wait3A_3245] : memref<57x160xf32, #tpu.memory_space<vmem>> -> memref<1x80xf32, #tpu.memory_space<vmem>>
    %dma_wait3A_3247 = tpu.memref_squeeze %dma_wait3A_3246 : memref<1x80xf32, #tpu.memory_space<vmem>> -> memref<80xf32, #tpu.memory_space<vmem>>
    %dma_wait3A_3248 = arith.constant 0 : i32
    %dma_wait3A_3249 = tpu.memref_slice %arg10[%dma_wait3A_3243, %dma_wait3A_3248] : memref<2x80xi32, #tpu.memory_space<vmem>> -> memref<1x80xi32, #tpu.memory_space<vmem>>
    %dma_wait3A_3250 = tpu.memref_squeeze %dma_wait3A_3249 : memref<1x80xi32, #tpu.memory_space<vmem>> -> memref<80xi32, #tpu.memory_space<vmem>>
    %dma_wait3A_3251 = arith.constant 0 : i32
    %dma_wait3A_3252 = tpu.memref_slice %arg6[%dma_wait3A_3242, %dma_wait3A_3251] : memref<51x320000xf32, #tpu.memory_space<hbm>> -> memref<1x320000xf32, #tpu.memory_space<hbm>>
    %dma_wait3A_3253 = tpu.memref_squeeze %dma_wait3A_3252 : memref<1x320000xf32, #tpu.memory_space<hbm>> -> memref<320000xf32, #tpu.memory_space<hbm>>
    %dma_wait3A_3254 = arith.constant 0 : i32
    %dma_wait3A_3255 = tpu.memref_slice %dma_wait3A_3253[%dma_wait3A_3254] : memref<320000xf32, #tpu.memory_space<hbm>> -> memref<320000xf32, #tpu.memory_space<hbm>>
    tpu.wait_indirect_dma semaphore(%arg12 : memref<!tpu.dma_semaphore, #tpu.memory_space<semaphore_mem>>) src(%dma_wait3A_3255 : memref<320000xf32, #tpu.memory_space<hbm>>) dst(%dma_wait3A_3247 : memref<80xf32, #tpu.memory_space<vmem>>)
    %dma_wait3A_3256 = arith.constant 43 : i32
    %dma_wait3A_3257 = arith.constant 1 : i32
    %dma_wait3A_3258 = arith.constant 49 : i32
    %dma_wait3A_3259 = arith.constant 80 : i32
    %dma_wait3A_3260 = tpu.memref_slice %arg11[%dma_wait3A_3258, %dma_wait3A_3259] : memref<57x160xf32, #tpu.memory_space<vmem>> -> memref<1x80xf32, #tpu.memory_space<vmem>>
    %dma_wait3A_3261 = tpu.memref_squeeze %dma_wait3A_3260 : memref<1x80xf32, #tpu.memory_space<vmem>> -> memref<80xf32, #tpu.memory_space<vmem>>
    %dma_wait3A_3262 = arith.constant 0 : i32
    %dma_wait3A_3263 = tpu.memref_slice %arg10[%dma_wait3A_3257, %dma_wait3A_3262] : memref<2x80xi32, #tpu.memory_space<vmem>> -> memref<1x80xi32, #tpu.memory_space<vmem>>
    %dma_wait3A_3264 = tpu.memref_squeeze %dma_wait3A_3263 : memref<1x80xi32, #tpu.memory_space<vmem>> -> memref<80xi32, #tpu.memory_space<vmem>>
    %dma_wait3A_3265 = arith.constant 0 : i32
    %dma_wait3A_3266 = tpu.memref_slice %arg6[%dma_wait3A_3256, %dma_wait3A_3265] : memref<51x320000xf32, #tpu.memory_space<hbm>> -> memref<1x320000xf32, #tpu.memory_space<hbm>>
    %dma_wait3A_3267 = tpu.memref_squeeze %dma_wait3A_3266 : memref<1x320000xf32, #tpu.memory_space<hbm>> -> memref<320000xf32, #tpu.memory_space<hbm>>
    %dma_wait3A_3268 = arith.constant 0 : i32
    %dma_wait3A_3269 = tpu.memref_slice %dma_wait3A_3267[%dma_wait3A_3268] : memref<320000xf32, #tpu.memory_space<hbm>> -> memref<320000xf32, #tpu.memory_space<hbm>>
    tpu.wait_indirect_dma semaphore(%arg12 : memref<!tpu.dma_semaphore, #tpu.memory_space<semaphore_mem>>) src(%dma_wait3A_3269 : memref<320000xf32, #tpu.memory_space<hbm>>) dst(%dma_wait3A_3261 : memref<80xf32, #tpu.memory_space<vmem>>)
    %dma_wait3A_3270 = arith.constant 44 : i32
    %dma_wait3A_3271 = arith.constant 1 : i32
    %dma_wait3A_3272 = arith.constant 50 : i32
    %dma_wait3A_3273 = arith.constant 80 : i32
    %dma_wait3A_3274 = tpu.memref_slice %arg11[%dma_wait3A_3272, %dma_wait3A_3273] : memref<57x160xf32, #tpu.memory_space<vmem>> -> memref<1x80xf32, #tpu.memory_space<vmem>>
    %dma_wait3A_3275 = tpu.memref_squeeze %dma_wait3A_3274 : memref<1x80xf32, #tpu.memory_space<vmem>> -> memref<80xf32, #tpu.memory_space<vmem>>
    %dma_wait3A_3276 = arith.constant 0 : i32
    %dma_wait3A_3277 = tpu.memref_slice %arg10[%dma_wait3A_3271, %dma_wait3A_3276] : memref<2x80xi32, #tpu.memory_space<vmem>> -> memref<1x80xi32, #tpu.memory_space<vmem>>
    %dma_wait3A_3278 = tpu.memref_squeeze %dma_wait3A_3277 : memref<1x80xi32, #tpu.memory_space<vmem>> -> memref<80xi32, #tpu.memory_space<vmem>>
    %dma_wait3A_3279 = arith.constant 0 : i32
    %dma_wait3A_3280 = tpu.memref_slice %arg6[%dma_wait3A_3270, %dma_wait3A_3279] : memref<51x320000xf32, #tpu.memory_space<hbm>> -> memref<1x320000xf32, #tpu.memory_space<hbm>>
    %dma_wait3A_3281 = tpu.memref_squeeze %dma_wait3A_3280 : memref<1x320000xf32, #tpu.memory_space<hbm>> -> memref<320000xf32, #tpu.memory_space<hbm>>
    %dma_wait3A_3282 = arith.constant 0 : i32
    %dma_wait3A_3283 = tpu.memref_slice %dma_wait3A_3281[%dma_wait3A_3282] : memref<320000xf32, #tpu.memory_space<hbm>> -> memref<320000xf32, #tpu.memory_space<hbm>>
    tpu.wait_indirect_dma semaphore(%arg12 : memref<!tpu.dma_semaphore, #tpu.memory_space<semaphore_mem>>) src(%dma_wait3A_3283 : memref<320000xf32, #tpu.memory_space<hbm>>) dst(%dma_wait3A_3275 : memref<80xf32, #tpu.memory_space<vmem>>)
    %dma_wait3A_3284 = arith.constant 45 : i32
    %dma_wait3A_3285 = arith.constant 1 : i32
    %dma_wait3A_3286 = arith.constant 51 : i32
    %dma_wait3A_3287 = arith.constant 80 : i32
    %dma_wait3A_3288 = tpu.memref_slice %arg11[%dma_wait3A_3286, %dma_wait3A_3287] : memref<57x160xf32, #tpu.memory_space<vmem>> -> memref<1x80xf32, #tpu.memory_space<vmem>>
    %dma_wait3A_3289 = tpu.memref_squeeze %dma_wait3A_3288 : memref<1x80xf32, #tpu.memory_space<vmem>> -> memref<80xf32, #tpu.memory_space<vmem>>
    %dma_wait3A_3290 = arith.constant 0 : i32
    %dma_wait3A_3291 = tpu.memref_slice %arg10[%dma_wait3A_3285, %dma_wait3A_3290] : memref<2x80xi32, #tpu.memory_space<vmem>> -> memref<1x80xi32, #tpu.memory_space<vmem>>
    %dma_wait3A_3292 = tpu.memref_squeeze %dma_wait3A_3291 : memref<1x80xi32, #tpu.memory_space<vmem>> -> memref<80xi32, #tpu.memory_space<vmem>>
    %dma_wait3A_3293 = arith.constant 0 : i32
    %dma_wait3A_3294 = tpu.memref_slice %arg6[%dma_wait3A_3284, %dma_wait3A_3293] : memref<51x320000xf32, #tpu.memory_space<hbm>> -> memref<1x320000xf32, #tpu.memory_space<hbm>>
    %dma_wait3A_3295 = tpu.memref_squeeze %dma_wait3A_3294 : memref<1x320000xf32, #tpu.memory_space<hbm>> -> memref<320000xf32, #tpu.memory_space<hbm>>
    %dma_wait3A_3296 = arith.constant 0 : i32
    %dma_wait3A_3297 = tpu.memref_slice %dma_wait3A_3295[%dma_wait3A_3296] : memref<320000xf32, #tpu.memory_space<hbm>> -> memref<320000xf32, #tpu.memory_space<hbm>>
    tpu.wait_indirect_dma semaphore(%arg12 : memref<!tpu.dma_semaphore, #tpu.memory_space<semaphore_mem>>) src(%dma_wait3A_3297 : memref<320000xf32, #tpu.memory_space<hbm>>) dst(%dma_wait3A_3289 : memref<80xf32, #tpu.memory_space<vmem>>)
    %dma_wait3A_3298 = arith.constant 46 : i32
    %dma_wait3A_3299 = arith.constant 1 : i32
    %dma_wait3A_3300 = arith.constant 52 : i32
    %dma_wait3A_3301 = arith.constant 80 : i32
    %dma_wait3A_3302 = tpu.memref_slice %arg11[%dma_wait3A_3300, %dma_wait3A_3301] : memref<57x160xf32, #tpu.memory_space<vmem>> -> memref<1x80xf32, #tpu.memory_space<vmem>>
    %dma_wait3A_3303 = tpu.memref_squeeze %dma_wait3A_3302 : memref<1x80xf32, #tpu.memory_space<vmem>> -> memref<80xf32, #tpu.memory_space<vmem>>
    %dma_wait3A_3304 = arith.constant 0 : i32
    %dma_wait3A_3305 = tpu.memref_slice %arg10[%dma_wait3A_3299, %dma_wait3A_3304] : memref<2x80xi32, #tpu.memory_space<vmem>> -> memref<1x80xi32, #tpu.memory_space<vmem>>
    %dma_wait3A_3306 = tpu.memref_squeeze %dma_wait3A_3305 : memref<1x80xi32, #tpu.memory_space<vmem>> -> memref<80xi32, #tpu.memory_space<vmem>>
    %dma_wait3A_3307 = arith.constant 0 : i32
    %dma_wait3A_3308 = tpu.memref_slice %arg6[%dma_wait3A_3298, %dma_wait3A_3307] : memref<51x320000xf32, #tpu.memory_space<hbm>> -> memref<1x320000xf32, #tpu.memory_space<hbm>>
    %dma_wait3A_3309 = tpu.memref_squeeze %dma_wait3A_3308 : memref<1x320000xf32, #tpu.memory_space<hbm>> -> memref<320000xf32, #tpu.memory_space<hbm>>
    %dma_wait3A_3310 = arith.constant 0 : i32
    %dma_wait3A_3311 = tpu.memref_slice %dma_wait3A_3309[%dma_wait3A_3310] : memref<320000xf32, #tpu.memory_space<hbm>> -> memref<320000xf32, #tpu.memory_space<hbm>>
    tpu.wait_indirect_dma semaphore(%arg12 : memref<!tpu.dma_semaphore, #tpu.memory_space<semaphore_mem>>) src(%dma_wait3A_3311 : memref<320000xf32, #tpu.memory_space<hbm>>) dst(%dma_wait3A_3303 : memref<80xf32, #tpu.memory_space<vmem>>)
    %dma_wait3A_3312 = arith.constant 47 : i32
    %dma_wait3A_3313 = arith.constant 1 : i32
    %dma_wait3A_3314 = arith.constant 53 : i32
    %dma_wait3A_3315 = arith.constant 80 : i32
    %dma_wait3A_3316 = tpu.memref_slice %arg11[%dma_wait3A_3314, %dma_wait3A_3315] : memref<57x160xf32, #tpu.memory_space<vmem>> -> memref<1x80xf32, #tpu.memory_space<vmem>>
    %dma_wait3A_3317 = tpu.memref_squeeze %dma_wait3A_3316 : memref<1x80xf32, #tpu.memory_space<vmem>> -> memref<80xf32, #tpu.memory_space<vmem>>
    %dma_wait3A_3318 = arith.constant 0 : i32
    %dma_wait3A_3319 = tpu.memref_slice %arg10[%dma_wait3A_3313, %dma_wait3A_3318] : memref<2x80xi32, #tpu.memory_space<vmem>> -> memref<1x80xi32, #tpu.memory_space<vmem>>
    %dma_wait3A_3320 = tpu.memref_squeeze %dma_wait3A_3319 : memref<1x80xi32, #tpu.memory_space<vmem>> -> memref<80xi32, #tpu.memory_space<vmem>>
    %dma_wait3A_3321 = arith.constant 0 : i32
    %dma_wait3A_3322 = tpu.memref_slice %arg6[%dma_wait3A_3312, %dma_wait3A_3321] : memref<51x320000xf32, #tpu.memory_space<hbm>> -> memref<1x320000xf32, #tpu.memory_space<hbm>>
    %dma_wait3A_3323 = tpu.memref_squeeze %dma_wait3A_3322 : memref<1x320000xf32, #tpu.memory_space<hbm>> -> memref<320000xf32, #tpu.memory_space<hbm>>
    %dma_wait3A_3324 = arith.constant 0 : i32
    %dma_wait3A_3325 = tpu.memref_slice %dma_wait3A_3323[%dma_wait3A_3324] : memref<320000xf32, #tpu.memory_space<hbm>> -> memref<320000xf32, #tpu.memory_space<hbm>>
    tpu.wait_indirect_dma semaphore(%arg12 : memref<!tpu.dma_semaphore, #tpu.memory_space<semaphore_mem>>) src(%dma_wait3A_3325 : memref<320000xf32, #tpu.memory_space<hbm>>) dst(%dma_wait3A_3317 : memref<80xf32, #tpu.memory_space<vmem>>)
    %dma_wait3A_3326 = arith.constant 48 : i32
    %dma_wait3A_3327 = arith.constant 1 : i32
    %dma_wait3A_3328 = arith.constant 54 : i32
    %dma_wait3A_3329 = arith.constant 80 : i32
    %dma_wait3A_3330 = tpu.memref_slice %arg11[%dma_wait3A_3328, %dma_wait3A_3329] : memref<57x160xf32, #tpu.memory_space<vmem>> -> memref<1x80xf32, #tpu.memory_space<vmem>>
    %dma_wait3A_3331 = tpu.memref_squeeze %dma_wait3A_3330 : memref<1x80xf32, #tpu.memory_space<vmem>> -> memref<80xf32, #tpu.memory_space<vmem>>
    %dma_wait3A_3332 = arith.constant 0 : i32
    %dma_wait3A_3333 = tpu.memref_slice %arg10[%dma_wait3A_3327, %dma_wait3A_3332] : memref<2x80xi32, #tpu.memory_space<vmem>> -> memref<1x80xi32, #tpu.memory_space<vmem>>
    %dma_wait3A_3334 = tpu.memref_squeeze %dma_wait3A_3333 : memref<1x80xi32, #tpu.memory_space<vmem>> -> memref<80xi32, #tpu.memory_space<vmem>>
    %dma_wait3A_3335 = arith.constant 0 : i32
    %dma_wait3A_3336 = tpu.memref_slice %arg6[%dma_wait3A_3326, %dma_wait3A_3335] : memref<51x320000xf32, #tpu.memory_space<hbm>> -> memref<1x320000xf32, #tpu.memory_space<hbm>>
    %dma_wait3A_3337 = tpu.memref_squeeze %dma_wait3A_3336 : memref<1x320000xf32, #tpu.memory_space<hbm>> -> memref<320000xf32, #tpu.memory_space<hbm>>
    %dma_wait3A_3338 = arith.constant 0 : i32
    %dma_wait3A_3339 = tpu.memref_slice %dma_wait3A_3337[%dma_wait3A_3338] : memref<320000xf32, #tpu.memory_space<hbm>> -> memref<320000xf32, #tpu.memory_space<hbm>>
    tpu.wait_indirect_dma semaphore(%arg12 : memref<!tpu.dma_semaphore, #tpu.memory_space<semaphore_mem>>) src(%dma_wait3A_3339 : memref<320000xf32, #tpu.memory_space<hbm>>) dst(%dma_wait3A_3331 : memref<80xf32, #tpu.memory_space<vmem>>)
    %dma_wait3A_3340 = arith.constant 49 : i32
    %dma_wait3A_3341 = arith.constant 1 : i32
    %dma_wait3A_3342 = arith.constant 55 : i32
    %dma_wait3A_3343 = arith.constant 80 : i32
    %dma_wait3A_3344 = tpu.memref_slice %arg11[%dma_wait3A_3342, %dma_wait3A_3343] : memref<57x160xf32, #tpu.memory_space<vmem>> -> memref<1x80xf32, #tpu.memory_space<vmem>>
    %dma_wait3A_3345 = tpu.memref_squeeze %dma_wait3A_3344 : memref<1x80xf32, #tpu.memory_space<vmem>> -> memref<80xf32, #tpu.memory_space<vmem>>
    %dma_wait3A_3346 = arith.constant 0 : i32
    %dma_wait3A_3347 = tpu.memref_slice %arg10[%dma_wait3A_3341, %dma_wait3A_3346] : memref<2x80xi32, #tpu.memory_space<vmem>> -> memref<1x80xi32, #tpu.memory_space<vmem>>
    %dma_wait3A_3348 = tpu.memref_squeeze %dma_wait3A_3347 : memref<1x80xi32, #tpu.memory_space<vmem>> -> memref<80xi32, #tpu.memory_space<vmem>>
    %dma_wait3A_3349 = arith.constant 0 : i32
    %dma_wait3A_3350 = tpu.memref_slice %arg6[%dma_wait3A_3340, %dma_wait3A_3349] : memref<51x320000xf32, #tpu.memory_space<hbm>> -> memref<1x320000xf32, #tpu.memory_space<hbm>>
    %dma_wait3A_3351 = tpu.memref_squeeze %dma_wait3A_3350 : memref<1x320000xf32, #tpu.memory_space<hbm>> -> memref<320000xf32, #tpu.memory_space<hbm>>
    %dma_wait3A_3352 = arith.constant 0 : i32
    %dma_wait3A_3353 = tpu.memref_slice %dma_wait3A_3351[%dma_wait3A_3352] : memref<320000xf32, #tpu.memory_space<hbm>> -> memref<320000xf32, #tpu.memory_space<hbm>>
    tpu.wait_indirect_dma semaphore(%arg12 : memref<!tpu.dma_semaphore, #tpu.memory_space<semaphore_mem>>) src(%dma_wait3A_3353 : memref<320000xf32, #tpu.memory_space<hbm>>) dst(%dma_wait3A_3345 : memref<80xf32, #tpu.memory_space<vmem>>)
    %dma_wait3A_3354 = arith.constant 50 : i32
    %dma_wait3A_3355 = arith.constant 1 : i32
    %dma_wait3A_3356 = arith.constant 56 : i32
    %dma_wait3A_3357 = arith.constant 80 : i32
    %dma_wait3A_3358 = tpu.memref_slice %arg11[%dma_wait3A_3356, %dma_wait3A_3357] : memref<57x160xf32, #tpu.memory_space<vmem>> -> memref<1x80xf32, #tpu.memory_space<vmem>>
    %dma_wait3A_3359 = tpu.memref_squeeze %dma_wait3A_3358 : memref<1x80xf32, #tpu.memory_space<vmem>> -> memref<80xf32, #tpu.memory_space<vmem>>
    %dma_wait3A_3360 = arith.constant 0 : i32
    %dma_wait3A_3361 = tpu.memref_slice %arg10[%dma_wait3A_3355, %dma_wait3A_3360] : memref<2x80xi32, #tpu.memory_space<vmem>> -> memref<1x80xi32, #tpu.memory_space<vmem>>
    %dma_wait3A_3362 = tpu.memref_squeeze %dma_wait3A_3361 : memref<1x80xi32, #tpu.memory_space<vmem>> -> memref<80xi32, #tpu.memory_space<vmem>>
    %dma_wait3A_3363 = arith.constant 0 : i32
    %dma_wait3A_3364 = tpu.memref_slice %arg6[%dma_wait3A_3354, %dma_wait3A_3363] : memref<51x320000xf32, #tpu.memory_space<hbm>> -> memref<1x320000xf32, #tpu.memory_space<hbm>>
    %dma_wait3A_3365 = tpu.memref_squeeze %dma_wait3A_3364 : memref<1x320000xf32, #tpu.memory_space<hbm>> -> memref<320000xf32, #tpu.memory_space<hbm>>
    %dma_wait3A_3366 = arith.constant 0 : i32
    %dma_wait3A_3367 = tpu.memref_slice %dma_wait3A_3365[%dma_wait3A_3366] : memref<320000xf32, #tpu.memory_space<hbm>> -> memref<320000xf32, #tpu.memory_space<hbm>>
    tpu.wait_indirect_dma semaphore(%arg12 : memref<!tpu.dma_semaphore, #tpu.memory_space<semaphore_mem>>) src(%dma_wait3A_3367 : memref<320000xf32, #tpu.memory_space<hbm>>) dst(%dma_wait3A_3359 : memref<80xf32, #tpu.memory_space<vmem>>)
    "tpu.region"() ({
      %run_scoped3A = tpu.sem_alloc : memref<!tpu.dma_semaphore, #tpu.memory_space<semaphore_mem>>
      %dma_start3A_3368 = arith.constant 0 : i32
      %dma_start3A_3369 = tpu.memref_slice %arg7[%dma_start3A_3368, %mul3A_2] : memref<57x5120xf32, #tpu.memory_space<hbm>> -> memref<57x160xf32, #tpu.memory_space<hbm>>
      %dma_start3A_3370 = arith.constant 0 : i32
      %dma_start3A_3371 = tpu.memref_slice %arg7[%dma_start3A_3370, %mul3A_2] : memref<57x5120xf32, #tpu.memory_space<hbm>> -> memref<57x160xf32, #tpu.memory_space<hbm>>
      tpu.enqueue_dma source(%arg11 : memref<57x160xf32, #tpu.memory_space<vmem>>) target(%dma_start3A_3371 : memref<57x160xf32, #tpu.memory_space<hbm>>) target_semaphore(%run_scoped3A : memref<!tpu.dma_semaphore, #tpu.memory_space<semaphore_mem>>)
      %dma_wait3A_3372 = arith.constant 0 : i32
      %dma_wait3A_3373 = tpu.memref_slice %arg7[%dma_wait3A_3372, %mul3A_2] : memref<57x5120xf32, #tpu.memory_space<hbm>> -> memref<57x160xf32, #tpu.memory_space<hbm>>
      %dma_wait3A_3374 = arith.constant 0 : i32
      %dma_wait3A_3375 = tpu.memref_slice %arg7[%dma_wait3A_3374, %mul3A_2] : memref<57x5120xf32, #tpu.memory_space<hbm>> -> memref<57x160xf32, #tpu.memory_space<hbm>>
      tpu.wait_dma2 semaphore(%run_scoped3A : memref<!tpu.dma_semaphore, #tpu.memory_space<semaphore_mem>>) src(%arg11 : memref<57x160xf32, #tpu.memory_space<vmem>>) dst(%dma_wait3A_3375 : memref<57x160xf32, #tpu.memory_space<hbm>>)
      tpu.yield
    }) : () -> ()
    return
  }
}

</mosaic_0001>

<sc_bundles>
// kernel: kernel.3.cloned.1.call-start
scs
__scs_entry_jumppad:
0x0: {  	(pc) =	sbr.rel $0x88, $3  }
0x1: {  	(tag) =	ssettag $0x0;
	lr =	simm.s32 $0x1  }
0x2: {  	[smem:$0x3F9D] =	sst lr;
	_ =	strace $0xD0000000  }
0x3: {  	_ = 	snop  }
0x4: {  	_ = 	snop  }
0x5: {  	_ = 	snop  }
0x6: {  	_ = 	snop  }
0x7: {  	_ = 	snop  }
__scs_overlays_trampoline_lowered:
0x8: {  	[smem:$0x3FAC] =	sst s0  }
0x9: {  	[smem:$0x3FAD] =	sst s1  }
0xa: {  	[smem:$0x3FAE] =	sst s2  }
0xb: {  	[smem:$0x3FAF] =	sst s3  }
0xc: {  	[smem:$0x3FB0] =	sst s4  }
0xd: {  	[smem:$0x3FB1] =	sst s5  }
0xe: {  	[smem:$0x3FB2] =	sst s6  }
0xf: {  	[smem:$0x3FB3] =	sst s7  }
0x10: {  	[smem:$0x3FB4] =	sst s8  }
0x11: {  	[smem:$0x3FB5] =	sst s9;
	s0 =	simm.s32 @!p0 $0x0  }
0x12: {  	s1 =	sld [smem:$0x3F9B];
	s0 =	simm.s32 @p0 $0x1  }
0x13: {  	[smem:$0x3FB6] =	sst s0;
	s0 =	simm.s32 @!p1 $0x0  }
0x14: {  	s2 =	sld [smem:$0x3F9A];
	s0 =	simm.s32 @p1 $0x1  }
0x15: {  	[smem:$0x3FB7] =	sst s0;
	s0 =	simm.s32 @!p2 $0x0  }
0x16: {  	s3 =	sld [smem:$0x3FDB];
	s0 =	simm.s32 @p2 $0x1  }
0x17: {  	s4 =	simm.s32 $0x1BF5;
	[smem:$0x3FB9] =	sst s0  }
0x18: {  	s0 =	sld [smem:$0x3F9C];
	_ =	swait.ge [sflag:s4], $0x0  }
0x19: {  	s7 =	sld [smem:$0x3F9D]  }
0x1a: {  	s8 =	sadd.s32 $0xFFFFE003, lr  }
0x1b: {  	s9 =	sadd.s32 $0xFFFFFEF7, lr;
	s5 =	simm.s32 $0xFFFFFFFF;
	p2 =	slt.u32 s8, $0xFFFFF086  }
0x1c: {  	p1 =	slt.u32 s9, $0xF7A;
	s5 =	simm.s32 @!p2 $0x0  }
0x1d: {  	s5 =	simm.s32 @p1 $0x1;
	p0 =	seq.s32 s7, s2  }
0x1e: {  	s7 =	smul.u32 @!p0 $0xF7A, s2;
	p2 =	seq.s32 @!p0 s5, $0x0  }
0x1f: {  	s9 =	smul.u32 $0xF7A, s1;
	s8 =	simm.s32 @!p0 $0x1BF5;
	p2 =	por !p2, p0  }
0x20: {  	[sflag:s8] =	ssyncset.s32 @!p0 $0xFFFFF086;
	s6 =	sadd.s32 @!p0 s3, s7;
	s7 =	simm.s32 @!p0 $0x108  }
0x21: {  	s3 =	sadd.s32 s3, s9;
	s6 =	sadd.s32 @!p0 $0x88, s6;
	s7 =	simm.s32 @p2 $0x1082  }
0x22: {  	[simem:s7], [sflag:s8] =	dma.local @!p0 [hbm:s6], $0xF7A  }
0x23: {  	s9 =	sor.u32 $0xD0000000, s2;
	s6 =	simm.s32 $0x108;
	_ =	swait.ge @!p0 [sflag:s8], $0x0  }
0x24: {  	s3 =	sadd.s32 $0x88, s3;
	s6 =	simm.s32 @!p1 $0x1082;
	[sflag:s4] =	ssyncset.s32 $0xFFFFF086  }
0x25: {  	[simem:s6], [sflag:s4] =	dma.local [hbm:s3], $0xF7A  }
0x26: {  	[smem:$0x3F9D] =	sst s1;
	(tag) =	ssettag s2;
	_ =	strace s9  }
0x27: {  	s1 =	sld [smem:$0x3FAD]  }
0x28: {  	s2 =	sld [smem:$0x3FAE]  }
0x29: {  	s4 =	sld [smem:$0x3FB0]  }
0x2a: {  	p0 =	seq.s32 s5, $0x0;
	s5 =	sld [smem:$0x3FB1]  }
0x2b: {  	s6 =	sld [smem:$0x3FB2]  }
0x2c: {  	s7 =	sld [smem:$0x3FB3]  }
0x2d: {  	s3 =	simm.s32 $0x108;
	s8 =	sld [smem:$0x3FB4]  }
0x2e: {  	s3 =	simm.s32 @!p0 $0x1082;
	s9 =	sld [smem:$0x3FB5]  }
0x2f: {  	lr =	sadd.s32 s0, s3;
	s0 =	sld [smem:$0x3FAC]  }
0x30: {  	s3 =	sld [smem:$0x3FAF]  }
0x31: {  	[smem:$0x3FB8] =	sst s10  }
0x32: {  	s10 =	sld [smem:$0x3FB6];
	_ =	sdelay $0x3  }
0x33: {  	p0 =	seq.s32 s10, $0x1;
	s10 =	sld [smem:$0x3FB8];
	_ =	sdelay $0x3  }
0x34: {  	[smem:$0x3FB8] =	sst s10  }
0x35: {  	s10 =	sld [smem:$0x3FB7];
	_ =	sdelay $0x3  }
0x36: {  	p1 =	seq.s32 s10, $0x1;
	s10 =	sld [smem:$0x3FB8];
	_ =	sdelay $0x3  }
0x37: {  	[smem:$0x3FB8] =	sst s10  }
0x38: {  	s10 =	sld [smem:$0x3FB9]  }
0x39: {  	_ = 	snop;
	(pc) =	sbr.ind lr, $3  }
0x3a: {  	_ = 	snop  }
0x3b: {  	_ = 	snop  }
0x3c: {  	p2 =	seq.s32 s10, $0x1;
	s10 =	sld [smem:$0x3FB8]  }
0x3d: {  	_ =	shalt  }
0x3e: {  	_ =	shalt  }
0x3f: {  	_ =	shalt  }
0x40: {  	_ =	shalt  }
0x41: {  	_ =	shalt  }
0x42: {  	_ =	shalt  }
0x43: {  	_ =	shalt  }
0x44: {  	_ =	shalt  }
0x45: {  	_ =	shalt  }
0x46: {  	_ =	shalt  }
0x47: {  	_ =	shalt  }
0x48: {  	_ =	shalt  }
0x49: {  	_ =	shalt  }
0x4a: {  	_ =	shalt  }
0x4b: {  	_ =	shalt  }
0x4c: {  	_ =	shalt  }
0x4d: {  	_ =	shalt  }
0x4e: {  	_ =	shalt  }
0x4f: {  	_ =	shalt  }
0x50: {  	_ =	shalt  }
0x51: {  	_ =	shalt  }
0x52: {  	_ =	shalt  }
0x53: {  	_ =	shalt  }
0x54: {  	_ =	shalt  }
0x55: {  	_ =	shalt  }
0x56: {  	_ =	shalt  }
0x57: {  	_ =	shalt  }
0x58: {  	_ =	shalt  }
0x59: {  	_ =	shalt  }
0x5a: {  	_ =	shalt  }
0x5b: {  	_ =	shalt  }
0x5c: {  	_ =	shalt  }
0x5d: {  	_ =	shalt  }
0x5e: {  	_ =	shalt  }
0x5f: {  	_ =	shalt  }
0x60: {  	_ =	shalt  }
0x61: {  	_ =	shalt  }
0x62: {  	_ =	shalt  }
0x63: {  	_ =	shalt  }
0x64: {  	_ =	shalt  }
0x65: {  	_ =	shalt  }
0x66: {  	_ =	shalt  }
0x67: {  	_ =	shalt  }
0x68: {  	_ =	shalt  }
0x69: {  	_ =	shalt  }
0x6a: {  	_ =	shalt  }
0x6b: {  	_ =	shalt  }
0x6c: {  	_ =	shalt  }
0x6d: {  	_ =	shalt  }
0x6e: {  	_ =	shalt  }
0x6f: {  	_ =	shalt  }
0x70: {  	_ =	shalt  }
0x71: {  	_ =	shalt  }
0x72: {  	_ =	shalt  }
0x73: {  	_ =	shalt  }
0x74: {  	_ =	shalt  }
0x75: {  	_ =	shalt  }
0x76: {  	_ =	shalt  }
0x77: {  	_ =	shalt  }
0x78: {  	_ =	shalt  }
0x79: {  	_ =	shalt  }
0x7a: {  	_ =	shalt  }
0x7b: {  	_ =	shalt  }
0x7c: {  	_ =	shalt  }
0x7d: {  	_ =	shalt  }
0x7e: {  	_ =	shalt  }
0x7f: {  	_ =	shalt  }
0x80: {  	_ =	shalt  }
0x81: {  	_ =	shalt  }
0x82: {  	_ =	shalt  }
0x83: {  	_ =	shalt  }
0x84: {  	_ =	shalt  }
0x85: {  	_ =	shalt  }
0x86: {  	_ =	shalt  }
0x87: {  	_ =	shalt  }
.Lfunc_end0:
.L_simem_size_0:
called_computation_lowered:
.L_overlay_start_0:
0x88: {  	s2 =	sld [smem:$0x3FD9]  }
0x89: {  	s3 =	sld [smem:$0x3FFE];
	_ =	sdelay $0x1  }
0x8a: {  	s1 =	srdreg.scid  }
0x8b: {  	s0 =	sand.u32 $0x1, s1  }
0x8c: {  	s17 =	sshll.u32 s0, $0xA;
	s2 =	sadd.s32 s3, s2  }
0x8d: {  	s2 =	sadd.s32 s2, s17  }
0x8e: {  	[smem:$0x3FC4] =	sst s2  }
0x8f: {  	_ = 	snop  }
0x90: {  	s2 =	sld [smem:$0x3FD0];
	(tm) =	ssettm $0x1  }
0x91: {  	s18 =	sld [smem:$0x3FFB];
	_ =	sdelay $0x3  }
0x92: {  	_ =	strace s18  }
0x93: {  	s3 =	sld [smem:$0x3FFC];
	_ =	sdelay $0x3  }
0x94: {  	_ =	strace s3  }
0x95: {  	s3 =	sld [smem:$0x3FFD];
	_ =	sdelay $0x3  }
0x96: {  	_ =	strace s3  }
0x97: {  	_ =	strace $0x8FFFFFFF  }
0x98: {  	s19 =	sld [smem:$0x3FDB];
	_ =	sdelay $0x1  }
0x99: {  	s4 =	simm.s32 $_scs_section_size  }
0x9a: {  	s5 =	simm.s32 $_size__tile_overlayer_lowered;
	s6 =	simm.s32 $_tile_overlayer_lowered  }
0x9b: {  	s22 =	simm.s32 $0x1BFF;
	s21 =	sshll.u32 s6, $0x1;
	s3 =	sadd.s32 s4, s19  }
0x9c: {  	s7 =	simm.s32 $0x0;
	s20 =	sshll.u32 s5, $0x1;
	s5 =	sadd.s32 s21, s3  }
0x9d: {  	[timem:s7], [sflag:s22] =	dma.local [hbm:s5], s20  }
0x9e: {  	_ =	swait.ge [sflag:s22], s20  }
0x9f: {  	s4 =	ssub.s32 $0x0, s20;
	[sflag:s22] =	ssyncset.done $0x0  }
0xa0: {  	[sflag:s22] =	ssyncadd.s32 s4;
	_ =	sdelay $0x1  }
0xa1: {  	s23 =	simm.s32 $0x1B8B  }
0xa2: {  	_ =	swait.ge [sflag:s23], $0x1  }
0xa3: {  	[sflag:s23] =	ssyncset.done $0x0  }
0xa4: {  	s25 =	simm.s32 $0x1B8E;
	s24 =	sld [smem:$0x3FFE];
	[sflag:s23] =	ssyncadd.s32 $0xFFFFFFFF  }
0xa5: {  	s26 =	simm.s32 $execute0_lowered;
	[smem:$0x3FD2] =	sst s25  }
0xa6: {  	s5 =	sshll.u32 s26, $0x1;
	_ =	strace $0x80000046;
	[dreg:$0x1] =	wrdreg $0xFFFFFFFF  }
0xa7: {  	s28 =	simm.s32 $_size_execute0_lowered;
	s3 =	sadd.s32 s3, s5;
	[dreg:$0x0] =	wrdreg $0x0  }
0xa8: {  	s5 =	sshll.u32 s28, $0x1;
	[dreg:$0x2] =	wrdreg s3  }
0xa9: {  	[dreg:$0x3] =	wrdreg s5  }
0xaa: {  	[dreg:$0x4] =	wrdreg $0xC0  }
0xab: {  	_ =	task [dreg:s7], $0x5FFFF  }
0xac: {  	[dreg:$0x1] =	wrdreg $0xFFFFFFFF  }
0xad: {  	[dreg:$0x0] =	wrdreg $0x60  }
0xae: {  	[dreg:$0x2] =	wrdreg s24  }
0xaf: {  	[dreg:$0x3] =	wrdreg s2  }
0xb0: {  	[dreg:$0x4] =	wrdreg $0x9  }
0xb1: {  	_ =	task.clear_ibuf [dreg:s7], $0x5FFFF;
	_ =	strace $0x90000046  }
0xb2: {  	s29 =	simm.s32 $0x9;
	_ =	strace $0x80000048  }
0xb3: {  	_ =	swait.ge [sflag:s29], $0x1  }
0xb4: {  	[sflag:s29] =	ssyncadd.s32 $0xFFFFFFFF  }
0xb5: {  	_ =	strace $0x90000048  }
0xb6: {  	_ =	sfence  }
0xb7: {  	s30 =	sld [smem:$0x0];
	_ =	sdelay $0x2  }
0xb8: {  	s31 =	sshll.u32 s1, $0xD;
	s1 =	sshrl.u32 s1, $0x2  }
0xb9: {  	s3 =	sand.u32 $0x4000, s31;
	s1 =	sadd.s32 s1, s30  }
0xba: {  	s0 =	sor.u32 s3, s0;
	s1 =	sshll.u32 s1, $0x11  }
0xbb: {  	s0 =	sor.u32 s1, s0  }
0xbc: {  	s0 =	sadd.s32 $0x8F2B, s0  }
0xbd: {  	[sflag:s0] =	ssyncadd.remote.s32 $0x1  }
0xbe: {  	_ =	sfence.sel $0xFFFF  }
0xbf: {  	[dreg:$0x0] =	wrdreg $0xFFFFFFFF;
	(pc) =	sbr.abs _section_cstart, $3  }
0xc0: {  	[dreg:$0x1] =	wrdreg $0xFFFFFFFF  }
0xc1: {  	_ =	task.clear_ibuf [dreg:s7], $0x2FFFF;
	_ =	strace $0x9FFFFFFF  }
0xc2: {  	(tm) =	ssettm $0x7FFFFFFF  }
0xc3: {  	_ =	shalt  }
tec
execute0_lowered:
.L_overlay_start_1:
0x0: {  	(tag) =	ssettag $0x1  }
0x1: {  	s0 =	srdreg.scid;
	s3 =	rddreg [dreg:$0x1]  }
0x2: {  	s4 =	simm.s32 $0x0;
	s1 =	sand.u32 $0x1, s0;
	s0 =	rddreg [dreg:$0x0]  }
0x3: {  	s30 =	simm.s32 $0x500;
	[smem:$0x7FF] =	sst s4  }
0x4: {  	s31 =	simm.s32 $0x280;
	_ =	strace $0x80000047;
	[dreg:$0x5] =	wrdreg s30  }
0x5: {  	s5 =	simm.s32 $0x460;
	[dreg:$0x6] =	wrdreg s31  }
0x6: {  	s6 =	simm.s32 $0x5A0;
	[dreg:$0x9] =	wrdreg s5  }
0x7: {  	s7 =	simm.s32 $0x640;
	[dreg:$0xa] =	wrdreg s6  }
0x8: {  	s8 =	simm.s32 $0x6E0;
	[dreg:$0xb] =	wrdreg s7  }
0x9: {  	s9 =	simm.s32 $0x780;
	[dreg:$0xc] =	wrdreg s8  }
0xa: {  	s10 =	simm.s32 $0x820;
	[dreg:$0xd] =	wrdreg s9  }
0xb: {  	s11 =	simm.s32 $0x8C0;
	[dreg:$0xe] =	wrdreg s10  }
0xc: {  	s12 =	simm.s32 $0x960;
	[dreg:$0xf] =	wrdreg s11  }
0xd: {  	s13 =	simm.s32 $0xA00;
	[dreg:$0x10] =	wrdreg s12  }
0xe: {  	s14 =	simm.s32 $0xAA0;
	[dreg:$0x11] =	wrdreg s13  }
0xf: {  	s15 =	simm.s32 $0xB40;
	[dreg:$0x12] =	wrdreg s14  }
0x10: {  	s16 =	simm.s32 $0xBE0;
	[dreg:$0x13] =	wrdreg s15  }
0x11: {  	s17 =	simm.s32 $0xC80;
	[dreg:$0x14] =	wrdreg s16  }
0x12: {  	s18 =	simm.s32 $0xD20;
	[dreg:$0x15] =	wrdreg s17  }
0x13: {  	s19 =	simm.s32 $0xDC0;
	[dreg:$0x16] =	wrdreg s18  }
0x14: {  	s20 =	simm.s32 $0xE60;
	[dreg:$0x17] =	wrdreg s19  }
0x15: {  	s21 =	simm.s32 $0xF00;
	[dreg:$0x18] =	wrdreg s20  }
0x16: {  	s22 =	simm.s32 $0xFA0;
	[dreg:$0x19] =	wrdreg s21  }
0x17: {  	s23 =	simm.s32 $0x1040;
	[dreg:$0x1a] =	wrdreg s22  }
0x18: {  	s24 =	simm.s32 $0x10E0;
	[dreg:$0x1b] =	wrdreg s23  }
0x19: {  	s25 =	simm.s32 $0x1180;
	[dreg:$0x1c] =	wrdreg s24  }
0x1a: {  	s26 =	simm.s32 $0x1220;
	[dreg:$0x1d] =	wrdreg s25  }
0x1b: {  	s28 =	simm.s32 $0x12C0;
	[dreg:$0x1e] =	wrdreg s26  }
0x1c: {  	[dreg:$0x1f] =	wrdreg s28;
	s30 =	simm.s32 $0x14A0  }
0x1d: {  	s31 =	simm.s32 $0x1540;
	[smem:$0x772] =	sst s30  }
0x1e: {  	s5 =	simm.s32 $0x1720;
	[smem:$0x773] =	sst s31  }
0x1f: {  	s6 =	simm.s32 $0x17C0;
	[smem:$0x776] =	sst s5  }
0x20: {  	s7 =	simm.s32 $0x1860;
	[smem:$0x777] =	sst s6  }
0x21: {  	s8 =	simm.s32 $0x1900;
	[smem:$0x778] =	sst s7  }
0x22: {  	s9 =	simm.s32 $0x19A0;
	[smem:$0x779] =	sst s8  }
0x23: {  	s10 =	simm.s32 $0x1A40;
	[smem:$0x77A] =	sst s9  }
0x24: {  	s11 =	simm.s32 $0x1AE0;
	[smem:$0x77B] =	sst s10  }
0x25: {  	s12 =	simm.s32 $0x1B80;
	[smem:$0x77C] =	sst s11  }
0x26: {  	s13 =	simm.s32 $0x1C20;
	[smem:$0x77D] =	sst s12  }
0x27: {  	s14 =	simm.s32 $0x1CC0;
	[smem:$0x77E] =	sst s13  }
0x28: {  	s15 =	simm.s32 $0x1D60;
	[smem:$0x77F] =	sst s14  }
0x29: {  	s16 =	simm.s32 $0x1E00;
	[smem:$0x780] =	sst s15  }
0x2a: {  	s17 =	simm.s32 $0x1EA0;
	[smem:$0x781] =	sst s16  }
0x2b: {  	s18 =	simm.s32 $0x1F40;
	[smem:$0x782] =	sst s17  }
0x2c: {  	s19 =	simm.s32 $0x1FE0;
	[smem:$0x783] =	sst s18  }
0x2d: {  	s20 =	simm.s32 $0x2080;
	[smem:$0x784] =	sst s19  }
0x2e: {  	s21 =	simm.s32 $0x2120;
	[smem:$0x785] =	sst s20  }
0x2f: {  	s22 =	simm.s32 $0x21C0;
	[smem:$0x786] =	sst s21  }
0x30: {  	s23 =	simm.s32 $0x2260;
	[smem:$0x787] =	sst s22  }
0x31: {  	s24 =	simm.s32 $0x2300;
	[smem:$0x788] =	sst s23  }
0x32: {  	s25 =	simm.s32 $0x23A0;
	[smem:$0x789] =	sst s24  }
0x33: {  	s26 =	simm.s32 $0x2440;
	[smem:$0x78A] =	sst s25  }
0x34: {  	s28 =	simm.s32 $0x24E0;
	[smem:$0x78B] =	sst s26  }
0x35: {  	[smem:$0x78C] =	sst s28;
	s30 =	simm.s32 $0x2D0  }
0x36: {  	s31 =	simm.s32 $0x370;
	[smem:$0x78E] =	sst s30  }
0x37: {  	s5 =	simm.s32 $0x5F0;
	[smem:$0x78F] =	sst s31  }
0x38: {  	s6 =	simm.s32 $0x690;
	[smem:$0x792] =	sst s5  }
0x39: {  	s7 =	simm.s32 $0x730;
	[smem:$0x793] =	sst s6  }
0x3a: {  	s8 =	simm.s32 $0x7D0;
	[smem:$0x794] =	sst s7  }
0x3b: {  	s9 =	simm.s32 $0x870;
	[smem:$0x795] =	sst s8  }
0x3c: {  	s10 =	simm.s32 $0x910;
	[smem:$0x796] =	sst s9  }
0x3d: {  	s11 =	simm.s32 $0x9B0;
	[smem:$0x797] =	sst s10  }
0x3e: {  	s12 =	simm.s32 $0xA50;
	[smem:$0x798] =	sst s11  }
0x3f: {  	s13 =	simm.s32 $0xAF0;
	[smem:$0x799] =	sst s12  }
0x40: {  	s14 =	simm.s32 $0xB90;
	[smem:$0x79A] =	sst s13  }
0x41: {  	s15 =	simm.s32 $0xC30;
	[smem:$0x79B] =	sst s14  }
0x42: {  	s16 =	simm.s32 $0xCD0;
	[smem:$0x79C] =	sst s15  }
0x43: {  	s17 =	simm.s32 $0xD70;
	[smem:$0x79D] =	sst s16  }
0x44: {  	s18 =	simm.s32 $0xE10;
	[smem:$0x79E] =	sst s17  }
0x45: {  	s19 =	simm.s32 $0xEB0;
	[smem:$0x79F] =	sst s18  }
0x46: {  	s20 =	simm.s32 $0xF50;
	[smem:$0x7A0] =	sst s19  }
0x47: {  	s21 =	simm.s32 $0xFF0;
	[smem:$0x7A1] =	sst s20  }
0x48: {  	s22 =	simm.s32 $0x1090;
	[smem:$0x7A2] =	sst s21  }
0x49: {  	s23 =	simm.s32 $0x1130;
	[smem:$0x7A3] =	sst s22  }
0x4a: {  	s24 =	simm.s32 $0x11D0;
	[smem:$0x7A4] =	sst s23  }
0x4b: {  	s25 =	simm.s32 $0x1270;
	[smem:$0x7A5] =	sst s24  }
0x4c: {  	s26 =	simm.s32 $0x1310;
	[smem:$0x7A6] =	sst s25  }
0x4d: {  	s28 =	simm.s32 $0x13B0;
	[smem:$0x7A7] =	sst s26  }
0x4e: {  	[smem:$0x7A9] =	sst s28;
	s31 =	sadd.s32 $0x800, s0  }
0x4f: {  	s30 =	simm.s32 $0x1450;
	[smem:$0x7AA] =	sst s31  }
0x50: {  	s5 =	sadd.s32 $0x31800, s0;
	[smem:$0x7AB] =	sst s30  }
0x51: {  	s6 =	simm.s32 $0x1590;
	[smem:$0x7AC] =	sst s5  }
0x52: {  	s7 =	simm.s32 $0x1630;
	[smem:$0x7AE] =	sst s6  }
0x53: {  	s9 =	simm.s32 $0x16D0;
	[smem:$0x7AF] =	sst s7  }
0x54: {  	s11 =	sadd.s32 $0x14240, s0;
	[smem:$0x7B0] =	sst s9  }
0x55: {  	s10 =	simm.s32 $0x1770;
	[smem:$0x7B1] =	sst s11  }
0x56: {  	s13 =	sadd.s32 $0x1DE80, s0;
	[smem:$0x7B2] =	sst s10  }
0x57: {  	s12 =	simm.s32 $0x1810;
	[smem:$0x7B3] =	sst s13  }
0x58: {  	s15 =	sadd.s32 $0x27AC0, s0;
	[smem:$0x7B4] =	sst s12  }
0x59: {  	s14 =	simm.s32 $0x18B0;
	[smem:$0x7B5] =	sst s15  }
0x5a: {  	s17 =	sadd.s32 $0x3B440, s0;
	[smem:$0x7B6] =	sst s14  }
0x5b: {  	s16 =	simm.s32 $0x1950;
	[smem:$0x7B7] =	sst s17  }
0x5c: {  	s19 =	sadd.s32 $0x45080, s0;
	[smem:$0x7B8] =	sst s16  }
0x5d: {  	s18 =	simm.s32 $0x19F0;
	[smem:$0x7B9] =	sst s19  }
0x5e: {  	s21 =	sadd.s32 $0x4ECC0, s0;
	[smem:$0x7BA] =	sst s18  }
0x5f: {  	s20 =	simm.s32 $0x1A90;
	[smem:$0x7BB] =	sst s21  }
0x60: {  	s23 =	sadd.s32 $0x58900, s0;
	[smem:$0x7BC] =	sst s20  }
0x61: {  	s2 =	stileid.u32;
	s22 =	simm.s32 $0x1B30;
	[smem:$0x7BD] =	sst s23  }
0x62: {  	s2 =	sshll.u32 s2, $0x1;
	s25 =	sadd.s32 $0x62540, s0;
	[smem:$0x7BE] =	sst s22  }
0x63: {  	s2 =	sor.u32 s1, s2;
	s24 =	simm.s32 $0x1BD0;
	[smem:$0x7BF] =	sst s25  }
0x64: {  	s2 =	smul.u32 $0x14, s2;
	s28 =	sadd.s32 $0x6C180, s0;
	[smem:$0x7C0] =	sst s24  }
0x65: {  	s26 =	simm.s32 $0x1C70;
	[smem:$0x7C1] =	sst s28  }
0x66: {  	s29 =	sadd.s32 s0, s2;
	[smem:$0x7C2] =	sst s26  }
0x67: {  	s2 =	sadd.s32 s3, s2;
	[smem:$0x770] =	sst s29  }
0x68: {  	s3 =	simm.s32 $0x320;
	[dreg:$0x4] =	wrdreg s2  }
0x69: {  	s30 =	sadd.s32 $0x75DC0, s0;
	[dreg:$0x7] =	wrdreg s3  }
0x6a: {  	s31 =	simm.s32 $0x1DB0;
	[smem:$0x7C3] =	sst s30  }
0x6b: {  	s1 =	ssub.s32 $0x2, s1;
	s6 =	sadd.s32 $0x89640, s0;
	[smem:$0x7C6] =	sst s31  }
0x6c: {  	s8 =	sshrl.u32 s1, $0x1;
	s5 =	simm.s32 $0x1E50;
	[smem:$0x7C7] =	sst s6  }
0x6d: {  	s1 =	ssub.s32 s1, s8;
	s8 =	sadd.s32 $0x93280, s0;
	[smem:$0x7C8] =	sst s5  }
0x6e: {  	s7 =	simm.s32 $0x1EF0;
	[smem:$0x7C9] =	sst s8  }
0x6f: {  	s10 =	sadd.s32 $0x9CEC0, s0;
	[smem:$0x7CA] =	sst s7  }
0x70: {  	s9 =	simm.s32 $0x1F90;
	[smem:$0x7CB] =	sst s10  }
0x71: {  	s12 =	sadd.s32 $0xA6B00, s0;
	[smem:$0x7CC] =	sst s9  }
0x72: {  	s13 =	sadd.s32 $0xB0740, s0;
	[smem:$0x7CD] =	sst s12  }
0x73: {  	s11 =	simm.s32 $0x2030;
	[smem:$0x7CE] =	sst s13  }
0x74: {  	s14 =	sadd.s32 $0xBA380, s0;
	[smem:$0x7CF] =	sst s11  }
0x75: {  	s15 =	sadd.s32 $0x108580, s0;
	[smem:$0x7D0] =	sst s14  }
0x76: {  	s16 =	simm.s32 $0x20D0;
	[smem:$0x7D1] =	sst s15  }
0x77: {  	s17 =	sadd.s32 $0x1121C0, s0;
	[smem:$0x7D2] =	sst s16  }
0x78: {  	s18 =	sadd.s32 $0x11BE00, s0;
	[smem:$0x7D3] =	sst s17  }
0x79: {  	s19 =	sadd.s32 $0xC3FC0, s0;
	[smem:$0x7D4] =	sst s18  }
0x7a: {  	s20 =	sadd.s32 $0x125A40, s0;
	[smem:$0x7D5] =	sst s19  }
0x7b: {  	s21 =	simm.s32 $0x2170;
	[smem:$0x7D6] =	sst s20  }
0x7c: {  	s22 =	sadd.s32 $0x12F680, s0;
	[smem:$0x7D7] =	sst s21  }
0x7d: {  	s23 =	sadd.s32 $0x1392C0, s0;
	[smem:$0x7D8] =	sst s22  }
0x7e: {  	s24 =	sadd.s32 $0xCDC00, s0;
	[smem:$0x7D9] =	sst s23  }
0x7f: {  	s25 =	sadd.s32 $0x142F00, s0;
	[smem:$0x7DA] =	sst s24  }
0x80: {  	s26 =	simm.s32 $0x2210;
	[smem:$0x7DB] =	sst s25  }
0x81: {  	s28 =	sadd.s32 $0x14CB40, s0;
	[smem:$0x7DC] =	sst s26  }
0x82: {  	s4 =	sadd.s32 $0x400, s29;
	[smem:$0x7DD] =	sst s28  }
0x83: {  	s29 =	simm.s32 $0x1360;
	[dreg:$0x3] =	wrdreg s4  }
0x84: {  	s3 =	simm.s32 $0x15E0;
	[smem:$0x771] =	sst s29  }
0x85: {  	s30 =	sadd.s32 $0xD7840, s0;
	[smem:$0x774] =	sst s3  }
0x86: {  	s31 =	sadd.s32 $0x1603C0, s0;
	[smem:$0x7DF] =	sst s30  }
0x87: {  	s5 =	sadd.s32 $0x17D880, s0;
	[smem:$0x7E0] =	sst s31  }
0x88: {  	s6 =	sadd.s32 $0xE1480, s0;
	[smem:$0x7E3] =	sst s5  }
0x89: {  	s7 =	sadd.s32 $0x1874C0, s0;
	[smem:$0x7E4] =	sst s6  }
0x8a: {  	s8 =	simm.s32 $0x2350;
	[smem:$0x7E5] =	sst s7  }
0x8b: {  	s9 =	sadd.s32 $0x191100, s0;
	[smem:$0x7E6] =	sst s8  }
0x8c: {  	s10 =	sadd.s32 $0x19AD40, s0;
	[smem:$0x7E7] =	sst s9  }
0x8d: {  	s11 =	sadd.s32 $0xEB0C0, s0;
	[smem:$0x7E8] =	sst s10  }
0x8e: {  	s12 =	sadd.s32 $0x1A4980, s0;
	[smem:$0x7E9] =	sst s11  }
0x8f: {  	s13 =	simm.s32 $0x23F0;
	[smem:$0x7EA] =	sst s12  }
0x90: {  	s14 =	sadd.s32 $0x1AE5C0, s0;
	[smem:$0x7EB] =	sst s13  }
0x91: {  	s15 =	sadd.s32 $0x1B8200, s0;
	[smem:$0x7EC] =	sst s14  }
0x92: {  	s16 =	sadd.s32 $0xF4D00, s0;
	[smem:$0x7ED] =	sst s15  }
0x93: {  	s17 =	sadd.s32 $0x1C1E40, s0;
	[smem:$0x7EE] =	sst s16  }
0x94: {  	s18 =	simm.s32 $0x2490;
	[smem:$0x7EF] =	sst s17  }
0x95: {  	s19 =	sadd.s32 $0x1CBA80, s0;
	[smem:$0x7F0] =	sst s18  }
0x96: {  	s20 =	sadd.s32 $0x1D56C0, s0;
	[smem:$0x7F1] =	sst s19  }
0x97: {  	s21 =	sadd.s32 $0xFE940, s0;
	[smem:$0x7F2] =	sst s20  }
0x98: {  	s22 =	sadd.s32 $0x1DF300, s0;
	[smem:$0x7F3] =	sst s21  }
0x99: {  	s23 =	simm.s32 $0x2530;
	[smem:$0x7F4] =	sst s22  }
0x9a: {  	s24 =	sadd.s32 $0x1E8F40, s0;
	[smem:$0x7F5] =	sst s23  }
0x9b: {  	s25 =	sadd.s32 $0x1F2B80, s0;
	[smem:$0x7F6] =	sst s24  }
0x9c: {  	s26 =	sadd.s32 $0x16A000, s0;
	[smem:$0x7F7] =	sst s25  }
0x9d: {  	s28 =	sadd.s32 $0x1FC7C0, s0;
	[smem:$0x7F8] =	sst s26  }
0x9e: {  	s4 =	simm.s32 $0x3C0;
	[smem:$0x7F9] =	sst s28  }
0x9f: {  	s29 =	simm.s32 $0x550;
	[dreg:$0x8] =	wrdreg s4  }
0xa0: {  	s3 =	simm.s32 $0x410;
	[smem:$0x78D] =	sst s29  }
0xa1: {  	s30 =	sadd.s32 $0x206400, s0;
	[smem:$0x790] =	sst s3  }
0xa2: {  	s31 =	sadd.s32 $0x210040, s0;
	[smem:$0x7FB] =	sst s30  }
0xa3: {  	s4 =	simm.s32 $0x1680;
	[smem:$0x7FC] =	sst s31  }
0xa4: {  	s29 =	sadd.s32 $0xA600, s0;
	[smem:$0x775] =	sst s4  }
0xa5: {  	s3 =	simm.s32 $0x22B0;
	[smem:$0x7A8] =	sst s29  }
0xa6: {  	s4 =	simm.s32 $0x4B0;
	[smem:$0x7E1] =	sst s3  }
0xa7: {  	s29 =	simm.s32 $0x1D10;
	[smem:$0x791] =	sst s4  }
0xa8: {  	s4 =	simm.s32 $0x14F0;
	[smem:$0x7C4] =	sst s29  }
0xa9: {  	s29 =	sadd.s32 $0x156780, s0;
	[smem:$0x7AD] =	sst s4  }
0xaa: {  	s4 =	sadd.s32 $0x7FA00, s0;
	[smem:$0x7DE] =	sst s29  }
0xab: {  	s2 =	simm.s32 $0x190;
	s29 =	simm.s32 $0x1E0;
	[smem:$0x7C5] =	sst s4  }
0xac: {  	s8 =	simm.s32 $0x140;
	s4 =	sadd.s32 $0x173C40, s0;
	[smem:$0x7FA] =	sst s29  }
0xad: {  	s3 =	simm.s32 $0x1;
	s0 =	sadd.s32 $0x219C80, s0;
	[smem:$0x7E2] =	sst s4  }
0xae: {  	[smem:$0x7FD] =	sst s0;
	s4 =	smax.u32 s1, $0x1;
	s1 =	simm.s32 $0x50  }
.LBB2_1:
0xaf: {  	[smem:$0x76F] =	sst s4  }
0xb0: {  	s10 =	rddreg [dreg:$0x3];
	s5 =	simm.s32 $0x0;
	s6 =	simm.s32 $0x2  }
0xb1: {  	[tilespmem:s5], [sflag:$0x2] =	stream.linear.gather [hbm4b:s10+s5], $0xA0, $0x38;
	[tilespmem:$0x2580] =	vst v63  }
0xb2: {  	_ =	swait.ge [sflag:s6], $0xA0  }
0xb3: {  	s11 =	sld [smem:$0x770]  }
0xb4: {  	[sflag:s6] =	ssyncset.done $0x0  }
0xb5: {  	s7 =	simm.s32 $0xA0;
	[sflag:s6] =	ssyncadd.s32 $0xFFFFFF60  }
0xb6: {  	[tilespmem:s7], [sflag:$0x2] =	stream.linear.gather [hbm4b:s11+s5], $0xA0, $0x38;
	[tilespmem:$0x2580] =	vst v63  }
0xb7: {  	_ =	swait.ge [sflag:s6], $0xA0  }
0xb8: {  	[sflag:s6] =	ssyncset.done $0x0  }
0xb9: {  	[sflag:s6] =	ssyncadd.s32 $0xFFFFFF60  }
0xba: {  	v0 =	vld [tilespmem:$0x0]  }
0xbb: {  	v1 =	vld [tilespmem:$0xA0]  }
0xbc: {  	v2 =	vld [tilespmem:$0x10]  }
0xbd: {  	v3 =	vld [tilespmem:$0xB0]  }
0xbe: {  	v4 =	vld [tilespmem:$0x20]  }
0xbf: {  	v6 =	vld [tilespmem:$0xC0]  }
0xc0: {  	v7 =	vld [tilespmem:$0x30]  }
0xc1: {  	v51 =	vld [tilespmem:$0x80]  }
0xc2: {  	v8 =	vld [tilespmem:$0xD0];
	v5 =	vmul.u32 $0x4E20, v0;
	v0 =	vcvt.s32.f32 v0  }
0xc3: {  	v33 =	vld [tilespmem:$0x40];
	v32 =	vmul.u32 $0x4E20, v2;
	v2 =	vcvt.s32.f32 v2  }
0xc4: {  	v36 =	vld [tilespmem:$0xE0];
	v39 =	vcvt.s32.f32 v4;
	[tilespmem:$0x1E0] =	vst v0  }
0xc5: {  	v37 =	vld [tilespmem:$0x50];
	v44 =	vcvt.s32.f32 v7;
	[tilespmem:$0x1F0] =	vst v2  }
0xc6: {  	v41 =	vld [tilespmem:$0xF0];
	v62 =	vcvt.s32.f32 v51;
	[tilespmem:$0x200] =	vst v39  }
0xc7: {  	v42 =	vld [tilespmem:$0x60];
	[tilespmem:$0x210] =	vst v44  }
0xc8: {  	s12 =	rddreg [dreg:$0x5];
	v47 =	vld [tilespmem:$0x70];
	v35 =	vmul.u32 $0x4E20, v4;
	v1 =	vadd.s32 v1, v5;
	[tilespmem:$0x260] =	vst v62  }
0xc9: {  	s13 =	rddreg [dreg:$0x6];
	v46 =	vld [tilespmem:$0x100];
	v40 =	vmul.u32 $0x4E20, v7;
	v34 =	vadd.s32 v3, v32;
	[tilespmem:$0x140] =	vst v1  }
0xca: {  	s7 =	sld [smem:$0x7AA];
	v50 =	vld [tilespmem:$0x110];
	v45 =	vmul.u32 $0x4E20, v33;
	v38 =	vadd.s32 v6, v35;
	[tilespmem:$0x150] =	vst v34  }
0xcb: {  	s14 =	rddreg [dreg:$0x7];
	v54 =	vld [tilespmem:$0x120];
	v49 =	vmul.u32 $0x4E20, v37;
	v43 =	vadd.s32 v8, v40;
	[tilespmem:$0x160] =	vst v38  }
0xcc: {  	s15 =	rddreg [dreg:$0x8];
	v53 =	vmul.u32 $0x4E20, v42;
	v48 =	vadd.s32 v36, v45;
	[tilespmem:$0x170] =	vst v43  }
0xcd: {  	s9 =	sld [smem:$0x7B1];
	v57 =	vmul.u32 $0x4E20, v47;
	v52 =	vadd.s32 v41, v49;
	[tilespmem:$0x180] =	vst v48  }
0xce: {  	s16 =	rddreg [dreg:$0x9];
	v55 =	vld [tilespmem:$0x90];
	v60 =	vmul.u32 $0x4E20, v51;
	v56 =	vadd.s32 v46, v53;
	[tilespmem:$0x190] =	vst v52  }
0xcf: {  	s10 =	sld [smem:$0x7B3];
	v59 =	vadd.s32 v50, v57;
	[tilespmem:$0x1A0] =	vst v56  }
0xd0: {  	s17 =	rddreg [dreg:$0xa];
	v58 =	vld [tilespmem:$0x130];
	v0 =	vcvt.s32.f32 v37;
	v61 =	vadd.s32 v54, v60;
	[tilespmem:$0x1B0] =	vst v59  }
0xd1: {  	s11 =	sld [smem:$0x7B5];
	v2 =	vcvt.s32.f32 v42;
	[tilespmem:$0x1C0] =	vst v61  }
0xd2: {  	s18 =	rddreg [dreg:$0xb];
	v3 =	vcvt.s32.f32 v47;
	[tilespmem:$0x230] =	vst v0  }
0xd3: {  	s0 =	sld [smem:$0x7AC];
	v63 =	vmul.u32 $0x4E20, v55;
	v1 =	vcvt.s32.f32 v33;
	[tilespmem:$0x240] =	vst v2  }
0xd4: {  	s19 =	rddreg [dreg:$0xc];
	[tilespmem:$0x250] =	vst v3  }
0xd5: {  	s20 =	rddreg [dreg:$0xd];
	v0 =	vadd.s32 v58, v63;
	[tilespmem:$0x220] =	vst v1;
	v1 =	vcvt.s32.f32 v55  }
0xd6: {  	s21 =	rddreg [dreg:$0xe];
	[tilespmem:$0x1D0] =	vst v0  }
0xd7: {  	s6 =	sld [smem:$0x7A8];
	[tilespmem:$0x270] =	vst v1  }
0xd8: {  	[tilespmem:s12], [sflag:$0x1] =	stream.indirect.gather [hbm4b:s7+s1], $0x1, s8, s1, $0xb8;
	[tilespmem:$0x2580] =	vst v63  }
0xd9: {  	s22 =	rddreg [dreg:$0xf]  }
0xda: {  	[tilespmem:s13], [sflag:$0x1] =	stream.indirect.gather [hbm4b:s6+s1], $0x1, s8, s1, $0xb8;
	[tilespmem:$0x2580] =	vst v63  }
0xdb: {  	s23 =	rddreg [dreg:$0x10]  }
0xdc: {  	[tilespmem:s14], [sflag:$0x1] =	stream.indirect.gather [hbm4b:s9+s1], $0x1, s8, s1, $0xb8;
	[tilespmem:$0x2580] =	vst v63  }
0xdd: {  	s24 =	rddreg [dreg:$0x11]  }
0xde: {  	[tilespmem:s15], [sflag:$0x1] =	stream.indirect.gather [hbm4b:s10+s1], $0x1, s8, s1, $0xb8;
	[tilespmem:$0x2580] =	vst v63  }
0xdf: {  	s25 =	rddreg [dreg:$0x12]  }
0xe0: {  	[tilespmem:s16], [sflag:$0x1] =	stream.indirect.gather [hbm4b:s11+s1], $0x1, s8, s1, $0xb8;
	[tilespmem:$0x2580] =	vst v63  }
0xe1: {  	s12 =	sld [smem:$0x7B7]  }
0xe2: {  	[tilespmem:s17], [sflag:$0x1] =	stream.indirect.gather [hbm4b:s0+s1], $0x1, s8, s1, $0xb8;
	[tilespmem:$0x2580] =	vst v63  }
0xe3: {  	s13 =	sld [smem:$0x7B9]  }
0xe4: {  	[tilespmem:s18], [sflag:$0x1] =	stream.indirect.gather [hbm4b:s12+s1], $0x1, s8, s1, $0xb8;
	[tilespmem:$0x2580] =	vst v63  }
0xe5: {  	s14 =	sld [smem:$0x7BB]  }
0xe6: {  	[tilespmem:s19], [sflag:$0x1] =	stream.indirect.gather [hbm4b:s13+s1], $0x1, s8, s1, $0xb8;
	[tilespmem:$0x2580] =	vst v63  }
0xe7: {  	s15 =	sld [smem:$0x7BD]  }
0xe8: {  	[tilespmem:s20], [sflag:$0x1] =	stream.indirect.gather [hbm4b:s14+s1], $0x1, s8, s1, $0xb8;
	[tilespmem:$0x2580] =	vst v63  }
0xe9: {  	s16 =	sld [smem:$0x7BF]  }
0xea: {  	[tilespmem:s21], [sflag:$0x1] =	stream.indirect.gather [hbm4b:s15+s1], $0x1, s8, s1, $0xb8;
	[tilespmem:$0x2580] =	vst v63  }
0xeb: {  	s17 =	sld [smem:$0x7C1]  }
0xec: {  	[tilespmem:s22], [sflag:$0x1] =	stream.indirect.gather [hbm4b:s16+s1], $0x1, s8, s1, $0xb8;
	[tilespmem:$0x2580] =	vst v63  }
0xed: {  	s18 =	sld [smem:$0x7C3]  }
0xee: {  	[tilespmem:s23], [sflag:$0x1] =	stream.indirect.gather [hbm4b:s17+s1], $0x1, s8, s1, $0xb8;
	[tilespmem:$0x2580] =	vst v63  }
0xef: {  	s26 =	rddreg [dreg:$0x13]  }
0xf0: {  	[tilespmem:s24], [sflag:$0x1] =	stream.indirect.gather [hbm4b:s18+s1], $0x1, s8, s1, $0xb8;
	[tilespmem:$0x2580] =	vst v63  }
0xf1: {  	s19 =	sld [smem:$0x7C5]  }
0xf2: {  	s28 =	rddreg [dreg:$0x14]  }
0xf3: {  	s29 =	rddreg [dreg:$0x15]  }
0xf4: {  	s30 =	rddreg [dreg:$0x16]  }
0xf5: {  	s31 =	rddreg [dreg:$0x17]  }
0xf6: {  	s0 =	rddreg [dreg:$0x18]  }
0xf7: {  	s20 =	sld [smem:$0x7C7]  }
0xf8: {  	[tilespmem:s25], [sflag:$0x1] =	stream.indirect.gather [hbm4b:s19+s1], $0x1, s8, s1, $0xb8;
	[tilespmem:$0x2580] =	vst v63  }
0xf9: {  	s21 =	sld [smem:$0x7C9]  }
0xfa: {  	[tilespmem:s26], [sflag:$0x1] =	stream.indirect.gather [hbm4b:s20+s1], $0x1, s8, s1, $0xb8;
	[tilespmem:$0x2580] =	vst v63  }
0xfb: {  	s22 =	sld [smem:$0x7CB]  }
0xfc: {  	[tilespmem:s28], [sflag:$0x1] =	stream.indirect.gather [hbm4b:s21+s1], $0x1, s8, s1, $0xb8;
	[tilespmem:$0x2580] =	vst v63  }
0xfd: {  	s23 =	sld [smem:$0x7CD]  }
0xfe: {  	[tilespmem:s29], [sflag:$0x1] =	stream.indirect.gather [hbm4b:s22+s1], $0x1, s8, s1, $0xb8;
	[tilespmem:$0x2580] =	vst v63  }
0xff: {  	s24 =	sld [smem:$0x7CE]  }
0x100: {  	[tilespmem:s30], [sflag:$0x1] =	stream.indirect.gather [hbm4b:s23+s1], $0x1, s8, s1, $0xb8;
	[tilespmem:$0x2580] =	vst v63  }
0x101: {  	s25 =	sld [smem:$0x7D0]  }
0x102: {  	[tilespmem:s31], [sflag:$0x1] =	stream.indirect.gather [hbm4b:s24+s1], $0x1, s8, s1, $0xb8;
	[tilespmem:$0x2580] =	vst v63  }
0x103: {  	s31 =	sld [smem:$0x7D5]  }
0x104: {  	[tilespmem:s0], [sflag:$0x1] =	stream.indirect.gather [hbm4b:s25+s1], $0x1, s8, s1, $0xb8;
	[tilespmem:$0x2580] =	vst v63  }
0x105: {  	s26 =	rddreg [dreg:$0x19]  }
0x106: {  	[tilespmem:s26], [sflag:$0x1] =	stream.indirect.gather [hbm4b:s31+s1], $0x1, s8, s1, $0xb8;
	[tilespmem:$0x2580] =	vst v63  }
0x107: {  	s26 =	sld [smem:$0x7DA];
	_ =	sdelay $0x1  }
0x108: {  	s28 =	rddreg [dreg:$0x1a]  }
0x109: {  	[tilespmem:s28], [sflag:$0x1] =	stream.indirect.gather [hbm4b:s26+s1], $0x1, s8, s1, $0xb8;
	[tilespmem:$0x2580] =	vst v63  }
0x10a: {  	s28 =	sld [smem:$0x7DF];
	_ =	sdelay $0x1  }
0x10b: {  	s29 =	rddreg [dreg:$0x1b]  }
0x10c: {  	[tilespmem:s29], [sflag:$0x1] =	stream.indirect.gather [hbm4b:s28+s1], $0x1, s8, s1, $0xb8;
	[tilespmem:$0x2580] =	vst v63  }
0x10d: {  	s29 =	sld [smem:$0x7E4];
	_ =	sdelay $0x1  }
0x10e: {  	s30 =	rddreg [dreg:$0x1c]  }
0x10f: {  	[tilespmem:s30], [sflag:$0x1] =	stream.indirect.gather [hbm4b:s29+s1], $0x1, s8, s1, $0xb8;
	[tilespmem:$0x2580] =	vst v63  }
0x110: {  	s30 =	sld [smem:$0x7E9];
	_ =	sdelay $0x1  }
0x111: {  	s0 =	rddreg [dreg:$0x1d]  }
0x112: {  	[tilespmem:s0], [sflag:$0x1] =	stream.indirect.gather [hbm4b:s30+s1], $0x1, s8, s1, $0xb8;
	[tilespmem:$0x2580] =	vst v63  }
0x113: {  	s0 =	sld [smem:$0x7EE];
	_ =	sdelay $0x1  }
0x114: {  	s5 =	rddreg [dreg:$0x1e]  }
0x115: {  	[tilespmem:s5], [sflag:$0x1] =	stream.indirect.gather [hbm4b:s0+s1], $0x1, s8, s1, $0xb8;
	[tilespmem:$0x2580] =	vst v63  }
0x116: {  	s0 =	sld [smem:$0x7F3]  }
0x117: {  	s4 =	rddreg [dreg:$0x1f]  }
0x118: {  	s5 =	sld [smem:$0x771]  }
0x119: {  	[tilespmem:s4], [sflag:$0x1] =	stream.indirect.gather [hbm4b:s0+s1], $0x1, s8, s1, $0xb8;
	[tilespmem:$0x2580] =	vst v63  }
0x11a: {  	s4 =	sld [smem:$0x7D1];
	_ =	sdelay $0x1  }
0x11b: {  	s0 =	sld [smem:$0x7D3]  }
0x11c: {  	[tilespmem:s5], [sflag:$0x1] =	stream.indirect.gather [hbm4b:s4+s1], $0x1, s8, s1, $0xb8;
	[tilespmem:$0x2580] =	vst v63  }
0x11d: {  	s4 =	sld [smem:$0x772];
	s5 =	simm.s32 $0x1400  }
0x11e: {  	[tilespmem:s5], [sflag:$0x1] =	stream.indirect.gather [hbm4b:s0+s1], $0x1, s8, s1, $0xb8;
	[tilespmem:$0x2580] =	vst v63  }
0x11f: {  	s0 =	sld [smem:$0x7D4];
	_ =	sdelay $0x1  }
0x120: {  	s5 =	sld [smem:$0x773]  }
0x121: {  	[tilespmem:s4], [sflag:$0x1] =	stream.indirect.gather [hbm4b:s0+s1], $0x1, s8, s1, $0xb8;
	[tilespmem:$0x2580] =	vst v63  }
0x122: {  	s0 =	sld [smem:$0x7D6];
	_ =	sdelay $0x1  }
0x123: {  	s4 =	sld [smem:$0x774]  }
0x124: {  	[tilespmem:s5], [sflag:$0x1] =	stream.indirect.gather [hbm4b:s0+s1], $0x1, s8, s1, $0xb8;
	[tilespmem:$0x2580] =	vst v63  }
0x125: {  	s0 =	sld [smem:$0x7D8];
	_ =	sdelay $0x1  }
0x126: {  	s5 =	sld [smem:$0x775]  }
0x127: {  	[tilespmem:s4], [sflag:$0x1] =	stream.indirect.gather [hbm4b:s0+s1], $0x1, s8, s1, $0xb8;
	[tilespmem:$0x2580] =	vst v63  }
0x128: {  	s0 =	sld [smem:$0x7D9];
	_ =	sdelay $0x1  }
0x129: {  	s4 =	sld [smem:$0x776]  }
0x12a: {  	[tilespmem:s5], [sflag:$0x1] =	stream.indirect.gather [hbm4b:s0+s1], $0x1, s8, s1, $0xb8;
	[tilespmem:$0x2580] =	vst v63  }
0x12b: {  	s0 =	sld [smem:$0x7DB];
	_ =	sdelay $0x1  }
0x12c: {  	s5 =	sld [smem:$0x777]  }
0x12d: {  	[tilespmem:s4], [sflag:$0x1] =	stream.indirect.gather [hbm4b:s0+s1], $0x1, s8, s1, $0xb8;
	[tilespmem:$0x2580] =	vst v63  }
0x12e: {  	s0 =	sld [smem:$0x7DD];
	_ =	sdelay $0x1  }
0x12f: {  	s4 =	sld [smem:$0x778]  }
0x130: {  	[tilespmem:s5], [sflag:$0x1] =	stream.indirect.gather [hbm4b:s0+s1], $0x1, s8, s1, $0xb8;
	[tilespmem:$0x2580] =	vst v63  }
0x131: {  	s0 =	sld [smem:$0x7DE];
	_ =	sdelay $0x1  }
0x132: {  	s5 =	sld [smem:$0x779]  }
0x133: {  	[tilespmem:s4], [sflag:$0x1] =	stream.indirect.gather [hbm4b:s0+s1], $0x1, s8, s1, $0xb8;
	[tilespmem:$0x2580] =	vst v63  }
0x134: {  	s0 =	sld [smem:$0x7E0];
	_ =	sdelay $0x1  }
0x135: {  	s4 =	sld [smem:$0x77A]  }
0x136: {  	[tilespmem:s5], [sflag:$0x1] =	stream.indirect.gather [hbm4b:s0+s1], $0x1, s8, s1, $0xb8;
	[tilespmem:$0x2580] =	vst v63  }
0x137: {  	s0 =	sld [smem:$0x7F8];
	_ =	sdelay $0x1  }
0x138: {  	s5 =	sld [smem:$0x77B]  }
0x139: {  	[tilespmem:s4], [sflag:$0x1] =	stream.indirect.gather [hbm4b:s0+s1], $0x1, s8, s1, $0xb8;
	[tilespmem:$0x2580] =	vst v63  }
0x13a: {  	s0 =	sld [smem:$0x7E2];
	_ =	sdelay $0x1  }
0x13b: {  	s4 =	sld [smem:$0x77C]  }
0x13c: {  	[tilespmem:s5], [sflag:$0x1] =	stream.indirect.gather [hbm4b:s0+s1], $0x1, s8, s1, $0xb8;
	[tilespmem:$0x2580] =	vst v63  }
0x13d: {  	s0 =	sld [smem:$0x7E3];
	_ =	sdelay $0x1  }
0x13e: {  	s5 =	sld [smem:$0x77D]  }
0x13f: {  	[tilespmem:s4], [sflag:$0x1] =	stream.indirect.gather [hbm4b:s0+s1], $0x1, s8, s1, $0xb8;
	[tilespmem:$0x2580] =	vst v63  }
0x140: {  	s0 =	sld [smem:$0x7E5];
	_ =	sdelay $0x1  }
0x141: {  	s4 =	sld [smem:$0x77E]  }
0x142: {  	[tilespmem:s5], [sflag:$0x1] =	stream.indirect.gather [hbm4b:s0+s1], $0x1, s8, s1, $0xb8;
	[tilespmem:$0x2580] =	vst v63  }
0x143: {  	s0 =	sld [smem:$0x7E7];
	_ =	sdelay $0x1  }
0x144: {  	s5 =	sld [smem:$0x77F]  }
0x145: {  	[tilespmem:s4], [sflag:$0x1] =	stream.indirect.gather [hbm4b:s0+s1], $0x1, s8, s1, $0xb8;
	[tilespmem:$0x2580] =	vst v63  }
0x146: {  	s0 =	sld [smem:$0x7E8];
	_ =	sdelay $0x1  }
0x147: {  	s4 =	sld [smem:$0x780]  }
0x148: {  	[tilespmem:s5], [sflag:$0x1] =	stream.indirect.gather [hbm4b:s0+s1], $0x1, s8, s1, $0xb8;
	[tilespmem:$0x2580] =	vst v63  }
0x149: {  	s0 =	sld [smem:$0x7EA];
	_ =	sdelay $0x1  }
0x14a: {  	s5 =	sld [smem:$0x781]  }
0x14b: {  	[tilespmem:s4], [sflag:$0x1] =	stream.indirect.gather [hbm4b:s0+s1], $0x1, s8, s1, $0xb8;
	[tilespmem:$0x2580] =	vst v63  }
0x14c: {  	s0 =	sld [smem:$0x7EC];
	_ =	sdelay $0x1  }
0x14d: {  	s4 =	sld [smem:$0x782]  }
0x14e: {  	[tilespmem:s5], [sflag:$0x1] =	stream.indirect.gather [hbm4b:s0+s1], $0x1, s8, s1, $0xb8;
	[tilespmem:$0x2580] =	vst v63  }
0x14f: {  	s0 =	sld [smem:$0x7ED];
	_ =	sdelay $0x1  }
0x150: {  	s5 =	sld [smem:$0x783]  }
0x151: {  	[tilespmem:s4], [sflag:$0x1] =	stream.indirect.gather [hbm4b:s0+s1], $0x1, s8, s1, $0xb8;
	[tilespmem:$0x2580] =	vst v63  }
0x152: {  	s0 =	sld [smem:$0x7EF];
	_ =	sdelay $0x1  }
0x153: {  	s4 =	sld [smem:$0x784]  }
0x154: {  	[tilespmem:s5], [sflag:$0x1] =	stream.indirect.gather [hbm4b:s0+s1], $0x1, s8, s1, $0xb8;
	[tilespmem:$0x2580] =	vst v63  }
0x155: {  	s0 =	sld [smem:$0x7F1];
	_ =	sdelay $0x1  }
0x156: {  	s5 =	sld [smem:$0x785]  }
0x157: {  	[tilespmem:s4], [sflag:$0x1] =	stream.indirect.gather [hbm4b:s0+s1], $0x1, s8, s1, $0xb8;
	[tilespmem:$0x2580] =	vst v63  }
0x158: {  	s0 =	sld [smem:$0x7F2];
	_ =	sdelay $0x1  }
0x159: {  	s4 =	sld [smem:$0x786]  }
0x15a: {  	[tilespmem:s5], [sflag:$0x1] =	stream.indirect.gather [hbm4b:s0+s1], $0x1, s8, s1, $0xb8;
	[tilespmem:$0x2580] =	vst v63  }
0x15b: {  	s0 =	sld [smem:$0x7F4];
	_ =	sdelay $0x1  }
0x15c: {  	s5 =	sld [smem:$0x787]  }
0x15d: {  	[tilespmem:s4], [sflag:$0x1] =	stream.indirect.gather [hbm4b:s0+s1], $0x1, s8, s1, $0xb8;
	[tilespmem:$0x2580] =	vst v63  }
0x15e: {  	s0 =	sld [smem:$0x7F6];
	_ =	sdelay $0x1  }
0x15f: {  	s4 =	sld [smem:$0x788]  }
0x160: {  	[tilespmem:s5], [sflag:$0x1] =	stream.indirect.gather [hbm4b:s0+s1], $0x1, s8, s1, $0xb8;
	[tilespmem:$0x2580] =	vst v63  }
0x161: {  	s0 =	sld [smem:$0x7F7];
	_ =	sdelay $0x1  }
0x162: {  	s5 =	sld [smem:$0x789]  }
0x163: {  	[tilespmem:s4], [sflag:$0x1] =	stream.indirect.gather [hbm4b:s0+s1], $0x1, s8, s1, $0xb8;
	[tilespmem:$0x2580] =	vst v63  }
0x164: {  	s0 =	sld [smem:$0x7F9];
	_ =	sdelay $0x1  }
0x165: {  	s4 =	sld [smem:$0x78A]  }
0x166: {  	[tilespmem:s5], [sflag:$0x1] =	stream.indirect.gather [hbm4b:s0+s1], $0x1, s8, s1, $0xb8;
	[tilespmem:$0x2580] =	vst v63  }
0x167: {  	s0 =	sld [smem:$0x7FB];
	_ =	sdelay $0x1  }
0x168: {  	s5 =	sld [smem:$0x78B]  }
0x169: {  	[tilespmem:s4], [sflag:$0x1] =	stream.indirect.gather [hbm4b:s0+s1], $0x1, s8, s1, $0xb8;
	[tilespmem:$0x2580] =	vst v63  }
0x16a: {  	s0 =	sld [smem:$0x7FC];
	_ =	sdelay $0x1  }
0x16b: {  	s4 =	sld [smem:$0x78C]  }
0x16c: {  	[tilespmem:s5], [sflag:$0x1] =	stream.indirect.gather [hbm4b:s0+s1], $0x1, s8, s1, $0xb8;
	[tilespmem:$0x2580] =	vst v63  }
0x16d: {  	s0 =	sld [smem:$0x7FD];
	_ =	sdelay $0x1  }
0x16e: {  	s5 =	sld [smem:$0x78D]  }
0x16f: {  	[tilespmem:s4], [sflag:$0x1] =	stream.indirect.gather [hbm4b:s0+s1], $0x1, s8, s1, $0xb8;
	[tilespmem:$0x2580] =	vst v63  }
0x170: {  	s0 =	sld [smem:$0x78E]  }
0x171: {  	[tilespmem:s5], [sflag:$0x1] =	stream.indirect.gather [hbm4b:s7+s1], $0x1, s2, s1, $0xb8;
	[tilespmem:$0x2580] =	vst v63  }
0x172: {  	s7 =	sld [smem:$0x78F]  }
0x173: {  	[tilespmem:s0], [sflag:$0x1] =	stream.indirect.gather [hbm4b:s6+s1], $0x1, s2, s1, $0xb8;
	[tilespmem:$0x2580] =	vst v63  }
0x174: {  	s0 =	sld [smem:$0x790]  }
0x175: {  	s6 =	sld [smem:$0x791]  }
0x176: {  	[tilespmem:s7], [sflag:$0x1] =	stream.indirect.gather [hbm4b:s9+s1], $0x1, s2, s1, $0xb8;
	[tilespmem:$0x2580] =	vst v63  }
0x177: {  	s7 =	sld [smem:$0x792]  }
0x178: {  	s9 =	sld [smem:$0x793]  }
0x179: {  	[tilespmem:s0], [sflag:$0x1] =	stream.indirect.gather [hbm4b:s10+s1], $0x1, s2, s1, $0xb8;
	[tilespmem:$0x2580] =	vst v63  }
0x17a: {  	s10 =	sld [smem:$0x7AC]  }
0x17b: {  	s0 =	sld [smem:$0x7A2]  }
0x17c: {  	[tilespmem:s6], [sflag:$0x1] =	stream.indirect.gather [hbm4b:s11+s1], $0x1, s2, s1, $0xb8;
	[tilespmem:$0x2580] =	vst v63  }
0x17d: {  	s11 =	sld [smem:$0x794]  }
0x17e: {  	s6 =	sld [smem:$0x7A3]  }
0x17f: {  	[tilespmem:s7], [sflag:$0x1] =	stream.indirect.gather [hbm4b:s10+s1], $0x1, s2, s1, $0xb8;
	[tilespmem:$0x2580] =	vst v63  }
0x180: {  	s7 =	sld [smem:$0x7A4]  }
0x181: {  	s10 =	sld [smem:$0x7A6]  }
0x182: {  	[tilespmem:s9], [sflag:$0x1] =	stream.indirect.gather [hbm4b:s12+s1], $0x1, s2, s1, $0xb8;
	[tilespmem:$0x2580] =	vst v63  }
0x183: {  	s12 =	sld [smem:$0x795]  }
0x184: {  	s9 =	sld [smem:$0x7A5]  }
0x185: {  	[tilespmem:s11], [sflag:$0x1] =	stream.indirect.gather [hbm4b:s13+s1], $0x1, s2, s1, $0xb8;
	[tilespmem:$0x2580] =	vst v63  }
0x186: {  	s13 =	sld [smem:$0x796]  }
0x187: {  	s11 =	sld [smem:$0x7A7]  }
0x188: {  	[tilespmem:s12], [sflag:$0x1] =	stream.indirect.gather [hbm4b:s14+s1], $0x1, s2, s1, $0xb8;
	[tilespmem:$0x2580] =	vst v63  }
0x189: {  	s14 =	sld [smem:$0x797]  }
0x18a: {  	s12 =	sld [smem:$0x7EE]  }
0x18b: {  	[tilespmem:s13], [sflag:$0x1] =	stream.indirect.gather [hbm4b:s15+s1], $0x1, s2, s1, $0xb8;
	[tilespmem:$0x2580] =	vst v63  }
0x18c: {  	s15 =	sld [smem:$0x798]  }
0x18d: {  	s13 =	sld [smem:$0x7A9]  }
0x18e: {  	[tilespmem:s14], [sflag:$0x1] =	stream.indirect.gather [hbm4b:s16+s1], $0x1, s2, s1, $0xb8;
	[tilespmem:$0x2580] =	vst v63  }
0x18f: {  	s16 =	sld [smem:$0x799]  }
0x190: {  	s14 =	sld [smem:$0x7F3]  }
0x191: {  	[tilespmem:s15], [sflag:$0x1] =	stream.indirect.gather [hbm4b:s17+s1], $0x1, s2, s1, $0xb8;
	[tilespmem:$0x2580] =	vst v63  }
0x192: {  	s17 =	sld [smem:$0x79A]  }
0x193: {  	s15 =	sld [smem:$0x7AB]  }
0x194: {  	[tilespmem:s16], [sflag:$0x1] =	stream.indirect.gather [hbm4b:s18+s1], $0x1, s2, s1, $0xb8;
	[tilespmem:$0x2580] =	vst v63  }
0x195: {  	s18 =	sld [smem:$0x79B]  }
0x196: {  	s16 =	sld [smem:$0x7D1]  }
0x197: {  	[tilespmem:s17], [sflag:$0x1] =	stream.indirect.gather [hbm4b:s19+s1], $0x1, s2, s1, $0xb8;
	[tilespmem:$0x2580] =	vst v63  }
0x198: {  	s19 =	sld [smem:$0x79C]  }
0x199: {  	s17 =	sld [smem:$0x7AD]  }
0x19a: {  	[tilespmem:s18], [sflag:$0x1] =	stream.indirect.gather [hbm4b:s20+s1], $0x1, s2, s1, $0xb8;
	[tilespmem:$0x2580] =	vst v63  }
0x19b: {  	s20 =	sld [smem:$0x79D]  }
0x19c: {  	s18 =	sld [smem:$0x7D3]  }
0x19d: {  	[tilespmem:s19], [sflag:$0x1] =	stream.indirect.gather [hbm4b:s21+s1], $0x1, s2, s1, $0xb8;
	[tilespmem:$0x2580] =	vst v63  }
0x19e: {  	s21 =	sld [smem:$0x79E]  }
0x19f: {  	s19 =	sld [smem:$0x7AE]  }
0x1a0: {  	[tilespmem:s20], [sflag:$0x1] =	stream.indirect.gather [hbm4b:s22+s1], $0x1, s2, s1, $0xb8;
	[tilespmem:$0x2580] =	vst v63  }
0x1a1: {  	s22 =	sld [smem:$0x79F]  }
0x1a2: {  	s20 =	sld [smem:$0x7D4]  }
0x1a3: {  	[tilespmem:s21], [sflag:$0x1] =	stream.indirect.gather [hbm4b:s23+s1], $0x1, s2, s1, $0xb8;
	[tilespmem:$0x2580] =	vst v63  }
0x1a4: {  	s23 =	sld [smem:$0x7A0]  }
0x1a5: {  	s21 =	sld [smem:$0x7AF]  }
0x1a6: {  	[tilespmem:s22], [sflag:$0x1] =	stream.indirect.gather [hbm4b:s24+s1], $0x1, s2, s1, $0xb8;
	[tilespmem:$0x2580] =	vst v63  }
0x1a7: {  	s24 =	sld [smem:$0x7A1]  }
0x1a8: {  	s22 =	sld [smem:$0x7D6]  }
0x1a9: {  	[tilespmem:s23], [sflag:$0x1] =	stream.indirect.gather [hbm4b:s25+s1], $0x1, s2, s1, $0xb8;
	[tilespmem:$0x2580] =	vst v63  }
0x1aa: {  	s23 =	sld [smem:$0x7B0]  }
0x1ab: {  	s25 =	sld [smem:$0x7B2]  }
0x1ac: {  	[tilespmem:s24], [sflag:$0x1] =	stream.indirect.gather [hbm4b:s31+s1], $0x1, s2, s1, $0xb8;
	[tilespmem:$0x2580] =	vst v63  }
0x1ad: {  	s24 =	sld [smem:$0x7D8]  }
0x1ae: {  	s31 =	sld [smem:$0x7DD]  }
0x1af: {  	[tilespmem:s0], [sflag:$0x1] =	stream.indirect.gather [hbm4b:s26+s1], $0x1, s2, s1, $0xb8;
	[tilespmem:$0x2580] =	vst v63  }
0x1b0: {  	s26 =	sld [smem:$0x7D9]  }
0x1b1: {  	[tilespmem:s6], [sflag:$0x1] =	stream.indirect.gather [hbm4b:s28+s1], $0x1, s2, s1, $0xb8;
	[tilespmem:$0x2580] =	vst v63  }
0x1b2: {  	s28 =	sld [smem:$0x7B4]  }
0x1b3: {  	s6 =	sld [smem:$0x7B8]  }
0x1b4: {  	[tilespmem:s7], [sflag:$0x1] =	stream.indirect.gather [hbm4b:s29+s1], $0x1, s2, s1, $0xb8;
	[tilespmem:$0x2580] =	vst v63  }
0x1b5: {  	s29 =	sld [smem:$0x7DB]  }
0x1b6: {  	s7 =	sld [smem:$0x7DE]  }
0x1b7: {  	[tilespmem:s9], [sflag:$0x1] =	stream.indirect.gather [hbm4b:s30+s1], $0x1, s2, s1, $0xb8;
	[tilespmem:$0x2580] =	vst v63  }
0x1b8: {  	s30 =	sld [smem:$0x7B6]  }
0x1b9: {  	s9 =	sld [smem:$0x7BA]  }
0x1ba: {  	[tilespmem:s10], [sflag:$0x1] =	stream.indirect.gather [hbm4b:s12+s1], $0x1, s2, s1, $0xb8;
	[tilespmem:$0x2580] =	vst v63  }
0x1bb: {  	s10 =	sld [smem:$0x7E0]  }
0x1bc: {  	s12 =	sld [smem:$0x7F8]  }
0x1bd: {  	[tilespmem:s11], [sflag:$0x1] =	stream.indirect.gather [hbm4b:s14+s1], $0x1, s2, s1, $0xb8;
	[tilespmem:$0x2580] =	vst v63  }
0x1be: {  	s11 =	sld [smem:$0x7BC]  }
0x1bf: {  	s14 =	sld [smem:$0x7E2]  }
0x1c0: {  	[tilespmem:s13], [sflag:$0x1] =	stream.indirect.gather [hbm4b:s16+s1], $0x1, s2, s1, $0xb8;
	[tilespmem:$0x2580] =	vst v63  }
0x1c1: {  	s13 =	sld [smem:$0x7BE]  }
0x1c2: {  	s16 =	sld [smem:$0x7E3]  }
0x1c3: {  	[tilespmem:s15], [sflag:$0x1] =	stream.indirect.gather [hbm4b:s18+s1], $0x1, s2, s1, $0xb8;
	[tilespmem:$0x2580] =	vst v63  }
0x1c4: {  	s15 =	sld [smem:$0x7C0]  }
0x1c5: {  	s18 =	sld [smem:$0x7E5]  }
0x1c6: {  	[tilespmem:s17], [sflag:$0x1] =	stream.indirect.gather [hbm4b:s20+s1], $0x1, s2, s1, $0xb8;
	[tilespmem:$0x2580] =	vst v63  }
0x1c7: {  	s17 =	sld [smem:$0x7C2]  }
0x1c8: {  	s20 =	sld [smem:$0x7E7]  }
0x1c9: {  	[tilespmem:s19], [sflag:$0x1] =	stream.indirect.gather [hbm4b:s22+s1], $0x1, s2, s1, $0xb8;
	[tilespmem:$0x2580] =	vst v63  }
0x1ca: {  	s19 =	sld [smem:$0x7C4]  }
0x1cb: {  	s22 =	sld [smem:$0x7E8]  }
0x1cc: {  	[tilespmem:s21], [sflag:$0x1] =	stream.indirect.gather [hbm4b:s24+s1], $0x1, s2, s1, $0xb8;
	[tilespmem:$0x2580] =	vst v63  }
0x1cd: {  	s21 =	sld [smem:$0x7C6]  }
0x1ce: {  	s24 =	sld [smem:$0x7EA]  }
0x1cf: {  	[tilespmem:s23], [sflag:$0x1] =	stream.indirect.gather [hbm4b:s26+s1], $0x1, s2, s1, $0xb8;
	[tilespmem:$0x2580] =	vst v63  }
0x1d0: {  	s23 =	sld [smem:$0x7C8]  }
0x1d1: {  	s26 =	sld [smem:$0x7EC]  }
0x1d2: {  	[tilespmem:s25], [sflag:$0x1] =	stream.indirect.gather [hbm4b:s29+s1], $0x1, s2, s1, $0xb8;
	[tilespmem:$0x2580] =	vst v63  }
0x1d3: {  	s25 =	sld [smem:$0x7CA]  }
0x1d4: {  	s29 =	sld [smem:$0x7ED]  }
0x1d5: {  	[tilespmem:s28], [sflag:$0x1] =	stream.indirect.gather [hbm4b:s31+s1], $0x1, s2, s1, $0xb8;
	[tilespmem:$0x2580] =	vst v63  }
0x1d6: {  	s28 =	sld [smem:$0x7CC]  }
0x1d7: {  	[tilespmem:s30], [sflag:$0x1] =	stream.indirect.gather [hbm4b:s7+s1], $0x1, s2, s1, $0xb8;
	[tilespmem:$0x2580] =	vst v63  }
0x1d8: {  	s31 =	sld [smem:$0x7EF]  }
0x1d9: {  	[tilespmem:s6], [sflag:$0x1] =	stream.indirect.gather [hbm4b:s10+s1], $0x1, s2, s1, $0xb8;
	[tilespmem:$0x2580] =	vst v63  }
0x1da: {  	s30 =	sld [smem:$0x7CF]  }
0x1db: {  	[tilespmem:s9], [sflag:$0x1] =	stream.indirect.gather [hbm4b:s12+s1], $0x1, s2, s1, $0xb8;
	[tilespmem:$0x2580] =	vst v63  }
0x1dc: {  	s7 =	sld [smem:$0x7F1]  }
0x1dd: {  	[tilespmem:s11], [sflag:$0x1] =	stream.indirect.gather [hbm4b:s14+s1], $0x1, s2, s1, $0xb8;
	[tilespmem:$0x2580] =	vst v63  }
0x1de: {  	s6 =	sld [smem:$0x7D2]  }
0x1df: {  	[tilespmem:s13], [sflag:$0x1] =	stream.indirect.gather [hbm4b:s16+s1], $0x1, s2, s1, $0xb8;
	[tilespmem:$0x2580] =	vst v63  }
0x1e0: {  	s10 =	sld [smem:$0x7F2]  }
0x1e1: {  	[tilespmem:s15], [sflag:$0x1] =	stream.indirect.gather [hbm4b:s18+s1], $0x1, s2, s1, $0xb8;
	[tilespmem:$0x2580] =	vst v63  }
0x1e2: {  	s9 =	sld [smem:$0x7D7]  }
0x1e3: {  	[tilespmem:s17], [sflag:$0x1] =	stream.indirect.gather [hbm4b:s20+s1], $0x1, s2, s1, $0xb8;
	[tilespmem:$0x2580] =	vst v63  }
0x1e4: {  	s12 =	sld [smem:$0x7F4]  }
0x1e5: {  	[tilespmem:s19], [sflag:$0x1] =	stream.indirect.gather [hbm4b:s22+s1], $0x1, s2, s1, $0xb8;
	[tilespmem:$0x2580] =	vst v63  }
0x1e6: {  	s11 =	sld [smem:$0x7DC]  }
0x1e7: {  	[tilespmem:s21], [sflag:$0x1] =	stream.indirect.gather [hbm4b:s24+s1], $0x1, s2, s1, $0xb8;
	[tilespmem:$0x2580] =	vst v63  }
0x1e8: {  	s14 =	sld [smem:$0x7F6]  }
0x1e9: {  	[tilespmem:s23], [sflag:$0x1] =	stream.indirect.gather [hbm4b:s26+s1], $0x1, s2, s1, $0xb8;
	[tilespmem:$0x2580] =	vst v63  }
0x1ea: {  	s13 =	sld [smem:$0x7E1]  }
0x1eb: {  	[tilespmem:s25], [sflag:$0x1] =	stream.indirect.gather [hbm4b:s29+s1], $0x1, s2, s1, $0xb8;
	[tilespmem:$0x2580] =	vst v63  }
0x1ec: {  	s16 =	sld [smem:$0x7F7]  }
0x1ed: {  	[tilespmem:s28], [sflag:$0x1] =	stream.indirect.gather [hbm4b:s31+s1], $0x1, s2, s1, $0xb8;
	[tilespmem:$0x2580] =	vst v63  }
0x1ee: {  	s15 =	sld [smem:$0x7E6]  }
0x1ef: {  	[tilespmem:s30], [sflag:$0x1] =	stream.indirect.gather [hbm4b:s7+s1], $0x1, s2, s1, $0xb8;
	[tilespmem:$0x2580] =	vst v63  }
0x1f0: {  	s18 =	sld [smem:$0x7F9]  }
0x1f1: {  	[tilespmem:s6], [sflag:$0x1] =	stream.indirect.gather [hbm4b:s10+s1], $0x1, s2, s1, $0xb8;
	[tilespmem:$0x2580] =	vst v63  }
0x1f2: {  	s17 =	sld [smem:$0x7EB]  }
0x1f3: {  	[tilespmem:s9], [sflag:$0x1] =	stream.indirect.gather [hbm4b:s12+s1], $0x1, s2, s1, $0xb8;
	[tilespmem:$0x2580] =	vst v63  }
0x1f4: {  	s20 =	sld [smem:$0x7FB]  }
0x1f5: {  	[tilespmem:s11], [sflag:$0x1] =	stream.indirect.gather [hbm4b:s14+s1], $0x1, s2, s1, $0xb8;
	[tilespmem:$0x2580] =	vst v63  }
0x1f6: {  	s19 =	sld [smem:$0x7F0]  }
0x1f7: {  	[tilespmem:s13], [sflag:$0x1] =	stream.indirect.gather [hbm4b:s16+s1], $0x1, s2, s1, $0xb8;
	[tilespmem:$0x2580] =	vst v63  }
0x1f8: {  	s22 =	sld [smem:$0x7FC]  }
0x1f9: {  	[tilespmem:s15], [sflag:$0x1] =	stream.indirect.gather [hbm4b:s18+s1], $0x1, s2, s1, $0xb8;
	[tilespmem:$0x2580] =	vst v63  }
0x1fa: {  	s21 =	sld [smem:$0x7F5]  }
0x1fb: {  	[tilespmem:s17], [sflag:$0x1] =	stream.indirect.gather [hbm4b:s20+s1], $0x1, s2, s1, $0xb8;
	[tilespmem:$0x2580] =	vst v63  }
0x1fc: {  	s23 =	sld [smem:$0x7FD]  }
0x1fd: {  	[tilespmem:s19], [sflag:$0x1] =	stream.indirect.gather [hbm4b:s22+s1], $0x1, s2, s1, $0xb8;
	[tilespmem:$0x2580] =	vst v63  }
0x1fe: {  	_ = 	snop  }
0x1ff: {  	[tilespmem:s21], [sflag:$0x1] =	stream.indirect.gather [hbm4b:s23+s1], $0x1, s2, s1, $0xb8;
	[tilespmem:$0x2580] =	vst v63  }
0x200: {  	_ =	swait.ge [sflag:s3], $0x50  }
0x201: {  	[sflag:s3] =	ssyncset.done $0x0  }
0x202: {  	[sflag:s3] =	ssyncadd.s32 $0xFFFFFFB0  }
0x203: {  	_ =	swait.ge [sflag:s3], $0x50  }
0x204: {  	[sflag:s3] =	ssyncset.done $0x0  }
0x205: {  	[sflag:s3] =	ssyncadd.s32 $0xFFFFFFB0  }
0x206: {  	_ =	swait.ge [sflag:s3], $0x50  }
0x207: {  	[sflag:s3] =	ssyncset.done $0x0  }
0x208: {  	[sflag:s3] =	ssyncadd.s32 $0xFFFFFFB0  }
0x209: {  	_ =	swait.ge [sflag:s3], $0x50  }
0x20a: {  	[sflag:s3] =	ssyncset.done $0x0  }
0x20b: {  	[sflag:s3] =	ssyncadd.s32 $0xFFFFFFB0  }
0x20c: {  	_ =	swait.ge [sflag:s3], $0x50  }
0x20d: {  	[sflag:s3] =	ssyncset.done $0x0  }
0x20e: {  	[sflag:s3] =	ssyncadd.s32 $0xFFFFFFB0  }
0x20f: {  	_ =	swait.ge [sflag:s3], $0x50  }
0x210: {  	[sflag:s3] =	ssyncset.done $0x0  }
0x211: {  	[sflag:s3] =	ssyncadd.s32 $0xFFFFFFB0  }
0x212: {  	_ =	swait.ge [sflag:s3], $0x50  }
0x213: {  	[sflag:s3] =	ssyncset.done $0x0  }
0x214: {  	[sflag:s3] =	ssyncadd.s32 $0xFFFFFFB0  }
0x215: {  	_ =	swait.ge [sflag:s3], $0x50  }
0x216: {  	[sflag:s3] =	ssyncset.done $0x0  }
0x217: {  	[sflag:s3] =	ssyncadd.s32 $0xFFFFFFB0  }
0x218: {  	_ =	swait.ge [sflag:s3], $0x50  }
0x219: {  	[sflag:s3] =	ssyncset.done $0x0  }
0x21a: {  	[sflag:s3] =	ssyncadd.s32 $0xFFFFFFB0  }
0x21b: {  	_ =	swait.ge [sflag:s3], $0x50  }
0x21c: {  	[sflag:s3] =	ssyncset.done $0x0  }
0x21d: {  	[sflag:s3] =	ssyncadd.s32 $0xFFFFFFB0  }
0x21e: {  	_ =	swait.ge [sflag:s3], $0x50  }
0x21f: {  	[sflag:s3] =	ssyncset.done $0x0  }
0x220: {  	[sflag:s3] =	ssyncadd.s32 $0xFFFFFFB0  }
0x221: {  	_ =	swait.ge [sflag:s3], $0x50  }
0x222: {  	[sflag:s3] =	ssyncset.done $0x0  }
0x223: {  	[sflag:s3] =	ssyncadd.s32 $0xFFFFFFB0  }
0x224: {  	_ =	swait.ge [sflag:s3], $0x50  }
0x225: {  	[sflag:s3] =	ssyncset.done $0x0  }
0x226: {  	[sflag:s3] =	ssyncadd.s32 $0xFFFFFFB0  }
0x227: {  	_ =	swait.ge [sflag:s3], $0x50  }
0x228: {  	[sflag:s3] =	ssyncset.done $0x0  }
0x229: {  	[sflag:s3] =	ssyncadd.s32 $0xFFFFFFB0  }
0x22a: {  	_ =	swait.ge [sflag:s3], $0x50  }
0x22b: {  	[sflag:s3] =	ssyncset.done $0x0  }
0x22c: {  	[sflag:s3] =	ssyncadd.s32 $0xFFFFFFB0  }
0x22d: {  	_ =	swait.ge [sflag:s3], $0x50  }
0x22e: {  	[sflag:s3] =	ssyncset.done $0x0  }
0x22f: {  	[sflag:s3] =	ssyncadd.s32 $0xFFFFFFB0  }
0x230: {  	_ =	swait.ge [sflag:s3], $0x50  }
0x231: {  	[sflag:s3] =	ssyncset.done $0x0  }
0x232: {  	[sflag:s3] =	ssyncadd.s32 $0xFFFFFFB0  }
0x233: {  	_ =	swait.ge [sflag:s3], $0x50  }
0x234: {  	[sflag:s3] =	ssyncset.done $0x0  }
0x235: {  	[sflag:s3] =	ssyncadd.s32 $0xFFFFFFB0  }
0x236: {  	_ =	swait.ge [sflag:s3], $0x50  }
0x237: {  	[sflag:s3] =	ssyncset.done $0x0  }
0x238: {  	[sflag:s3] =	ssyncadd.s32 $0xFFFFFFB0  }
0x239: {  	_ =	swait.ge [sflag:s3], $0x50  }
0x23a: {  	[sflag:s3] =	ssyncset.done $0x0  }
0x23b: {  	[sflag:s3] =	ssyncadd.s32 $0xFFFFFFB0  }
0x23c: {  	_ =	swait.ge [sflag:s3], $0x50  }
0x23d: {  	[sflag:s3] =	ssyncset.done $0x0  }
0x23e: {  	[sflag:s3] =	ssyncadd.s32 $0xFFFFFFB0  }
0x23f: {  	_ =	swait.ge [sflag:s3], $0x50  }
0x240: {  	[sflag:s3] =	ssyncset.done $0x0  }
0x241: {  	[sflag:s3] =	ssyncadd.s32 $0xFFFFFFB0  }
0x242: {  	_ =	swait.ge [sflag:s3], $0x50  }
0x243: {  	[sflag:s3] =	ssyncset.done $0x0  }
0x244: {  	[sflag:s3] =	ssyncadd.s32 $0xFFFFFFB0  }
0x245: {  	_ =	swait.ge [sflag:s3], $0x50  }
0x246: {  	[sflag:s3] =	ssyncset.done $0x0  }
0x247: {  	[sflag:s3] =	ssyncadd.s32 $0xFFFFFFB0  }
0x248: {  	_ =	swait.ge [sflag:s3], $0x50  }
0x249: {  	[sflag:s3] =	ssyncset.done $0x0  }
0x24a: {  	[sflag:s3] =	ssyncadd.s32 $0xFFFFFFB0  }
0x24b: {  	_ =	swait.ge [sflag:s3], $0x50  }
0x24c: {  	[sflag:s3] =	ssyncset.done $0x0  }
0x24d: {  	[sflag:s3] =	ssyncadd.s32 $0xFFFFFFB0  }
0x24e: {  	_ =	swait.ge [sflag:s3], $0x50  }
0x24f: {  	[sflag:s3] =	ssyncset.done $0x0  }
0x250: {  	[sflag:s3] =	ssyncadd.s32 $0xFFFFFFB0  }
0x251: {  	_ =	swait.ge [sflag:s3], $0x50  }
0x252: {  	[sflag:s3] =	ssyncset.done $0x0  }
0x253: {  	[sflag:s3] =	ssyncadd.s32 $0xFFFFFFB0  }
0x254: {  	_ =	swait.ge [sflag:s3], $0x50  }
0x255: {  	[sflag:s3] =	ssyncset.done $0x0  }
0x256: {  	[sflag:s3] =	ssyncadd.s32 $0xFFFFFFB0  }
0x257: {  	_ =	swait.ge [sflag:s3], $0x50  }
0x258: {  	[sflag:s3] =	ssyncset.done $0x0  }
0x259: {  	[sflag:s3] =	ssyncadd.s32 $0xFFFFFFB0  }
0x25a: {  	_ =	swait.ge [sflag:s3], $0x50  }
0x25b: {  	[sflag:s3] =	ssyncset.done $0x0  }
0x25c: {  	[sflag:s3] =	ssyncadd.s32 $0xFFFFFFB0  }
0x25d: {  	_ =	swait.ge [sflag:s3], $0x50  }
0x25e: {  	[sflag:s3] =	ssyncset.done $0x0  }
0x25f: {  	[sflag:s3] =	ssyncadd.s32 $0xFFFFFFB0  }
0x260: {  	_ =	swait.ge [sflag:s3], $0x50  }
0x261: {  	[sflag:s3] =	ssyncset.done $0x0  }
0x262: {  	[sflag:s3] =	ssyncadd.s32 $0xFFFFFFB0  }
0x263: {  	_ =	swait.ge [sflag:s3], $0x50  }
0x264: {  	[sflag:s3] =	ssyncset.done $0x0  }
0x265: {  	[sflag:s3] =	ssyncadd.s32 $0xFFFFFFB0  }
0x266: {  	_ =	swait.ge [sflag:s3], $0x50  }
0x267: {  	[sflag:s3] =	ssyncset.done $0x0  }
0x268: {  	[sflag:s3] =	ssyncadd.s32 $0xFFFFFFB0  }
0x269: {  	_ =	swait.ge [sflag:s3], $0x50  }
0x26a: {  	[sflag:s3] =	ssyncset.done $0x0  }
0x26b: {  	[sflag:s3] =	ssyncadd.s32 $0xFFFFFFB0  }
0x26c: {  	_ =	swait.ge [sflag:s3], $0x50  }
0x26d: {  	[sflag:s3] =	ssyncset.done $0x0  }
0x26e: {  	[sflag:s3] =	ssyncadd.s32 $0xFFFFFFB0  }
0x26f: {  	_ =	swait.ge [sflag:s3], $0x50  }
0x270: {  	[sflag:s3] =	ssyncset.done $0x0  }
0x271: {  	[sflag:s3] =	ssyncadd.s32 $0xFFFFFFB0  }
0x272: {  	_ =	swait.ge [sflag:s3], $0x50  }
0x273: {  	[sflag:s3] =	ssyncset.done $0x0  }
0x274: {  	[sflag:s3] =	ssyncadd.s32 $0xFFFFFFB0  }
0x275: {  	_ =	swait.ge [sflag:s3], $0x50  }
0x276: {  	[sflag:s3] =	ssyncset.done $0x0  }
0x277: {  	[sflag:s3] =	ssyncadd.s32 $0xFFFFFFB0  }
0x278: {  	_ =	swait.ge [sflag:s3], $0x50  }
0x279: {  	[sflag:s3] =	ssyncset.done $0x0  }
0x27a: {  	[sflag:s3] =	ssyncadd.s32 $0xFFFFFFB0  }
0x27b: {  	_ =	swait.ge [sflag:s3], $0x50  }
0x27c: {  	[sflag:s3] =	ssyncset.done $0x0  }
0x27d: {  	[sflag:s3] =	ssyncadd.s32 $0xFFFFFFB0  }
0x27e: {  	_ =	swait.ge [sflag:s3], $0x50  }
0x27f: {  	[sflag:s3] =	ssyncset.done $0x0  }
0x280: {  	[sflag:s3] =	ssyncadd.s32 $0xFFFFFFB0  }
0x281: {  	_ =	swait.ge [sflag:s3], $0x50  }
0x282: {  	[sflag:s3] =	ssyncset.done $0x0  }
0x283: {  	[sflag:s3] =	ssyncadd.s32 $0xFFFFFFB0  }
0x284: {  	_ =	swait.ge [sflag:s3], $0x50  }
0x285: {  	[sflag:s3] =	ssyncset.done $0x0  }
0x286: {  	[sflag:s3] =	ssyncadd.s32 $0xFFFFFFB0  }
0x287: {  	_ =	swait.ge [sflag:s3], $0x50  }
0x288: {  	[sflag:s3] =	ssyncset.done $0x0  }
0x289: {  	[sflag:s3] =	ssyncadd.s32 $0xFFFFFFB0  }
0x28a: {  	_ =	swait.ge [sflag:s3], $0x50  }
0x28b: {  	[sflag:s3] =	ssyncset.done $0x0  }
0x28c: {  	[sflag:s3] =	ssyncadd.s32 $0xFFFFFFB0  }
0x28d: {  	_ =	swait.ge [sflag:s3], $0x50  }
0x28e: {  	[sflag:s3] =	ssyncset.done $0x0  }
0x28f: {  	[sflag:s3] =	ssyncadd.s32 $0xFFFFFFB0  }
0x290: {  	_ =	swait.ge [sflag:s3], $0x50  }
0x291: {  	[sflag:s3] =	ssyncset.done $0x0  }
0x292: {  	[sflag:s3] =	ssyncadd.s32 $0xFFFFFFB0  }
0x293: {  	_ =	swait.ge [sflag:s3], $0x50  }
0x294: {  	[sflag:s3] =	ssyncset.done $0x0  }
0x295: {  	[sflag:s3] =	ssyncadd.s32 $0xFFFFFFB0  }
0x296: {  	_ =	swait.ge [sflag:s3], $0x50  }
0x297: {  	[sflag:s3] =	ssyncset.done $0x0  }
0x298: {  	[sflag:s3] =	ssyncadd.s32 $0xFFFFFFB0  }
0x299: {  	_ =	swait.ge [sflag:s3], $0x50  }
0x29a: {  	[sflag:s3] =	ssyncset.done $0x0  }
0x29b: {  	[sflag:s3] =	ssyncadd.s32 $0xFFFFFFB0  }
0x29c: {  	_ =	swait.ge [sflag:s3], $0x50  }
0x29d: {  	[sflag:s3] =	ssyncset.done $0x0  }
0x29e: {  	[sflag:s3] =	ssyncadd.s32 $0xFFFFFFB0  }
0x29f: {  	_ =	swait.ge [sflag:s3], $0x50  }
0x2a0: {  	[sflag:s3] =	ssyncset.done $0x0  }
0x2a1: {  	[sflag:s3] =	ssyncadd.s32 $0xFFFFFFB0  }
0x2a2: {  	_ =	swait.ge [sflag:s3], $0x50  }
0x2a3: {  	[sflag:s3] =	ssyncset.done $0x0  }
0x2a4: {  	[sflag:s3] =	ssyncadd.s32 $0xFFFFFFB0  }
0x2a5: {  	_ =	swait.ge [sflag:s3], $0x50  }
0x2a6: {  	[sflag:s3] =	ssyncset.done $0x0  }
0x2a7: {  	[sflag:s3] =	ssyncadd.s32 $0xFFFFFFB0  }
0x2a8: {  	_ =	swait.ge [sflag:s3], $0x50  }
0x2a9: {  	[sflag:s3] =	ssyncset.done $0x0  }
0x2aa: {  	[sflag:s3] =	ssyncadd.s32 $0xFFFFFFB0  }
0x2ab: {  	_ =	swait.ge [sflag:s3], $0x50  }
0x2ac: {  	[sflag:s3] =	ssyncset.done $0x0  }
0x2ad: {  	[sflag:s3] =	ssyncadd.s32 $0xFFFFFFB0  }
0x2ae: {  	_ =	swait.ge [sflag:s3], $0x50  }
0x2af: {  	[sflag:s3] =	ssyncset.done $0x0  }
0x2b0: {  	[sflag:s3] =	ssyncadd.s32 $0xFFFFFFB0  }
0x2b1: {  	_ =	swait.ge [sflag:s3], $0x50  }
0x2b2: {  	[sflag:s3] =	ssyncset.done $0x0  }
0x2b3: {  	[sflag:s3] =	ssyncadd.s32 $0xFFFFFFB0  }
0x2b4: {  	_ =	swait.ge [sflag:s3], $0x50  }
0x2b5: {  	[sflag:s3] =	ssyncset.done $0x0  }
0x2b6: {  	[sflag:s3] =	ssyncadd.s32 $0xFFFFFFB0  }
0x2b7: {  	_ =	swait.ge [sflag:s3], $0x50  }
0x2b8: {  	[sflag:s3] =	ssyncset.done $0x0  }
0x2b9: {  	[sflag:s3] =	ssyncadd.s32 $0xFFFFFFB0  }
0x2ba: {  	_ =	swait.ge [sflag:s3], $0x50  }
0x2bb: {  	[sflag:s3] =	ssyncset.done $0x0  }
0x2bc: {  	[sflag:s3] =	ssyncadd.s32 $0xFFFFFFB0  }
0x2bd: {  	_ =	swait.ge [sflag:s3], $0x50  }
0x2be: {  	[sflag:s3] =	ssyncset.done $0x0  }
0x2bf: {  	[sflag:s3] =	ssyncadd.s32 $0xFFFFFFB0  }
0x2c0: {  	_ =	swait.ge [sflag:s3], $0x50  }
0x2c1: {  	[sflag:s3] =	ssyncset.done $0x0  }
0x2c2: {  	[sflag:s3] =	ssyncadd.s32 $0xFFFFFFB0  }
0x2c3: {  	_ =	swait.ge [sflag:s3], $0x50  }
0x2c4: {  	[sflag:s3] =	ssyncset.done $0x0  }
0x2c5: {  	[sflag:s3] =	ssyncadd.s32 $0xFFFFFFB0  }
0x2c6: {  	_ =	swait.ge [sflag:s3], $0x50  }
0x2c7: {  	[sflag:s3] =	ssyncset.done $0x0  }
0x2c8: {  	[sflag:s3] =	ssyncadd.s32 $0xFFFFFFB0  }
0x2c9: {  	_ =	swait.ge [sflag:s3], $0x50  }
0x2ca: {  	[sflag:s3] =	ssyncset.done $0x0  }
0x2cb: {  	[sflag:s3] =	ssyncadd.s32 $0xFFFFFFB0  }
0x2cc: {  	_ =	swait.ge [sflag:s3], $0x50  }
0x2cd: {  	[sflag:s3] =	ssyncset.done $0x0  }
0x2ce: {  	[sflag:s3] =	ssyncadd.s32 $0xFFFFFFB0  }
0x2cf: {  	_ =	swait.ge [sflag:s3], $0x50  }
0x2d0: {  	[sflag:s3] =	ssyncset.done $0x0  }
0x2d1: {  	[sflag:s3] =	ssyncadd.s32 $0xFFFFFFB0  }
0x2d2: {  	_ =	swait.ge [sflag:s3], $0x50  }
0x2d3: {  	[sflag:s3] =	ssyncset.done $0x0  }
0x2d4: {  	[sflag:s3] =	ssyncadd.s32 $0xFFFFFFB0  }
0x2d5: {  	_ =	swait.ge [sflag:s3], $0x50  }
0x2d6: {  	[sflag:s3] =	ssyncset.done $0x0  }
0x2d7: {  	[sflag:s3] =	ssyncadd.s32 $0xFFFFFFB0  }
0x2d8: {  	_ =	swait.ge [sflag:s3], $0x50  }
0x2d9: {  	[sflag:s3] =	ssyncset.done $0x0  }
0x2da: {  	[sflag:s3] =	ssyncadd.s32 $0xFFFFFFB0  }
0x2db: {  	_ =	swait.ge [sflag:s3], $0x50  }
0x2dc: {  	[sflag:s3] =	ssyncset.done $0x0  }
0x2dd: {  	[sflag:s3] =	ssyncadd.s32 $0xFFFFFFB0  }
0x2de: {  	_ =	swait.ge [sflag:s3], $0x50  }
0x2df: {  	[sflag:s3] =	ssyncset.done $0x0  }
0x2e0: {  	[sflag:s3] =	ssyncadd.s32 $0xFFFFFFB0  }
0x2e1: {  	_ =	swait.ge [sflag:s3], $0x50  }
0x2e2: {  	[sflag:s3] =	ssyncset.done $0x0  }
0x2e3: {  	[sflag:s3] =	ssyncadd.s32 $0xFFFFFFB0  }
0x2e4: {  	_ =	swait.ge [sflag:s3], $0x50  }
0x2e5: {  	[sflag:s3] =	ssyncset.done $0x0  }
0x2e6: {  	[sflag:s3] =	ssyncadd.s32 $0xFFFFFFB0  }
0x2e7: {  	_ =	swait.ge [sflag:s3], $0x50  }
0x2e8: {  	[sflag:s3] =	ssyncset.done $0x0  }
0x2e9: {  	[sflag:s3] =	ssyncadd.s32 $0xFFFFFFB0  }
0x2ea: {  	_ =	swait.ge [sflag:s3], $0x50  }
0x2eb: {  	[sflag:s3] =	ssyncset.done $0x0  }
0x2ec: {  	[sflag:s3] =	ssyncadd.s32 $0xFFFFFFB0  }
0x2ed: {  	_ =	swait.ge [sflag:s3], $0x50  }
0x2ee: {  	[sflag:s3] =	ssyncset.done $0x0  }
0x2ef: {  	[sflag:s3] =	ssyncadd.s32 $0xFFFFFFB0  }
0x2f0: {  	_ =	swait.ge [sflag:s3], $0x50  }
0x2f1: {  	[sflag:s3] =	ssyncset.done $0x0  }
0x2f2: {  	[sflag:s3] =	ssyncadd.s32 $0xFFFFFFB0  }
0x2f3: {  	_ =	swait.ge [sflag:s3], $0x50  }
0x2f4: {  	[sflag:s3] =	ssyncset.done $0x0  }
0x2f5: {  	[sflag:s3] =	ssyncadd.s32 $0xFFFFFFB0  }
0x2f6: {  	_ =	swait.ge [sflag:s3], $0x50  }
0x2f7: {  	[sflag:s3] =	ssyncset.done $0x0  }
0x2f8: {  	[sflag:s3] =	ssyncadd.s32 $0xFFFFFFB0  }
0x2f9: {  	_ =	swait.ge [sflag:s3], $0x50  }
0x2fa: {  	[sflag:s3] =	ssyncset.done $0x0  }
0x2fb: {  	[sflag:s3] =	ssyncadd.s32 $0xFFFFFFB0  }
0x2fc: {  	_ =	swait.ge [sflag:s3], $0x50  }
0x2fd: {  	[sflag:s3] =	ssyncset.done $0x0  }
0x2fe: {  	[sflag:s3] =	ssyncadd.s32 $0xFFFFFFB0  }
0x2ff: {  	_ =	swait.ge [sflag:s3], $0x50  }
0x300: {  	[sflag:s3] =	ssyncset.done $0x0  }
0x301: {  	[sflag:s3] =	ssyncadd.s32 $0xFFFFFFB0  }
0x302: {  	_ =	swait.ge [sflag:s3], $0x50  }
0x303: {  	[sflag:s3] =	ssyncset.done $0x0  }
0x304: {  	[sflag:s3] =	ssyncadd.s32 $0xFFFFFFB0  }
0x305: {  	_ =	swait.ge [sflag:s3], $0x50  }
0x306: {  	[sflag:s3] =	ssyncset.done $0x0  }
0x307: {  	[sflag:s3] =	ssyncadd.s32 $0xFFFFFFB0  }
0x308: {  	_ =	swait.ge [sflag:s3], $0x50  }
0x309: {  	[sflag:s3] =	ssyncset.done $0x0  }
0x30a: {  	[sflag:s3] =	ssyncadd.s32 $0xFFFFFFB0  }
0x30b: {  	_ =	swait.ge [sflag:s3], $0x50  }
0x30c: {  	[sflag:s3] =	ssyncset.done $0x0  }
0x30d: {  	[sflag:s3] =	ssyncadd.s32 $0xFFFFFFB0  }
0x30e: {  	_ =	swait.ge [sflag:s3], $0x50  }
0x30f: {  	[sflag:s3] =	ssyncset.done $0x0  }
0x310: {  	[sflag:s3] =	ssyncadd.s32 $0xFFFFFFB0  }
0x311: {  	_ =	swait.ge [sflag:s3], $0x50  }
0x312: {  	[sflag:s3] =	ssyncset.done $0x0  }
0x313: {  	[sflag:s3] =	ssyncadd.s32 $0xFFFFFFB0  }
0x314: {  	_ =	swait.ge [sflag:s3], $0x50  }
0x315: {  	[sflag:s3] =	ssyncset.done $0x0  }
0x316: {  	[sflag:s3] =	ssyncadd.s32 $0xFFFFFFB0  }
0x317: {  	_ =	swait.ge [sflag:s3], $0x50  }
0x318: {  	[sflag:s3] =	ssyncset.done $0x0  }
0x319: {  	[sflag:s3] =	ssyncadd.s32 $0xFFFFFFB0  }
0x31a: {  	_ =	swait.ge [sflag:s3], $0x50  }
0x31b: {  	[sflag:s3] =	ssyncset.done $0x0  }
0x31c: {  	[sflag:s3] =	ssyncadd.s32 $0xFFFFFFB0  }
0x31d: {  	_ =	swait.ge [sflag:s3], $0x50  }
0x31e: {  	[sflag:s3] =	ssyncset.done $0x0  }
0x31f: {  	[sflag:s3] =	ssyncadd.s32 $0xFFFFFFB0  }
0x320: {  	_ =	swait.ge [sflag:s3], $0x50  }
0x321: {  	[sflag:s3] =	ssyncset.done $0x0  }
0x322: {  	[sflag:s3] =	ssyncadd.s32 $0xFFFFFFB0  }
0x323: {  	_ =	swait.ge [sflag:s3], $0x50  }
0x324: {  	[sflag:s3] =	ssyncset.done $0x0  }
0x325: {  	[sflag:s3] =	ssyncadd.s32 $0xFFFFFFB0  }
0x326: {  	_ =	swait.ge [sflag:s3], $0x50  }
0x327: {  	[sflag:s3] =	ssyncset.done $0x0  }
0x328: {  	[sflag:s3] =	ssyncadd.s32 $0xFFFFFFB0  }
0x329: {  	_ =	swait.ge [sflag:s3], $0x50  }
0x32a: {  	[sflag:s3] =	ssyncset.done $0x0  }
0x32b: {  	[sflag:s3] =	ssyncadd.s32 $0xFFFFFFB0  }
0x32c: {  	_ =	swait.ge [sflag:s3], $0x50  }
0x32d: {  	[sflag:s3] =	ssyncset.done $0x0  }
0x32e: {  	[sflag:s3] =	ssyncadd.s32 $0xFFFFFFB0  }
0x32f: {  	_ =	swait.ge [sflag:s3], $0x50  }
0x330: {  	[sflag:s3] =	ssyncset.done $0x0  }
0x331: {  	[sflag:s3] =	ssyncadd.s32 $0xFFFFFFB0  }
0x332: {  	_ =	swait.ge [sflag:s3], $0x50  }
0x333: {  	[sflag:s3] =	ssyncset.done $0x0  }
0x334: {  	[sflag:s3] =	ssyncadd.s32 $0xFFFFFFB0  }
0x335: {  	_ =	swait.ge [sflag:s3], $0x50  }
0x336: {  	[sflag:s3] =	ssyncset.done $0x0  }
0x337: {  	[sflag:s3] =	ssyncadd.s32 $0xFFFFFFB0  }
0x338: {  	_ =	swait.ge [sflag:s3], $0x50  }
0x339: {  	[sflag:s3] =	ssyncset.done $0x0  }
0x33a: {  	[sflag:s3] =	ssyncadd.s32 $0xFFFFFFB0  }
0x33b: {  	_ =	swait.ge [sflag:s3], $0x50  }
0x33c: {  	[sflag:s3] =	ssyncset.done $0x0  }
0x33d: {  	[sflag:s3] =	ssyncadd.s32 $0xFFFFFFB0  }
0x33e: {  	_ =	swait.ge [sflag:s3], $0x50  }
0x33f: {  	[sflag:s3] =	ssyncset.done $0x0  }
0x340: {  	[sflag:s3] =	ssyncadd.s32 $0xFFFFFFB0  }
0x341: {  	_ =	swait.ge [sflag:s3], $0x50  }
0x342: {  	[sflag:s3] =	ssyncset.done $0x0  }
0x343: {  	[sflag:s3] =	ssyncadd.s32 $0xFFFFFFB0  }
0x344: {  	_ =	swait.ge [sflag:s3], $0x50  }
0x345: {  	[sflag:s3] =	ssyncset.done $0x0  }
0x346: {  	[sflag:s3] =	ssyncadd.s32 $0xFFFFFFB0  }
0x347: {  	_ =	swait.ge [sflag:s3], $0x50  }
0x348: {  	[sflag:s3] =	ssyncset.done $0x0  }
0x349: {  	[sflag:s3] =	ssyncadd.s32 $0xFFFFFFB0  }
0x34a: {  	_ =	swait.ge [sflag:s3], $0x50  }
0x34b: {  	[sflag:s3] =	ssyncset.done $0x0  }
0x34c: {  	[sflag:s3] =	ssyncadd.s32 $0xFFFFFFB0  }
0x34d: {  	_ =	swait.ge [sflag:s3], $0x50  }
0x34e: {  	s29 =	sld [smem:$0x76F];
	_ =	sdelay $0x1  }
0x34f: {  	s26 =	simm.s32 $0xA0;
	s28 =	simm.s32 $0x1400;
	s25 =	sld [smem:$0x7FA]  }
0x350: {  	s30 =	simm.s32 $0x2;
	[sflag:s3] =	ssyncset.done $0x0;
	p0 =	sne.s32 s29, $0x1  }
.Ltmp0:
0x351: {  	s24 =	rddreg [dreg:$0x4];
	[sflag:s3] =	ssyncadd.s32 $0xFFFFFFB0;
	(pc) =	sbr.rel @p0 .LBB2_1-.Ltmp0, $4  }
0x352: {  	[hbm4b:s24+s26] =	stream.strided.scatter [tilespmem:s25], [sflag:$0x2], $0x23A0, s28, s26, $0x38;
	[tilespmem:$0x2580] =	vst v63  }
0x353: {  	_ =	swait.ge [sflag:s30], $0x23A0  }
0x354: {  	s31 =	simm.s32 $0x2;
	[sflag:s30] =	ssyncset.done $0x0  }
0x355: {  	s4 =	sadd.s32 $0xFFFFFFFF, s29;
	[sflag:s31] =	ssyncadd.s32 $0xFFFFDC60  }
0x356: {  	_ =	sfence.sel $0x180000  }
0x357: {  	[bflag:$0x0] =	sbarrier.arrive $0xFFFF  }
0x358: {  	_ =	strace $0x90000047  }
0x359: {  	s0 =	stileid.u32;
	[bflag:$0x2] =	sbarrier.arrive $0xFFFF  }
0x35a: {  	p0 =	sne.s32 s0, $0x0;
	s0 =	rddreg [dreg:$0x2]  }
0x35b: {  	s0 =	sadd.s32 @!p0 $0x100000, s0  }
0x35c: {  	[sflag:s0] =	ssyncadd.tile.s32 @!p0 $0x1;
	_ =	shalt  }
.Lfunc_end2:
_tile_overlayer_lowered:
.L_overlay_start_2:
0x35d: {  	(tag) =	ssettag $0x2  }
0x35e: {  	s0 =	rddreg [dreg:$0x0];
	s2 =	stileid.u32  }
0x35f: {  	s1 =	rddreg [dreg:$0x1];
	p0 =	sne.s32 s2, $0x0  }
0x360: {  	s3 =	rddreg [dreg:$0x2];
	[bflag:$0x3] =	sbarrier.arrive $0xFFFF;
	s2 =	simm.s32 @!p0 $0x1C02  }
0x361: {  	[timem:s3], [sflag:s2] =	dma.local @!p0 [hbm:s0], s1  }
0x362: {  	s0 =	simm.s32 @!p0 $0x2  }
0x363: {  	_ =	swait.ge @!p0 [sflag:s0], s1  }
0x364: {  	s1 =	ssub.s32 @!p0 $0x0, s1;
	[sflag:s0] =	ssyncset.done @!p0 $0x0  }
0x365: {  	[sflag:s0] =	ssyncadd.s32 @!p0 s1  }
0x366: {  	[bflag:$0x3] =	sbarrier.arrive $0xFFFF  }
0x367: {  	_ =	shalt  }

</sc_bundles>
